<compile_context>
chip_gen: v7x
topology: tpu7x:2x2x1
jax: 0.10.2.dev20260603
libtpu: 0.0.44.dev20260713+nightly
codegen_flags: <defaults>
</compile_context>

<pallas_src>
import functools

import jax
import jax.numpy as jnp
from jax import lax
from jax.experimental import pallas as pl
from jax.experimental.pallas import tpu as pltpu
from jax.experimental.pallas import tpu_sc as plsc

_NC = 2
_NS = 16
_NW = _NC * _NS

_N = 10000
_NPAD = 10240
_RPT = _NPAD // _NS
_F = 64
_E = 320000
_EPW = _E // _NW
_C = 80
_NCH = _EPW // _C
_B = 64
_NCLS = 10

_mesh = plsc.VectorSubcoreMesh(core_axis_name="c", subcore_axis_name="s")
_cp = pltpu.CompilerParams(use_tc_tiling_on_sc=False)


_NBUF = 5


@functools.partial(
    pl.kernel,
    out_type=jax.ShapeDtypeStruct((_NC * _NPAD,), jnp.float32),
    mesh=_mesh,
    scratch_types=[
        pltpu.VMEM((_NBUF, _C), jnp.int32),
        pltpu.VMEM((_C,), jnp.float32),
        pltpu.VMEM_SHARED((_NPAD,), jnp.float32),
        pltpu.SemaphoreType.DMA((_NBUF,)),
        pltpu.SemaphoreType.DMA((_NBUF,)),
    ],
    compiler_params=_cp,
)
def _sc_degree(dst_hbm, zeros1_hbm, out_hbm, didx, ones_v, accum, isem, ssem):
    cid = lax.axis_index("c")
    sid = lax.axis_index("s")
    wid = cid * _NS + sid
    base = wid * _EPW

    @pl.loop(0, _C, step=16)
    def _(i):
        ones_v[pl.ds(i, 16)] = jnp.full((16,), 1.0, jnp.float32)

    pltpu.sync_copy(zeros1_hbm.at[pl.ds(sid * _RPT, _RPT)],
                    accum.at[pl.ds(sid * _RPT, _RPT)])
    plsc.subcore_barrier()

    def start_idx(j, b):
        pltpu.async_copy(dst_hbm.at[pl.ds(base + j * _C, _C)], didx.at[b],
                         isem.at[b])

    def wait_idx(j, b):
        pltpu.make_async_copy(dst_hbm.at[pl.ds(base + j * _C, _C)], didx.at[b],
                              isem.at[b]).wait()

    def start_scat(b):
        pltpu.async_copy(ones_v, accum.at[didx.at[b]], ssem.at[b], add=True)

    def wait_scat(b):
        pltpu.make_async_copy(ones_v, accum.at[didx.at[b]], ssem.at[b]).wait()

    for b in range(_NBUF):
        start_idx(b, b)

    @pl.loop(0, _NCH - _NBUF, step=_NBUF)
    def _(j0):
        for b in range(_NBUF):
            wait_idx(j0 + b, b)
            start_scat(b)
        for b in range(_NBUF):
            wait_scat(b)
            start_idx(j0 + _NBUF + b, b)

    for b in range(_NBUF):
        wait_idx(_NCH - _NBUF + b, b)
        start_scat(b)
    for b in range(_NBUF):
        wait_scat(b)

    plsc.subcore_barrier()
    pltpu.sync_copy(accum.at[pl.ds(sid * _RPT, _RPT)],
                    out_hbm.at[pl.ds(cid * _NPAD + sid * _RPT, _RPT)])


@functools.partial(
    pl.kernel,
    out_type=jax.ShapeDtypeStruct((_NC * _NPAD, _F), jnp.float32),
    mesh=_mesh,
    scratch_types=[
        pltpu.VMEM((_EPW,), jnp.int32),
        pltpu.VMEM((_NBUF, _C), jnp.int32),
        pltpu.VMEM((_NBUF, _C, _F), jnp.float32),
        pltpu.VMEM_SHARED((_NPAD, _F), jnp.float32),
        pltpu.SemaphoreType.DMA((_NBUF,)),
        pltpu.SemaphoreType.DMA((_NBUF,)),
        pltpu.SemaphoreType.DMA((_NBUF,)),
    ],
    compiler_params=_cp,
)
def _sc_scatter(hp_hbm, src_hbm, dst_hbm, zeros2_hbm, out_hbm,
                sidx, didx, rows, accum, gsem, isem, ssem):
    cid = lax.axis_index("c")
    sid = lax.axis_index("s")
    wid = cid * _NS + sid
    base = wid * _EPW

    pltpu.sync_copy(src_hbm.at[pl.ds(base, _EPW)], sidx)
    pltpu.sync_copy(zeros2_hbm.at[pl.ds(sid * _RPT, _RPT)],
                    accum.at[pl.ds(sid * _RPT, _RPT)])
    plsc.subcore_barrier()

    def start_idx(j, b):
        pltpu.async_copy(dst_hbm.at[pl.ds(base + j * _C, _C)], didx.at[b],
                         isem.at[b])

    def wait_idx(j, b):
        pltpu.make_async_copy(dst_hbm.at[pl.ds(base + j * _C, _C)], didx.at[b],
                              isem.at[b]).wait()

    def start_gat(j, b):
        pltpu.async_copy(hp_hbm.at[sidx.at[pl.ds(j * _C, _C)]], rows.at[b],
                         gsem.at[b])

    def wait_gat(j, b):
        pltpu.make_async_copy(hp_hbm.at[sidx.at[pl.ds(j * _C, _C)]],
                              rows.at[b], gsem.at[b]).wait()

    def start_scat(b):
        pltpu.async_copy(rows.at[b], accum.at[didx.at[b]], ssem.at[b],
                         add=True)

    def wait_scat(b):
        pltpu.make_async_copy(rows.at[b], accum.at[didx.at[b]],
                              ssem.at[b]).wait()

    for b in range(_NBUF):
        start_idx(b, b)
        start_gat(b, b)

    @pl.loop(0, _NCH - _NBUF, step=_NBUF)
    def _(j0):
        for b in range(_NBUF):
            wait_idx(j0 + b, b)
            wait_gat(j0 + b, b)
            start_scat(b)
        for b in range(_NBUF):
            wait_scat(b)
            start_idx(j0 + _NBUF + b, b)
            start_gat(j0 + _NBUF + b, b)

    for b in range(_NBUF):
        wait_idx(_NCH - _NBUF + b, b)
        wait_gat(_NCH - _NBUF + b, b)
        start_scat(b)
    for b in range(_NBUF):
        wait_scat(b)

    plsc.subcore_barrier()
    pltpu.sync_copy(accum.at[pl.ds(sid * _RPT, _RPT)],
                    out_hbm.at[pl.ds(cid * _NPAD + sid * _RPT, _RPT)])


_NH = _N // 2
_HPAD = _NPAD // 2


def _mm_body(x_ref, w_ref, o_ref):
    o_ref[...] = jnp.dot(x_ref[...], w_ref[...],
                         preferred_element_type=jnp.float32)


def _dfull(dinv2_ref):
    d0 = jnp.broadcast_to(dinv2_ref[:, 0:1], (_NH, _F))
    d1 = jnp.broadcast_to(dinv2_ref[:, 1:2], (_NH, _F))
    return jnp.concatenate([d0, d1], axis=1)


def _scale_body(h_ref, dinv2_ref, o_ref):
    o_ref[...] = _dfull(dinv2_ref) * h_ref[...]


def _mid_body(s_ref, hp_ref, dinv2_ref, w2_ref, b1_ref, h2p_ref):
    dinv = _dfull(dinv2_ref)
    ssum = s_ref[:_NH, :] + s_ref[_HPAD:_HPAD + _NH, :]
    z = jnp.maximum(dinv * (ssum + hp_ref[...]) + b1_ref[...], 0.0)
    h2 = jnp.dot(z, w2_ref[...], preferred_element_type=jnp.float32)
    h2p_ref[...] = dinv * h2


def _final_body(s_ref, hp_ref, dinv2_ref, b2_ref, batch_ref,
                wfc_ref, bfc_ref, o_ref):
    dinv = _dfull(dinv2_ref)
    ssum = s_ref[:_NH, :] + s_ref[_HPAD:_HPAD + _NH, :]
    z = jnp.maximum(dinv * (ssum + hp_ref[...]) + b2_ref[...], 0.0)
    labels = lax.broadcasted_iota(jnp.int32, (1, _B), 1)
    oh0 = (batch_ref[:, 0:1] == labels).astype(jnp.float32)
    oh1 = (batch_ref[:, 1:2] == labels).astype(jnp.float32)
    ones_col = jnp.ones((_NH, 1), jnp.float32)
    zz0 = jnp.concatenate([z[:, :_F], ones_col], axis=1)
    zz1 = jnp.concatenate([z[:, _F:], ones_col], axis=1)
    dn = (((0,), (0,)), ((), ()))
    pooled_all = (
        lax.dot_general(oh0, zz0, dn, preferred_element_type=jnp.float32)
        + lax.dot_general(oh1, zz1, dn, preferred_element_type=jnp.float32))
    sums = pooled_all[:, :_F]
    counts = pooled_all[:, _F:_F + 1]
    pooled = sums / jnp.maximum(counts, 1.0)
    logits = jnp.dot(pooled, wfc_ref[...],
                     preferred_element_type=jnp.float32) + bfc_ref[...]
    m = jnp.max(logits, axis=1, keepdims=True)
    lse = jnp.log(jnp.sum(jnp.exp(logits - m), axis=1, keepdims=True)) + m
    o_ref[...] = logits - lse


def _block_diag2(w):
    z = jnp.zeros_like(w)
    return jnp.concatenate(
        [jnp.concatenate([w, z], axis=1), jnp.concatenate([z, w], axis=1)],
        axis=0)


def kernel(x, edge_index, batch, W1, b1, W2, b2, Wfc, bfc):
    f32 = jnp.float32
    src = edge_index[0]
    dst = edge_index[1]
    zeros1 = jnp.zeros((_NPAD,), f32)
    zeros2 = jnp.zeros((_NPAD, _F), f32)

    degp = _sc_degree(dst, zeros1)
    h1p = pl.pallas_call(
        _mm_body,
        out_shape=jax.ShapeDtypeStruct((_NH, 2 * _F), f32),
    )(x.reshape(_NH, 2 * x.shape[1]), _block_diag2(W1))

    deg160 = degp.reshape(_NC * _NPAD // 128, 128)
    dinv80 = lax.rsqrt(
        deg160[:_NPAD // 128] + deg160[_NPAD // 128:] + 1.0)
    dinv2 = dinv80.reshape(_NPAD)[:_N].reshape(_NH, 2)
    hp1p = pl.pallas_call(
        _scale_body,
        out_shape=jax.ShapeDtypeStruct((_NH, 2 * _F), f32),
    )(h1p, dinv2)

    s1p = _sc_scatter(hp1p.reshape(_N, _F), src, dst, zeros2)
    hp2p = pl.pallas_call(
        _mid_body,
        out_shape=jax.ShapeDtypeStruct((_NH, 2 * _F), f32),
    )(s1p.reshape(_NC * _HPAD, 2 * _F), hp1p, dinv2, _block_diag2(W2),
      jnp.concatenate([b1, b1]).reshape(1, 2 * _F))

    s2p = _sc_scatter(hp2p.reshape(_N, _F), src, dst, zeros2)
    out = pl.pallas_call(
        _final_body,
        out_shape=jax.ShapeDtypeStruct((_B, _NCLS), f32),
    )(s2p.reshape(_NC * _HPAD, 2 * _F), hp2p, dinv2,
      jnp.concatenate([b2, b2]).reshape(1, 2 * _F),
      batch.reshape(_NH, 2), Wfc, bfc.reshape(1, _NCLS))
    return out

# --- scband reference (transcript-rebuilt; emitter-appended) ---
"""Pipeline reference for scband-gcn-79740362817933 (READ-ONLY COPY).

The authoritative reference and input builder live on the scoring server;
editing this copy changes nothing except your own understanding.
"""

import jax, jax.numpy as jnp
import numpy as np

N = 10000
E = 320000
F_IN = 128
H = 64
C = 10
B = 64


def setup_inputs(seed: int = 0) -> dict:
    key = jax.random.key(seed)
    ks = jax.random.split(key, 9)
    x = jax.random.normal(ks[0], (N, F_IN), dtype=jnp.float32)
    edge_index = jax.random.randint(ks[1], (2, E), 0, N, dtype=jnp.int32)
    batch = jnp.sort(jax.random.randint(ks[2], (N,), 0, B, dtype=jnp.int32))
    W1 = jax.random.normal(ks[3], (F_IN, H), dtype=jnp.float32) * 0.05
    b1 = jnp.zeros((H,), dtype=jnp.float32)
    W2 = jax.random.normal(ks[4], (H, H), dtype=jnp.float32) * 0.05
    b2 = jnp.zeros((H,), dtype=jnp.float32)
    Wfc = jax.random.normal(ks[5], (H, C), dtype=jnp.float32) * 0.05
    bfc = jnp.zeros((C,), dtype=jnp.float32)
    return {"x": x, "edge_index": edge_index, "batch": batch,
            "W1": W1, "b1": b1, "W2": W2, "b2": b2, "Wfc": Wfc, "bfc": bfc}


def _gcn_conv(x, edge_index, W, b, num_nodes):
    # GCNConv: add self-loops, symmetric normalization D^-1/2 A D^-1/2, then linear transform
    loop = jnp.arange(num_nodes, dtype=edge_index.dtype)
    src = jnp.concatenate([edge_index[0], loop])
    dst = jnp.concatenate([edge_index[1], loop])
    deg = jnp.zeros((num_nodes,), dtype=jnp.float32).at[dst].add(1.0)
    dinv = jnp.where(deg > 0, 1.0 / jnp.sqrt(deg), 0.0)
    norm = dinv[src] * dinv[dst]
    h = x @ W
    msg = h[src] * norm[:, None]
    out = jax.ops.segment_sum(msg, dst, num_segments=num_nodes)
    return out + b


def reference(x, edge_index, batch, W1, b1, W2, b2, Wfc, bfc):
    h = jax.nn.relu(_gcn_conv(x, edge_index, W1, b1, N))
    h = jax.nn.relu(_gcn_conv(h, edge_index, W2, b2, N))
    # global_mean_pool over graph batch assignment
    sums = jax.ops.segment_sum(h, batch, num_segments=B)
    counts = jax.ops.segment_sum(jnp.ones((N,), dtype=jnp.float32), batch, num_segments=B)
    pooled = sums / jnp.maximum(counts, 1.0)[:, None]
    logits = pooled @ Wfc + bfc
    return jax.nn.log_softmax(logits, axis=1)

if __name__ == "__main__":
    import jax
    _d = setup_inputs()
    print(jax.jit(kernel)(*tuple(_d.values())))

</pallas_src>

<mosaic_0001>
#map = affine_map<(d0, d1) -> (0)>
module attributes {stable_mosaic.version = 14 : i64} {
  func.func @_sc_degree(%arg0: i32, %arg1: i32, %arg2: memref<320000xi32, #tpu.memory_space<hbm>>, %arg3: memref<10240xf32, #tpu.memory_space<hbm>>, %arg4: memref<20480xf32, #tpu.memory_space<hbm>>, %arg5: memref<5x80xi32, #tpu.memory_space<vmem>>, %arg6: memref<80xf32, #tpu.memory_space<vmem>>, %arg7: memref<10240xf32, #tpu.memory_space<vmem_shared>>, %arg8: memref<5x!tpu.dma_semaphore, #tpu.memory_space<semaphore_mem>>, %arg9: memref<5x!tpu.dma_semaphore, #tpu.memory_space<semaphore_mem>>) attributes {dimension_semantics = [#tpu.dimension_semantics<core_parallel>, #tpu.dimension_semantics<subcore_parallel>], iteration_bounds = array<i64: 2, 16>, scalar_prefetch = 0 : i64, scratch_operands = 5 : i64, tpu.core_type = #tpu.core_type<sc_vector_subcore>, window_params = [{transform_indices = #map}, {transform_indices = #map}, {transform_indices = #map}]} {
    %mul3A = arith.constant 16 : i32
    %mul3A_0 = arith.muli %arg0, %mul3A : i32
    %add3A = arith.addi %mul3A_0, %arg1 : i32
    %mul3A_1 = arith.constant 10000 : i32
    %mul3A_2 = arith.muli %add3A, %mul3A_1 : i32
    %scan3A = arith.constant 0 : i32
    %scan3A_3 = arith.constant 5 : i32
    %scan3A_4 = arith.addi %scan3A, %scan3A_3 : i32
    %scan3A_5 = arith.constant 1 : i32
    scf.for %scan3A_252 = %scan3A to %scan3A_4 step %scan3A_5  : i32 {
      %mul3A_253 = arith.constant 16 : i32
      %mul3A_254 = arith.muli %scan3A_252, %mul3A_253 : i32
      %add3A_255 = arith.constant 0 : i32
      %add3A_256 = arith.addi %add3A_255, %mul3A_254 : i32
      %broadcast_in_dim3A = arith.constant 1.000000e+00 : f32
      %broadcast_in_dim3A_257 = vector.broadcast %broadcast_in_dim3A : f32 to vector<16xf32>
      %swap3A = arith.index_cast %add3A_256 : i32 to index
      %swap3A_258 = tpu.vector_load %arg6[%swap3A] {strides = array<i32>} : memref<80xf32, #tpu.memory_space<vmem>>, vector<16xf32>,
      %swap3A_259 = vector.shape_cast %swap3A_258 : vector<16xf32> to vector<16xf32>
      %swap3A_260 = vector.shape_cast %broadcast_in_dim3A_257 : vector<16xf32> to vector<16xf32>
      tpu.vector_store %arg6[%swap3A], %swap3A_260 {strides = array<i32>} : memref<80xf32, #tpu.memory_space<vmem>>, vector<16xf32>,
    }
    %scan3A_6 = arith.constant 5 : i32
    %mul3A_7 = arith.constant 640 : i32
    %mul3A_8 = arith.muli %arg1, %mul3A_7 : i32
    %mul3A_9 = arith.constant 640 : i32
    %mul3A_10 = arith.muli %arg1, %mul3A_9 : i32
    "tpu.region"() ({
      %run_scoped3A = tpu.sem_alloc : memref<!tpu.dma_semaphore, #tpu.memory_space<semaphore_mem>>
      %dma_start3A_252 = tpu.memref_slice %arg7[%mul3A_10] : memref<10240xf32, #tpu.memory_space<vmem_shared>> -> memref<640xf32, #tpu.memory_space<vmem_shared>>
      %dma_start3A_253 = tpu.memref_slice %arg3[%mul3A_8] : memref<10240xf32, #tpu.memory_space<hbm>> -> memref<640xf32, #tpu.memory_space<hbm>>
      tpu.enqueue_dma source(%dma_start3A_253 : memref<640xf32, #tpu.memory_space<hbm>>) target(%dma_start3A_252 : memref<640xf32, #tpu.memory_space<vmem_shared>>) target_semaphore(%run_scoped3A : memref<!tpu.dma_semaphore, #tpu.memory_space<semaphore_mem>>)
      %dma_wait3A_254 = tpu.memref_slice %arg7[%mul3A_10] : memref<10240xf32, #tpu.memory_space<vmem_shared>> -> memref<640xf32, #tpu.memory_space<vmem_shared>>
      %dma_wait3A_255 = tpu.memref_slice %arg3[%mul3A_8] : memref<10240xf32, #tpu.memory_space<hbm>> -> memref<640xf32, #tpu.memory_space<hbm>>
      tpu.wait_dma2 semaphore(%run_scoped3A : memref<!tpu.dma_semaphore, #tpu.memory_space<semaphore_mem>>) src(%dma_wait3A_255 : memref<640xf32, #tpu.memory_space<hbm>>) dst(%dma_wait3A_254 : memref<640xf32, #tpu.memory_space<vmem_shared>>)
      tpu.yield
    }) : () -> ()
    %barrier3A = arith.constant 0 : index
    tpu.barrier barrier_id(%barrier3A)
    %add3A_11 = arith.constant 0 : i32
    %add3A_12 = arith.addi %mul3A_2, %add3A_11 : i32
    %dma_start3A = arith.constant 0 : i32
    %dma_start3A_13 = arith.constant 0 : i32
    %dma_start3A_14 = arith.constant 0 : i32
    %dma_start3A_15 = tpu.memref_slice %arg5[%dma_start3A, %dma_start3A_14] : memref<5x80xi32, #tpu.memory_space<vmem>> -> memref<1x80xi32, #tpu.memory_space<vmem>>
    %dma_start3A_16 = tpu.memref_squeeze %dma_start3A_15 : memref<1x80xi32, #tpu.memory_space<vmem>> -> memref<80xi32, #tpu.memory_space<vmem>>
    %dma_start3A_17 = tpu.memref_slice %arg2[%add3A_12] : memref<320000xi32, #tpu.memory_space<hbm>> -> memref<80xi32, #tpu.memory_space<hbm>>
    %dma_start3A_18 = tpu.memref_slice %arg8[%dma_start3A_13] : memref<5x!tpu.dma_semaphore, #tpu.memory_space<semaphore_mem>> -> memref<1x!tpu.dma_semaphore, #tpu.memory_space<semaphore_mem>>
    %dma_start3A_19 = tpu.memref_squeeze %dma_start3A_18 : memref<1x!tpu.dma_semaphore, #tpu.memory_space<semaphore_mem>> -> memref<!tpu.dma_semaphore, #tpu.memory_space<semaphore_mem>>
    %dma_start3A_20 = arith.constant 0 : i32
    %dma_start3A_21 = tpu.memref_slice %arg5[%dma_start3A, %dma_start3A_20] : memref<5x80xi32, #tpu.memory_space<vmem>> -> memref<1x80xi32, #tpu.memory_space<vmem>>
    %dma_start3A_22 = tpu.memref_squeeze %dma_start3A_21 : memref<1x80xi32, #tpu.memory_space<vmem>> -> memref<80xi32, #tpu.memory_space<vmem>>
    %dma_start3A_23 = tpu.memref_slice %arg2[%add3A_12] : memref<320000xi32, #tpu.memory_space<hbm>> -> memref<80xi32, #tpu.memory_space<hbm>>
    tpu.enqueue_dma source(%dma_start3A_23 : memref<80xi32, #tpu.memory_space<hbm>>) target(%dma_start3A_22 : memref<80xi32, #tpu.memory_space<vmem>>) target_semaphore(%dma_start3A_19 : memref<!tpu.dma_semaphore, #tpu.memory_space<semaphore_mem>>)
    %add3A_24 = arith.constant 80 : i32
    %add3A_25 = arith.addi %mul3A_2, %add3A_24 : i32
    %dma_start3A_26 = arith.constant 1 : i32
    %dma_start3A_27 = arith.constant 1 : i32
    %dma_start3A_28 = arith.constant 0 : i32
    %dma_start3A_29 = tpu.memref_slice %arg5[%dma_start3A_26, %dma_start3A_28] : memref<5x80xi32, #tpu.memory_space<vmem>> -> memref<1x80xi32, #tpu.memory_space<vmem>>
    %dma_start3A_30 = tpu.memref_squeeze %dma_start3A_29 : memref<1x80xi32, #tpu.memory_space<vmem>> -> memref<80xi32, #tpu.memory_space<vmem>>
    %dma_start3A_31 = tpu.memref_slice %arg2[%add3A_25] : memref<320000xi32, #tpu.memory_space<hbm>> -> memref<80xi32, #tpu.memory_space<hbm>>
    %dma_start3A_32 = tpu.memref_slice %arg8[%dma_start3A_27] : memref<5x!tpu.dma_semaphore, #tpu.memory_space<semaphore_mem>> -> memref<1x!tpu.dma_semaphore, #tpu.memory_space<semaphore_mem>>
    %dma_start3A_33 = tpu.memref_squeeze %dma_start3A_32 : memref<1x!tpu.dma_semaphore, #tpu.memory_space<semaphore_mem>> -> memref<!tpu.dma_semaphore, #tpu.memory_space<semaphore_mem>>
    %dma_start3A_34 = arith.constant 0 : i32
    %dma_start3A_35 = tpu.memref_slice %arg5[%dma_start3A_26, %dma_start3A_34] : memref<5x80xi32, #tpu.memory_space<vmem>> -> memref<1x80xi32, #tpu.memory_space<vmem>>
    %dma_start3A_36 = tpu.memref_squeeze %dma_start3A_35 : memref<1x80xi32, #tpu.memory_space<vmem>> -> memref<80xi32, #tpu.memory_space<vmem>>
    %dma_start3A_37 = tpu.memref_slice %arg2[%add3A_25] : memref<320000xi32, #tpu.memory_space<hbm>> -> memref<80xi32, #tpu.memory_space<hbm>>
    tpu.enqueue_dma source(%dma_start3A_37 : memref<80xi32, #tpu.memory_space<hbm>>) target(%dma_start3A_36 : memref<80xi32, #tpu.memory_space<vmem>>) target_semaphore(%dma_start3A_33 : memref<!tpu.dma_semaphore, #tpu.memory_space<semaphore_mem>>)
    %add3A_38 = arith.constant 160 : i32
    %add3A_39 = arith.addi %mul3A_2, %add3A_38 : i32
    %dma_start3A_40 = arith.constant 2 : i32
    %dma_start3A_41 = arith.constant 2 : i32
    %dma_start3A_42 = arith.constant 0 : i32
    %dma_start3A_43 = tpu.memref_slice %arg5[%dma_start3A_40, %dma_start3A_42] : memref<5x80xi32, #tpu.memory_space<vmem>> -> memref<1x80xi32, #tpu.memory_space<vmem>>
    %dma_start3A_44 = tpu.memref_squeeze %dma_start3A_43 : memref<1x80xi32, #tpu.memory_space<vmem>> -> memref<80xi32, #tpu.memory_space<vmem>>
    %dma_start3A_45 = tpu.memref_slice %arg2[%add3A_39] : memref<320000xi32, #tpu.memory_space<hbm>> -> memref<80xi32, #tpu.memory_space<hbm>>
    %dma_start3A_46 = tpu.memref_slice %arg8[%dma_start3A_41] : memref<5x!tpu.dma_semaphore, #tpu.memory_space<semaphore_mem>> -> memref<1x!tpu.dma_semaphore, #tpu.memory_space<semaphore_mem>>
    %dma_start3A_47 = tpu.memref_squeeze %dma_start3A_46 : memref<1x!tpu.dma_semaphore, #tpu.memory_space<semaphore_mem>> -> memref<!tpu.dma_semaphore, #tpu.memory_space<semaphore_mem>>
    %dma_start3A_48 = arith.constant 0 : i32
    %dma_start3A_49 = tpu.memref_slice %arg5[%dma_start3A_40, %dma_start3A_48] : memref<5x80xi32, #tpu.memory_space<vmem>> -> memref<1x80xi32, #tpu.memory_space<vmem>>
    %dma_start3A_50 = tpu.memref_squeeze %dma_start3A_49 : memref<1x80xi32, #tpu.memory_space<vmem>> -> memref<80xi32, #tpu.memory_space<vmem>>
    %dma_start3A_51 = tpu.memref_slice %arg2[%add3A_39] : memref<320000xi32, #tpu.memory_space<hbm>> -> memref<80xi32, #tpu.memory_space<hbm>>
    tpu.enqueue_dma source(%dma_start3A_51 : memref<80xi32, #tpu.memory_space<hbm>>) target(%dma_start3A_50 : memref<80xi32, #tpu.memory_space<vmem>>) target_semaphore(%dma_start3A_47 : memref<!tpu.dma_semaphore, #tpu.memory_space<semaphore_mem>>)
    %add3A_52 = arith.constant 240 : i32
    %add3A_53 = arith.addi %mul3A_2, %add3A_52 : i32
    %dma_start3A_54 = arith.constant 3 : i32
    %dma_start3A_55 = arith.constant 3 : i32
    %dma_start3A_56 = arith.constant 0 : i32
    %dma_start3A_57 = tpu.memref_slice %arg5[%dma_start3A_54, %dma_start3A_56] : memref<5x80xi32, #tpu.memory_space<vmem>> -> memref<1x80xi32, #tpu.memory_space<vmem>>
    %dma_start3A_58 = tpu.memref_squeeze %dma_start3A_57 : memref<1x80xi32, #tpu.memory_space<vmem>> -> memref<80xi32, #tpu.memory_space<vmem>>
    %dma_start3A_59 = tpu.memref_slice %arg2[%add3A_53] : memref<320000xi32, #tpu.memory_space<hbm>> -> memref<80xi32, #tpu.memory_space<hbm>>
    %dma_start3A_60 = tpu.memref_slice %arg8[%dma_start3A_55] : memref<5x!tpu.dma_semaphore, #tpu.memory_space<semaphore_mem>> -> memref<1x!tpu.dma_semaphore, #tpu.memory_space<semaphore_mem>>
    %dma_start3A_61 = tpu.memref_squeeze %dma_start3A_60 : memref<1x!tpu.dma_semaphore, #tpu.memory_space<semaphore_mem>> -> memref<!tpu.dma_semaphore, #tpu.memory_space<semaphore_mem>>
    %dma_start3A_62 = arith.constant 0 : i32
    %dma_start3A_63 = tpu.memref_slice %arg5[%dma_start3A_54, %dma_start3A_62] : memref<5x80xi32, #tpu.memory_space<vmem>> -> memref<1x80xi32, #tpu.memory_space<vmem>>
    %dma_start3A_64 = tpu.memref_squeeze %dma_start3A_63 : memref<1x80xi32, #tpu.memory_space<vmem>> -> memref<80xi32, #tpu.memory_space<vmem>>
    %dma_start3A_65 = tpu.memref_slice %arg2[%add3A_53] : memref<320000xi32, #tpu.memory_space<hbm>> -> memref<80xi32, #tpu.memory_space<hbm>>
    tpu.enqueue_dma source(%dma_start3A_65 : memref<80xi32, #tpu.memory_space<hbm>>) target(%dma_start3A_64 : memref<80xi32, #tpu.memory_space<vmem>>) target_semaphore(%dma_start3A_61 : memref<!tpu.dma_semaphore, #tpu.memory_space<semaphore_mem>>)
    %add3A_66 = arith.constant 320 : i32
    %add3A_67 = arith.addi %mul3A_2, %add3A_66 : i32
    %dma_start3A_68 = arith.constant 4 : i32
    %dma_start3A_69 = arith.constant 4 : i32
    %dma_start3A_70 = arith.constant 0 : i32
    %dma_start3A_71 = tpu.memref_slice %arg5[%dma_start3A_68, %dma_start3A_70] : memref<5x80xi32, #tpu.memory_space<vmem>> -> memref<1x80xi32, #tpu.memory_space<vmem>>
    %dma_start3A_72 = tpu.memref_squeeze %dma_start3A_71 : memref<1x80xi32, #tpu.memory_space<vmem>> -> memref<80xi32, #tpu.memory_space<vmem>>
    %dma_start3A_73 = tpu.memref_slice %arg2[%add3A_67] : memref<320000xi32, #tpu.memory_space<hbm>> -> memref<80xi32, #tpu.memory_space<hbm>>
    %dma_start3A_74 = tpu.memref_slice %arg8[%dma_start3A_69] : memref<5x!tpu.dma_semaphore, #tpu.memory_space<semaphore_mem>> -> memref<1x!tpu.dma_semaphore, #tpu.memory_space<semaphore_mem>>
    %dma_start3A_75 = tpu.memref_squeeze %dma_start3A_74 : memref<1x!tpu.dma_semaphore, #tpu.memory_space<semaphore_mem>> -> memref<!tpu.dma_semaphore, #tpu.memory_space<semaphore_mem>>
    %dma_start3A_76 = arith.constant 0 : i32
    %dma_start3A_77 = tpu.memref_slice %arg5[%dma_start3A_68, %dma_start3A_76] : memref<5x80xi32, #tpu.memory_space<vmem>> -> memref<1x80xi32, #tpu.memory_space<vmem>>
    %dma_start3A_78 = tpu.memref_squeeze %dma_start3A_77 : memref<1x80xi32, #tpu.memory_space<vmem>> -> memref<80xi32, #tpu.memory_space<vmem>>
    %dma_start3A_79 = tpu.memref_slice %arg2[%add3A_67] : memref<320000xi32, #tpu.memory_space<hbm>> -> memref<80xi32, #tpu.memory_space<hbm>>
    tpu.enqueue_dma source(%dma_start3A_79 : memref<80xi32, #tpu.memory_space<hbm>>) target(%dma_start3A_78 : memref<80xi32, #tpu.memory_space<vmem>>) target_semaphore(%dma_start3A_75 : memref<!tpu.dma_semaphore, #tpu.memory_space<semaphore_mem>>)
    %scan3A_80 = arith.constant 0 : i32
    %scan3A_81 = arith.constant 24 : i32
    %scan3A_82 = arith.addi %scan3A_80, %scan3A_81 : i32
    %scan3A_83 = arith.constant 1 : i32
    scf.for %scan3A_252 = %scan3A_80 to %scan3A_82 step %scan3A_83  : i32 {
      %mul3A_253 = arith.constant 5 : i32
      %mul3A_254 = arith.muli %scan3A_252, %mul3A_253 : i32
      %add3A_255 = arith.constant 0 : i32
      %add3A_256 = arith.addi %add3A_255, %mul3A_254 : i32
      %add3A_257 = arith.constant 0 : i32
      %add3A_258 = arith.addi %add3A_256, %add3A_257 : i32
      %mul3A_259 = arith.constant 80 : i32
      %mul3A_260 = arith.muli %add3A_258, %mul3A_259 : i32
      %add3A_261 = arith.addi %mul3A_2, %mul3A_260 : i32
      %dma_wait3A_262 = arith.constant 0 : i32
      %dma_wait3A_263 = arith.constant 0 : i32
      %dma_wait3A_264 = arith.constant 0 : i32
      %dma_wait3A_265 = tpu.memref_slice %arg5[%dma_wait3A_262, %dma_wait3A_264] : memref<5x80xi32, #tpu.memory_space<vmem>> -> memref<1x80xi32, #tpu.memory_space<vmem>>
      %dma_wait3A_266 = tpu.memref_squeeze %dma_wait3A_265 : memref<1x80xi32, #tpu.memory_space<vmem>> -> memref<80xi32, #tpu.memory_space<vmem>>
      %dma_wait3A_267 = tpu.memref_slice %arg2[%add3A_261] : memref<320000xi32, #tpu.memory_space<hbm>> -> memref<80xi32, #tpu.memory_space<hbm>>
      %dma_wait3A_268 = tpu.memref_slice %arg8[%dma_wait3A_263] : memref<5x!tpu.dma_semaphore, #tpu.memory_space<semaphore_mem>> -> memref<1x!tpu.dma_semaphore, #tpu.memory_space<semaphore_mem>>
      %dma_wait3A_269 = tpu.memref_squeeze %dma_wait3A_268 : memref<1x!tpu.dma_semaphore, #tpu.memory_space<semaphore_mem>> -> memref<!tpu.dma_semaphore, #tpu.memory_space<semaphore_mem>>
      %dma_wait3A_270 = arith.constant 0 : i32
      %dma_wait3A_271 = tpu.memref_slice %arg5[%dma_wait3A_262, %dma_wait3A_270] : memref<5x80xi32, #tpu.memory_space<vmem>> -> memref<1x80xi32, #tpu.memory_space<vmem>>
      %dma_wait3A_272 = tpu.memref_squeeze %dma_wait3A_271 : memref<1x80xi32, #tpu.memory_space<vmem>> -> memref<80xi32, #tpu.memory_space<vmem>>
      %dma_wait3A_273 = tpu.memref_slice %arg2[%add3A_261] : memref<320000xi32, #tpu.memory_space<hbm>> -> memref<80xi32, #tpu.memory_space<hbm>>
      tpu.wait_dma2 semaphore(%dma_wait3A_269 : memref<!tpu.dma_semaphore, #tpu.memory_space<semaphore_mem>>) src(%dma_wait3A_273 : memref<80xi32, #tpu.memory_space<hbm>>) dst(%dma_wait3A_272 : memref<80xi32, #tpu.memory_space<vmem>>)
      %dma_start3A_274 = arith.constant 0 : i32
      %dma_start3A_275 = arith.constant 0 : i32
      %dma_start3A_276 = arith.constant 0 : i32
      %dma_start3A_277 = tpu.memref_slice %arg5[%dma_start3A_274, %dma_start3A_276] : memref<5x80xi32, #tpu.memory_space<vmem>> -> memref<1x80xi32, #tpu.memory_space<vmem>>
      %dma_start3A_278 = tpu.memref_squeeze %dma_start3A_277 : memref<1x80xi32, #tpu.memory_space<vmem>> -> memref<80xi32, #tpu.memory_space<vmem>>
      %dma_start3A_279 = arith.constant 0 : i32
      %dma_start3A_280 = tpu.memref_slice %arg7[%dma_start3A_279] : memref<10240xf32, #tpu.memory_space<vmem_shared>> -> memref<10240xf32, #tpu.memory_space<vmem_shared>>
      %dma_start3A_281 = tpu.memref_slice %arg9[%dma_start3A_275] : memref<5x!tpu.dma_semaphore, #tpu.memory_space<semaphore_mem>> -> memref<1x!tpu.dma_semaphore, #tpu.memory_space<semaphore_mem>>
      %dma_start3A_282 = tpu.memref_squeeze %dma_start3A_281 : memref<1x!tpu.dma_semaphore, #tpu.memory_space<semaphore_mem>> -> memref<!tpu.dma_semaphore, #tpu.memory_space<semaphore_mem>>
      tpu.enqueue_indirect_dma source(%arg6 : memref<80xf32, #tpu.memory_space<vmem>>) target(%dma_start3A_280 : memref<10240xf32, #tpu.memory_space<vmem_shared>>) offsets(%dma_start3A_278 : memref<80xi32, #tpu.memory_space<vmem>>) semaphore(%dma_start3A_282 : memref<!tpu.dma_semaphore, #tpu.memory_space<semaphore_mem>>) {add = true}
      %add3A_283 = arith.constant 1 : i32
      %add3A_284 = arith.addi %add3A_256, %add3A_283 : i32
      %mul3A_285 = arith.constant 80 : i32
      %mul3A_286 = arith.muli %add3A_284, %mul3A_285 : i32
      %add3A_287 = arith.addi %mul3A_2, %mul3A_286 : i32
      %dma_wait3A_288 = arith.constant 1 : i32
      %dma_wait3A_289 = arith.constant 1 : i32
      %dma_wait3A_290 = arith.constant 0 : i32
      %dma_wait3A_291 = tpu.memref_slice %arg5[%dma_wait3A_288, %dma_wait3A_290] : memref<5x80xi32, #tpu.memory_space<vmem>> -> memref<1x80xi32, #tpu.memory_space<vmem>>
      %dma_wait3A_292 = tpu.memref_squeeze %dma_wait3A_291 : memref<1x80xi32, #tpu.memory_space<vmem>> -> memref<80xi32, #tpu.memory_space<vmem>>
      %dma_wait3A_293 = tpu.memref_slice %arg2[%add3A_287] : memref<320000xi32, #tpu.memory_space<hbm>> -> memref<80xi32, #tpu.memory_space<hbm>>
      %dma_wait3A_294 = tpu.memref_slice %arg8[%dma_wait3A_289] : memref<5x!tpu.dma_semaphore, #tpu.memory_space<semaphore_mem>> -> memref<1x!tpu.dma_semaphore, #tpu.memory_space<semaphore_mem>>
      %dma_wait3A_295 = tpu.memref_squeeze %dma_wait3A_294 : memref<1x!tpu.dma_semaphore, #tpu.memory_space<semaphore_mem>> -> memref<!tpu.dma_semaphore, #tpu.memory_space<semaphore_mem>>
      %dma_wait3A_296 = arith.constant 0 : i32
      %dma_wait3A_297 = tpu.memref_slice %arg5[%dma_wait3A_288, %dma_wait3A_296] : memref<5x80xi32, #tpu.memory_space<vmem>> -> memref<1x80xi32, #tpu.memory_space<vmem>>
      %dma_wait3A_298 = tpu.memref_squeeze %dma_wait3A_297 : memref<1x80xi32, #tpu.memory_space<vmem>> -> memref<80xi32, #tpu.memory_space<vmem>>
      %dma_wait3A_299 = tpu.memref_slice %arg2[%add3A_287] : memref<320000xi32, #tpu.memory_space<hbm>> -> memref<80xi32, #tpu.memory_space<hbm>>
      tpu.wait_dma2 semaphore(%dma_wait3A_295 : memref<!tpu.dma_semaphore, #tpu.memory_space<semaphore_mem>>) src(%dma_wait3A_299 : memref<80xi32, #tpu.memory_space<hbm>>) dst(%dma_wait3A_298 : memref<80xi32, #tpu.memory_space<vmem>>)
      %dma_start3A_300 = arith.constant 1 : i32
      %dma_start3A_301 = arith.constant 1 : i32
      %dma_start3A_302 = arith.constant 0 : i32
      %dma_start3A_303 = tpu.memref_slice %arg5[%dma_start3A_300, %dma_start3A_302] : memref<5x80xi32, #tpu.memory_space<vmem>> -> memref<1x80xi32, #tpu.memory_space<vmem>>
      %dma_start3A_304 = tpu.memref_squeeze %dma_start3A_303 : memref<1x80xi32, #tpu.memory_space<vmem>> -> memref<80xi32, #tpu.memory_space<vmem>>
      %dma_start3A_305 = arith.constant 0 : i32
      %dma_start3A_306 = tpu.memref_slice %arg7[%dma_start3A_305] : memref<10240xf32, #tpu.memory_space<vmem_shared>> -> memref<10240xf32, #tpu.memory_space<vmem_shared>>
      %dma_start3A_307 = tpu.memref_slice %arg9[%dma_start3A_301] : memref<5x!tpu.dma_semaphore, #tpu.memory_space<semaphore_mem>> -> memref<1x!tpu.dma_semaphore, #tpu.memory_space<semaphore_mem>>
      %dma_start3A_308 = tpu.memref_squeeze %dma_start3A_307 : memref<1x!tpu.dma_semaphore, #tpu.memory_space<semaphore_mem>> -> memref<!tpu.dma_semaphore, #tpu.memory_space<semaphore_mem>>
      tpu.enqueue_indirect_dma source(%arg6 : memref<80xf32, #tpu.memory_space<vmem>>) target(%dma_start3A_306 : memref<10240xf32, #tpu.memory_space<vmem_shared>>) offsets(%dma_start3A_304 : memref<80xi32, #tpu.memory_space<vmem>>) semaphore(%dma_start3A_308 : memref<!tpu.dma_semaphore, #tpu.memory_space<semaphore_mem>>) {add = true}
      %add3A_309 = arith.constant 2 : i32
      %add3A_310 = arith.addi %add3A_256, %add3A_309 : i32
      %mul3A_311 = arith.constant 80 : i32
      %mul3A_312 = arith.muli %add3A_310, %mul3A_311 : i32
      %add3A_313 = arith.addi %mul3A_2, %mul3A_312 : i32
      %dma_wait3A_314 = arith.constant 2 : i32
      %dma_wait3A_315 = arith.constant 2 : i32
      %dma_wait3A_316 = arith.constant 0 : i32
      %dma_wait3A_317 = tpu.memref_slice %arg5[%dma_wait3A_314, %dma_wait3A_316] : memref<5x80xi32, #tpu.memory_space<vmem>> -> memref<1x80xi32, #tpu.memory_space<vmem>>
      %dma_wait3A_318 = tpu.memref_squeeze %dma_wait3A_317 : memref<1x80xi32, #tpu.memory_space<vmem>> -> memref<80xi32, #tpu.memory_space<vmem>>
      %dma_wait3A_319 = tpu.memref_slice %arg2[%add3A_313] : memref<320000xi32, #tpu.memory_space<hbm>> -> memref<80xi32, #tpu.memory_space<hbm>>
      %dma_wait3A_320 = tpu.memref_slice %arg8[%dma_wait3A_315] : memref<5x!tpu.dma_semaphore, #tpu.memory_space<semaphore_mem>> -> memref<1x!tpu.dma_semaphore, #tpu.memory_space<semaphore_mem>>
      %dma_wait3A_321 = tpu.memref_squeeze %dma_wait3A_320 : memref<1x!tpu.dma_semaphore, #tpu.memory_space<semaphore_mem>> -> memref<!tpu.dma_semaphore, #tpu.memory_space<semaphore_mem>>
      %dma_wait3A_322 = arith.constant 0 : i32
      %dma_wait3A_323 = tpu.memref_slice %arg5[%dma_wait3A_314, %dma_wait3A_322] : memref<5x80xi32, #tpu.memory_space<vmem>> -> memref<1x80xi32, #tpu.memory_space<vmem>>
      %dma_wait3A_324 = tpu.memref_squeeze %dma_wait3A_323 : memref<1x80xi32, #tpu.memory_space<vmem>> -> memref<80xi32, #tpu.memory_space<vmem>>
      %dma_wait3A_325 = tpu.memref_slice %arg2[%add3A_313] : memref<320000xi32, #tpu.memory_space<hbm>> -> memref<80xi32, #tpu.memory_space<hbm>>
      tpu.wait_dma2 semaphore(%dma_wait3A_321 : memref<!tpu.dma_semaphore, #tpu.memory_space<semaphore_mem>>) src(%dma_wait3A_325 : memref<80xi32, #tpu.memory_space<hbm>>) dst(%dma_wait3A_324 : memref<80xi32, #tpu.memory_space<vmem>>)
      %dma_start3A_326 = arith.constant 2 : i32
      %dma_start3A_327 = arith.constant 2 : i32
      %dma_start3A_328 = arith.constant 0 : i32
      %dma_start3A_329 = tpu.memref_slice %arg5[%dma_start3A_326, %dma_start3A_328] : memref<5x80xi32, #tpu.memory_space<vmem>> -> memref<1x80xi32, #tpu.memory_space<vmem>>
      %dma_start3A_330 = tpu.memref_squeeze %dma_start3A_329 : memref<1x80xi32, #tpu.memory_space<vmem>> -> memref<80xi32, #tpu.memory_space<vmem>>
      %dma_start3A_331 = arith.constant 0 : i32
      %dma_start3A_332 = tpu.memref_slice %arg7[%dma_start3A_331] : memref<10240xf32, #tpu.memory_space<vmem_shared>> -> memref<10240xf32, #tpu.memory_space<vmem_shared>>
      %dma_start3A_333 = tpu.memref_slice %arg9[%dma_start3A_327] : memref<5x!tpu.dma_semaphore, #tpu.memory_space<semaphore_mem>> -> memref<1x!tpu.dma_semaphore, #tpu.memory_space<semaphore_mem>>
      %dma_start3A_334 = tpu.memref_squeeze %dma_start3A_333 : memref<1x!tpu.dma_semaphore, #tpu.memory_space<semaphore_mem>> -> memref<!tpu.dma_semaphore, #tpu.memory_space<semaphore_mem>>
      tpu.enqueue_indirect_dma source(%arg6 : memref<80xf32, #tpu.memory_space<vmem>>) target(%dma_start3A_332 : memref<10240xf32, #tpu.memory_space<vmem_shared>>) offsets(%dma_start3A_330 : memref<80xi32, #tpu.memory_space<vmem>>) semaphore(%dma_start3A_334 : memref<!tpu.dma_semaphore, #tpu.memory_space<semaphore_mem>>) {add = true}
      %add3A_335 = arith.constant 3 : i32
      %add3A_336 = arith.addi %add3A_256, %add3A_335 : i32
      %mul3A_337 = arith.constant 80 : i32
      %mul3A_338 = arith.muli %add3A_336, %mul3A_337 : i32
      %add3A_339 = arith.addi %mul3A_2, %mul3A_338 : i32
      %dma_wait3A_340 = arith.constant 3 : i32
      %dma_wait3A_341 = arith.constant 3 : i32
      %dma_wait3A_342 = arith.constant 0 : i32
      %dma_wait3A_343 = tpu.memref_slice %arg5[%dma_wait3A_340, %dma_wait3A_342] : memref<5x80xi32, #tpu.memory_space<vmem>> -> memref<1x80xi32, #tpu.memory_space<vmem>>
      %dma_wait3A_344 = tpu.memref_squeeze %dma_wait3A_343 : memref<1x80xi32, #tpu.memory_space<vmem>> -> memref<80xi32, #tpu.memory_space<vmem>>
      %dma_wait3A_345 = tpu.memref_slice %arg2[%add3A_339] : memref<320000xi32, #tpu.memory_space<hbm>> -> memref<80xi32, #tpu.memory_space<hbm>>
      %dma_wait3A_346 = tpu.memref_slice %arg8[%dma_wait3A_341] : memref<5x!tpu.dma_semaphore, #tpu.memory_space<semaphore_mem>> -> memref<1x!tpu.dma_semaphore, #tpu.memory_space<semaphore_mem>>
      %dma_wait3A_347 = tpu.memref_squeeze %dma_wait3A_346 : memref<1x!tpu.dma_semaphore, #tpu.memory_space<semaphore_mem>> -> memref<!tpu.dma_semaphore, #tpu.memory_space<semaphore_mem>>
      %dma_wait3A_348 = arith.constant 0 : i32
      %dma_wait3A_349 = tpu.memref_slice %arg5[%dma_wait3A_340, %dma_wait3A_348] : memref<5x80xi32, #tpu.memory_space<vmem>> -> memref<1x80xi32, #tpu.memory_space<vmem>>
      %dma_wait3A_350 = tpu.memref_squeeze %dma_wait3A_349 : memref<1x80xi32, #tpu.memory_space<vmem>> -> memref<80xi32, #tpu.memory_space<vmem>>
      %dma_wait3A_351 = tpu.memref_slice %arg2[%add3A_339] : memref<320000xi32, #tpu.memory_space<hbm>> -> memref<80xi32, #tpu.memory_space<hbm>>
      tpu.wait_dma2 semaphore(%dma_wait3A_347 : memref<!tpu.dma_semaphore, #tpu.memory_space<semaphore_mem>>) src(%dma_wait3A_351 : memref<80xi32, #tpu.memory_space<hbm>>) dst(%dma_wait3A_350 : memref<80xi32, #tpu.memory_space<vmem>>)
      %dma_start3A_352 = arith.constant 3 : i32
      %dma_start3A_353 = arith.constant 3 : i32
      %dma_start3A_354 = arith.constant 0 : i32
      %dma_start3A_355 = tpu.memref_slice %arg5[%dma_start3A_352, %dma_start3A_354] : memref<5x80xi32, #tpu.memory_space<vmem>> -> memref<1x80xi32, #tpu.memory_space<vmem>>
      %dma_start3A_356 = tpu.memref_squeeze %dma_start3A_355 : memref<1x80xi32, #tpu.memory_space<vmem>> -> memref<80xi32, #tpu.memory_space<vmem>>
      %dma_start3A_357 = arith.constant 0 : i32
      %dma_start3A_358 = tpu.memref_slice %arg7[%dma_start3A_357] : memref<10240xf32, #tpu.memory_space<vmem_shared>> -> memref<10240xf32, #tpu.memory_space<vmem_shared>>
      %dma_start3A_359 = tpu.memref_slice %arg9[%dma_start3A_353] : memref<5x!tpu.dma_semaphore, #tpu.memory_space<semaphore_mem>> -> memref<1x!tpu.dma_semaphore, #tpu.memory_space<semaphore_mem>>
      %dma_start3A_360 = tpu.memref_squeeze %dma_start3A_359 : memref<1x!tpu.dma_semaphore, #tpu.memory_space<semaphore_mem>> -> memref<!tpu.dma_semaphore, #tpu.memory_space<semaphore_mem>>
      tpu.enqueue_indirect_dma source(%arg6 : memref<80xf32, #tpu.memory_space<vmem>>) target(%dma_start3A_358 : memref<10240xf32, #tpu.memory_space<vmem_shared>>) offsets(%dma_start3A_356 : memref<80xi32, #tpu.memory_space<vmem>>) semaphore(%dma_start3A_360 : memref<!tpu.dma_semaphore, #tpu.memory_space<semaphore_mem>>) {add = true}
      %add3A_361 = arith.constant 4 : i32
      %add3A_362 = arith.addi %add3A_256, %add3A_361 : i32
      %mul3A_363 = arith.constant 80 : i32
      %mul3A_364 = arith.muli %add3A_362, %mul3A_363 : i32
      %add3A_365 = arith.addi %mul3A_2, %mul3A_364 : i32
      %dma_wait3A_366 = arith.constant 4 : i32
      %dma_wait3A_367 = arith.constant 4 : i32
      %dma_wait3A_368 = arith.constant 0 : i32
      %dma_wait3A_369 = tpu.memref_slice %arg5[%dma_wait3A_366, %dma_wait3A_368] : memref<5x80xi32, #tpu.memory_space<vmem>> -> memref<1x80xi32, #tpu.memory_space<vmem>>
      %dma_wait3A_370 = tpu.memref_squeeze %dma_wait3A_369 : memref<1x80xi32, #tpu.memory_space<vmem>> -> memref<80xi32, #tpu.memory_space<vmem>>
      %dma_wait3A_371 = tpu.memref_slice %arg2[%add3A_365] : memref<320000xi32, #tpu.memory_space<hbm>> -> memref<80xi32, #tpu.memory_space<hbm>>
      %dma_wait3A_372 = tpu.memref_slice %arg8[%dma_wait3A_367] : memref<5x!tpu.dma_semaphore, #tpu.memory_space<semaphore_mem>> -> memref<1x!tpu.dma_semaphore, #tpu.memory_space<semaphore_mem>>
      %dma_wait3A_373 = tpu.memref_squeeze %dma_wait3A_372 : memref<1x!tpu.dma_semaphore, #tpu.memory_space<semaphore_mem>> -> memref<!tpu.dma_semaphore, #tpu.memory_space<semaphore_mem>>
      %dma_wait3A_374 = arith.constant 0 : i32
      %dma_wait3A_375 = tpu.memref_slice %arg5[%dma_wait3A_366, %dma_wait3A_374] : memref<5x80xi32, #tpu.memory_space<vmem>> -> memref<1x80xi32, #tpu.memory_space<vmem>>
      %dma_wait3A_376 = tpu.memref_squeeze %dma_wait3A_375 : memref<1x80xi32, #tpu.memory_space<vmem>> -> memref<80xi32, #tpu.memory_space<vmem>>
      %dma_wait3A_377 = tpu.memref_slice %arg2[%add3A_365] : memref<320000xi32, #tpu.memory_space<hbm>> -> memref<80xi32, #tpu.memory_space<hbm>>
      tpu.wait_dma2 semaphore(%dma_wait3A_373 : memref<!tpu.dma_semaphore, #tpu.memory_space<semaphore_mem>>) src(%dma_wait3A_377 : memref<80xi32, #tpu.memory_space<hbm>>) dst(%dma_wait3A_376 : memref<80xi32, #tpu.memory_space<vmem>>)
      %dma_start3A_378 = arith.constant 4 : i32
      %dma_start3A_379 = arith.constant 4 : i32
      %dma_start3A_380 = arith.constant 0 : i32
      %dma_start3A_381 = tpu.memref_slice %arg5[%dma_start3A_378, %dma_start3A_380] : memref<5x80xi32, #tpu.memory_space<vmem>> -> memref<1x80xi32, #tpu.memory_space<vmem>>
      %dma_start3A_382 = tpu.memref_squeeze %dma_start3A_381 : memref<1x80xi32, #tpu.memory_space<vmem>> -> memref<80xi32, #tpu.memory_space<vmem>>
      %dma_start3A_383 = arith.constant 0 : i32
      %dma_start3A_384 = tpu.memref_slice %arg7[%dma_start3A_383] : memref<10240xf32, #tpu.memory_space<vmem_shared>> -> memref<10240xf32, #tpu.memory_space<vmem_shared>>
      %dma_start3A_385 = tpu.memref_slice %arg9[%dma_start3A_379] : memref<5x!tpu.dma_semaphore, #tpu.memory_space<semaphore_mem>> -> memref<1x!tpu.dma_semaphore, #tpu.memory_space<semaphore_mem>>
      %dma_start3A_386 = tpu.memref_squeeze %dma_start3A_385 : memref<1x!tpu.dma_semaphore, #tpu.memory_space<semaphore_mem>> -> memref<!tpu.dma_semaphore, #tpu.memory_space<semaphore_mem>>
      tpu.enqueue_indirect_dma source(%arg6 : memref<80xf32, #tpu.memory_space<vmem>>) target(%dma_start3A_384 : memref<10240xf32, #tpu.memory_space<vmem_shared>>) offsets(%dma_start3A_382 : memref<80xi32, #tpu.memory_space<vmem>>) semaphore(%dma_start3A_386 : memref<!tpu.dma_semaphore, #tpu.memory_space<semaphore_mem>>) {add = true}
      %dma_wait3A_387 = arith.constant 0 : i32
      %dma_wait3A_388 = arith.constant 0 : i32
      %dma_wait3A_389 = arith.constant 0 : i32
      %dma_wait3A_390 = tpu.memref_slice %arg5[%dma_wait3A_387, %dma_wait3A_389] : memref<5x80xi32, #tpu.memory_space<vmem>> -> memref<1x80xi32, #tpu.memory_space<vmem>>
      %dma_wait3A_391 = tpu.memref_squeeze %dma_wait3A_390 : memref<1x80xi32, #tpu.memory_space<vmem>> -> memref<80xi32, #tpu.memory_space<vmem>>
      %dma_wait3A_392 = arith.constant 0 : i32
      %dma_wait3A_393 = tpu.memref_slice %arg7[%dma_wait3A_392] : memref<10240xf32, #tpu.memory_space<vmem_shared>> -> memref<10240xf32, #tpu.memory_space<vmem_shared>>
      %dma_wait3A_394 = tpu.memref_slice %arg9[%dma_wait3A_388] : memref<5x!tpu.dma_semaphore, #tpu.memory_space<semaphore_mem>> -> memref<1x!tpu.dma_semaphore, #tpu.memory_space<semaphore_mem>>
      %dma_wait3A_395 = tpu.memref_squeeze %dma_wait3A_394 : memref<1x!tpu.dma_semaphore, #tpu.memory_space<semaphore_mem>> -> memref<!tpu.dma_semaphore, #tpu.memory_space<semaphore_mem>>
      tpu.wait_indirect_dma semaphore(%dma_wait3A_395 : memref<!tpu.dma_semaphore, #tpu.memory_space<semaphore_mem>>) src(%arg6 : memref<80xf32, #tpu.memory_space<vmem>>) dst(%dma_wait3A_393 : memref<10240xf32, #tpu.memory_space<vmem_shared>>)
      %add3A_396 = arith.constant 5 : i32
      %add3A_397 = arith.addi %add3A_256, %add3A_396 : i32
      %add3A_398 = arith.constant 0 : i32
      %add3A_399 = arith.addi %add3A_397, %add3A_398 : i32
      %mul3A_400 = arith.constant 80 : i32
      %mul3A_401 = arith.muli %add3A_399, %mul3A_400 : i32
      %add3A_402 = arith.addi %mul3A_2, %mul3A_401 : i32
      %dma_start3A_403 = arith.constant 0 : i32
      %dma_start3A_404 = arith.constant 0 : i32
      %dma_start3A_405 = arith.constant 0 : i32
      %dma_start3A_406 = tpu.memref_slice %arg5[%dma_start3A_403, %dma_start3A_405] : memref<5x80xi32, #tpu.memory_space<vmem>> -> memref<1x80xi32, #tpu.memory_space<vmem>>
      %dma_start3A_407 = tpu.memref_squeeze %dma_start3A_406 : memref<1x80xi32, #tpu.memory_space<vmem>> -> memref<80xi32, #tpu.memory_space<vmem>>
      %dma_start3A_408 = tpu.memref_slice %arg2[%add3A_402] : memref<320000xi32, #tpu.memory_space<hbm>> -> memref<80xi32, #tpu.memory_space<hbm>>
      %dma_start3A_409 = tpu.memref_slice %arg8[%dma_start3A_404] : memref<5x!tpu.dma_semaphore, #tpu.memory_space<semaphore_mem>> -> memref<1x!tpu.dma_semaphore, #tpu.memory_space<semaphore_mem>>
      %dma_start3A_410 = tpu.memref_squeeze %dma_start3A_409 : memref<1x!tpu.dma_semaphore, #tpu.memory_space<semaphore_mem>> -> memref<!tpu.dma_semaphore, #tpu.memory_space<semaphore_mem>>
      %dma_start3A_411 = arith.constant 0 : i32
      %dma_start3A_412 = tpu.memref_slice %arg5[%dma_start3A_403, %dma_start3A_411] : memref<5x80xi32, #tpu.memory_space<vmem>> -> memref<1x80xi32, #tpu.memory_space<vmem>>
      %dma_start3A_413 = tpu.memref_squeeze %dma_start3A_412 : memref<1x80xi32, #tpu.memory_space<vmem>> -> memref<80xi32, #tpu.memory_space<vmem>>
      %dma_start3A_414 = tpu.memref_slice %arg2[%add3A_402] : memref<320000xi32, #tpu.memory_space<hbm>> -> memref<80xi32, #tpu.memory_space<hbm>>
      tpu.enqueue_dma source(%dma_start3A_414 : memref<80xi32, #tpu.memory_space<hbm>>) target(%dma_start3A_413 : memref<80xi32, #tpu.memory_space<vmem>>) target_semaphore(%dma_start3A_410 : memref<!tpu.dma_semaphore, #tpu.memory_space<semaphore_mem>>)
      %dma_wait3A_415 = arith.constant 1 : i32
      %dma_wait3A_416 = arith.constant 1 : i32
      %dma_wait3A_417 = arith.constant 0 : i32
      %dma_wait3A_418 = tpu.memref_slice %arg5[%dma_wait3A_415, %dma_wait3A_417] : memref<5x80xi32, #tpu.memory_space<vmem>> -> memref<1x80xi32, #tpu.memory_space<vmem>>
      %dma_wait3A_419 = tpu.memref_squeeze %dma_wait3A_418 : memref<1x80xi32, #tpu.memory_space<vmem>> -> memref<80xi32, #tpu.memory_space<vmem>>
      %dma_wait3A_420 = arith.constant 0 : i32
      %dma_wait3A_421 = tpu.memref_slice %arg7[%dma_wait3A_420] : memref<10240xf32, #tpu.memory_space<vmem_shared>> -> memref<10240xf32, #tpu.memory_space<vmem_shared>>
      %dma_wait3A_422 = tpu.memref_slice %arg9[%dma_wait3A_416] : memref<5x!tpu.dma_semaphore, #tpu.memory_space<semaphore_mem>> -> memref<1x!tpu.dma_semaphore, #tpu.memory_space<semaphore_mem>>
      %dma_wait3A_423 = tpu.memref_squeeze %dma_wait3A_422 : memref<1x!tpu.dma_semaphore, #tpu.memory_space<semaphore_mem>> -> memref<!tpu.dma_semaphore, #tpu.memory_space<semaphore_mem>>
      tpu.wait_indirect_dma semaphore(%dma_wait3A_423 : memref<!tpu.dma_semaphore, #tpu.memory_space<semaphore_mem>>) src(%arg6 : memref<80xf32, #tpu.memory_space<vmem>>) dst(%dma_wait3A_421 : memref<10240xf32, #tpu.memory_space<vmem_shared>>)
      %add3A_424 = arith.constant 5 : i32
      %add3A_425 = arith.addi %add3A_256, %add3A_424 : i32
      %add3A_426 = arith.constant 1 : i32
      %add3A_427 = arith.addi %add3A_425, %add3A_426 : i32
      %mul3A_428 = arith.constant 80 : i32
      %mul3A_429 = arith.muli %add3A_427, %mul3A_428 : i32
      %add3A_430 = arith.addi %mul3A_2, %mul3A_429 : i32
      %dma_start3A_431 = arith.constant 1 : i32
      %dma_start3A_432 = arith.constant 1 : i32
      %dma_start3A_433 = arith.constant 0 : i32
      %dma_start3A_434 = tpu.memref_slice %arg5[%dma_start3A_431, %dma_start3A_433] : memref<5x80xi32, #tpu.memory_space<vmem>> -> memref<1x80xi32, #tpu.memory_space<vmem>>
      %dma_start3A_435 = tpu.memref_squeeze %dma_start3A_434 : memref<1x80xi32, #tpu.memory_space<vmem>> -> memref<80xi32, #tpu.memory_space<vmem>>
      %dma_start3A_436 = tpu.memref_slice %arg2[%add3A_430] : memref<320000xi32, #tpu.memory_space<hbm>> -> memref<80xi32, #tpu.memory_space<hbm>>
      %dma_start3A_437 = tpu.memref_slice %arg8[%dma_start3A_432] : memref<5x!tpu.dma_semaphore, #tpu.memory_space<semaphore_mem>> -> memref<1x!tpu.dma_semaphore, #tpu.memory_space<semaphore_mem>>
      %dma_start3A_438 = tpu.memref_squeeze %dma_start3A_437 : memref<1x!tpu.dma_semaphore, #tpu.memory_space<semaphore_mem>> -> memref<!tpu.dma_semaphore, #tpu.memory_space<semaphore_mem>>
      %dma_start3A_439 = arith.constant 0 : i32
      %dma_start3A_440 = tpu.memref_slice %arg5[%dma_start3A_431, %dma_start3A_439] : memref<5x80xi32, #tpu.memory_space<vmem>> -> memref<1x80xi32, #tpu.memory_space<vmem>>
      %dma_start3A_441 = tpu.memref_squeeze %dma_start3A_440 : memref<1x80xi32, #tpu.memory_space<vmem>> -> memref<80xi32, #tpu.memory_space<vmem>>
      %dma_start3A_442 = tpu.memref_slice %arg2[%add3A_430] : memref<320000xi32, #tpu.memory_space<hbm>> -> memref<80xi32, #tpu.memory_space<hbm>>
      tpu.enqueue_dma source(%dma_start3A_442 : memref<80xi32, #tpu.memory_space<hbm>>) target(%dma_start3A_441 : memref<80xi32, #tpu.memory_space<vmem>>) target_semaphore(%dma_start3A_438 : memref<!tpu.dma_semaphore, #tpu.memory_space<semaphore_mem>>)
      %dma_wait3A_443 = arith.constant 2 : i32
      %dma_wait3A_444 = arith.constant 2 : i32
      %dma_wait3A_445 = arith.constant 0 : i32
      %dma_wait3A_446 = tpu.memref_slice %arg5[%dma_wait3A_443, %dma_wait3A_445] : memref<5x80xi32, #tpu.memory_space<vmem>> -> memref<1x80xi32, #tpu.memory_space<vmem>>
      %dma_wait3A_447 = tpu.memref_squeeze %dma_wait3A_446 : memref<1x80xi32, #tpu.memory_space<vmem>> -> memref<80xi32, #tpu.memory_space<vmem>>
      %dma_wait3A_448 = arith.constant 0 : i32
      %dma_wait3A_449 = tpu.memref_slice %arg7[%dma_wait3A_448] : memref<10240xf32, #tpu.memory_space<vmem_shared>> -> memref<10240xf32, #tpu.memory_space<vmem_shared>>
      %dma_wait3A_450 = tpu.memref_slice %arg9[%dma_wait3A_444] : memref<5x!tpu.dma_semaphore, #tpu.memory_space<semaphore_mem>> -> memref<1x!tpu.dma_semaphore, #tpu.memory_space<semaphore_mem>>
      %dma_wait3A_451 = tpu.memref_squeeze %dma_wait3A_450 : memref<1x!tpu.dma_semaphore, #tpu.memory_space<semaphore_mem>> -> memref<!tpu.dma_semaphore, #tpu.memory_space<semaphore_mem>>
      tpu.wait_indirect_dma semaphore(%dma_wait3A_451 : memref<!tpu.dma_semaphore, #tpu.memory_space<semaphore_mem>>) src(%arg6 : memref<80xf32, #tpu.memory_space<vmem>>) dst(%dma_wait3A_449 : memref<10240xf32, #tpu.memory_space<vmem_shared>>)
      %add3A_452 = arith.constant 5 : i32
      %add3A_453 = arith.addi %add3A_256, %add3A_452 : i32
      %add3A_454 = arith.constant 2 : i32
      %add3A_455 = arith.addi %add3A_453, %add3A_454 : i32
      %mul3A_456 = arith.constant 80 : i32
      %mul3A_457 = arith.muli %add3A_455, %mul3A_456 : i32
      %add3A_458 = arith.addi %mul3A_2, %mul3A_457 : i32
      %dma_start3A_459 = arith.constant 2 : i32
      %dma_start3A_460 = arith.constant 2 : i32
      %dma_start3A_461 = arith.constant 0 : i32
      %dma_start3A_462 = tpu.memref_slice %arg5[%dma_start3A_459, %dma_start3A_461] : memref<5x80xi32, #tpu.memory_space<vmem>> -> memref<1x80xi32, #tpu.memory_space<vmem>>
      %dma_start3A_463 = tpu.memref_squeeze %dma_start3A_462 : memref<1x80xi32, #tpu.memory_space<vmem>> -> memref<80xi32, #tpu.memory_space<vmem>>
      %dma_start3A_464 = tpu.memref_slice %arg2[%add3A_458] : memref<320000xi32, #tpu.memory_space<hbm>> -> memref<80xi32, #tpu.memory_space<hbm>>
      %dma_start3A_465 = tpu.memref_slice %arg8[%dma_start3A_460] : memref<5x!tpu.dma_semaphore, #tpu.memory_space<semaphore_mem>> -> memref<1x!tpu.dma_semaphore, #tpu.memory_space<semaphore_mem>>
      %dma_start3A_466 = tpu.memref_squeeze %dma_start3A_465 : memref<1x!tpu.dma_semaphore, #tpu.memory_space<semaphore_mem>> -> memref<!tpu.dma_semaphore, #tpu.memory_space<semaphore_mem>>
      %dma_start3A_467 = arith.constant 0 : i32
      %dma_start3A_468 = tpu.memref_slice %arg5[%dma_start3A_459, %dma_start3A_467] : memref<5x80xi32, #tpu.memory_space<vmem>> -> memref<1x80xi32, #tpu.memory_space<vmem>>
      %dma_start3A_469 = tpu.memref_squeeze %dma_start3A_468 : memref<1x80xi32, #tpu.memory_space<vmem>> -> memref<80xi32, #tpu.memory_space<vmem>>
      %dma_start3A_470 = tpu.memref_slice %arg2[%add3A_458] : memref<320000xi32, #tpu.memory_space<hbm>> -> memref<80xi32, #tpu.memory_space<hbm>>
      tpu.enqueue_dma source(%dma_start3A_470 : memref<80xi32, #tpu.memory_space<hbm>>) target(%dma_start3A_469 : memref<80xi32, #tpu.memory_space<vmem>>) target_semaphore(%dma_start3A_466 : memref<!tpu.dma_semaphore, #tpu.memory_space<semaphore_mem>>)
      %dma_wait3A_471 = arith.constant 3 : i32
      %dma_wait3A_472 = arith.constant 3 : i32
      %dma_wait3A_473 = arith.constant 0 : i32
      %dma_wait3A_474 = tpu.memref_slice %arg5[%dma_wait3A_471, %dma_wait3A_473] : memref<5x80xi32, #tpu.memory_space<vmem>> -> memref<1x80xi32, #tpu.memory_space<vmem>>
      %dma_wait3A_475 = tpu.memref_squeeze %dma_wait3A_474 : memref<1x80xi32, #tpu.memory_space<vmem>> -> memref<80xi32, #tpu.memory_space<vmem>>
      %dma_wait3A_476 = arith.constant 0 : i32
      %dma_wait3A_477 = tpu.memref_slice %arg7[%dma_wait3A_476] : memref<10240xf32, #tpu.memory_space<vmem_shared>> -> memref<10240xf32, #tpu.memory_space<vmem_shared>>
      %dma_wait3A_478 = tpu.memref_slice %arg9[%dma_wait3A_472] : memref<5x!tpu.dma_semaphore, #tpu.memory_space<semaphore_mem>> -> memref<1x!tpu.dma_semaphore, #tpu.memory_space<semaphore_mem>>
      %dma_wait3A_479 = tpu.memref_squeeze %dma_wait3A_478 : memref<1x!tpu.dma_semaphore, #tpu.memory_space<semaphore_mem>> -> memref<!tpu.dma_semaphore, #tpu.memory_space<semaphore_mem>>
      tpu.wait_indirect_dma semaphore(%dma_wait3A_479 : memref<!tpu.dma_semaphore, #tpu.memory_space<semaphore_mem>>) src(%arg6 : memref<80xf32, #tpu.memory_space<vmem>>) dst(%dma_wait3A_477 : memref<10240xf32, #tpu.memory_space<vmem_shared>>)
      %add3A_480 = arith.constant 5 : i32
      %add3A_481 = arith.addi %add3A_256, %add3A_480 : i32
      %add3A_482 = arith.constant 3 : i32
      %add3A_483 = arith.addi %add3A_481, %add3A_482 : i32
      %mul3A_484 = arith.constant 80 : i32
      %mul3A_485 = arith.muli %add3A_483, %mul3A_484 : i32
      %add3A_486 = arith.addi %mul3A_2, %mul3A_485 : i32
      %dma_start3A_487 = arith.constant 3 : i32
      %dma_start3A_488 = arith.constant 3 : i32
      %dma_start3A_489 = arith.constant 0 : i32
      %dma_start3A_490 = tpu.memref_slice %arg5[%dma_start3A_487, %dma_start3A_489] : memref<5x80xi32, #tpu.memory_space<vmem>> -> memref<1x80xi32, #tpu.memory_space<vmem>>
      %dma_start3A_491 = tpu.memref_squeeze %dma_start3A_490 : memref<1x80xi32, #tpu.memory_space<vmem>> -> memref<80xi32, #tpu.memory_space<vmem>>
      %dma_start3A_492 = tpu.memref_slice %arg2[%add3A_486] : memref<320000xi32, #tpu.memory_space<hbm>> -> memref<80xi32, #tpu.memory_space<hbm>>
      %dma_start3A_493 = tpu.memref_slice %arg8[%dma_start3A_488] : memref<5x!tpu.dma_semaphore, #tpu.memory_space<semaphore_mem>> -> memref<1x!tpu.dma_semaphore, #tpu.memory_space<semaphore_mem>>
      %dma_start3A_494 = tpu.memref_squeeze %dma_start3A_493 : memref<1x!tpu.dma_semaphore, #tpu.memory_space<semaphore_mem>> -> memref<!tpu.dma_semaphore, #tpu.memory_space<semaphore_mem>>
      %dma_start3A_495 = arith.constant 0 : i32
      %dma_start3A_496 = tpu.memref_slice %arg5[%dma_start3A_487, %dma_start3A_495] : memref<5x80xi32, #tpu.memory_space<vmem>> -> memref<1x80xi32, #tpu.memory_space<vmem>>
      %dma_start3A_497 = tpu.memref_squeeze %dma_start3A_496 : memref<1x80xi32, #tpu.memory_space<vmem>> -> memref<80xi32, #tpu.memory_space<vmem>>
      %dma_start3A_498 = tpu.memref_slice %arg2[%add3A_486] : memref<320000xi32, #tpu.memory_space<hbm>> -> memref<80xi32, #tpu.memory_space<hbm>>
      tpu.enqueue_dma source(%dma_start3A_498 : memref<80xi32, #tpu.memory_space<hbm>>) target(%dma_start3A_497 : memref<80xi32, #tpu.memory_space<vmem>>) target_semaphore(%dma_start3A_494 : memref<!tpu.dma_semaphore, #tpu.memory_space<semaphore_mem>>)
      %dma_wait3A_499 = arith.constant 4 : i32
      %dma_wait3A_500 = arith.constant 4 : i32
      %dma_wait3A_501 = arith.constant 0 : i32
      %dma_wait3A_502 = tpu.memref_slice %arg5[%dma_wait3A_499, %dma_wait3A_501] : memref<5x80xi32, #tpu.memory_space<vmem>> -> memref<1x80xi32, #tpu.memory_space<vmem>>
      %dma_wait3A_503 = tpu.memref_squeeze %dma_wait3A_502 : memref<1x80xi32, #tpu.memory_space<vmem>> -> memref<80xi32, #tpu.memory_space<vmem>>
      %dma_wait3A_504 = arith.constant 0 : i32
      %dma_wait3A_505 = tpu.memref_slice %arg7[%dma_wait3A_504] : memref<10240xf32, #tpu.memory_space<vmem_shared>> -> memref<10240xf32, #tpu.memory_space<vmem_shared>>
      %dma_wait3A_506 = tpu.memref_slice %arg9[%dma_wait3A_500] : memref<5x!tpu.dma_semaphore, #tpu.memory_space<semaphore_mem>> -> memref<1x!tpu.dma_semaphore, #tpu.memory_space<semaphore_mem>>
      %dma_wait3A_507 = tpu.memref_squeeze %dma_wait3A_506 : memref<1x!tpu.dma_semaphore, #tpu.memory_space<semaphore_mem>> -> memref<!tpu.dma_semaphore, #tpu.memory_space<semaphore_mem>>
      tpu.wait_indirect_dma semaphore(%dma_wait3A_507 : memref<!tpu.dma_semaphore, #tpu.memory_space<semaphore_mem>>) src(%arg6 : memref<80xf32, #tpu.memory_space<vmem>>) dst(%dma_wait3A_505 : memref<10240xf32, #tpu.memory_space<vmem_shared>>)
      %add3A_508 = arith.constant 5 : i32
      %add3A_509 = arith.addi %add3A_256, %add3A_508 : i32
      %add3A_510 = arith.constant 4 : i32
      %add3A_511 = arith.addi %add3A_509, %add3A_510 : i32
      %mul3A_512 = arith.constant 80 : i32
      %mul3A_513 = arith.muli %add3A_511, %mul3A_512 : i32
      %add3A_514 = arith.addi %mul3A_2, %mul3A_513 : i32
      %dma_start3A_515 = arith.constant 4 : i32
      %dma_start3A_516 = arith.constant 4 : i32
      %dma_start3A_517 = arith.constant 0 : i32
      %dma_start3A_518 = tpu.memref_slice %arg5[%dma_start3A_515, %dma_start3A_517] : memref<5x80xi32, #tpu.memory_space<vmem>> -> memref<1x80xi32, #tpu.memory_space<vmem>>
      %dma_start3A_519 = tpu.memref_squeeze %dma_start3A_518 : memref<1x80xi32, #tpu.memory_space<vmem>> -> memref<80xi32, #tpu.memory_space<vmem>>
      %dma_start3A_520 = tpu.memref_slice %arg2[%add3A_514] : memref<320000xi32, #tpu.memory_space<hbm>> -> memref<80xi32, #tpu.memory_space<hbm>>
      %dma_start3A_521 = tpu.memref_slice %arg8[%dma_start3A_516] : memref<5x!tpu.dma_semaphore, #tpu.memory_space<semaphore_mem>> -> memref<1x!tpu.dma_semaphore, #tpu.memory_space<semaphore_mem>>
      %dma_start3A_522 = tpu.memref_squeeze %dma_start3A_521 : memref<1x!tpu.dma_semaphore, #tpu.memory_space<semaphore_mem>> -> memref<!tpu.dma_semaphore, #tpu.memory_space<semaphore_mem>>
      %dma_start3A_523 = arith.constant 0 : i32
      %dma_start3A_524 = tpu.memref_slice %arg5[%dma_start3A_515, %dma_start3A_523] : memref<5x80xi32, #tpu.memory_space<vmem>> -> memref<1x80xi32, #tpu.memory_space<vmem>>
      %dma_start3A_525 = tpu.memref_squeeze %dma_start3A_524 : memref<1x80xi32, #tpu.memory_space<vmem>> -> memref<80xi32, #tpu.memory_space<vmem>>
      %dma_start3A_526 = tpu.memref_slice %arg2[%add3A_514] : memref<320000xi32, #tpu.memory_space<hbm>> -> memref<80xi32, #tpu.memory_space<hbm>>
      tpu.enqueue_dma source(%dma_start3A_526 : memref<80xi32, #tpu.memory_space<hbm>>) target(%dma_start3A_525 : memref<80xi32, #tpu.memory_space<vmem>>) target_semaphore(%dma_start3A_522 : memref<!tpu.dma_semaphore, #tpu.memory_space<semaphore_mem>>)
    }
    %scan3A_84 = arith.constant 24 : i32
    %add3A_85 = arith.constant 9600 : i32
    %add3A_86 = arith.addi %mul3A_2, %add3A_85 : i32
    %dma_wait3A = arith.constant 0 : i32
    %dma_wait3A_87 = arith.constant 0 : i32
    %dma_wait3A_88 = arith.constant 0 : i32
    %dma_wait3A_89 = tpu.memref_slice %arg5[%dma_wait3A, %dma_wait3A_88] : memref<5x80xi32, #tpu.memory_space<vmem>> -> memref<1x80xi32, #tpu.memory_space<vmem>>
    %dma_wait3A_90 = tpu.memref_squeeze %dma_wait3A_89 : memref<1x80xi32, #tpu.memory_space<vmem>> -> memref<80xi32, #tpu.memory_space<vmem>>
    %dma_wait3A_91 = tpu.memref_slice %arg2[%add3A_86] : memref<320000xi32, #tpu.memory_space<hbm>> -> memref<80xi32, #tpu.memory_space<hbm>>
    %dma_wait3A_92 = tpu.memref_slice %arg8[%dma_wait3A_87] : memref<5x!tpu.dma_semaphore, #tpu.memory_space<semaphore_mem>> -> memref<1x!tpu.dma_semaphore, #tpu.memory_space<semaphore_mem>>
    %dma_wait3A_93 = tpu.memref_squeeze %dma_wait3A_92 : memref<1x!tpu.dma_semaphore, #tpu.memory_space<semaphore_mem>> -> memref<!tpu.dma_semaphore, #tpu.memory_space<semaphore_mem>>
    %dma_wait3A_94 = arith.constant 0 : i32
    %dma_wait3A_95 = tpu.memref_slice %arg5[%dma_wait3A, %dma_wait3A_94] : memref<5x80xi32, #tpu.memory_space<vmem>> -> memref<1x80xi32, #tpu.memory_space<vmem>>
    %dma_wait3A_96 = tpu.memref_squeeze %dma_wait3A_95 : memref<1x80xi32, #tpu.memory_space<vmem>> -> memref<80xi32, #tpu.memory_space<vmem>>
    %dma_wait3A_97 = tpu.memref_slice %arg2[%add3A_86] : memref<320000xi32, #tpu.memory_space<hbm>> -> memref<80xi32, #tpu.memory_space<hbm>>
    tpu.wait_dma2 semaphore(%dma_wait3A_93 : memref<!tpu.dma_semaphore, #tpu.memory_space<semaphore_mem>>) src(%dma_wait3A_97 : memref<80xi32, #tpu.memory_space<hbm>>) dst(%dma_wait3A_96 : memref<80xi32, #tpu.memory_space<vmem>>)
    %dma_start3A_98 = arith.constant 0 : i32
    %dma_start3A_99 = arith.constant 0 : i32
    %dma_start3A_100 = arith.constant 0 : i32
    %dma_start3A_101 = tpu.memref_slice %arg5[%dma_start3A_98, %dma_start3A_100] : memref<5x80xi32, #tpu.memory_space<vmem>> -> memref<1x80xi32, #tpu.memory_space<vmem>>
    %dma_start3A_102 = tpu.memref_squeeze %dma_start3A_101 : memref<1x80xi32, #tpu.memory_space<vmem>> -> memref<80xi32, #tpu.memory_space<vmem>>
    %dma_start3A_103 = arith.constant 0 : i32
    %dma_start3A_104 = tpu.memref_slice %arg7[%dma_start3A_103] : memref<10240xf32, #tpu.memory_space<vmem_shared>> -> memref<10240xf32, #tpu.memory_space<vmem_shared>>
    %dma_start3A_105 = tpu.memref_slice %arg9[%dma_start3A_99] : memref<5x!tpu.dma_semaphore, #tpu.memory_space<semaphore_mem>> -> memref<1x!tpu.dma_semaphore, #tpu.memory_space<semaphore_mem>>
    %dma_start3A_106 = tpu.memref_squeeze %dma_start3A_105 : memref<1x!tpu.dma_semaphore, #tpu.memory_space<semaphore_mem>> -> memref<!tpu.dma_semaphore, #tpu.memory_space<semaphore_mem>>
    tpu.enqueue_indirect_dma source(%arg6 : memref<80xf32, #tpu.memory_space<vmem>>) target(%dma_start3A_104 : memref<10240xf32, #tpu.memory_space<vmem_shared>>) offsets(%dma_start3A_102 : memref<80xi32, #tpu.memory_space<vmem>>) semaphore(%dma_start3A_106 : memref<!tpu.dma_semaphore, #tpu.memory_space<semaphore_mem>>) {add = true}
    %add3A_107 = arith.constant 9680 : i32
    %add3A_108 = arith.addi %mul3A_2, %add3A_107 : i32
    %dma_wait3A_109 = arith.constant 1 : i32
    %dma_wait3A_110 = arith.constant 1 : i32
    %dma_wait3A_111 = arith.constant 0 : i32
    %dma_wait3A_112 = tpu.memref_slice %arg5[%dma_wait3A_109, %dma_wait3A_111] : memref<5x80xi32, #tpu.memory_space<vmem>> -> memref<1x80xi32, #tpu.memory_space<vmem>>
    %dma_wait3A_113 = tpu.memref_squeeze %dma_wait3A_112 : memref<1x80xi32, #tpu.memory_space<vmem>> -> memref<80xi32, #tpu.memory_space<vmem>>
    %dma_wait3A_114 = tpu.memref_slice %arg2[%add3A_108] : memref<320000xi32, #tpu.memory_space<hbm>> -> memref<80xi32, #tpu.memory_space<hbm>>
    %dma_wait3A_115 = tpu.memref_slice %arg8[%dma_wait3A_110] : memref<5x!tpu.dma_semaphore, #tpu.memory_space<semaphore_mem>> -> memref<1x!tpu.dma_semaphore, #tpu.memory_space<semaphore_mem>>
    %dma_wait3A_116 = tpu.memref_squeeze %dma_wait3A_115 : memref<1x!tpu.dma_semaphore, #tpu.memory_space<semaphore_mem>> -> memref<!tpu.dma_semaphore, #tpu.memory_space<semaphore_mem>>
    %dma_wait3A_117 = arith.constant 0 : i32
    %dma_wait3A_118 = tpu.memref_slice %arg5[%dma_wait3A_109, %dma_wait3A_117] : memref<5x80xi32, #tpu.memory_space<vmem>> -> memref<1x80xi32, #tpu.memory_space<vmem>>
    %dma_wait3A_119 = tpu.memref_squeeze %dma_wait3A_118 : memref<1x80xi32, #tpu.memory_space<vmem>> -> memref<80xi32, #tpu.memory_space<vmem>>
    %dma_wait3A_120 = tpu.memref_slice %arg2[%add3A_108] : memref<320000xi32, #tpu.memory_space<hbm>> -> memref<80xi32, #tpu.memory_space<hbm>>
    tpu.wait_dma2 semaphore(%dma_wait3A_116 : memref<!tpu.dma_semaphore, #tpu.memory_space<semaphore_mem>>) src(%dma_wait3A_120 : memref<80xi32, #tpu.memory_space<hbm>>) dst(%dma_wait3A_119 : memref<80xi32, #tpu.memory_space<vmem>>)
    %dma_start3A_121 = arith.constant 1 : i32
    %dma_start3A_122 = arith.constant 1 : i32
    %dma_start3A_123 = arith.constant 0 : i32
    %dma_start3A_124 = tpu.memref_slice %arg5[%dma_start3A_121, %dma_start3A_123] : memref<5x80xi32, #tpu.memory_space<vmem>> -> memref<1x80xi32, #tpu.memory_space<vmem>>
    %dma_start3A_125 = tpu.memref_squeeze %dma_start3A_124 : memref<1x80xi32, #tpu.memory_space<vmem>> -> memref<80xi32, #tpu.memory_space<vmem>>
    %dma_start3A_126 = arith.constant 0 : i32
    %dma_start3A_127 = tpu.memref_slice %arg7[%dma_start3A_126] : memref<10240xf32, #tpu.memory_space<vmem_shared>> -> memref<10240xf32, #tpu.memory_space<vmem_shared>>
    %dma_start3A_128 = tpu.memref_slice %arg9[%dma_start3A_122] : memref<5x!tpu.dma_semaphore, #tpu.memory_space<semaphore_mem>> -> memref<1x!tpu.dma_semaphore, #tpu.memory_space<semaphore_mem>>
    %dma_start3A_129 = tpu.memref_squeeze %dma_start3A_128 : memref<1x!tpu.dma_semaphore, #tpu.memory_space<semaphore_mem>> -> memref<!tpu.dma_semaphore, #tpu.memory_space<semaphore_mem>>
    tpu.enqueue_indirect_dma source(%arg6 : memref<80xf32, #tpu.memory_space<vmem>>) target(%dma_start3A_127 : memref<10240xf32, #tpu.memory_space<vmem_shared>>) offsets(%dma_start3A_125 : memref<80xi32, #tpu.memory_space<vmem>>) semaphore(%dma_start3A_129 : memref<!tpu.dma_semaphore, #tpu.memory_space<semaphore_mem>>) {add = true}
    %add3A_130 = arith.constant 9760 : i32
    %add3A_131 = arith.addi %mul3A_2, %add3A_130 : i32
    %dma_wait3A_132 = arith.constant 2 : i32
    %dma_wait3A_133 = arith.constant 2 : i32
    %dma_wait3A_134 = arith.constant 0 : i32
    %dma_wait3A_135 = tpu.memref_slice %arg5[%dma_wait3A_132, %dma_wait3A_134] : memref<5x80xi32, #tpu.memory_space<vmem>> -> memref<1x80xi32, #tpu.memory_space<vmem>>
    %dma_wait3A_136 = tpu.memref_squeeze %dma_wait3A_135 : memref<1x80xi32, #tpu.memory_space<vmem>> -> memref<80xi32, #tpu.memory_space<vmem>>
    %dma_wait3A_137 = tpu.memref_slice %arg2[%add3A_131] : memref<320000xi32, #tpu.memory_space<hbm>> -> memref<80xi32, #tpu.memory_space<hbm>>
    %dma_wait3A_138 = tpu.memref_slice %arg8[%dma_wait3A_133] : memref<5x!tpu.dma_semaphore, #tpu.memory_space<semaphore_mem>> -> memref<1x!tpu.dma_semaphore, #tpu.memory_space<semaphore_mem>>
    %dma_wait3A_139 = tpu.memref_squeeze %dma_wait3A_138 : memref<1x!tpu.dma_semaphore, #tpu.memory_space<semaphore_mem>> -> memref<!tpu.dma_semaphore, #tpu.memory_space<semaphore_mem>>
    %dma_wait3A_140 = arith.constant 0 : i32
    %dma_wait3A_141 = tpu.memref_slice %arg5[%dma_wait3A_132, %dma_wait3A_140] : memref<5x80xi32, #tpu.memory_space<vmem>> -> memref<1x80xi32, #tpu.memory_space<vmem>>
    %dma_wait3A_142 = tpu.memref_squeeze %dma_wait3A_141 : memref<1x80xi32, #tpu.memory_space<vmem>> -> memref<80xi32, #tpu.memory_space<vmem>>
    %dma_wait3A_143 = tpu.memref_slice %arg2[%add3A_131] : memref<320000xi32, #tpu.memory_space<hbm>> -> memref<80xi32, #tpu.memory_space<hbm>>
    tpu.wait_dma2 semaphore(%dma_wait3A_139 : memref<!tpu.dma_semaphore, #tpu.memory_space<semaphore_mem>>) src(%dma_wait3A_143 : memref<80xi32, #tpu.memory_space<hbm>>) dst(%dma_wait3A_142 : memref<80xi32, #tpu.memory_space<vmem>>)
    %dma_start3A_144 = arith.constant 2 : i32
    %dma_start3A_145 = arith.constant 2 : i32
    %dma_start3A_146 = arith.constant 0 : i32
    %dma_start3A_147 = tpu.memref_slice %arg5[%dma_start3A_144, %dma_start3A_146] : memref<5x80xi32, #tpu.memory_space<vmem>> -> memref<1x80xi32, #tpu.memory_space<vmem>>
    %dma_start3A_148 = tpu.memref_squeeze %dma_start3A_147 : memref<1x80xi32, #tpu.memory_space<vmem>> -> memref<80xi32, #tpu.memory_space<vmem>>
    %dma_start3A_149 = arith.constant 0 : i32
    %dma_start3A_150 = tpu.memref_slice %arg7[%dma_start3A_149] : memref<10240xf32, #tpu.memory_space<vmem_shared>> -> memref<10240xf32, #tpu.memory_space<vmem_shared>>
    %dma_start3A_151 = tpu.memref_slice %arg9[%dma_start3A_145] : memref<5x!tpu.dma_semaphore, #tpu.memory_space<semaphore_mem>> -> memref<1x!tpu.dma_semaphore, #tpu.memory_space<semaphore_mem>>
    %dma_start3A_152 = tpu.memref_squeeze %dma_start3A_151 : memref<1x!tpu.dma_semaphore, #tpu.memory_space<semaphore_mem>> -> memref<!tpu.dma_semaphore, #tpu.memory_space<semaphore_mem>>
    tpu.enqueue_indirect_dma source(%arg6 : memref<80xf32, #tpu.memory_space<vmem>>) target(%dma_start3A_150 : memref<10240xf32, #tpu.memory_space<vmem_shared>>) offsets(%dma_start3A_148 : memref<80xi32, #tpu.memory_space<vmem>>) semaphore(%dma_start3A_152 : memref<!tpu.dma_semaphore, #tpu.memory_space<semaphore_mem>>) {add = true}
    %add3A_153 = arith.constant 9840 : i32
    %add3A_154 = arith.addi %mul3A_2, %add3A_153 : i32
    %dma_wait3A_155 = arith.constant 3 : i32
    %dma_wait3A_156 = arith.constant 3 : i32
    %dma_wait3A_157 = arith.constant 0 : i32
    %dma_wait3A_158 = tpu.memref_slice %arg5[%dma_wait3A_155, %dma_wait3A_157] : memref<5x80xi32, #tpu.memory_space<vmem>> -> memref<1x80xi32, #tpu.memory_space<vmem>>
    %dma_wait3A_159 = tpu.memref_squeeze %dma_wait3A_158 : memref<1x80xi32, #tpu.memory_space<vmem>> -> memref<80xi32, #tpu.memory_space<vmem>>
    %dma_wait3A_160 = tpu.memref_slice %arg2[%add3A_154] : memref<320000xi32, #tpu.memory_space<hbm>> -> memref<80xi32, #tpu.memory_space<hbm>>
    %dma_wait3A_161 = tpu.memref_slice %arg8[%dma_wait3A_156] : memref<5x!tpu.dma_semaphore, #tpu.memory_space<semaphore_mem>> -> memref<1x!tpu.dma_semaphore, #tpu.memory_space<semaphore_mem>>
    %dma_wait3A_162 = tpu.memref_squeeze %dma_wait3A_161 : memref<1x!tpu.dma_semaphore, #tpu.memory_space<semaphore_mem>> -> memref<!tpu.dma_semaphore, #tpu.memory_space<semaphore_mem>>
    %dma_wait3A_163 = arith.constant 0 : i32
    %dma_wait3A_164 = tpu.memref_slice %arg5[%dma_wait3A_155, %dma_wait3A_163] : memref<5x80xi32, #tpu.memory_space<vmem>> -> memref<1x80xi32, #tpu.memory_space<vmem>>
    %dma_wait3A_165 = tpu.memref_squeeze %dma_wait3A_164 : memref<1x80xi32, #tpu.memory_space<vmem>> -> memref<80xi32, #tpu.memory_space<vmem>>
    %dma_wait3A_166 = tpu.memref_slice %arg2[%add3A_154] : memref<320000xi32, #tpu.memory_space<hbm>> -> memref<80xi32, #tpu.memory_space<hbm>>
    tpu.wait_dma2 semaphore(%dma_wait3A_162 : memref<!tpu.dma_semaphore, #tpu.memory_space<semaphore_mem>>) src(%dma_wait3A_166 : memref<80xi32, #tpu.memory_space<hbm>>) dst(%dma_wait3A_165 : memref<80xi32, #tpu.memory_space<vmem>>)
    %dma_start3A_167 = arith.constant 3 : i32
    %dma_start3A_168 = arith.constant 3 : i32
    %dma_start3A_169 = arith.constant 0 : i32
    %dma_start3A_170 = tpu.memref_slice %arg5[%dma_start3A_167, %dma_start3A_169] : memref<5x80xi32, #tpu.memory_space<vmem>> -> memref<1x80xi32, #tpu.memory_space<vmem>>
    %dma_start3A_171 = tpu.memref_squeeze %dma_start3A_170 : memref<1x80xi32, #tpu.memory_space<vmem>> -> memref<80xi32, #tpu.memory_space<vmem>>
    %dma_start3A_172 = arith.constant 0 : i32
    %dma_start3A_173 = tpu.memref_slice %arg7[%dma_start3A_172] : memref<10240xf32, #tpu.memory_space<vmem_shared>> -> memref<10240xf32, #tpu.memory_space<vmem_shared>>
    %dma_start3A_174 = tpu.memref_slice %arg9[%dma_start3A_168] : memref<5x!tpu.dma_semaphore, #tpu.memory_space<semaphore_mem>> -> memref<1x!tpu.dma_semaphore, #tpu.memory_space<semaphore_mem>>
    %dma_start3A_175 = tpu.memref_squeeze %dma_start3A_174 : memref<1x!tpu.dma_semaphore, #tpu.memory_space<semaphore_mem>> -> memref<!tpu.dma_semaphore, #tpu.memory_space<semaphore_mem>>
    tpu.enqueue_indirect_dma source(%arg6 : memref<80xf32, #tpu.memory_space<vmem>>) target(%dma_start3A_173 : memref<10240xf32, #tpu.memory_space<vmem_shared>>) offsets(%dma_start3A_171 : memref<80xi32, #tpu.memory_space<vmem>>) semaphore(%dma_start3A_175 : memref<!tpu.dma_semaphore, #tpu.memory_space<semaphore_mem>>) {add = true}
    %add3A_176 = arith.constant 9920 : i32
    %add3A_177 = arith.addi %mul3A_2, %add3A_176 : i32
    %dma_wait3A_178 = arith.constant 4 : i32
    %dma_wait3A_179 = arith.constant 4 : i32
    %dma_wait3A_180 = arith.constant 0 : i32
    %dma_wait3A_181 = tpu.memref_slice %arg5[%dma_wait3A_178, %dma_wait3A_180] : memref<5x80xi32, #tpu.memory_space<vmem>> -> memref<1x80xi32, #tpu.memory_space<vmem>>
    %dma_wait3A_182 = tpu.memref_squeeze %dma_wait3A_181 : memref<1x80xi32, #tpu.memory_space<vmem>> -> memref<80xi32, #tpu.memory_space<vmem>>
    %dma_wait3A_183 = tpu.memref_slice %arg2[%add3A_177] : memref<320000xi32, #tpu.memory_space<hbm>> -> memref<80xi32, #tpu.memory_space<hbm>>
    %dma_wait3A_184 = tpu.memref_slice %arg8[%dma_wait3A_179] : memref<5x!tpu.dma_semaphore, #tpu.memory_space<semaphore_mem>> -> memref<1x!tpu.dma_semaphore, #tpu.memory_space<semaphore_mem>>
    %dma_wait3A_185 = tpu.memref_squeeze %dma_wait3A_184 : memref<1x!tpu.dma_semaphore, #tpu.memory_space<semaphore_mem>> -> memref<!tpu.dma_semaphore, #tpu.memory_space<semaphore_mem>>
    %dma_wait3A_186 = arith.constant 0 : i32
    %dma_wait3A_187 = tpu.memref_slice %arg5[%dma_wait3A_178, %dma_wait3A_186] : memref<5x80xi32, #tpu.memory_space<vmem>> -> memref<1x80xi32, #tpu.memory_space<vmem>>
    %dma_wait3A_188 = tpu.memref_squeeze %dma_wait3A_187 : memref<1x80xi32, #tpu.memory_space<vmem>> -> memref<80xi32, #tpu.memory_space<vmem>>
    %dma_wait3A_189 = tpu.memref_slice %arg2[%add3A_177] : memref<320000xi32, #tpu.memory_space<hbm>> -> memref<80xi32, #tpu.memory_space<hbm>>
    tpu.wait_dma2 semaphore(%dma_wait3A_185 : memref<!tpu.dma_semaphore, #tpu.memory_space<semaphore_mem>>) src(%dma_wait3A_189 : memref<80xi32, #tpu.memory_space<hbm>>) dst(%dma_wait3A_188 : memref<80xi32, #tpu.memory_space<vmem>>)
    %dma_start3A_190 = arith.constant 4 : i32
    %dma_start3A_191 = arith.constant 4 : i32
    %dma_start3A_192 = arith.constant 0 : i32
    %dma_start3A_193 = tpu.memref_slice %arg5[%dma_start3A_190, %dma_start3A_192] : memref<5x80xi32, #tpu.memory_space<vmem>> -> memref<1x80xi32, #tpu.memory_space<vmem>>
    %dma_start3A_194 = tpu.memref_squeeze %dma_start3A_193 : memref<1x80xi32, #tpu.memory_space<vmem>> -> memref<80xi32, #tpu.memory_space<vmem>>
    %dma_start3A_195 = arith.constant 0 : i32
    %dma_start3A_196 = tpu.memref_slice %arg7[%dma_start3A_195] : memref<10240xf32, #tpu.memory_space<vmem_shared>> -> memref<10240xf32, #tpu.memory_space<vmem_shared>>
    %dma_start3A_197 = tpu.memref_slice %arg9[%dma_start3A_191] : memref<5x!tpu.dma_semaphore, #tpu.memory_space<semaphore_mem>> -> memref<1x!tpu.dma_semaphore, #tpu.memory_space<semaphore_mem>>
    %dma_start3A_198 = tpu.memref_squeeze %dma_start3A_197 : memref<1x!tpu.dma_semaphore, #tpu.memory_space<semaphore_mem>> -> memref<!tpu.dma_semaphore, #tpu.memory_space<semaphore_mem>>
    tpu.enqueue_indirect_dma source(%arg6 : memref<80xf32, #tpu.memory_space<vmem>>) target(%dma_start3A_196 : memref<10240xf32, #tpu.memory_space<vmem_shared>>) offsets(%dma_start3A_194 : memref<80xi32, #tpu.memory_space<vmem>>) semaphore(%dma_start3A_198 : memref<!tpu.dma_semaphore, #tpu.memory_space<semaphore_mem>>) {add = true}
    %dma_wait3A_199 = arith.constant 0 : i32
    %dma_wait3A_200 = arith.constant 0 : i32
    %dma_wait3A_201 = arith.constant 0 : i32
    %dma_wait3A_202 = tpu.memref_slice %arg5[%dma_wait3A_199, %dma_wait3A_201] : memref<5x80xi32, #tpu.memory_space<vmem>> -> memref<1x80xi32, #tpu.memory_space<vmem>>
    %dma_wait3A_203 = tpu.memref_squeeze %dma_wait3A_202 : memref<1x80xi32, #tpu.memory_space<vmem>> -> memref<80xi32, #tpu.memory_space<vmem>>
    %dma_wait3A_204 = arith.constant 0 : i32
    %dma_wait3A_205 = tpu.memref_slice %arg7[%dma_wait3A_204] : memref<10240xf32, #tpu.memory_space<vmem_shared>> -> memref<10240xf32, #tpu.memory_space<vmem_shared>>
    %dma_wait3A_206 = tpu.memref_slice %arg9[%dma_wait3A_200] : memref<5x!tpu.dma_semaphore, #tpu.memory_space<semaphore_mem>> -> memref<1x!tpu.dma_semaphore, #tpu.memory_space<semaphore_mem>>
    %dma_wait3A_207 = tpu.memref_squeeze %dma_wait3A_206 : memref<1x!tpu.dma_semaphore, #tpu.memory_space<semaphore_mem>> -> memref<!tpu.dma_semaphore, #tpu.memory_space<semaphore_mem>>
    tpu.wait_indirect_dma semaphore(%dma_wait3A_207 : memref<!tpu.dma_semaphore, #tpu.memory_space<semaphore_mem>>) src(%arg6 : memref<80xf32, #tpu.memory_space<vmem>>) dst(%dma_wait3A_205 : memref<10240xf32, #tpu.memory_space<vmem_shared>>)
    %dma_wait3A_208 = arith.constant 1 : i32
    %dma_wait3A_209 = arith.constant 1 : i32
    %dma_wait3A_210 = arith.constant 0 : i32
    %dma_wait3A_211 = tpu.memref_slice %arg5[%dma_wait3A_208, %dma_wait3A_210] : memref<5x80xi32, #tpu.memory_space<vmem>> -> memref<1x80xi32, #tpu.memory_space<vmem>>
    %dma_wait3A_212 = tpu.memref_squeeze %dma_wait3A_211 : memref<1x80xi32, #tpu.memory_space<vmem>> -> memref<80xi32, #tpu.memory_space<vmem>>
    %dma_wait3A_213 = arith.constant 0 : i32
    %dma_wait3A_214 = tpu.memref_slice %arg7[%dma_wait3A_213] : memref<10240xf32, #tpu.memory_space<vmem_shared>> -> memref<10240xf32, #tpu.memory_space<vmem_shared>>
    %dma_wait3A_215 = tpu.memref_slice %arg9[%dma_wait3A_209] : memref<5x!tpu.dma_semaphore, #tpu.memory_space<semaphore_mem>> -> memref<1x!tpu.dma_semaphore, #tpu.memory_space<semaphore_mem>>
    %dma_wait3A_216 = tpu.memref_squeeze %dma_wait3A_215 : memref<1x!tpu.dma_semaphore, #tpu.memory_space<semaphore_mem>> -> memref<!tpu.dma_semaphore, #tpu.memory_space<semaphore_mem>>
    tpu.wait_indirect_dma semaphore(%dma_wait3A_216 : memref<!tpu.dma_semaphore, #tpu.memory_space<semaphore_mem>>) src(%arg6 : memref<80xf32, #tpu.memory_space<vmem>>) dst(%dma_wait3A_214 : memref<10240xf32, #tpu.memory_space<vmem_shared>>)
    %dma_wait3A_217 = arith.constant 2 : i32
    %dma_wait3A_218 = arith.constant 2 : i32
    %dma_wait3A_219 = arith.constant 0 : i32
    %dma_wait3A_220 = tpu.memref_slice %arg5[%dma_wait3A_217, %dma_wait3A_219] : memref<5x80xi32, #tpu.memory_space<vmem>> -> memref<1x80xi32, #tpu.memory_space<vmem>>
    %dma_wait3A_221 = tpu.memref_squeeze %dma_wait3A_220 : memref<1x80xi32, #tpu.memory_space<vmem>> -> memref<80xi32, #tpu.memory_space<vmem>>
    %dma_wait3A_222 = arith.constant 0 : i32
    %dma_wait3A_223 = tpu.memref_slice %arg7[%dma_wait3A_222] : memref<10240xf32, #tpu.memory_space<vmem_shared>> -> memref<10240xf32, #tpu.memory_space<vmem_shared>>
    %dma_wait3A_224 = tpu.memref_slice %arg9[%dma_wait3A_218] : memref<5x!tpu.dma_semaphore, #tpu.memory_space<semaphore_mem>> -> memref<1x!tpu.dma_semaphore, #tpu.memory_space<semaphore_mem>>
    %dma_wait3A_225 = tpu.memref_squeeze %dma_wait3A_224 : memref<1x!tpu.dma_semaphore, #tpu.memory_space<semaphore_mem>> -> memref<!tpu.dma_semaphore, #tpu.memory_space<semaphore_mem>>
    tpu.wait_indirect_dma semaphore(%dma_wait3A_225 : memref<!tpu.dma_semaphore, #tpu.memory_space<semaphore_mem>>) src(%arg6 : memref<80xf32, #tpu.memory_space<vmem>>) dst(%dma_wait3A_223 : memref<10240xf32, #tpu.memory_space<vmem_shared>>)
    %dma_wait3A_226 = arith.constant 3 : i32
    %dma_wait3A_227 = arith.constant 3 : i32
    %dma_wait3A_228 = arith.constant 0 : i32
    %dma_wait3A_229 = tpu.memref_slice %arg5[%dma_wait3A_226, %dma_wait3A_228] : memref<5x80xi32, #tpu.memory_space<vmem>> -> memref<1x80xi32, #tpu.memory_space<vmem>>
    %dma_wait3A_230 = tpu.memref_squeeze %dma_wait3A_229 : memref<1x80xi32, #tpu.memory_space<vmem>> -> memref<80xi32, #tpu.memory_space<vmem>>
    %dma_wait3A_231 = arith.constant 0 : i32
    %dma_wait3A_232 = tpu.memref_slice %arg7[%dma_wait3A_231] : memref<10240xf32, #tpu.memory_space<vmem_shared>> -> memref<10240xf32, #tpu.memory_space<vmem_shared>>
    %dma_wait3A_233 = tpu.memref_slice %arg9[%dma_wait3A_227] : memref<5x!tpu.dma_semaphore, #tpu.memory_space<semaphore_mem>> -> memref<1x!tpu.dma_semaphore, #tpu.memory_space<semaphore_mem>>
    %dma_wait3A_234 = tpu.memref_squeeze %dma_wait3A_233 : memref<1x!tpu.dma_semaphore, #tpu.memory_space<semaphore_mem>> -> memref<!tpu.dma_semaphore, #tpu.memory_space<semaphore_mem>>
    tpu.wait_indirect_dma semaphore(%dma_wait3A_234 : memref<!tpu.dma_semaphore, #tpu.memory_space<semaphore_mem>>) src(%arg6 : memref<80xf32, #tpu.memory_space<vmem>>) dst(%dma_wait3A_232 : memref<10240xf32, #tpu.memory_space<vmem_shared>>)
    %dma_wait3A_235 = arith.constant 4 : i32
    %dma_wait3A_236 = arith.constant 4 : i32
    %dma_wait3A_237 = arith.constant 0 : i32
    %dma_wait3A_238 = tpu.memref_slice %arg5[%dma_wait3A_235, %dma_wait3A_237] : memref<5x80xi32, #tpu.memory_space<vmem>> -> memref<1x80xi32, #tpu.memory_space<vmem>>
    %dma_wait3A_239 = tpu.memref_squeeze %dma_wait3A_238 : memref<1x80xi32, #tpu.memory_space<vmem>> -> memref<80xi32, #tpu.memory_space<vmem>>
    %dma_wait3A_240 = arith.constant 0 : i32
    %dma_wait3A_241 = tpu.memref_slice %arg7[%dma_wait3A_240] : memref<10240xf32, #tpu.memory_space<vmem_shared>> -> memref<10240xf32, #tpu.memory_space<vmem_shared>>
    %dma_wait3A_242 = tpu.memref_slice %arg9[%dma_wait3A_236] : memref<5x!tpu.dma_semaphore, #tpu.memory_space<semaphore_mem>> -> memref<1x!tpu.dma_semaphore, #tpu.memory_space<semaphore_mem>>
    %dma_wait3A_243 = tpu.memref_squeeze %dma_wait3A_242 : memref<1x!tpu.dma_semaphore, #tpu.memory_space<semaphore_mem>> -> memref<!tpu.dma_semaphore, #tpu.memory_space<semaphore_mem>>
    tpu.wait_indirect_dma semaphore(%dma_wait3A_243 : memref<!tpu.dma_semaphore, #tpu.memory_space<semaphore_mem>>) src(%arg6 : memref<80xf32, #tpu.memory_space<vmem>>) dst(%dma_wait3A_241 : memref<10240xf32, #tpu.memory_space<vmem_shared>>)
    %barrier3A_244 = arith.constant 0 : index
    tpu.barrier barrier_id(%barrier3A_244)
    %mul3A_245 = arith.constant 640 : i32
    %mul3A_246 = arith.muli %arg1, %mul3A_245 : i32
    %mul3A_247 = arith.constant 10240 : i32
    %mul3A_248 = arith.muli %arg0, %mul3A_247 : i32
    %mul3A_249 = arith.constant 640 : i32
    %mul3A_250 = arith.muli %arg1, %mul3A_249 : i32
    %add3A_251 = arith.addi %mul3A_248, %mul3A_250 : i32
    "tpu.region"() ({
      %run_scoped3A = tpu.sem_alloc : memref<!tpu.dma_semaphore, #tpu.memory_space<semaphore_mem>>
      %dma_start3A_252 = tpu.memref_slice %arg4[%add3A_251] : memref<20480xf32, #tpu.memory_space<hbm>> -> memref<640xf32, #tpu.memory_space<hbm>>
      %dma_start3A_253 = tpu.memref_slice %arg7[%mul3A_246] : memref<10240xf32, #tpu.memory_space<vmem_shared>> -> memref<640xf32, #tpu.memory_space<vmem_shared>>
      tpu.enqueue_dma source(%dma_start3A_253 : memref<640xf32, #tpu.memory_space<vmem_shared>>) target(%dma_start3A_252 : memref<640xf32, #tpu.memory_space<hbm>>) target_semaphore(%run_scoped3A : memref<!tpu.dma_semaphore, #tpu.memory_space<semaphore_mem>>)
      %dma_wait3A_254 = tpu.memref_slice %arg4[%add3A_251] : memref<20480xf32, #tpu.memory_space<hbm>> -> memref<640xf32, #tpu.memory_space<hbm>>
      %dma_wait3A_255 = tpu.memref_slice %arg7[%mul3A_246] : memref<10240xf32, #tpu.memory_space<vmem_shared>> -> memref<640xf32, #tpu.memory_space<vmem_shared>>
      tpu.wait_dma2 semaphore(%run_scoped3A : memref<!tpu.dma_semaphore, #tpu.memory_space<semaphore_mem>>) src(%dma_wait3A_255 : memref<640xf32, #tpu.memory_space<vmem_shared>>) dst(%dma_wait3A_254 : memref<640xf32, #tpu.memory_space<hbm>>)
      tpu.yield
    }) : () -> ()
    return
  }
}

#map = affine_map<(d0, d1) -> (0, 0)>
#map1 = affine_map<(d0, d1) -> (0)>
module attributes {stable_mosaic.version = 14 : i64} {
  func.func @_sc_scatter(%arg0: i32, %arg1: i32, %arg2: memref<10000x64xf32, #tpu.memory_space<hbm>>, %arg3: memref<320000xi32, #tpu.memory_space<hbm>>, %arg4: memref<320000xi32, #tpu.memory_space<hbm>>, %arg5: memref<10240x64xf32, #tpu.memory_space<hbm>>, %arg6: memref<20480x64xf32, #tpu.memory_space<hbm>>, %arg7: memref<10000xi32, #tpu.memory_space<vmem>>, %arg8: memref<5x80xi32, #tpu.memory_space<vmem>>, %arg9: memref<5x80x64xf32, #tpu.memory_space<vmem>>, %arg10: memref<10240x64xf32, #tpu.memory_space<vmem_shared>>, %arg11: memref<5x!tpu.dma_semaphore, #tpu.memory_space<semaphore_mem>>, %arg12: memref<5x!tpu.dma_semaphore, #tpu.memory_space<semaphore_mem>>, %arg13: memref<5x!tpu.dma_semaphore, #tpu.memory_space<semaphore_mem>>) attributes {dimension_semantics = [#tpu.dimension_semantics<core_parallel>, #tpu.dimension_semantics<subcore_parallel>], iteration_bounds = array<i64: 2, 16>, scalar_prefetch = 0 : i64, scratch_operands = 7 : i64, tpu.core_type = #tpu.core_type<sc_vector_subcore>, window_params = [{transform_indices = #map}, {transform_indices = #map1}, {transform_indices = #map1}, {transform_indices = #map}, {transform_indices = #map}]} {
    %mul3A = arith.constant 16 : i32
    %mul3A_0 = arith.muli %arg0, %mul3A : i32
    %add3A = arith.addi %mul3A_0, %arg1 : i32
    %mul3A_1 = arith.constant 10000 : i32
    %mul3A_2 = arith.muli %add3A, %mul3A_1 : i32
    "tpu.region"() ({
      %run_scoped3A = tpu.sem_alloc : memref<!tpu.dma_semaphore, #tpu.memory_space<semaphore_mem>>
      %dma_start3A_437 = tpu.memref_slice %arg3[%mul3A_2] : memref<320000xi32, #tpu.memory_space<hbm>> -> memref<10000xi32, #tpu.memory_space<hbm>>
      %dma_start3A_438 = tpu.memref_slice %arg3[%mul3A_2] : memref<320000xi32, #tpu.memory_space<hbm>> -> memref<10000xi32, #tpu.memory_space<hbm>>
      tpu.enqueue_dma source(%dma_start3A_438 : memref<10000xi32, #tpu.memory_space<hbm>>) target(%arg7 : memref<10000xi32, #tpu.memory_space<vmem>>) target_semaphore(%run_scoped3A : memref<!tpu.dma_semaphore, #tpu.memory_space<semaphore_mem>>)
      %dma_wait3A_439 = tpu.memref_slice %arg3[%mul3A_2] : memref<320000xi32, #tpu.memory_space<hbm>> -> memref<10000xi32, #tpu.memory_space<hbm>>
      %dma_wait3A_440 = tpu.memref_slice %arg3[%mul3A_2] : memref<320000xi32, #tpu.memory_space<hbm>> -> memref<10000xi32, #tpu.memory_space<hbm>>
      tpu.wait_dma2 semaphore(%run_scoped3A : memref<!tpu.dma_semaphore, #tpu.memory_space<semaphore_mem>>) src(%dma_wait3A_440 : memref<10000xi32, #tpu.memory_space<hbm>>) dst(%arg7 : memref<10000xi32, #tpu.memory_space<vmem>>)
      tpu.yield
    }) : () -> ()
    %mul3A_3 = arith.constant 640 : i32
    %mul3A_4 = arith.muli %arg1, %mul3A_3 : i32
    %mul3A_5 = arith.constant 640 : i32
    %mul3A_6 = arith.muli %arg1, %mul3A_5 : i32
    "tpu.region"() ({
      %run_scoped3A = tpu.sem_alloc : memref<!tpu.dma_semaphore, #tpu.memory_space<semaphore_mem>>
      %dma_start3A_437 = arith.constant 0 : i32
      %dma_start3A_438 = tpu.memref_slice %arg10[%mul3A_6, %dma_start3A_437] : memref<10240x64xf32, #tpu.memory_space<vmem_shared>> -> memref<640x64xf32, #tpu.memory_space<vmem_shared>>
      %dma_start3A_439 = arith.constant 0 : i32
      %dma_start3A_440 = tpu.memref_slice %arg5[%mul3A_4, %dma_start3A_439] : memref<10240x64xf32, #tpu.memory_space<hbm>> -> memref<640x64xf32, #tpu.memory_space<hbm>>
      tpu.enqueue_dma source(%dma_start3A_440 : memref<640x64xf32, #tpu.memory_space<hbm>>) target(%dma_start3A_438 : memref<640x64xf32, #tpu.memory_space<vmem_shared>>) target_semaphore(%run_scoped3A : memref<!tpu.dma_semaphore, #tpu.memory_space<semaphore_mem>>)
      %dma_wait3A_441 = arith.constant 0 : i32
      %dma_wait3A_442 = tpu.memref_slice %arg10[%mul3A_6, %dma_wait3A_441] : memref<10240x64xf32, #tpu.memory_space<vmem_shared>> -> memref<640x64xf32, #tpu.memory_space<vmem_shared>>
      %dma_wait3A_443 = arith.constant 0 : i32
      %dma_wait3A_444 = tpu.memref_slice %arg5[%mul3A_4, %dma_wait3A_443] : memref<10240x64xf32, #tpu.memory_space<hbm>> -> memref<640x64xf32, #tpu.memory_space<hbm>>
      tpu.wait_dma2 semaphore(%run_scoped3A : memref<!tpu.dma_semaphore, #tpu.memory_space<semaphore_mem>>) src(%dma_wait3A_444 : memref<640x64xf32, #tpu.memory_space<hbm>>) dst(%dma_wait3A_442 : memref<640x64xf32, #tpu.memory_space<vmem_shared>>)
      tpu.yield
    }) : () -> ()
    %barrier3A = arith.constant 0 : index
    tpu.barrier barrier_id(%barrier3A)
    %add3A_7 = arith.constant 0 : i32
    %add3A_8 = arith.addi %mul3A_2, %add3A_7 : i32
    %dma_start3A = arith.constant 0 : i32
    %dma_start3A_9 = arith.constant 0 : i32
    %dma_start3A_10 = arith.constant 0 : i32
    %dma_start3A_11 = tpu.memref_slice %arg8[%dma_start3A, %dma_start3A_10] : memref<5x80xi32, #tpu.memory_space<vmem>> -> memref<1x80xi32, #tpu.memory_space<vmem>>
    %dma_start3A_12 = tpu.memref_squeeze %dma_start3A_11 : memref<1x80xi32, #tpu.memory_space<vmem>> -> memref<80xi32, #tpu.memory_space<vmem>>
    %dma_start3A_13 = tpu.memref_slice %arg4[%add3A_8] : memref<320000xi32, #tpu.memory_space<hbm>> -> memref<80xi32, #tpu.memory_space<hbm>>
    %dma_start3A_14 = tpu.memref_slice %arg12[%dma_start3A_9] : memref<5x!tpu.dma_semaphore, #tpu.memory_space<semaphore_mem>> -> memref<1x!tpu.dma_semaphore, #tpu.memory_space<semaphore_mem>>
    %dma_start3A_15 = tpu.memref_squeeze %dma_start3A_14 : memref<1x!tpu.dma_semaphore, #tpu.memory_space<semaphore_mem>> -> memref<!tpu.dma_semaphore, #tpu.memory_space<semaphore_mem>>
    %dma_start3A_16 = arith.constant 0 : i32
    %dma_start3A_17 = tpu.memref_slice %arg8[%dma_start3A, %dma_start3A_16] : memref<5x80xi32, #tpu.memory_space<vmem>> -> memref<1x80xi32, #tpu.memory_space<vmem>>
    %dma_start3A_18 = tpu.memref_squeeze %dma_start3A_17 : memref<1x80xi32, #tpu.memory_space<vmem>> -> memref<80xi32, #tpu.memory_space<vmem>>
    %dma_start3A_19 = tpu.memref_slice %arg4[%add3A_8] : memref<320000xi32, #tpu.memory_space<hbm>> -> memref<80xi32, #tpu.memory_space<hbm>>
    tpu.enqueue_dma source(%dma_start3A_19 : memref<80xi32, #tpu.memory_space<hbm>>) target(%dma_start3A_18 : memref<80xi32, #tpu.memory_space<vmem>>) target_semaphore(%dma_start3A_15 : memref<!tpu.dma_semaphore, #tpu.memory_space<semaphore_mem>>)
    %dma_start3A_20 = arith.constant 0 : i32
    %dma_start3A_21 = arith.constant 0 : i32
    %dma_start3A_22 = arith.constant 0 : i32
    %dma_start3A_23 = arith.constant 0 : i32
    %dma_start3A_24 = tpu.memref_slice %arg9[%dma_start3A_20, %dma_start3A_22, %dma_start3A_23] : memref<5x80x64xf32, #tpu.memory_space<vmem>> -> memref<1x80x64xf32, #tpu.memory_space<vmem>>
    %dma_start3A_25 = tpu.memref_squeeze %dma_start3A_24 : memref<1x80x64xf32, #tpu.memory_space<vmem>> -> memref<80x64xf32, #tpu.memory_space<vmem>>
    %dma_start3A_26 = arith.constant 0 : i32
    %dma_start3A_27 = tpu.memref_slice %arg7[%dma_start3A_26] : memref<10000xi32, #tpu.memory_space<vmem>> -> memref<80xi32, #tpu.memory_space<vmem>>
    %dma_start3A_28 = arith.constant 0 : i32
    %dma_start3A_29 = arith.constant 0 : i32
    %dma_start3A_30 = tpu.memref_slice %arg2[%dma_start3A_28, %dma_start3A_29] : memref<10000x64xf32, #tpu.memory_space<hbm>> -> memref<10000x64xf32, #tpu.memory_space<hbm>>
    %dma_start3A_31 = tpu.memref_slice %arg11[%dma_start3A_21] : memref<5x!tpu.dma_semaphore, #tpu.memory_space<semaphore_mem>> -> memref<1x!tpu.dma_semaphore, #tpu.memory_space<semaphore_mem>>
    %dma_start3A_32 = tpu.memref_squeeze %dma_start3A_31 : memref<1x!tpu.dma_semaphore, #tpu.memory_space<semaphore_mem>> -> memref<!tpu.dma_semaphore, #tpu.memory_space<semaphore_mem>>
    tpu.enqueue_indirect_dma source(%dma_start3A_30 : memref<10000x64xf32, #tpu.memory_space<hbm>>) target(%dma_start3A_25 : memref<80x64xf32, #tpu.memory_space<vmem>>) offsets(%dma_start3A_27 : memref<80xi32, #tpu.memory_space<vmem>>) semaphore(%dma_start3A_32 : memref<!tpu.dma_semaphore, #tpu.memory_space<semaphore_mem>>)
    %add3A_33 = arith.constant 80 : i32
    %add3A_34 = arith.addi %mul3A_2, %add3A_33 : i32
    %dma_start3A_35 = arith.constant 1 : i32
    %dma_start3A_36 = arith.constant 1 : i32
    %dma_start3A_37 = arith.constant 0 : i32
    %dma_start3A_38 = tpu.memref_slice %arg8[%dma_start3A_35, %dma_start3A_37] : memref<5x80xi32, #tpu.memory_space<vmem>> -> memref<1x80xi32, #tpu.memory_space<vmem>>
    %dma_start3A_39 = tpu.memref_squeeze %dma_start3A_38 : memref<1x80xi32, #tpu.memory_space<vmem>> -> memref<80xi32, #tpu.memory_space<vmem>>
    %dma_start3A_40 = tpu.memref_slice %arg4[%add3A_34] : memref<320000xi32, #tpu.memory_space<hbm>> -> memref<80xi32, #tpu.memory_space<hbm>>
    %dma_start3A_41 = tpu.memref_slice %arg12[%dma_start3A_36] : memref<5x!tpu.dma_semaphore, #tpu.memory_space<semaphore_mem>> -> memref<1x!tpu.dma_semaphore, #tpu.memory_space<semaphore_mem>>
    %dma_start3A_42 = tpu.memref_squeeze %dma_start3A_41 : memref<1x!tpu.dma_semaphore, #tpu.memory_space<semaphore_mem>> -> memref<!tpu.dma_semaphore, #tpu.memory_space<semaphore_mem>>
    %dma_start3A_43 = arith.constant 0 : i32
    %dma_start3A_44 = tpu.memref_slice %arg8[%dma_start3A_35, %dma_start3A_43] : memref<5x80xi32, #tpu.memory_space<vmem>> -> memref<1x80xi32, #tpu.memory_space<vmem>>
    %dma_start3A_45 = tpu.memref_squeeze %dma_start3A_44 : memref<1x80xi32, #tpu.memory_space<vmem>> -> memref<80xi32, #tpu.memory_space<vmem>>
    %dma_start3A_46 = tpu.memref_slice %arg4[%add3A_34] : memref<320000xi32, #tpu.memory_space<hbm>> -> memref<80xi32, #tpu.memory_space<hbm>>
    tpu.enqueue_dma source(%dma_start3A_46 : memref<80xi32, #tpu.memory_space<hbm>>) target(%dma_start3A_45 : memref<80xi32, #tpu.memory_space<vmem>>) target_semaphore(%dma_start3A_42 : memref<!tpu.dma_semaphore, #tpu.memory_space<semaphore_mem>>)
    %dma_start3A_47 = arith.constant 1 : i32
    %dma_start3A_48 = arith.constant 1 : i32
    %dma_start3A_49 = arith.constant 0 : i32
    %dma_start3A_50 = arith.constant 0 : i32
    %dma_start3A_51 = tpu.memref_slice %arg9[%dma_start3A_47, %dma_start3A_49, %dma_start3A_50] : memref<5x80x64xf32, #tpu.memory_space<vmem>> -> memref<1x80x64xf32, #tpu.memory_space<vmem>>
    %dma_start3A_52 = tpu.memref_squeeze %dma_start3A_51 : memref<1x80x64xf32, #tpu.memory_space<vmem>> -> memref<80x64xf32, #tpu.memory_space<vmem>>
    %dma_start3A_53 = arith.constant 80 : i32
    %dma_start3A_54 = tpu.memref_slice %arg7[%dma_start3A_53] : memref<10000xi32, #tpu.memory_space<vmem>> -> memref<80xi32, #tpu.memory_space<vmem>>
    %dma_start3A_55 = arith.constant 0 : i32
    %dma_start3A_56 = arith.constant 0 : i32
    %dma_start3A_57 = tpu.memref_slice %arg2[%dma_start3A_55, %dma_start3A_56] : memref<10000x64xf32, #tpu.memory_space<hbm>> -> memref<10000x64xf32, #tpu.memory_space<hbm>>
    %dma_start3A_58 = tpu.memref_slice %arg11[%dma_start3A_48] : memref<5x!tpu.dma_semaphore, #tpu.memory_space<semaphore_mem>> -> memref<1x!tpu.dma_semaphore, #tpu.memory_space<semaphore_mem>>
    %dma_start3A_59 = tpu.memref_squeeze %dma_start3A_58 : memref<1x!tpu.dma_semaphore, #tpu.memory_space<semaphore_mem>> -> memref<!tpu.dma_semaphore, #tpu.memory_space<semaphore_mem>>
    tpu.enqueue_indirect_dma source(%dma_start3A_57 : memref<10000x64xf32, #tpu.memory_space<hbm>>) target(%dma_start3A_52 : memref<80x64xf32, #tpu.memory_space<vmem>>) offsets(%dma_start3A_54 : memref<80xi32, #tpu.memory_space<vmem>>) semaphore(%dma_start3A_59 : memref<!tpu.dma_semaphore, #tpu.memory_space<semaphore_mem>>)
    %add3A_60 = arith.constant 160 : i32
    %add3A_61 = arith.addi %mul3A_2, %add3A_60 : i32
    %dma_start3A_62 = arith.constant 2 : i32
    %dma_start3A_63 = arith.constant 2 : i32
    %dma_start3A_64 = arith.constant 0 : i32
    %dma_start3A_65 = tpu.memref_slice %arg8[%dma_start3A_62, %dma_start3A_64] : memref<5x80xi32, #tpu.memory_space<vmem>> -> memref<1x80xi32, #tpu.memory_space<vmem>>
    %dma_start3A_66 = tpu.memref_squeeze %dma_start3A_65 : memref<1x80xi32, #tpu.memory_space<vmem>> -> memref<80xi32, #tpu.memory_space<vmem>>
    %dma_start3A_67 = tpu.memref_slice %arg4[%add3A_61] : memref<320000xi32, #tpu.memory_space<hbm>> -> memref<80xi32, #tpu.memory_space<hbm>>
    %dma_start3A_68 = tpu.memref_slice %arg12[%dma_start3A_63] : memref<5x!tpu.dma_semaphore, #tpu.memory_space<semaphore_mem>> -> memref<1x!tpu.dma_semaphore, #tpu.memory_space<semaphore_mem>>
    %dma_start3A_69 = tpu.memref_squeeze %dma_start3A_68 : memref<1x!tpu.dma_semaphore, #tpu.memory_space<semaphore_mem>> -> memref<!tpu.dma_semaphore, #tpu.memory_space<semaphore_mem>>
    %dma_start3A_70 = arith.constant 0 : i32
    %dma_start3A_71 = tpu.memref_slice %arg8[%dma_start3A_62, %dma_start3A_70] : memref<5x80xi32, #tpu.memory_space<vmem>> -> memref<1x80xi32, #tpu.memory_space<vmem>>
    %dma_start3A_72 = tpu.memref_squeeze %dma_start3A_71 : memref<1x80xi32, #tpu.memory_space<vmem>> -> memref<80xi32, #tpu.memory_space<vmem>>
    %dma_start3A_73 = tpu.memref_slice %arg4[%add3A_61] : memref<320000xi32, #tpu.memory_space<hbm>> -> memref<80xi32, #tpu.memory_space<hbm>>
    tpu.enqueue_dma source(%dma_start3A_73 : memref<80xi32, #tpu.memory_space<hbm>>) target(%dma_start3A_72 : memref<80xi32, #tpu.memory_space<vmem>>) target_semaphore(%dma_start3A_69 : memref<!tpu.dma_semaphore, #tpu.memory_space<semaphore_mem>>)
    %dma_start3A_74 = arith.constant 2 : i32
    %dma_start3A_75 = arith.constant 2 : i32
    %dma_start3A_76 = arith.constant 0 : i32
    %dma_start3A_77 = arith.constant 0 : i32
    %dma_start3A_78 = tpu.memref_slice %arg9[%dma_start3A_74, %dma_start3A_76, %dma_start3A_77] : memref<5x80x64xf32, #tpu.memory_space<vmem>> -> memref<1x80x64xf32, #tpu.memory_space<vmem>>
    %dma_start3A_79 = tpu.memref_squeeze %dma_start3A_78 : memref<1x80x64xf32, #tpu.memory_space<vmem>> -> memref<80x64xf32, #tpu.memory_space<vmem>>
    %dma_start3A_80 = arith.constant 160 : i32
    %dma_start3A_81 = tpu.memref_slice %arg7[%dma_start3A_80] : memref<10000xi32, #tpu.memory_space<vmem>> -> memref<80xi32, #tpu.memory_space<vmem>>
    %dma_start3A_82 = arith.constant 0 : i32
    %dma_start3A_83 = arith.constant 0 : i32
    %dma_start3A_84 = tpu.memref_slice %arg2[%dma_start3A_82, %dma_start3A_83] : memref<10000x64xf32, #tpu.memory_space<hbm>> -> memref<10000x64xf32, #tpu.memory_space<hbm>>
    %dma_start3A_85 = tpu.memref_slice %arg11[%dma_start3A_75] : memref<5x!tpu.dma_semaphore, #tpu.memory_space<semaphore_mem>> -> memref<1x!tpu.dma_semaphore, #tpu.memory_space<semaphore_mem>>
    %dma_start3A_86 = tpu.memref_squeeze %dma_start3A_85 : memref<1x!tpu.dma_semaphore, #tpu.memory_space<semaphore_mem>> -> memref<!tpu.dma_semaphore, #tpu.memory_space<semaphore_mem>>
    tpu.enqueue_indirect_dma source(%dma_start3A_84 : memref<10000x64xf32, #tpu.memory_space<hbm>>) target(%dma_start3A_79 : memref<80x64xf32, #tpu.memory_space<vmem>>) offsets(%dma_start3A_81 : memref<80xi32, #tpu.memory_space<vmem>>) semaphore(%dma_start3A_86 : memref<!tpu.dma_semaphore, #tpu.memory_space<semaphore_mem>>)
    %add3A_87 = arith.constant 240 : i32
    %add3A_88 = arith.addi %mul3A_2, %add3A_87 : i32
    %dma_start3A_89 = arith.constant 3 : i32
    %dma_start3A_90 = arith.constant 3 : i32
    %dma_start3A_91 = arith.constant 0 : i32
    %dma_start3A_92 = tpu.memref_slice %arg8[%dma_start3A_89, %dma_start3A_91] : memref<5x80xi32, #tpu.memory_space<vmem>> -> memref<1x80xi32, #tpu.memory_space<vmem>>
    %dma_start3A_93 = tpu.memref_squeeze %dma_start3A_92 : memref<1x80xi32, #tpu.memory_space<vmem>> -> memref<80xi32, #tpu.memory_space<vmem>>
    %dma_start3A_94 = tpu.memref_slice %arg4[%add3A_88] : memref<320000xi32, #tpu.memory_space<hbm>> -> memref<80xi32, #tpu.memory_space<hbm>>
    %dma_start3A_95 = tpu.memref_slice %arg12[%dma_start3A_90] : memref<5x!tpu.dma_semaphore, #tpu.memory_space<semaphore_mem>> -> memref<1x!tpu.dma_semaphore, #tpu.memory_space<semaphore_mem>>
    %dma_start3A_96 = tpu.memref_squeeze %dma_start3A_95 : memref<1x!tpu.dma_semaphore, #tpu.memory_space<semaphore_mem>> -> memref<!tpu.dma_semaphore, #tpu.memory_space<semaphore_mem>>
    %dma_start3A_97 = arith.constant 0 : i32
    %dma_start3A_98 = tpu.memref_slice %arg8[%dma_start3A_89, %dma_start3A_97] : memref<5x80xi32, #tpu.memory_space<vmem>> -> memref<1x80xi32, #tpu.memory_space<vmem>>
    %dma_start3A_99 = tpu.memref_squeeze %dma_start3A_98 : memref<1x80xi32, #tpu.memory_space<vmem>> -> memref<80xi32, #tpu.memory_space<vmem>>
    %dma_start3A_100 = tpu.memref_slice %arg4[%add3A_88] : memref<320000xi32, #tpu.memory_space<hbm>> -> memref<80xi32, #tpu.memory_space<hbm>>
    tpu.enqueue_dma source(%dma_start3A_100 : memref<80xi32, #tpu.memory_space<hbm>>) target(%dma_start3A_99 : memref<80xi32, #tpu.memory_space<vmem>>) target_semaphore(%dma_start3A_96 : memref<!tpu.dma_semaphore, #tpu.memory_space<semaphore_mem>>)
    %dma_start3A_101 = arith.constant 3 : i32
    %dma_start3A_102 = arith.constant 3 : i32
    %dma_start3A_103 = arith.constant 0 : i32
    %dma_start3A_104 = arith.constant 0 : i32
    %dma_start3A_105 = tpu.memref_slice %arg9[%dma_start3A_101, %dma_start3A_103, %dma_start3A_104] : memref<5x80x64xf32, #tpu.memory_space<vmem>> -> memref<1x80x64xf32, #tpu.memory_space<vmem>>
    %dma_start3A_106 = tpu.memref_squeeze %dma_start3A_105 : memref<1x80x64xf32, #tpu.memory_space<vmem>> -> memref<80x64xf32, #tpu.memory_space<vmem>>
    %dma_start3A_107 = arith.constant 240 : i32
    %dma_start3A_108 = tpu.memref_slice %arg7[%dma_start3A_107] : memref<10000xi32, #tpu.memory_space<vmem>> -> memref<80xi32, #tpu.memory_space<vmem>>
    %dma_start3A_109 = arith.constant 0 : i32
    %dma_start3A_110 = arith.constant 0 : i32
    %dma_start3A_111 = tpu.memref_slice %arg2[%dma_start3A_109, %dma_start3A_110] : memref<10000x64xf32, #tpu.memory_space<hbm>> -> memref<10000x64xf32, #tpu.memory_space<hbm>>
    %dma_start3A_112 = tpu.memref_slice %arg11[%dma_start3A_102] : memref<5x!tpu.dma_semaphore, #tpu.memory_space<semaphore_mem>> -> memref<1x!tpu.dma_semaphore, #tpu.memory_space<semaphore_mem>>
    %dma_start3A_113 = tpu.memref_squeeze %dma_start3A_112 : memref<1x!tpu.dma_semaphore, #tpu.memory_space<semaphore_mem>> -> memref<!tpu.dma_semaphore, #tpu.memory_space<semaphore_mem>>
    tpu.enqueue_indirect_dma source(%dma_start3A_111 : memref<10000x64xf32, #tpu.memory_space<hbm>>) target(%dma_start3A_106 : memref<80x64xf32, #tpu.memory_space<vmem>>) offsets(%dma_start3A_108 : memref<80xi32, #tpu.memory_space<vmem>>) semaphore(%dma_start3A_113 : memref<!tpu.dma_semaphore, #tpu.memory_space<semaphore_mem>>)
    %add3A_114 = arith.constant 320 : i32
    %add3A_115 = arith.addi %mul3A_2, %add3A_114 : i32
    %dma_start3A_116 = arith.constant 4 : i32
    %dma_start3A_117 = arith.constant 4 : i32
    %dma_start3A_118 = arith.constant 0 : i32
    %dma_start3A_119 = tpu.memref_slice %arg8[%dma_start3A_116, %dma_start3A_118] : memref<5x80xi32, #tpu.memory_space<vmem>> -> memref<1x80xi32, #tpu.memory_space<vmem>>
    %dma_start3A_120 = tpu.memref_squeeze %dma_start3A_119 : memref<1x80xi32, #tpu.memory_space<vmem>> -> memref<80xi32, #tpu.memory_space<vmem>>
    %dma_start3A_121 = tpu.memref_slice %arg4[%add3A_115] : memref<320000xi32, #tpu.memory_space<hbm>> -> memref<80xi32, #tpu.memory_space<hbm>>
    %dma_start3A_122 = tpu.memref_slice %arg12[%dma_start3A_117] : memref<5x!tpu.dma_semaphore, #tpu.memory_space<semaphore_mem>> -> memref<1x!tpu.dma_semaphore, #tpu.memory_space<semaphore_mem>>
    %dma_start3A_123 = tpu.memref_squeeze %dma_start3A_122 : memref<1x!tpu.dma_semaphore, #tpu.memory_space<semaphore_mem>> -> memref<!tpu.dma_semaphore, #tpu.memory_space<semaphore_mem>>
    %dma_start3A_124 = arith.constant 0 : i32
    %dma_start3A_125 = tpu.memref_slice %arg8[%dma_start3A_116, %dma_start3A_124] : memref<5x80xi32, #tpu.memory_space<vmem>> -> memref<1x80xi32, #tpu.memory_space<vmem>>
    %dma_start3A_126 = tpu.memref_squeeze %dma_start3A_125 : memref<1x80xi32, #tpu.memory_space<vmem>> -> memref<80xi32, #tpu.memory_space<vmem>>
    %dma_start3A_127 = tpu.memref_slice %arg4[%add3A_115] : memref<320000xi32, #tpu.memory_space<hbm>> -> memref<80xi32, #tpu.memory_space<hbm>>
    tpu.enqueue_dma source(%dma_start3A_127 : memref<80xi32, #tpu.memory_space<hbm>>) target(%dma_start3A_126 : memref<80xi32, #tpu.memory_space<vmem>>) target_semaphore(%dma_start3A_123 : memref<!tpu.dma_semaphore, #tpu.memory_space<semaphore_mem>>)
    %dma_start3A_128 = arith.constant 4 : i32
    %dma_start3A_129 = arith.constant 4 : i32
    %dma_start3A_130 = arith.constant 0 : i32
    %dma_start3A_131 = arith.constant 0 : i32
    %dma_start3A_132 = tpu.memref_slice %arg9[%dma_start3A_128, %dma_start3A_130, %dma_start3A_131] : memref<5x80x64xf32, #tpu.memory_space<vmem>> -> memref<1x80x64xf32, #tpu.memory_space<vmem>>
    %dma_start3A_133 = tpu.memref_squeeze %dma_start3A_132 : memref<1x80x64xf32, #tpu.memory_space<vmem>> -> memref<80x64xf32, #tpu.memory_space<vmem>>
    %dma_start3A_134 = arith.constant 320 : i32
    %dma_start3A_135 = tpu.memref_slice %arg7[%dma_start3A_134] : memref<10000xi32, #tpu.memory_space<vmem>> -> memref<80xi32, #tpu.memory_space<vmem>>
    %dma_start3A_136 = arith.constant 0 : i32
    %dma_start3A_137 = arith.constant 0 : i32
    %dma_start3A_138 = tpu.memref_slice %arg2[%dma_start3A_136, %dma_start3A_137] : memref<10000x64xf32, #tpu.memory_space<hbm>> -> memref<10000x64xf32, #tpu.memory_space<hbm>>
    %dma_start3A_139 = tpu.memref_slice %arg11[%dma_start3A_129] : memref<5x!tpu.dma_semaphore, #tpu.memory_space<semaphore_mem>> -> memref<1x!tpu.dma_semaphore, #tpu.memory_space<semaphore_mem>>
    %dma_start3A_140 = tpu.memref_squeeze %dma_start3A_139 : memref<1x!tpu.dma_semaphore, #tpu.memory_space<semaphore_mem>> -> memref<!tpu.dma_semaphore, #tpu.memory_space<semaphore_mem>>
    tpu.enqueue_indirect_dma source(%dma_start3A_138 : memref<10000x64xf32, #tpu.memory_space<hbm>>) target(%dma_start3A_133 : memref<80x64xf32, #tpu.memory_space<vmem>>) offsets(%dma_start3A_135 : memref<80xi32, #tpu.memory_space<vmem>>) semaphore(%dma_start3A_140 : memref<!tpu.dma_semaphore, #tpu.memory_space<semaphore_mem>>)
    %scan3A = arith.constant 0 : i32
    %scan3A_141 = arith.constant 24 : i32
    %scan3A_142 = arith.addi %scan3A, %scan3A_141 : i32
    %scan3A_143 = arith.constant 1 : i32
    scf.for %scan3A_437 = %scan3A to %scan3A_142 step %scan3A_143  : i32 {
      %mul3A_438 = arith.constant 5 : i32
      %mul3A_439 = arith.muli %scan3A_437, %mul3A_438 : i32
      %add3A_440 = arith.constant 0 : i32
      %add3A_441 = arith.addi %add3A_440, %mul3A_439 : i32
      %add3A_442 = arith.constant 0 : i32
      %add3A_443 = arith.addi %add3A_441, %add3A_442 : i32
      %mul3A_444 = arith.constant 80 : i32
      %mul3A_445 = arith.muli %add3A_443, %mul3A_444 : i32
      %add3A_446 = arith.addi %mul3A_2, %mul3A_445 : i32
      %dma_wait3A_447 = arith.constant 0 : i32
      %dma_wait3A_448 = arith.constant 0 : i32
      %dma_wait3A_449 = arith.constant 0 : i32
      %dma_wait3A_450 = tpu.memref_slice %arg8[%dma_wait3A_447, %dma_wait3A_449] : memref<5x80xi32, #tpu.memory_space<vmem>> -> memref<1x80xi32, #tpu.memory_space<vmem>>
      %dma_wait3A_451 = tpu.memref_squeeze %dma_wait3A_450 : memref<1x80xi32, #tpu.memory_space<vmem>> -> memref<80xi32, #tpu.memory_space<vmem>>
      %dma_wait3A_452 = tpu.memref_slice %arg4[%add3A_446] : memref<320000xi32, #tpu.memory_space<hbm>> -> memref<80xi32, #tpu.memory_space<hbm>>
      %dma_wait3A_453 = tpu.memref_slice %arg12[%dma_wait3A_448] : memref<5x!tpu.dma_semaphore, #tpu.memory_space<semaphore_mem>> -> memref<1x!tpu.dma_semaphore, #tpu.memory_space<semaphore_mem>>
      %dma_wait3A_454 = tpu.memref_squeeze %dma_wait3A_453 : memref<1x!tpu.dma_semaphore, #tpu.memory_space<semaphore_mem>> -> memref<!tpu.dma_semaphore, #tpu.memory_space<semaphore_mem>>
      %dma_wait3A_455 = arith.constant 0 : i32
      %dma_wait3A_456 = tpu.memref_slice %arg8[%dma_wait3A_447, %dma_wait3A_455] : memref<5x80xi32, #tpu.memory_space<vmem>> -> memref<1x80xi32, #tpu.memory_space<vmem>>
      %dma_wait3A_457 = tpu.memref_squeeze %dma_wait3A_456 : memref<1x80xi32, #tpu.memory_space<vmem>> -> memref<80xi32, #tpu.memory_space<vmem>>
      %dma_wait3A_458 = tpu.memref_slice %arg4[%add3A_446] : memref<320000xi32, #tpu.memory_space<hbm>> -> memref<80xi32, #tpu.memory_space<hbm>>
      tpu.wait_dma2 semaphore(%dma_wait3A_454 : memref<!tpu.dma_semaphore, #tpu.memory_space<semaphore_mem>>) src(%dma_wait3A_458 : memref<80xi32, #tpu.memory_space<hbm>>) dst(%dma_wait3A_457 : memref<80xi32, #tpu.memory_space<vmem>>)
      %add3A_459 = arith.constant 0 : i32
      %add3A_460 = arith.addi %add3A_441, %add3A_459 : i32
      %mul3A_461 = arith.constant 80 : i32
      %mul3A_462 = arith.muli %add3A_460, %mul3A_461 : i32
      %dma_wait3A_463 = arith.constant 0 : i32
      %dma_wait3A_464 = arith.constant 0 : i32
      %dma_wait3A_465 = arith.constant 0 : i32
      %dma_wait3A_466 = arith.constant 0 : i32
      %dma_wait3A_467 = tpu.memref_slice %arg9[%dma_wait3A_463, %dma_wait3A_465, %dma_wait3A_466] : memref<5x80x64xf32, #tpu.memory_space<vmem>> -> memref<1x80x64xf32, #tpu.memory_space<vmem>>
      %dma_wait3A_468 = tpu.memref_squeeze %dma_wait3A_467 : memref<1x80x64xf32, #tpu.memory_space<vmem>> -> memref<80x64xf32, #tpu.memory_space<vmem>>
      %dma_wait3A_469 = tpu.memref_slice %arg7[%mul3A_462] : memref<10000xi32, #tpu.memory_space<vmem>> -> memref<80xi32, #tpu.memory_space<vmem>>
      %dma_wait3A_470 = arith.constant 0 : i32
      %dma_wait3A_471 = arith.constant 0 : i32
      %dma_wait3A_472 = tpu.memref_slice %arg2[%dma_wait3A_470, %dma_wait3A_471] : memref<10000x64xf32, #tpu.memory_space<hbm>> -> memref<10000x64xf32, #tpu.memory_space<hbm>>
      %dma_wait3A_473 = tpu.memref_slice %arg11[%dma_wait3A_464] : memref<5x!tpu.dma_semaphore, #tpu.memory_space<semaphore_mem>> -> memref<1x!tpu.dma_semaphore, #tpu.memory_space<semaphore_mem>>
      %dma_wait3A_474 = tpu.memref_squeeze %dma_wait3A_473 : memref<1x!tpu.dma_semaphore, #tpu.memory_space<semaphore_mem>> -> memref<!tpu.dma_semaphore, #tpu.memory_space<semaphore_mem>>
      tpu.wait_indirect_dma semaphore(%dma_wait3A_474 : memref<!tpu.dma_semaphore, #tpu.memory_space<semaphore_mem>>) src(%dma_wait3A_472 : memref<10000x64xf32, #tpu.memory_space<hbm>>) dst(%dma_wait3A_468 : memref<80x64xf32, #tpu.memory_space<vmem>>)
      %dma_start3A_475 = arith.constant 0 : i32
      %dma_start3A_476 = arith.constant 0 : i32
      %dma_start3A_477 = arith.constant 0 : i32
      %dma_start3A_478 = arith.constant 0 : i32
      %dma_start3A_479 = arith.constant 0 : i32
      %dma_start3A_480 = tpu.memref_slice %arg9[%dma_start3A_475, %dma_start3A_478, %dma_start3A_479] : memref<5x80x64xf32, #tpu.memory_space<vmem>> -> memref<1x80x64xf32, #tpu.memory_space<vmem>>
      %dma_start3A_481 = tpu.memref_squeeze %dma_start3A_480 : memref<1x80x64xf32, #tpu.memory_space<vmem>> -> memref<80x64xf32, #tpu.memory_space<vmem>>
      %dma_start3A_482 = arith.constant 0 : i32
      %dma_start3A_483 = tpu.memref_slice %arg8[%dma_start3A_476, %dma_start3A_482] : memref<5x80xi32, #tpu.memory_space<vmem>> -> memref<1x80xi32, #tpu.memory_space<vmem>>
      %dma_start3A_484 = tpu.memref_squeeze %dma_start3A_483 : memref<1x80xi32, #tpu.memory_space<vmem>> -> memref<80xi32, #tpu.memory_space<vmem>>
      %dma_start3A_485 = arith.constant 0 : i32
      %dma_start3A_486 = arith.constant 0 : i32
      %dma_start3A_487 = tpu.memref_slice %arg10[%dma_start3A_485, %dma_start3A_486] : memref<10240x64xf32, #tpu.memory_space<vmem_shared>> -> memref<10240x64xf32, #tpu.memory_space<vmem_shared>>
      %dma_start3A_488 = tpu.memref_slice %arg13[%dma_start3A_477] : memref<5x!tpu.dma_semaphore, #tpu.memory_space<semaphore_mem>> -> memref<1x!tpu.dma_semaphore, #tpu.memory_space<semaphore_mem>>
      %dma_start3A_489 = tpu.memref_squeeze %dma_start3A_488 : memref<1x!tpu.dma_semaphore, #tpu.memory_space<semaphore_mem>> -> memref<!tpu.dma_semaphore, #tpu.memory_space<semaphore_mem>>
      tpu.enqueue_indirect_dma source(%dma_start3A_481 : memref<80x64xf32, #tpu.memory_space<vmem>>) target(%dma_start3A_487 : memref<10240x64xf32, #tpu.memory_space<vmem_shared>>) offsets(%dma_start3A_484 : memref<80xi32, #tpu.memory_space<vmem>>) semaphore(%dma_start3A_489 : memref<!tpu.dma_semaphore, #tpu.memory_space<semaphore_mem>>) {add = true}
      %add3A_490 = arith.constant 1 : i32
      %add3A_491 = arith.addi %add3A_441, %add3A_490 : i32
      %mul3A_492 = arith.constant 80 : i32
      %mul3A_493 = arith.muli %add3A_491, %mul3A_492 : i32
      %add3A_494 = arith.addi %mul3A_2, %mul3A_493 : i32
      %dma_wait3A_495 = arith.constant 1 : i32
      %dma_wait3A_496 = arith.constant 1 : i32
      %dma_wait3A_497 = arith.constant 0 : i32
      %dma_wait3A_498 = tpu.memref_slice %arg8[%dma_wait3A_495, %dma_wait3A_497] : memref<5x80xi32, #tpu.memory_space<vmem>> -> memref<1x80xi32, #tpu.memory_space<vmem>>
      %dma_wait3A_499 = tpu.memref_squeeze %dma_wait3A_498 : memref<1x80xi32, #tpu.memory_space<vmem>> -> memref<80xi32, #tpu.memory_space<vmem>>
      %dma_wait3A_500 = tpu.memref_slice %arg4[%add3A_494] : memref<320000xi32, #tpu.memory_space<hbm>> -> memref<80xi32, #tpu.memory_space<hbm>>
      %dma_wait3A_501 = tpu.memref_slice %arg12[%dma_wait3A_496] : memref<5x!tpu.dma_semaphore, #tpu.memory_space<semaphore_mem>> -> memref<1x!tpu.dma_semaphore, #tpu.memory_space<semaphore_mem>>
      %dma_wait3A_502 = tpu.memref_squeeze %dma_wait3A_501 : memref<1x!tpu.dma_semaphore, #tpu.memory_space<semaphore_mem>> -> memref<!tpu.dma_semaphore, #tpu.memory_space<semaphore_mem>>
      %dma_wait3A_503 = arith.constant 0 : i32
      %dma_wait3A_504 = tpu.memref_slice %arg8[%dma_wait3A_495, %dma_wait3A_503] : memref<5x80xi32, #tpu.memory_space<vmem>> -> memref<1x80xi32, #tpu.memory_space<vmem>>
      %dma_wait3A_505 = tpu.memref_squeeze %dma_wait3A_504 : memref<1x80xi32, #tpu.memory_space<vmem>> -> memref<80xi32, #tpu.memory_space<vmem>>
      %dma_wait3A_506 = tpu.memref_slice %arg4[%add3A_494] : memref<320000xi32, #tpu.memory_space<hbm>> -> memref<80xi32, #tpu.memory_space<hbm>>
      tpu.wait_dma2 semaphore(%dma_wait3A_502 : memref<!tpu.dma_semaphore, #tpu.memory_space<semaphore_mem>>) src(%dma_wait3A_506 : memref<80xi32, #tpu.memory_space<hbm>>) dst(%dma_wait3A_505 : memref<80xi32, #tpu.memory_space<vmem>>)
      %add3A_507 = arith.constant 1 : i32
      %add3A_508 = arith.addi %add3A_441, %add3A_507 : i32
      %mul3A_509 = arith.constant 80 : i32
      %mul3A_510 = arith.muli %add3A_508, %mul3A_509 : i32
      %dma_wait3A_511 = arith.constant 1 : i32
      %dma_wait3A_512 = arith.constant 1 : i32
      %dma_wait3A_513 = arith.constant 0 : i32
      %dma_wait3A_514 = arith.constant 0 : i32
      %dma_wait3A_515 = tpu.memref_slice %arg9[%dma_wait3A_511, %dma_wait3A_513, %dma_wait3A_514] : memref<5x80x64xf32, #tpu.memory_space<vmem>> -> memref<1x80x64xf32, #tpu.memory_space<vmem>>
      %dma_wait3A_516 = tpu.memref_squeeze %dma_wait3A_515 : memref<1x80x64xf32, #tpu.memory_space<vmem>> -> memref<80x64xf32, #tpu.memory_space<vmem>>
      %dma_wait3A_517 = tpu.memref_slice %arg7[%mul3A_510] : memref<10000xi32, #tpu.memory_space<vmem>> -> memref<80xi32, #tpu.memory_space<vmem>>
      %dma_wait3A_518 = arith.constant 0 : i32
      %dma_wait3A_519 = arith.constant 0 : i32
      %dma_wait3A_520 = tpu.memref_slice %arg2[%dma_wait3A_518, %dma_wait3A_519] : memref<10000x64xf32, #tpu.memory_space<hbm>> -> memref<10000x64xf32, #tpu.memory_space<hbm>>
      %dma_wait3A_521 = tpu.memref_slice %arg11[%dma_wait3A_512] : memref<5x!tpu.dma_semaphore, #tpu.memory_space<semaphore_mem>> -> memref<1x!tpu.dma_semaphore, #tpu.memory_space<semaphore_mem>>
      %dma_wait3A_522 = tpu.memref_squeeze %dma_wait3A_521 : memref<1x!tpu.dma_semaphore, #tpu.memory_space<semaphore_mem>> -> memref<!tpu.dma_semaphore, #tpu.memory_space<semaphore_mem>>
      tpu.wait_indirect_dma semaphore(%dma_wait3A_522 : memref<!tpu.dma_semaphore, #tpu.memory_space<semaphore_mem>>) src(%dma_wait3A_520 : memref<10000x64xf32, #tpu.memory_space<hbm>>) dst(%dma_wait3A_516 : memref<80x64xf32, #tpu.memory_space<vmem>>)
      %dma_start3A_523 = arith.constant 1 : i32
      %dma_start3A_524 = arith.constant 1 : i32
      %dma_start3A_525 = arith.constant 1 : i32
      %dma_start3A_526 = arith.constant 0 : i32
      %dma_start3A_527 = arith.constant 0 : i32
      %dma_start3A_528 = tpu.memref_slice %arg9[%dma_start3A_523, %dma_start3A_526, %dma_start3A_527] : memref<5x80x64xf32, #tpu.memory_space<vmem>> -> memref<1x80x64xf32, #tpu.memory_space<vmem>>
      %dma_start3A_529 = tpu.memref_squeeze %dma_start3A_528 : memref<1x80x64xf32, #tpu.memory_space<vmem>> -> memref<80x64xf32, #tpu.memory_space<vmem>>
      %dma_start3A_530 = arith.constant 0 : i32
      %dma_start3A_531 = tpu.memref_slice %arg8[%dma_start3A_524, %dma_start3A_530] : memref<5x80xi32, #tpu.memory_space<vmem>> -> memref<1x80xi32, #tpu.memory_space<vmem>>
      %dma_start3A_532 = tpu.memref_squeeze %dma_start3A_531 : memref<1x80xi32, #tpu.memory_space<vmem>> -> memref<80xi32, #tpu.memory_space<vmem>>
      %dma_start3A_533 = arith.constant 0 : i32
      %dma_start3A_534 = arith.constant 0 : i32
      %dma_start3A_535 = tpu.memref_slice %arg10[%dma_start3A_533, %dma_start3A_534] : memref<10240x64xf32, #tpu.memory_space<vmem_shared>> -> memref<10240x64xf32, #tpu.memory_space<vmem_shared>>
      %dma_start3A_536 = tpu.memref_slice %arg13[%dma_start3A_525] : memref<5x!tpu.dma_semaphore, #tpu.memory_space<semaphore_mem>> -> memref<1x!tpu.dma_semaphore, #tpu.memory_space<semaphore_mem>>
      %dma_start3A_537 = tpu.memref_squeeze %dma_start3A_536 : memref<1x!tpu.dma_semaphore, #tpu.memory_space<semaphore_mem>> -> memref<!tpu.dma_semaphore, #tpu.memory_space<semaphore_mem>>
      tpu.enqueue_indirect_dma source(%dma_start3A_529 : memref<80x64xf32, #tpu.memory_space<vmem>>) target(%dma_start3A_535 : memref<10240x64xf32, #tpu.memory_space<vmem_shared>>) offsets(%dma_start3A_532 : memref<80xi32, #tpu.memory_space<vmem>>) semaphore(%dma_start3A_537 : memref<!tpu.dma_semaphore, #tpu.memory_space<semaphore_mem>>) {add = true}
      %add3A_538 = arith.constant 2 : i32
      %add3A_539 = arith.addi %add3A_441, %add3A_538 : i32
      %mul3A_540 = arith.constant 80 : i32
      %mul3A_541 = arith.muli %add3A_539, %mul3A_540 : i32
      %add3A_542 = arith.addi %mul3A_2, %mul3A_541 : i32
      %dma_wait3A_543 = arith.constant 2 : i32
      %dma_wait3A_544 = arith.constant 2 : i32
      %dma_wait3A_545 = arith.constant 0 : i32
      %dma_wait3A_546 = tpu.memref_slice %arg8[%dma_wait3A_543, %dma_wait3A_545] : memref<5x80xi32, #tpu.memory_space<vmem>> -> memref<1x80xi32, #tpu.memory_space<vmem>>
      %dma_wait3A_547 = tpu.memref_squeeze %dma_wait3A_546 : memref<1x80xi32, #tpu.memory_space<vmem>> -> memref<80xi32, #tpu.memory_space<vmem>>
      %dma_wait3A_548 = tpu.memref_slice %arg4[%add3A_542] : memref<320000xi32, #tpu.memory_space<hbm>> -> memref<80xi32, #tpu.memory_space<hbm>>
      %dma_wait3A_549 = tpu.memref_slice %arg12[%dma_wait3A_544] : memref<5x!tpu.dma_semaphore, #tpu.memory_space<semaphore_mem>> -> memref<1x!tpu.dma_semaphore, #tpu.memory_space<semaphore_mem>>
      %dma_wait3A_550 = tpu.memref_squeeze %dma_wait3A_549 : memref<1x!tpu.dma_semaphore, #tpu.memory_space<semaphore_mem>> -> memref<!tpu.dma_semaphore, #tpu.memory_space<semaphore_mem>>
      %dma_wait3A_551 = arith.constant 0 : i32
      %dma_wait3A_552 = tpu.memref_slice %arg8[%dma_wait3A_543, %dma_wait3A_551] : memref<5x80xi32, #tpu.memory_space<vmem>> -> memref<1x80xi32, #tpu.memory_space<vmem>>
      %dma_wait3A_553 = tpu.memref_squeeze %dma_wait3A_552 : memref<1x80xi32, #tpu.memory_space<vmem>> -> memref<80xi32, #tpu.memory_space<vmem>>
      %dma_wait3A_554 = tpu.memref_slice %arg4[%add3A_542] : memref<320000xi32, #tpu.memory_space<hbm>> -> memref<80xi32, #tpu.memory_space<hbm>>
      tpu.wait_dma2 semaphore(%dma_wait3A_550 : memref<!tpu.dma_semaphore, #tpu.memory_space<semaphore_mem>>) src(%dma_wait3A_554 : memref<80xi32, #tpu.memory_space<hbm>>) dst(%dma_wait3A_553 : memref<80xi32, #tpu.memory_space<vmem>>)
      %add3A_555 = arith.constant 2 : i32
      %add3A_556 = arith.addi %add3A_441, %add3A_555 : i32
      %mul3A_557 = arith.constant 80 : i32
      %mul3A_558 = arith.muli %add3A_556, %mul3A_557 : i32
      %dma_wait3A_559 = arith.constant 2 : i32
      %dma_wait3A_560 = arith.constant 2 : i32
      %dma_wait3A_561 = arith.constant 0 : i32
      %dma_wait3A_562 = arith.constant 0 : i32
      %dma_wait3A_563 = tpu.memref_slice %arg9[%dma_wait3A_559, %dma_wait3A_561, %dma_wait3A_562] : memref<5x80x64xf32, #tpu.memory_space<vmem>> -> memref<1x80x64xf32, #tpu.memory_space<vmem>>
      %dma_wait3A_564 = tpu.memref_squeeze %dma_wait3A_563 : memref<1x80x64xf32, #tpu.memory_space<vmem>> -> memref<80x64xf32, #tpu.memory_space<vmem>>
      %dma_wait3A_565 = tpu.memref_slice %arg7[%mul3A_558] : memref<10000xi32, #tpu.memory_space<vmem>> -> memref<80xi32, #tpu.memory_space<vmem>>
      %dma_wait3A_566 = arith.constant 0 : i32
      %dma_wait3A_567 = arith.constant 0 : i32
      %dma_wait3A_568 = tpu.memref_slice %arg2[%dma_wait3A_566, %dma_wait3A_567] : memref<10000x64xf32, #tpu.memory_space<hbm>> -> memref<10000x64xf32, #tpu.memory_space<hbm>>
      %dma_wait3A_569 = tpu.memref_slice %arg11[%dma_wait3A_560] : memref<5x!tpu.dma_semaphore, #tpu.memory_space<semaphore_mem>> -> memref<1x!tpu.dma_semaphore, #tpu.memory_space<semaphore_mem>>
      %dma_wait3A_570 = tpu.memref_squeeze %dma_wait3A_569 : memref<1x!tpu.dma_semaphore, #tpu.memory_space<semaphore_mem>> -> memref<!tpu.dma_semaphore, #tpu.memory_space<semaphore_mem>>
      tpu.wait_indirect_dma semaphore(%dma_wait3A_570 : memref<!tpu.dma_semaphore, #tpu.memory_space<semaphore_mem>>) src(%dma_wait3A_568 : memref<10000x64xf32, #tpu.memory_space<hbm>>) dst(%dma_wait3A_564 : memref<80x64xf32, #tpu.memory_space<vmem>>)
      %dma_start3A_571 = arith.constant 2 : i32
      %dma_start3A_572 = arith.constant 2 : i32
      %dma_start3A_573 = arith.constant 2 : i32
      %dma_start3A_574 = arith.constant 0 : i32
      %dma_start3A_575 = arith.constant 0 : i32
      %dma_start3A_576 = tpu.memref_slice %arg9[%dma_start3A_571, %dma_start3A_574, %dma_start3A_575] : memref<5x80x64xf32, #tpu.memory_space<vmem>> -> memref<1x80x64xf32, #tpu.memory_space<vmem>>
      %dma_start3A_577 = tpu.memref_squeeze %dma_start3A_576 : memref<1x80x64xf32, #tpu.memory_space<vmem>> -> memref<80x64xf32, #tpu.memory_space<vmem>>
      %dma_start3A_578 = arith.constant 0 : i32
      %dma_start3A_579 = tpu.memref_slice %arg8[%dma_start3A_572, %dma_start3A_578] : memref<5x80xi32, #tpu.memory_space<vmem>> -> memref<1x80xi32, #tpu.memory_space<vmem>>
      %dma_start3A_580 = tpu.memref_squeeze %dma_start3A_579 : memref<1x80xi32, #tpu.memory_space<vmem>> -> memref<80xi32, #tpu.memory_space<vmem>>
      %dma_start3A_581 = arith.constant 0 : i32
      %dma_start3A_582 = arith.constant 0 : i32
      %dma_start3A_583 = tpu.memref_slice %arg10[%dma_start3A_581, %dma_start3A_582] : memref<10240x64xf32, #tpu.memory_space<vmem_shared>> -> memref<10240x64xf32, #tpu.memory_space<vmem_shared>>
      %dma_start3A_584 = tpu.memref_slice %arg13[%dma_start3A_573] : memref<5x!tpu.dma_semaphore, #tpu.memory_space<semaphore_mem>> -> memref<1x!tpu.dma_semaphore, #tpu.memory_space<semaphore_mem>>
      %dma_start3A_585 = tpu.memref_squeeze %dma_start3A_584 : memref<1x!tpu.dma_semaphore, #tpu.memory_space<semaphore_mem>> -> memref<!tpu.dma_semaphore, #tpu.memory_space<semaphore_mem>>
      tpu.enqueue_indirect_dma source(%dma_start3A_577 : memref<80x64xf32, #tpu.memory_space<vmem>>) target(%dma_start3A_583 : memref<10240x64xf32, #tpu.memory_space<vmem_shared>>) offsets(%dma_start3A_580 : memref<80xi32, #tpu.memory_space<vmem>>) semaphore(%dma_start3A_585 : memref<!tpu.dma_semaphore, #tpu.memory_space<semaphore_mem>>) {add = true}
      %add3A_586 = arith.constant 3 : i32
      %add3A_587 = arith.addi %add3A_441, %add3A_586 : i32
      %mul3A_588 = arith.constant 80 : i32
      %mul3A_589 = arith.muli %add3A_587, %mul3A_588 : i32
      %add3A_590 = arith.addi %mul3A_2, %mul3A_589 : i32
      %dma_wait3A_591 = arith.constant 3 : i32
      %dma_wait3A_592 = arith.constant 3 : i32
      %dma_wait3A_593 = arith.constant 0 : i32
      %dma_wait3A_594 = tpu.memref_slice %arg8[%dma_wait3A_591, %dma_wait3A_593] : memref<5x80xi32, #tpu.memory_space<vmem>> -> memref<1x80xi32, #tpu.memory_space<vmem>>
      %dma_wait3A_595 = tpu.memref_squeeze %dma_wait3A_594 : memref<1x80xi32, #tpu.memory_space<vmem>> -> memref<80xi32, #tpu.memory_space<vmem>>
      %dma_wait3A_596 = tpu.memref_slice %arg4[%add3A_590] : memref<320000xi32, #tpu.memory_space<hbm>> -> memref<80xi32, #tpu.memory_space<hbm>>
      %dma_wait3A_597 = tpu.memref_slice %arg12[%dma_wait3A_592] : memref<5x!tpu.dma_semaphore, #tpu.memory_space<semaphore_mem>> -> memref<1x!tpu.dma_semaphore, #tpu.memory_space<semaphore_mem>>
      %dma_wait3A_598 = tpu.memref_squeeze %dma_wait3A_597 : memref<1x!tpu.dma_semaphore, #tpu.memory_space<semaphore_mem>> -> memref<!tpu.dma_semaphore, #tpu.memory_space<semaphore_mem>>
      %dma_wait3A_599 = arith.constant 0 : i32
      %dma_wait3A_600 = tpu.memref_slice %arg8[%dma_wait3A_591, %dma_wait3A_599] : memref<5x80xi32, #tpu.memory_space<vmem>> -> memref<1x80xi32, #tpu.memory_space<vmem>>
      %dma_wait3A_601 = tpu.memref_squeeze %dma_wait3A_600 : memref<1x80xi32, #tpu.memory_space<vmem>> -> memref<80xi32, #tpu.memory_space<vmem>>
      %dma_wait3A_602 = tpu.memref_slice %arg4[%add3A_590] : memref<320000xi32, #tpu.memory_space<hbm>> -> memref<80xi32, #tpu.memory_space<hbm>>
      tpu.wait_dma2 semaphore(%dma_wait3A_598 : memref<!tpu.dma_semaphore, #tpu.memory_space<semaphore_mem>>) src(%dma_wait3A_602 : memref<80xi32, #tpu.memory_space<hbm>>) dst(%dma_wait3A_601 : memref<80xi32, #tpu.memory_space<vmem>>)
      %add3A_603 = arith.constant 3 : i32
      %add3A_604 = arith.addi %add3A_441, %add3A_603 : i32
      %mul3A_605 = arith.constant 80 : i32
      %mul3A_606 = arith.muli %add3A_604, %mul3A_605 : i32
      %dma_wait3A_607 = arith.constant 3 : i32
      %dma_wait3A_608 = arith.constant 3 : i32
      %dma_wait3A_609 = arith.constant 0 : i32
      %dma_wait3A_610 = arith.constant 0 : i32
      %dma_wait3A_611 = tpu.memref_slice %arg9[%dma_wait3A_607, %dma_wait3A_609, %dma_wait3A_610] : memref<5x80x64xf32, #tpu.memory_space<vmem>> -> memref<1x80x64xf32, #tpu.memory_space<vmem>>
      %dma_wait3A_612 = tpu.memref_squeeze %dma_wait3A_611 : memref<1x80x64xf32, #tpu.memory_space<vmem>> -> memref<80x64xf32, #tpu.memory_space<vmem>>
      %dma_wait3A_613 = tpu.memref_slice %arg7[%mul3A_606] : memref<10000xi32, #tpu.memory_space<vmem>> -> memref<80xi32, #tpu.memory_space<vmem>>
      %dma_wait3A_614 = arith.constant 0 : i32
      %dma_wait3A_615 = arith.constant 0 : i32
      %dma_wait3A_616 = tpu.memref_slice %arg2[%dma_wait3A_614, %dma_wait3A_615] : memref<10000x64xf32, #tpu.memory_space<hbm>> -> memref<10000x64xf32, #tpu.memory_space<hbm>>
      %dma_wait3A_617 = tpu.memref_slice %arg11[%dma_wait3A_608] : memref<5x!tpu.dma_semaphore, #tpu.memory_space<semaphore_mem>> -> memref<1x!tpu.dma_semaphore, #tpu.memory_space<semaphore_mem>>
      %dma_wait3A_618 = tpu.memref_squeeze %dma_wait3A_617 : memref<1x!tpu.dma_semaphore, #tpu.memory_space<semaphore_mem>> -> memref<!tpu.dma_semaphore, #tpu.memory_space<semaphore_mem>>
      tpu.wait_indirect_dma semaphore(%dma_wait3A_618 : memref<!tpu.dma_semaphore, #tpu.memory_space<semaphore_mem>>) src(%dma_wait3A_616 : memref<10000x64xf32, #tpu.memory_space<hbm>>) dst(%dma_wait3A_612 : memref<80x64xf32, #tpu.memory_space<vmem>>)
      %dma_start3A_619 = arith.constant 3 : i32
      %dma_start3A_620 = arith.constant 3 : i32
      %dma_start3A_621 = arith.constant 3 : i32
      %dma_start3A_622 = arith.constant 0 : i32
      %dma_start3A_623 = arith.constant 0 : i32
      %dma_start3A_624 = tpu.memref_slice %arg9[%dma_start3A_619, %dma_start3A_622, %dma_start3A_623] : memref<5x80x64xf32, #tpu.memory_space<vmem>> -> memref<1x80x64xf32, #tpu.memory_space<vmem>>
      %dma_start3A_625 = tpu.memref_squeeze %dma_start3A_624 : memref<1x80x64xf32, #tpu.memory_space<vmem>> -> memref<80x64xf32, #tpu.memory_space<vmem>>
      %dma_start3A_626 = arith.constant 0 : i32
      %dma_start3A_627 = tpu.memref_slice %arg8[%dma_start3A_620, %dma_start3A_626] : memref<5x80xi32, #tpu.memory_space<vmem>> -> memref<1x80xi32, #tpu.memory_space<vmem>>
      %dma_start3A_628 = tpu.memref_squeeze %dma_start3A_627 : memref<1x80xi32, #tpu.memory_space<vmem>> -> memref<80xi32, #tpu.memory_space<vmem>>
      %dma_start3A_629 = arith.constant 0 : i32
      %dma_start3A_630 = arith.constant 0 : i32
      %dma_start3A_631 = tpu.memref_slice %arg10[%dma_start3A_629, %dma_start3A_630] : memref<10240x64xf32, #tpu.memory_space<vmem_shared>> -> memref<10240x64xf32, #tpu.memory_space<vmem_shared>>
      %dma_start3A_632 = tpu.memref_slice %arg13[%dma_start3A_621] : memref<5x!tpu.dma_semaphore, #tpu.memory_space<semaphore_mem>> -> memref<1x!tpu.dma_semaphore, #tpu.memory_space<semaphore_mem>>
      %dma_start3A_633 = tpu.memref_squeeze %dma_start3A_632 : memref<1x!tpu.dma_semaphore, #tpu.memory_space<semaphore_mem>> -> memref<!tpu.dma_semaphore, #tpu.memory_space<semaphore_mem>>
      tpu.enqueue_indirect_dma source(%dma_start3A_625 : memref<80x64xf32, #tpu.memory_space<vmem>>) target(%dma_start3A_631 : memref<10240x64xf32, #tpu.memory_space<vmem_shared>>) offsets(%dma_start3A_628 : memref<80xi32, #tpu.memory_space<vmem>>) semaphore(%dma_start3A_633 : memref<!tpu.dma_semaphore, #tpu.memory_space<semaphore_mem>>) {add = true}
      %add3A_634 = arith.constant 4 : i32
      %add3A_635 = arith.addi %add3A_441, %add3A_634 : i32
      %mul3A_636 = arith.constant 80 : i32
      %mul3A_637 = arith.muli %add3A_635, %mul3A_636 : i32
      %add3A_638 = arith.addi %mul3A_2, %mul3A_637 : i32
      %dma_wait3A_639 = arith.constant 4 : i32
      %dma_wait3A_640 = arith.constant 4 : i32
      %dma_wait3A_641 = arith.constant 0 : i32
      %dma_wait3A_642 = tpu.memref_slice %arg8[%dma_wait3A_639, %dma_wait3A_641] : memref<5x80xi32, #tpu.memory_space<vmem>> -> memref<1x80xi32, #tpu.memory_space<vmem>>
      %dma_wait3A_643 = tpu.memref_squeeze %dma_wait3A_642 : memref<1x80xi32, #tpu.memory_space<vmem>> -> memref<80xi32, #tpu.memory_space<vmem>>
      %dma_wait3A_644 = tpu.memref_slice %arg4[%add3A_638] : memref<320000xi32, #tpu.memory_space<hbm>> -> memref<80xi32, #tpu.memory_space<hbm>>
      %dma_wait3A_645 = tpu.memref_slice %arg12[%dma_wait3A_640] : memref<5x!tpu.dma_semaphore, #tpu.memory_space<semaphore_mem>> -> memref<1x!tpu.dma_semaphore, #tpu.memory_space<semaphore_mem>>
      %dma_wait3A_646 = tpu.memref_squeeze %dma_wait3A_645 : memref<1x!tpu.dma_semaphore, #tpu.memory_space<semaphore_mem>> -> memref<!tpu.dma_semaphore, #tpu.memory_space<semaphore_mem>>
      %dma_wait3A_647 = arith.constant 0 : i32
      %dma_wait3A_648 = tpu.memref_slice %arg8[%dma_wait3A_639, %dma_wait3A_647] : memref<5x80xi32, #tpu.memory_space<vmem>> -> memref<1x80xi32, #tpu.memory_space<vmem>>
      %dma_wait3A_649 = tpu.memref_squeeze %dma_wait3A_648 : memref<1x80xi32, #tpu.memory_space<vmem>> -> memref<80xi32, #tpu.memory_space<vmem>>
      %dma_wait3A_650 = tpu.memref_slice %arg4[%add3A_638] : memref<320000xi32, #tpu.memory_space<hbm>> -> memref<80xi32, #tpu.memory_space<hbm>>
      tpu.wait_dma2 semaphore(%dma_wait3A_646 : memref<!tpu.dma_semaphore, #tpu.memory_space<semaphore_mem>>) src(%dma_wait3A_650 : memref<80xi32, #tpu.memory_space<hbm>>) dst(%dma_wait3A_649 : memref<80xi32, #tpu.memory_space<vmem>>)
      %add3A_651 = arith.constant 4 : i32
      %add3A_652 = arith.addi %add3A_441, %add3A_651 : i32
      %mul3A_653 = arith.constant 80 : i32
      %mul3A_654 = arith.muli %add3A_652, %mul3A_653 : i32
      %dma_wait3A_655 = arith.constant 4 : i32
      %dma_wait3A_656 = arith.constant 4 : i32
      %dma_wait3A_657 = arith.constant 0 : i32
      %dma_wait3A_658 = arith.constant 0 : i32
      %dma_wait3A_659 = tpu.memref_slice %arg9[%dma_wait3A_655, %dma_wait3A_657, %dma_wait3A_658] : memref<5x80x64xf32, #tpu.memory_space<vmem>> -> memref<1x80x64xf32, #tpu.memory_space<vmem>>
      %dma_wait3A_660 = tpu.memref_squeeze %dma_wait3A_659 : memref<1x80x64xf32, #tpu.memory_space<vmem>> -> memref<80x64xf32, #tpu.memory_space<vmem>>
      %dma_wait3A_661 = tpu.memref_slice %arg7[%mul3A_654] : memref<10000xi32, #tpu.memory_space<vmem>> -> memref<80xi32, #tpu.memory_space<vmem>>
      %dma_wait3A_662 = arith.constant 0 : i32
      %dma_wait3A_663 = arith.constant 0 : i32
      %dma_wait3A_664 = tpu.memref_slice %arg2[%dma_wait3A_662, %dma_wait3A_663] : memref<10000x64xf32, #tpu.memory_space<hbm>> -> memref<10000x64xf32, #tpu.memory_space<hbm>>
      %dma_wait3A_665 = tpu.memref_slice %arg11[%dma_wait3A_656] : memref<5x!tpu.dma_semaphore, #tpu.memory_space<semaphore_mem>> -> memref<1x!tpu.dma_semaphore, #tpu.memory_space<semaphore_mem>>
      %dma_wait3A_666 = tpu.memref_squeeze %dma_wait3A_665 : memref<1x!tpu.dma_semaphore, #tpu.memory_space<semaphore_mem>> -> memref<!tpu.dma_semaphore, #tpu.memory_space<semaphore_mem>>
      tpu.wait_indirect_dma semaphore(%dma_wait3A_666 : memref<!tpu.dma_semaphore, #tpu.memory_space<semaphore_mem>>) src(%dma_wait3A_664 : memref<10000x64xf32, #tpu.memory_space<hbm>>) dst(%dma_wait3A_660 : memref<80x64xf32, #tpu.memory_space<vmem>>)
      %dma_start3A_667 = arith.constant 4 : i32
      %dma_start3A_668 = arith.constant 4 : i32
      %dma_start3A_669 = arith.constant 4 : i32
      %dma_start3A_670 = arith.constant 0 : i32
      %dma_start3A_671 = arith.constant 0 : i32
      %dma_start3A_672 = tpu.memref_slice %arg9[%dma_start3A_667, %dma_start3A_670, %dma_start3A_671] : memref<5x80x64xf32, #tpu.memory_space<vmem>> -> memref<1x80x64xf32, #tpu.memory_space<vmem>>
      %dma_start3A_673 = tpu.memref_squeeze %dma_start3A_672 : memref<1x80x64xf32, #tpu.memory_space<vmem>> -> memref<80x64xf32, #tpu.memory_space<vmem>>
      %dma_start3A_674 = arith.constant 0 : i32
      %dma_start3A_675 = tpu.memref_slice %arg8[%dma_start3A_668, %dma_start3A_674] : memref<5x80xi32, #tpu.memory_space<vmem>> -> memref<1x80xi32, #tpu.memory_space<vmem>>
      %dma_start3A_676 = tpu.memref_squeeze %dma_start3A_675 : memref<1x80xi32, #tpu.memory_space<vmem>> -> memref<80xi32, #tpu.memory_space<vmem>>
      %dma_start3A_677 = arith.constant 0 : i32
      %dma_start3A_678 = arith.constant 0 : i32
      %dma_start3A_679 = tpu.memref_slice %arg10[%dma_start3A_677, %dma_start3A_678] : memref<10240x64xf32, #tpu.memory_space<vmem_shared>> -> memref<10240x64xf32, #tpu.memory_space<vmem_shared>>
      %dma_start3A_680 = tpu.memref_slice %arg13[%dma_start3A_669] : memref<5x!tpu.dma_semaphore, #tpu.memory_space<semaphore_mem>> -> memref<1x!tpu.dma_semaphore, #tpu.memory_space<semaphore_mem>>
      %dma_start3A_681 = tpu.memref_squeeze %dma_start3A_680 : memref<1x!tpu.dma_semaphore, #tpu.memory_space<semaphore_mem>> -> memref<!tpu.dma_semaphore, #tpu.memory_space<semaphore_mem>>
      tpu.enqueue_indirect_dma source(%dma_start3A_673 : memref<80x64xf32, #tpu.memory_space<vmem>>) target(%dma_start3A_679 : memref<10240x64xf32, #tpu.memory_space<vmem_shared>>) offsets(%dma_start3A_676 : memref<80xi32, #tpu.memory_space<vmem>>) semaphore(%dma_start3A_681 : memref<!tpu.dma_semaphore, #tpu.memory_space<semaphore_mem>>) {add = true}
      %dma_wait3A_682 = arith.constant 0 : i32
      %dma_wait3A_683 = arith.constant 0 : i32
      %dma_wait3A_684 = arith.constant 0 : i32
      %dma_wait3A_685 = arith.constant 0 : i32
      %dma_wait3A_686 = arith.constant 0 : i32
      %dma_wait3A_687 = tpu.memref_slice %arg9[%dma_wait3A_682, %dma_wait3A_685, %dma_wait3A_686] : memref<5x80x64xf32, #tpu.memory_space<vmem>> -> memref<1x80x64xf32, #tpu.memory_space<vmem>>
      %dma_wait3A_688 = tpu.memref_squeeze %dma_wait3A_687 : memref<1x80x64xf32, #tpu.memory_space<vmem>> -> memref<80x64xf32, #tpu.memory_space<vmem>>
      %dma_wait3A_689 = arith.constant 0 : i32
      %dma_wait3A_690 = tpu.memref_slice %arg8[%dma_wait3A_683, %dma_wait3A_689] : memref<5x80xi32, #tpu.memory_space<vmem>> -> memref<1x80xi32, #tpu.memory_space<vmem>>
      %dma_wait3A_691 = tpu.memref_squeeze %dma_wait3A_690 : memref<1x80xi32, #tpu.memory_space<vmem>> -> memref<80xi32, #tpu.memory_space<vmem>>
      %dma_wait3A_692 = arith.constant 0 : i32
      %dma_wait3A_693 = arith.constant 0 : i32
      %dma_wait3A_694 = tpu.memref_slice %arg10[%dma_wait3A_692, %dma_wait3A_693] : memref<10240x64xf32, #tpu.memory_space<vmem_shared>> -> memref<10240x64xf32, #tpu.memory_space<vmem_shared>>
      %dma_wait3A_695 = tpu.memref_slice %arg13[%dma_wait3A_684] : memref<5x!tpu.dma_semaphore, #tpu.memory_space<semaphore_mem>> -> memref<1x!tpu.dma_semaphore, #tpu.memory_space<semaphore_mem>>
      %dma_wait3A_696 = tpu.memref_squeeze %dma_wait3A_695 : memref<1x!tpu.dma_semaphore, #tpu.memory_space<semaphore_mem>> -> memref<!tpu.dma_semaphore, #tpu.memory_space<semaphore_mem>>
      tpu.wait_indirect_dma semaphore(%dma_wait3A_696 : memref<!tpu.dma_semaphore, #tpu.memory_space<semaphore_mem>>) src(%dma_wait3A_688 : memref<80x64xf32, #tpu.memory_space<vmem>>) dst(%dma_wait3A_694 : memref<10240x64xf32, #tpu.memory_space<vmem_shared>>)
      %add3A_697 = arith.constant 5 : i32
      %add3A_698 = arith.addi %add3A_441, %add3A_697 : i32
      %add3A_699 = arith.constant 0 : i32
      %add3A_700 = arith.addi %add3A_698, %add3A_699 : i32
      %mul3A_701 = arith.constant 80 : i32
      %mul3A_702 = arith.muli %add3A_700, %mul3A_701 : i32
      %add3A_703 = arith.addi %mul3A_2, %mul3A_702 : i32
      %dma_start3A_704 = arith.constant 0 : i32
      %dma_start3A_705 = arith.constant 0 : i32
      %dma_start3A_706 = arith.constant 0 : i32
      %dma_start3A_707 = tpu.memref_slice %arg8[%dma_start3A_704, %dma_start3A_706] : memref<5x80xi32, #tpu.memory_space<vmem>> -> memref<1x80xi32, #tpu.memory_space<vmem>>
      %dma_start3A_708 = tpu.memref_squeeze %dma_start3A_707 : memref<1x80xi32, #tpu.memory_space<vmem>> -> memref<80xi32, #tpu.memory_space<vmem>>
      %dma_start3A_709 = tpu.memref_slice %arg4[%add3A_703] : memref<320000xi32, #tpu.memory_space<hbm>> -> memref<80xi32, #tpu.memory_space<hbm>>
      %dma_start3A_710 = tpu.memref_slice %arg12[%dma_start3A_705] : memref<5x!tpu.dma_semaphore, #tpu.memory_space<semaphore_mem>> -> memref<1x!tpu.dma_semaphore, #tpu.memory_space<semaphore_mem>>
      %dma_start3A_711 = tpu.memref_squeeze %dma_start3A_710 : memref<1x!tpu.dma_semaphore, #tpu.memory_space<semaphore_mem>> -> memref<!tpu.dma_semaphore, #tpu.memory_space<semaphore_mem>>
      %dma_start3A_712 = arith.constant 0 : i32
      %dma_start3A_713 = tpu.memref_slice %arg8[%dma_start3A_704, %dma_start3A_712] : memref<5x80xi32, #tpu.memory_space<vmem>> -> memref<1x80xi32, #tpu.memory_space<vmem>>
      %dma_start3A_714 = tpu.memref_squeeze %dma_start3A_713 : memref<1x80xi32, #tpu.memory_space<vmem>> -> memref<80xi32, #tpu.memory_space<vmem>>
      %dma_start3A_715 = tpu.memref_slice %arg4[%add3A_703] : memref<320000xi32, #tpu.memory_space<hbm>> -> memref<80xi32, #tpu.memory_space<hbm>>
      tpu.enqueue_dma source(%dma_start3A_715 : memref<80xi32, #tpu.memory_space<hbm>>) target(%dma_start3A_714 : memref<80xi32, #tpu.memory_space<vmem>>) target_semaphore(%dma_start3A_711 : memref<!tpu.dma_semaphore, #tpu.memory_space<semaphore_mem>>)
      %add3A_716 = arith.constant 5 : i32
      %add3A_717 = arith.addi %add3A_441, %add3A_716 : i32
      %add3A_718 = arith.constant 0 : i32
      %add3A_719 = arith.addi %add3A_717, %add3A_718 : i32
      %mul3A_720 = arith.constant 80 : i32
      %mul3A_721 = arith.muli %add3A_719, %mul3A_720 : i32
      %dma_start3A_722 = arith.constant 0 : i32
      %dma_start3A_723 = arith.constant 0 : i32
      %dma_start3A_724 = arith.constant 0 : i32
      %dma_start3A_725 = arith.constant 0 : i32
      %dma_start3A_726 = tpu.memref_slice %arg9[%dma_start3A_722, %dma_start3A_724, %dma_start3A_725] : memref<5x80x64xf32, #tpu.memory_space<vmem>> -> memref<1x80x64xf32, #tpu.memory_space<vmem>>
      %dma_start3A_727 = tpu.memref_squeeze %dma_start3A_726 : memref<1x80x64xf32, #tpu.memory_space<vmem>> -> memref<80x64xf32, #tpu.memory_space<vmem>>
      %dma_start3A_728 = tpu.memref_slice %arg7[%mul3A_721] : memref<10000xi32, #tpu.memory_space<vmem>> -> memref<80xi32, #tpu.memory_space<vmem>>
      %dma_start3A_729 = arith.constant 0 : i32
      %dma_start3A_730 = arith.constant 0 : i32
      %dma_start3A_731 = tpu.memref_slice %arg2[%dma_start3A_729, %dma_start3A_730] : memref<10000x64xf32, #tpu.memory_space<hbm>> -> memref<10000x64xf32, #tpu.memory_space<hbm>>
      %dma_start3A_732 = tpu.memref_slice %arg11[%dma_start3A_723] : memref<5x!tpu.dma_semaphore, #tpu.memory_space<semaphore_mem>> -> memref<1x!tpu.dma_semaphore, #tpu.memory_space<semaphore_mem>>
      %dma_start3A_733 = tpu.memref_squeeze %dma_start3A_732 : memref<1x!tpu.dma_semaphore, #tpu.memory_space<semaphore_mem>> -> memref<!tpu.dma_semaphore, #tpu.memory_space<semaphore_mem>>
      tpu.enqueue_indirect_dma source(%dma_start3A_731 : memref<10000x64xf32, #tpu.memory_space<hbm>>) target(%dma_start3A_727 : memref<80x64xf32, #tpu.memory_space<vmem>>) offsets(%dma_start3A_728 : memref<80xi32, #tpu.memory_space<vmem>>) semaphore(%dma_start3A_733 : memref<!tpu.dma_semaphore, #tpu.memory_space<semaphore_mem>>)
      %dma_wait3A_734 = arith.constant 1 : i32
      %dma_wait3A_735 = arith.constant 1 : i32
      %dma_wait3A_736 = arith.constant 1 : i32
      %dma_wait3A_737 = arith.constant 0 : i32
      %dma_wait3A_738 = arith.constant 0 : i32
      %dma_wait3A_739 = tpu.memref_slice %arg9[%dma_wait3A_734, %dma_wait3A_737, %dma_wait3A_738] : memref<5x80x64xf32, #tpu.memory_space<vmem>> -> memref<1x80x64xf32, #tpu.memory_space<vmem>>
      %dma_wait3A_740 = tpu.memref_squeeze %dma_wait3A_739 : memref<1x80x64xf32, #tpu.memory_space<vmem>> -> memref<80x64xf32, #tpu.memory_space<vmem>>
      %dma_wait3A_741 = arith.constant 0 : i32
      %dma_wait3A_742 = tpu.memref_slice %arg8[%dma_wait3A_735, %dma_wait3A_741] : memref<5x80xi32, #tpu.memory_space<vmem>> -> memref<1x80xi32, #tpu.memory_space<vmem>>
      %dma_wait3A_743 = tpu.memref_squeeze %dma_wait3A_742 : memref<1x80xi32, #tpu.memory_space<vmem>> -> memref<80xi32, #tpu.memory_space<vmem>>
      %dma_wait3A_744 = arith.constant 0 : i32
      %dma_wait3A_745 = arith.constant 0 : i32
      %dma_wait3A_746 = tpu.memref_slice %arg10[%dma_wait3A_744, %dma_wait3A_745] : memref<10240x64xf32, #tpu.memory_space<vmem_shared>> -> memref<10240x64xf32, #tpu.memory_space<vmem_shared>>
      %dma_wait3A_747 = tpu.memref_slice %arg13[%dma_wait3A_736] : memref<5x!tpu.dma_semaphore, #tpu.memory_space<semaphore_mem>> -> memref<1x!tpu.dma_semaphore, #tpu.memory_space<semaphore_mem>>
      %dma_wait3A_748 = tpu.memref_squeeze %dma_wait3A_747 : memref<1x!tpu.dma_semaphore, #tpu.memory_space<semaphore_mem>> -> memref<!tpu.dma_semaphore, #tpu.memory_space<semaphore_mem>>
      tpu.wait_indirect_dma semaphore(%dma_wait3A_748 : memref<!tpu.dma_semaphore, #tpu.memory_space<semaphore_mem>>) src(%dma_wait3A_740 : memref<80x64xf32, #tpu.memory_space<vmem>>) dst(%dma_wait3A_746 : memref<10240x64xf32, #tpu.memory_space<vmem_shared>>)
      %add3A_749 = arith.constant 5 : i32
      %add3A_750 = arith.addi %add3A_441, %add3A_749 : i32
      %add3A_751 = arith.constant 1 : i32
      %add3A_752 = arith.addi %add3A_750, %add3A_751 : i32
      %mul3A_753 = arith.constant 80 : i32
      %mul3A_754 = arith.muli %add3A_752, %mul3A_753 : i32
      %add3A_755 = arith.addi %mul3A_2, %mul3A_754 : i32
      %dma_start3A_756 = arith.constant 1 : i32
      %dma_start3A_757 = arith.constant 1 : i32
      %dma_start3A_758 = arith.constant 0 : i32
      %dma_start3A_759 = tpu.memref_slice %arg8[%dma_start3A_756, %dma_start3A_758] : memref<5x80xi32, #tpu.memory_space<vmem>> -> memref<1x80xi32, #tpu.memory_space<vmem>>
      %dma_start3A_760 = tpu.memref_squeeze %dma_start3A_759 : memref<1x80xi32, #tpu.memory_space<vmem>> -> memref<80xi32, #tpu.memory_space<vmem>>
      %dma_start3A_761 = tpu.memref_slice %arg4[%add3A_755] : memref<320000xi32, #tpu.memory_space<hbm>> -> memref<80xi32, #tpu.memory_space<hbm>>
      %dma_start3A_762 = tpu.memref_slice %arg12[%dma_start3A_757] : memref<5x!tpu.dma_semaphore, #tpu.memory_space<semaphore_mem>> -> memref<1x!tpu.dma_semaphore, #tpu.memory_space<semaphore_mem>>
      %dma_start3A_763 = tpu.memref_squeeze %dma_start3A_762 : memref<1x!tpu.dma_semaphore, #tpu.memory_space<semaphore_mem>> -> memref<!tpu.dma_semaphore, #tpu.memory_space<semaphore_mem>>
      %dma_start3A_764 = arith.constant 0 : i32
      %dma_start3A_765 = tpu.memref_slice %arg8[%dma_start3A_756, %dma_start3A_764] : memref<5x80xi32, #tpu.memory_space<vmem>> -> memref<1x80xi32, #tpu.memory_space<vmem>>
      %dma_start3A_766 = tpu.memref_squeeze %dma_start3A_765 : memref<1x80xi32, #tpu.memory_space<vmem>> -> memref<80xi32, #tpu.memory_space<vmem>>
      %dma_start3A_767 = tpu.memref_slice %arg4[%add3A_755] : memref<320000xi32, #tpu.memory_space<hbm>> -> memref<80xi32, #tpu.memory_space<hbm>>
      tpu.enqueue_dma source(%dma_start3A_767 : memref<80xi32, #tpu.memory_space<hbm>>) target(%dma_start3A_766 : memref<80xi32, #tpu.memory_space<vmem>>) target_semaphore(%dma_start3A_763 : memref<!tpu.dma_semaphore, #tpu.memory_space<semaphore_mem>>)
      %add3A_768 = arith.constant 5 : i32
      %add3A_769 = arith.addi %add3A_441, %add3A_768 : i32
      %add3A_770 = arith.constant 1 : i32
      %add3A_771 = arith.addi %add3A_769, %add3A_770 : i32
      %mul3A_772 = arith.constant 80 : i32
      %mul3A_773 = arith.muli %add3A_771, %mul3A_772 : i32
      %dma_start3A_774 = arith.constant 1 : i32
      %dma_start3A_775 = arith.constant 1 : i32
      %dma_start3A_776 = arith.constant 0 : i32
      %dma_start3A_777 = arith.constant 0 : i32
      %dma_start3A_778 = tpu.memref_slice %arg9[%dma_start3A_774, %dma_start3A_776, %dma_start3A_777] : memref<5x80x64xf32, #tpu.memory_space<vmem>> -> memref<1x80x64xf32, #tpu.memory_space<vmem>>
      %dma_start3A_779 = tpu.memref_squeeze %dma_start3A_778 : memref<1x80x64xf32, #tpu.memory_space<vmem>> -> memref<80x64xf32, #tpu.memory_space<vmem>>
      %dma_start3A_780 = tpu.memref_slice %arg7[%mul3A_773] : memref<10000xi32, #tpu.memory_space<vmem>> -> memref<80xi32, #tpu.memory_space<vmem>>
      %dma_start3A_781 = arith.constant 0 : i32
      %dma_start3A_782 = arith.constant 0 : i32
      %dma_start3A_783 = tpu.memref_slice %arg2[%dma_start3A_781, %dma_start3A_782] : memref<10000x64xf32, #tpu.memory_space<hbm>> -> memref<10000x64xf32, #tpu.memory_space<hbm>>
      %dma_start3A_784 = tpu.memref_slice %arg11[%dma_start3A_775] : memref<5x!tpu.dma_semaphore, #tpu.memory_space<semaphore_mem>> -> memref<1x!tpu.dma_semaphore, #tpu.memory_space<semaphore_mem>>
      %dma_start3A_785 = tpu.memref_squeeze %dma_start3A_784 : memref<1x!tpu.dma_semaphore, #tpu.memory_space<semaphore_mem>> -> memref<!tpu.dma_semaphore, #tpu.memory_space<semaphore_mem>>
      tpu.enqueue_indirect_dma source(%dma_start3A_783 : memref<10000x64xf32, #tpu.memory_space<hbm>>) target(%dma_start3A_779 : memref<80x64xf32, #tpu.memory_space<vmem>>) offsets(%dma_start3A_780 : memref<80xi32, #tpu.memory_space<vmem>>) semaphore(%dma_start3A_785 : memref<!tpu.dma_semaphore, #tpu.memory_space<semaphore_mem>>)
      %dma_wait3A_786 = arith.constant 2 : i32
      %dma_wait3A_787 = arith.constant 2 : i32
      %dma_wait3A_788 = arith.constant 2 : i32
      %dma_wait3A_789 = arith.constant 0 : i32
      %dma_wait3A_790 = arith.constant 0 : i32
      %dma_wait3A_791 = tpu.memref_slice %arg9[%dma_wait3A_786, %dma_wait3A_789, %dma_wait3A_790] : memref<5x80x64xf32, #tpu.memory_space<vmem>> -> memref<1x80x64xf32, #tpu.memory_space<vmem>>
      %dma_wait3A_792 = tpu.memref_squeeze %dma_wait3A_791 : memref<1x80x64xf32, #tpu.memory_space<vmem>> -> memref<80x64xf32, #tpu.memory_space<vmem>>
      %dma_wait3A_793 = arith.constant 0 : i32
      %dma_wait3A_794 = tpu.memref_slice %arg8[%dma_wait3A_787, %dma_wait3A_793] : memref<5x80xi32, #tpu.memory_space<vmem>> -> memref<1x80xi32, #tpu.memory_space<vmem>>
      %dma_wait3A_795 = tpu.memref_squeeze %dma_wait3A_794 : memref<1x80xi32, #tpu.memory_space<vmem>> -> memref<80xi32, #tpu.memory_space<vmem>>
      %dma_wait3A_796 = arith.constant 0 : i32
      %dma_wait3A_797 = arith.constant 0 : i32
      %dma_wait3A_798 = tpu.memref_slice %arg10[%dma_wait3A_796, %dma_wait3A_797] : memref<10240x64xf32, #tpu.memory_space<vmem_shared>> -> memref<10240x64xf32, #tpu.memory_space<vmem_shared>>
      %dma_wait3A_799 = tpu.memref_slice %arg13[%dma_wait3A_788] : memref<5x!tpu.dma_semaphore, #tpu.memory_space<semaphore_mem>> -> memref<1x!tpu.dma_semaphore, #tpu.memory_space<semaphore_mem>>
      %dma_wait3A_800 = tpu.memref_squeeze %dma_wait3A_799 : memref<1x!tpu.dma_semaphore, #tpu.memory_space<semaphore_mem>> -> memref<!tpu.dma_semaphore, #tpu.memory_space<semaphore_mem>>
      tpu.wait_indirect_dma semaphore(%dma_wait3A_800 : memref<!tpu.dma_semaphore, #tpu.memory_space<semaphore_mem>>) src(%dma_wait3A_792 : memref<80x64xf32, #tpu.memory_space<vmem>>) dst(%dma_wait3A_798 : memref<10240x64xf32, #tpu.memory_space<vmem_shared>>)
      %add3A_801 = arith.constant 5 : i32
      %add3A_802 = arith.addi %add3A_441, %add3A_801 : i32
      %add3A_803 = arith.constant 2 : i32
      %add3A_804 = arith.addi %add3A_802, %add3A_803 : i32
      %mul3A_805 = arith.constant 80 : i32
      %mul3A_806 = arith.muli %add3A_804, %mul3A_805 : i32
      %add3A_807 = arith.addi %mul3A_2, %mul3A_806 : i32
      %dma_start3A_808 = arith.constant 2 : i32
      %dma_start3A_809 = arith.constant 2 : i32
      %dma_start3A_810 = arith.constant 0 : i32
      %dma_start3A_811 = tpu.memref_slice %arg8[%dma_start3A_808, %dma_start3A_810] : memref<5x80xi32, #tpu.memory_space<vmem>> -> memref<1x80xi32, #tpu.memory_space<vmem>>
      %dma_start3A_812 = tpu.memref_squeeze %dma_start3A_811 : memref<1x80xi32, #tpu.memory_space<vmem>> -> memref<80xi32, #tpu.memory_space<vmem>>
      %dma_start3A_813 = tpu.memref_slice %arg4[%add3A_807] : memref<320000xi32, #tpu.memory_space<hbm>> -> memref<80xi32, #tpu.memory_space<hbm>>
      %dma_start3A_814 = tpu.memref_slice %arg12[%dma_start3A_809] : memref<5x!tpu.dma_semaphore, #tpu.memory_space<semaphore_mem>> -> memref<1x!tpu.dma_semaphore, #tpu.memory_space<semaphore_mem>>
      %dma_start3A_815 = tpu.memref_squeeze %dma_start3A_814 : memref<1x!tpu.dma_semaphore, #tpu.memory_space<semaphore_mem>> -> memref<!tpu.dma_semaphore, #tpu.memory_space<semaphore_mem>>
      %dma_start3A_816 = arith.constant 0 : i32
      %dma_start3A_817 = tpu.memref_slice %arg8[%dma_start3A_808, %dma_start3A_816] : memref<5x80xi32, #tpu.memory_space<vmem>> -> memref<1x80xi32, #tpu.memory_space<vmem>>
      %dma_start3A_818 = tpu.memref_squeeze %dma_start3A_817 : memref<1x80xi32, #tpu.memory_space<vmem>> -> memref<80xi32, #tpu.memory_space<vmem>>
      %dma_start3A_819 = tpu.memref_slice %arg4[%add3A_807] : memref<320000xi32, #tpu.memory_space<hbm>> -> memref<80xi32, #tpu.memory_space<hbm>>
      tpu.enqueue_dma source(%dma_start3A_819 : memref<80xi32, #tpu.memory_space<hbm>>) target(%dma_start3A_818 : memref<80xi32, #tpu.memory_space<vmem>>) target_semaphore(%dma_start3A_815 : memref<!tpu.dma_semaphore, #tpu.memory_space<semaphore_mem>>)
      %add3A_820 = arith.constant 5 : i32
      %add3A_821 = arith.addi %add3A_441, %add3A_820 : i32
      %add3A_822 = arith.constant 2 : i32
      %add3A_823 = arith.addi %add3A_821, %add3A_822 : i32
      %mul3A_824 = arith.constant 80 : i32
      %mul3A_825 = arith.muli %add3A_823, %mul3A_824 : i32
      %dma_start3A_826 = arith.constant 2 : i32
      %dma_start3A_827 = arith.constant 2 : i32
      %dma_start3A_828 = arith.constant 0 : i32
      %dma_start3A_829 = arith.constant 0 : i32
      %dma_start3A_830 = tpu.memref_slice %arg9[%dma_start3A_826, %dma_start3A_828, %dma_start3A_829] : memref<5x80x64xf32, #tpu.memory_space<vmem>> -> memref<1x80x64xf32, #tpu.memory_space<vmem>>
      %dma_start3A_831 = tpu.memref_squeeze %dma_start3A_830 : memref<1x80x64xf32, #tpu.memory_space<vmem>> -> memref<80x64xf32, #tpu.memory_space<vmem>>
      %dma_start3A_832 = tpu.memref_slice %arg7[%mul3A_825] : memref<10000xi32, #tpu.memory_space<vmem>> -> memref<80xi32, #tpu.memory_space<vmem>>
      %dma_start3A_833 = arith.constant 0 : i32
      %dma_start3A_834 = arith.constant 0 : i32
      %dma_start3A_835 = tpu.memref_slice %arg2[%dma_start3A_833, %dma_start3A_834] : memref<10000x64xf32, #tpu.memory_space<hbm>> -> memref<10000x64xf32, #tpu.memory_space<hbm>>
      %dma_start3A_836 = tpu.memref_slice %arg11[%dma_start3A_827] : memref<5x!tpu.dma_semaphore, #tpu.memory_space<semaphore_mem>> -> memref<1x!tpu.dma_semaphore, #tpu.memory_space<semaphore_mem>>
      %dma_start3A_837 = tpu.memref_squeeze %dma_start3A_836 : memref<1x!tpu.dma_semaphore, #tpu.memory_space<semaphore_mem>> -> memref<!tpu.dma_semaphore, #tpu.memory_space<semaphore_mem>>
      tpu.enqueue_indirect_dma source(%dma_start3A_835 : memref<10000x64xf32, #tpu.memory_space<hbm>>) target(%dma_start3A_831 : memref<80x64xf32, #tpu.memory_space<vmem>>) offsets(%dma_start3A_832 : memref<80xi32, #tpu.memory_space<vmem>>) semaphore(%dma_start3A_837 : memref<!tpu.dma_semaphore, #tpu.memory_space<semaphore_mem>>)
      %dma_wait3A_838 = arith.constant 3 : i32
      %dma_wait3A_839 = arith.constant 3 : i32
      %dma_wait3A_840 = arith.constant 3 : i32
      %dma_wait3A_841 = arith.constant 0 : i32
      %dma_wait3A_842 = arith.constant 0 : i32
      %dma_wait3A_843 = tpu.memref_slice %arg9[%dma_wait3A_838, %dma_wait3A_841, %dma_wait3A_842] : memref<5x80x64xf32, #tpu.memory_space<vmem>> -> memref<1x80x64xf32, #tpu.memory_space<vmem>>
      %dma_wait3A_844 = tpu.memref_squeeze %dma_wait3A_843 : memref<1x80x64xf32, #tpu.memory_space<vmem>> -> memref<80x64xf32, #tpu.memory_space<vmem>>
      %dma_wait3A_845 = arith.constant 0 : i32
      %dma_wait3A_846 = tpu.memref_slice %arg8[%dma_wait3A_839, %dma_wait3A_845] : memref<5x80xi32, #tpu.memory_space<vmem>> -> memref<1x80xi32, #tpu.memory_space<vmem>>
      %dma_wait3A_847 = tpu.memref_squeeze %dma_wait3A_846 : memref<1x80xi32, #tpu.memory_space<vmem>> -> memref<80xi32, #tpu.memory_space<vmem>>
      %dma_wait3A_848 = arith.constant 0 : i32
      %dma_wait3A_849 = arith.constant 0 : i32
      %dma_wait3A_850 = tpu.memref_slice %arg10[%dma_wait3A_848, %dma_wait3A_849] : memref<10240x64xf32, #tpu.memory_space<vmem_shared>> -> memref<10240x64xf32, #tpu.memory_space<vmem_shared>>
      %dma_wait3A_851 = tpu.memref_slice %arg13[%dma_wait3A_840] : memref<5x!tpu.dma_semaphore, #tpu.memory_space<semaphore_mem>> -> memref<1x!tpu.dma_semaphore, #tpu.memory_space<semaphore_mem>>
      %dma_wait3A_852 = tpu.memref_squeeze %dma_wait3A_851 : memref<1x!tpu.dma_semaphore, #tpu.memory_space<semaphore_mem>> -> memref<!tpu.dma_semaphore, #tpu.memory_space<semaphore_mem>>
      tpu.wait_indirect_dma semaphore(%dma_wait3A_852 : memref<!tpu.dma_semaphore, #tpu.memory_space<semaphore_mem>>) src(%dma_wait3A_844 : memref<80x64xf32, #tpu.memory_space<vmem>>) dst(%dma_wait3A_850 : memref<10240x64xf32, #tpu.memory_space<vmem_shared>>)
      %add3A_853 = arith.constant 5 : i32
      %add3A_854 = arith.addi %add3A_441, %add3A_853 : i32
      %add3A_855 = arith.constant 3 : i32
      %add3A_856 = arith.addi %add3A_854, %add3A_855 : i32
      %mul3A_857 = arith.constant 80 : i32
      %mul3A_858 = arith.muli %add3A_856, %mul3A_857 : i32
      %add3A_859 = arith.addi %mul3A_2, %mul3A_858 : i32
      %dma_start3A_860 = arith.constant 3 : i32
      %dma_start3A_861 = arith.constant 3 : i32
      %dma_start3A_862 = arith.constant 0 : i32
      %dma_start3A_863 = tpu.memref_slice %arg8[%dma_start3A_860, %dma_start3A_862] : memref<5x80xi32, #tpu.memory_space<vmem>> -> memref<1x80xi32, #tpu.memory_space<vmem>>
      %dma_start3A_864 = tpu.memref_squeeze %dma_start3A_863 : memref<1x80xi32, #tpu.memory_space<vmem>> -> memref<80xi32, #tpu.memory_space<vmem>>
      %dma_start3A_865 = tpu.memref_slice %arg4[%add3A_859] : memref<320000xi32, #tpu.memory_space<hbm>> -> memref<80xi32, #tpu.memory_space<hbm>>
      %dma_start3A_866 = tpu.memref_slice %arg12[%dma_start3A_861] : memref<5x!tpu.dma_semaphore, #tpu.memory_space<semaphore_mem>> -> memref<1x!tpu.dma_semaphore, #tpu.memory_space<semaphore_mem>>
      %dma_start3A_867 = tpu.memref_squeeze %dma_start3A_866 : memref<1x!tpu.dma_semaphore, #tpu.memory_space<semaphore_mem>> -> memref<!tpu.dma_semaphore, #tpu.memory_space<semaphore_mem>>
      %dma_start3A_868 = arith.constant 0 : i32
      %dma_start3A_869 = tpu.memref_slice %arg8[%dma_start3A_860, %dma_start3A_868] : memref<5x80xi32, #tpu.memory_space<vmem>> -> memref<1x80xi32, #tpu.memory_space<vmem>>
      %dma_start3A_870 = tpu.memref_squeeze %dma_start3A_869 : memref<1x80xi32, #tpu.memory_space<vmem>> -> memref<80xi32, #tpu.memory_space<vmem>>
      %dma_start3A_871 = tpu.memref_slice %arg4[%add3A_859] : memref<320000xi32, #tpu.memory_space<hbm>> -> memref<80xi32, #tpu.memory_space<hbm>>
      tpu.enqueue_dma source(%dma_start3A_871 : memref<80xi32, #tpu.memory_space<hbm>>) target(%dma_start3A_870 : memref<80xi32, #tpu.memory_space<vmem>>) target_semaphore(%dma_start3A_867 : memref<!tpu.dma_semaphore, #tpu.memory_space<semaphore_mem>>)
      %add3A_872 = arith.constant 5 : i32
      %add3A_873 = arith.addi %add3A_441, %add3A_872 : i32
      %add3A_874 = arith.constant 3 : i32
      %add3A_875 = arith.addi %add3A_873, %add3A_874 : i32
      %mul3A_876 = arith.constant 80 : i32
      %mul3A_877 = arith.muli %add3A_875, %mul3A_876 : i32
      %dma_start3A_878 = arith.constant 3 : i32
      %dma_start3A_879 = arith.constant 3 : i32
      %dma_start3A_880 = arith.constant 0 : i32
      %dma_start3A_881 = arith.constant 0 : i32
      %dma_start3A_882 = tpu.memref_slice %arg9[%dma_start3A_878, %dma_start3A_880, %dma_start3A_881] : memref<5x80x64xf32, #tpu.memory_space<vmem>> -> memref<1x80x64xf32, #tpu.memory_space<vmem>>
      %dma_start3A_883 = tpu.memref_squeeze %dma_start3A_882 : memref<1x80x64xf32, #tpu.memory_space<vmem>> -> memref<80x64xf32, #tpu.memory_space<vmem>>
      %dma_start3A_884 = tpu.memref_slice %arg7[%mul3A_877] : memref<10000xi32, #tpu.memory_space<vmem>> -> memref<80xi32, #tpu.memory_space<vmem>>
      %dma_start3A_885 = arith.constant 0 : i32
      %dma_start3A_886 = arith.constant 0 : i32
      %dma_start3A_887 = tpu.memref_slice %arg2[%dma_start3A_885, %dma_start3A_886] : memref<10000x64xf32, #tpu.memory_space<hbm>> -> memref<10000x64xf32, #tpu.memory_space<hbm>>
      %dma_start3A_888 = tpu.memref_slice %arg11[%dma_start3A_879] : memref<5x!tpu.dma_semaphore, #tpu.memory_space<semaphore_mem>> -> memref<1x!tpu.dma_semaphore, #tpu.memory_space<semaphore_mem>>
      %dma_start3A_889 = tpu.memref_squeeze %dma_start3A_888 : memref<1x!tpu.dma_semaphore, #tpu.memory_space<semaphore_mem>> -> memref<!tpu.dma_semaphore, #tpu.memory_space<semaphore_mem>>
      tpu.enqueue_indirect_dma source(%dma_start3A_887 : memref<10000x64xf32, #tpu.memory_space<hbm>>) target(%dma_start3A_883 : memref<80x64xf32, #tpu.memory_space<vmem>>) offsets(%dma_start3A_884 : memref<80xi32, #tpu.memory_space<vmem>>) semaphore(%dma_start3A_889 : memref<!tpu.dma_semaphore, #tpu.memory_space<semaphore_mem>>)
      %dma_wait3A_890 = arith.constant 4 : i32
      %dma_wait3A_891 = arith.constant 4 : i32
      %dma_wait3A_892 = arith.constant 4 : i32
      %dma_wait3A_893 = arith.constant 0 : i32
      %dma_wait3A_894 = arith.constant 0 : i32
      %dma_wait3A_895 = tpu.memref_slice %arg9[%dma_wait3A_890, %dma_wait3A_893, %dma_wait3A_894] : memref<5x80x64xf32, #tpu.memory_space<vmem>> -> memref<1x80x64xf32, #tpu.memory_space<vmem>>
      %dma_wait3A_896 = tpu.memref_squeeze %dma_wait3A_895 : memref<1x80x64xf32, #tpu.memory_space<vmem>> -> memref<80x64xf32, #tpu.memory_space<vmem>>
      %dma_wait3A_897 = arith.constant 0 : i32
      %dma_wait3A_898 = tpu.memref_slice %arg8[%dma_wait3A_891, %dma_wait3A_897] : memref<5x80xi32, #tpu.memory_space<vmem>> -> memref<1x80xi32, #tpu.memory_space<vmem>>
      %dma_wait3A_899 = tpu.memref_squeeze %dma_wait3A_898 : memref<1x80xi32, #tpu.memory_space<vmem>> -> memref<80xi32, #tpu.memory_space<vmem>>
      %dma_wait3A_900 = arith.constant 0 : i32
      %dma_wait3A_901 = arith.constant 0 : i32
      %dma_wait3A_902 = tpu.memref_slice %arg10[%dma_wait3A_900, %dma_wait3A_901] : memref<10240x64xf32, #tpu.memory_space<vmem_shared>> -> memref<10240x64xf32, #tpu.memory_space<vmem_shared>>
      %dma_wait3A_903 = tpu.memref_slice %arg13[%dma_wait3A_892] : memref<5x!tpu.dma_semaphore, #tpu.memory_space<semaphore_mem>> -> memref<1x!tpu.dma_semaphore, #tpu.memory_space<semaphore_mem>>
      %dma_wait3A_904 = tpu.memref_squeeze %dma_wait3A_903 : memref<1x!tpu.dma_semaphore, #tpu.memory_space<semaphore_mem>> -> memref<!tpu.dma_semaphore, #tpu.memory_space<semaphore_mem>>
      tpu.wait_indirect_dma semaphore(%dma_wait3A_904 : memref<!tpu.dma_semaphore, #tpu.memory_space<semaphore_mem>>) src(%dma_wait3A_896 : memref<80x64xf32, #tpu.memory_space<vmem>>) dst(%dma_wait3A_902 : memref<10240x64xf32, #tpu.memory_space<vmem_shared>>)
      %add3A_905 = arith.constant 5 : i32
      %add3A_906 = arith.addi %add3A_441, %add3A_905 : i32
      %add3A_907 = arith.constant 4 : i32
      %add3A_908 = arith.addi %add3A_906, %add3A_907 : i32
      %mul3A_909 = arith.constant 80 : i32
      %mul3A_910 = arith.muli %add3A_908, %mul3A_909 : i32
      %add3A_911 = arith.addi %mul3A_2, %mul3A_910 : i32
      %dma_start3A_912 = arith.constant 4 : i32
      %dma_start3A_913 = arith.constant 4 : i32
      %dma_start3A_914 = arith.constant 0 : i32
      %dma_start3A_915 = tpu.memref_slice %arg8[%dma_start3A_912, %dma_start3A_914] : memref<5x80xi32, #tpu.memory_space<vmem>> -> memref<1x80xi32, #tpu.memory_space<vmem>>
      %dma_start3A_916 = tpu.memref_squeeze %dma_start3A_915 : memref<1x80xi32, #tpu.memory_space<vmem>> -> memref<80xi32, #tpu.memory_space<vmem>>
      %dma_start3A_917 = tpu.memref_slice %arg4[%add3A_911] : memref<320000xi32, #tpu.memory_space<hbm>> -> memref<80xi32, #tpu.memory_space<hbm>>
      %dma_start3A_918 = tpu.memref_slice %arg12[%dma_start3A_913] : memref<5x!tpu.dma_semaphore, #tpu.memory_space<semaphore_mem>> -> memref<1x!tpu.dma_semaphore, #tpu.memory_space<semaphore_mem>>
      %dma_start3A_919 = tpu.memref_squeeze %dma_start3A_918 : memref<1x!tpu.dma_semaphore, #tpu.memory_space<semaphore_mem>> -> memref<!tpu.dma_semaphore, #tpu.memory_space<semaphore_mem>>
      %dma_start3A_920 = arith.constant 0 : i32
      %dma_start3A_921 = tpu.memref_slice %arg8[%dma_start3A_912, %dma_start3A_920] : memref<5x80xi32, #tpu.memory_space<vmem>> -> memref<1x80xi32, #tpu.memory_space<vmem>>
      %dma_start3A_922 = tpu.memref_squeeze %dma_start3A_921 : memref<1x80xi32, #tpu.memory_space<vmem>> -> memref<80xi32, #tpu.memory_space<vmem>>
      %dma_start3A_923 = tpu.memref_slice %arg4[%add3A_911] : memref<320000xi32, #tpu.memory_space<hbm>> -> memref<80xi32, #tpu.memory_space<hbm>>
      tpu.enqueue_dma source(%dma_start3A_923 : memref<80xi32, #tpu.memory_space<hbm>>) target(%dma_start3A_922 : memref<80xi32, #tpu.memory_space<vmem>>) target_semaphore(%dma_start3A_919 : memref<!tpu.dma_semaphore, #tpu.memory_space<semaphore_mem>>)
      %add3A_924 = arith.constant 5 : i32
      %add3A_925 = arith.addi %add3A_441, %add3A_924 : i32
      %add3A_926 = arith.constant 4 : i32
      %add3A_927 = arith.addi %add3A_925, %add3A_926 : i32
      %mul3A_928 = arith.constant 80 : i32
      %mul3A_929 = arith.muli %add3A_927, %mul3A_928 : i32
      %dma_start3A_930 = arith.constant 4 : i32
      %dma_start3A_931 = arith.constant 4 : i32
      %dma_start3A_932 = arith.constant 0 : i32
      %dma_start3A_933 = arith.constant 0 : i32
      %dma_start3A_934 = tpu.memref_slice %arg9[%dma_start3A_930, %dma_start3A_932, %dma_start3A_933] : memref<5x80x64xf32, #tpu.memory_space<vmem>> -> memref<1x80x64xf32, #tpu.memory_space<vmem>>
      %dma_start3A_935 = tpu.memref_squeeze %dma_start3A_934 : memref<1x80x64xf32, #tpu.memory_space<vmem>> -> memref<80x64xf32, #tpu.memory_space<vmem>>
      %dma_start3A_936 = tpu.memref_slice %arg7[%mul3A_929] : memref<10000xi32, #tpu.memory_space<vmem>> -> memref<80xi32, #tpu.memory_space<vmem>>
      %dma_start3A_937 = arith.constant 0 : i32
      %dma_start3A_938 = arith.constant 0 : i32
      %dma_start3A_939 = tpu.memref_slice %arg2[%dma_start3A_937, %dma_start3A_938] : memref<10000x64xf32, #tpu.memory_space<hbm>> -> memref<10000x64xf32, #tpu.memory_space<hbm>>
      %dma_start3A_940 = tpu.memref_slice %arg11[%dma_start3A_931] : memref<5x!tpu.dma_semaphore, #tpu.memory_space<semaphore_mem>> -> memref<1x!tpu.dma_semaphore, #tpu.memory_space<semaphore_mem>>
      %dma_start3A_941 = tpu.memref_squeeze %dma_start3A_940 : memref<1x!tpu.dma_semaphore, #tpu.memory_space<semaphore_mem>> -> memref<!tpu.dma_semaphore, #tpu.memory_space<semaphore_mem>>
      tpu.enqueue_indirect_dma source(%dma_start3A_939 : memref<10000x64xf32, #tpu.memory_space<hbm>>) target(%dma_start3A_935 : memref<80x64xf32, #tpu.memory_space<vmem>>) offsets(%dma_start3A_936 : memref<80xi32, #tpu.memory_space<vmem>>) semaphore(%dma_start3A_941 : memref<!tpu.dma_semaphore, #tpu.memory_space<semaphore_mem>>)
    }
    %scan3A_144 = arith.constant 24 : i32
    %add3A_145 = arith.constant 9600 : i32
    %add3A_146 = arith.addi %mul3A_2, %add3A_145 : i32
    %dma_wait3A = arith.constant 0 : i32
    %dma_wait3A_147 = arith.constant 0 : i32
    %dma_wait3A_148 = arith.constant 0 : i32
    %dma_wait3A_149 = tpu.memref_slice %arg8[%dma_wait3A, %dma_wait3A_148] : memref<5x80xi32, #tpu.memory_space<vmem>> -> memref<1x80xi32, #tpu.memory_space<vmem>>
    %dma_wait3A_150 = tpu.memref_squeeze %dma_wait3A_149 : memref<1x80xi32, #tpu.memory_space<vmem>> -> memref<80xi32, #tpu.memory_space<vmem>>
    %dma_wait3A_151 = tpu.memref_slice %arg4[%add3A_146] : memref<320000xi32, #tpu.memory_space<hbm>> -> memref<80xi32, #tpu.memory_space<hbm>>
    %dma_wait3A_152 = tpu.memref_slice %arg12[%dma_wait3A_147] : memref<5x!tpu.dma_semaphore, #tpu.memory_space<semaphore_mem>> -> memref<1x!tpu.dma_semaphore, #tpu.memory_space<semaphore_mem>>
    %dma_wait3A_153 = tpu.memref_squeeze %dma_wait3A_152 : memref<1x!tpu.dma_semaphore, #tpu.memory_space<semaphore_mem>> -> memref<!tpu.dma_semaphore, #tpu.memory_space<semaphore_mem>>
    %dma_wait3A_154 = arith.constant 0 : i32
    %dma_wait3A_155 = tpu.memref_slice %arg8[%dma_wait3A, %dma_wait3A_154] : memref<5x80xi32, #tpu.memory_space<vmem>> -> memref<1x80xi32, #tpu.memory_space<vmem>>
    %dma_wait3A_156 = tpu.memref_squeeze %dma_wait3A_155 : memref<1x80xi32, #tpu.memory_space<vmem>> -> memref<80xi32, #tpu.memory_space<vmem>>
    %dma_wait3A_157 = tpu.memref_slice %arg4[%add3A_146] : memref<320000xi32, #tpu.memory_space<hbm>> -> memref<80xi32, #tpu.memory_space<hbm>>
    tpu.wait_dma2 semaphore(%dma_wait3A_153 : memref<!tpu.dma_semaphore, #tpu.memory_space<semaphore_mem>>) src(%dma_wait3A_157 : memref<80xi32, #tpu.memory_space<hbm>>) dst(%dma_wait3A_156 : memref<80xi32, #tpu.memory_space<vmem>>)
    %dma_wait3A_158 = arith.constant 0 : i32
    %dma_wait3A_159 = arith.constant 0 : i32
    %dma_wait3A_160 = arith.constant 0 : i32
    %dma_wait3A_161 = arith.constant 0 : i32
    %dma_wait3A_162 = tpu.memref_slice %arg9[%dma_wait3A_158, %dma_wait3A_160, %dma_wait3A_161] : memref<5x80x64xf32, #tpu.memory_space<vmem>> -> memref<1x80x64xf32, #tpu.memory_space<vmem>>
    %dma_wait3A_163 = tpu.memref_squeeze %dma_wait3A_162 : memref<1x80x64xf32, #tpu.memory_space<vmem>> -> memref<80x64xf32, #tpu.memory_space<vmem>>
    %dma_wait3A_164 = arith.constant 9600 : i32
    %dma_wait3A_165 = tpu.memref_slice %arg7[%dma_wait3A_164] : memref<10000xi32, #tpu.memory_space<vmem>> -> memref<80xi32, #tpu.memory_space<vmem>>
    %dma_wait3A_166 = arith.constant 0 : i32
    %dma_wait3A_167 = arith.constant 0 : i32
    %dma_wait3A_168 = tpu.memref_slice %arg2[%dma_wait3A_166, %dma_wait3A_167] : memref<10000x64xf32, #tpu.memory_space<hbm>> -> memref<10000x64xf32, #tpu.memory_space<hbm>>
    %dma_wait3A_169 = tpu.memref_slice %arg11[%dma_wait3A_159] : memref<5x!tpu.dma_semaphore, #tpu.memory_space<semaphore_mem>> -> memref<1x!tpu.dma_semaphore, #tpu.memory_space<semaphore_mem>>
    %dma_wait3A_170 = tpu.memref_squeeze %dma_wait3A_169 : memref<1x!tpu.dma_semaphore, #tpu.memory_space<semaphore_mem>> -> memref<!tpu.dma_semaphore, #tpu.memory_space<semaphore_mem>>
    tpu.wait_indirect_dma semaphore(%dma_wait3A_170 : memref<!tpu.dma_semaphore, #tpu.memory_space<semaphore_mem>>) src(%dma_wait3A_168 : memref<10000x64xf32, #tpu.memory_space<hbm>>) dst(%dma_wait3A_163 : memref<80x64xf32, #tpu.memory_space<vmem>>)
    %dma_start3A_171 = arith.constant 0 : i32
    %dma_start3A_172 = arith.constant 0 : i32
    %dma_start3A_173 = arith.constant 0 : i32
    %dma_start3A_174 = arith.constant 0 : i32
    %dma_start3A_175 = arith.constant 0 : i32
    %dma_start3A_176 = tpu.memref_slice %arg9[%dma_start3A_171, %dma_start3A_174, %dma_start3A_175] : memref<5x80x64xf32, #tpu.memory_space<vmem>> -> memref<1x80x64xf32, #tpu.memory_space<vmem>>
    %dma_start3A_177 = tpu.memref_squeeze %dma_start3A_176 : memref<1x80x64xf32, #tpu.memory_space<vmem>> -> memref<80x64xf32, #tpu.memory_space<vmem>>
    %dma_start3A_178 = arith.constant 0 : i32
    %dma_start3A_179 = tpu.memref_slice %arg8[%dma_start3A_172, %dma_start3A_178] : memref<5x80xi32, #tpu.memory_space<vmem>> -> memref<1x80xi32, #tpu.memory_space<vmem>>
    %dma_start3A_180 = tpu.memref_squeeze %dma_start3A_179 : memref<1x80xi32, #tpu.memory_space<vmem>> -> memref<80xi32, #tpu.memory_space<vmem>>
    %dma_start3A_181 = arith.constant 0 : i32
    %dma_start3A_182 = arith.constant 0 : i32
    %dma_start3A_183 = tpu.memref_slice %arg10[%dma_start3A_181, %dma_start3A_182] : memref<10240x64xf32, #tpu.memory_space<vmem_shared>> -> memref<10240x64xf32, #tpu.memory_space<vmem_shared>>
    %dma_start3A_184 = tpu.memref_slice %arg13[%dma_start3A_173] : memref<5x!tpu.dma_semaphore, #tpu.memory_space<semaphore_mem>> -> memref<1x!tpu.dma_semaphore, #tpu.memory_space<semaphore_mem>>
    %dma_start3A_185 = tpu.memref_squeeze %dma_start3A_184 : memref<1x!tpu.dma_semaphore, #tpu.memory_space<semaphore_mem>> -> memref<!tpu.dma_semaphore, #tpu.memory_space<semaphore_mem>>
    tpu.enqueue_indirect_dma source(%dma_start3A_177 : memref<80x64xf32, #tpu.memory_space<vmem>>) target(%dma_start3A_183 : memref<10240x64xf32, #tpu.memory_space<vmem_shared>>) offsets(%dma_start3A_180 : memref<80xi32, #tpu.memory_space<vmem>>) semaphore(%dma_start3A_185 : memref<!tpu.dma_semaphore, #tpu.memory_space<semaphore_mem>>) {add = true}
    %add3A_186 = arith.constant 9680 : i32
    %add3A_187 = arith.addi %mul3A_2, %add3A_186 : i32
    %dma_wait3A_188 = arith.constant 1 : i32
    %dma_wait3A_189 = arith.constant 1 : i32
    %dma_wait3A_190 = arith.constant 0 : i32
    %dma_wait3A_191 = tpu.memref_slice %arg8[%dma_wait3A_188, %dma_wait3A_190] : memref<5x80xi32, #tpu.memory_space<vmem>> -> memref<1x80xi32, #tpu.memory_space<vmem>>
    %dma_wait3A_192 = tpu.memref_squeeze %dma_wait3A_191 : memref<1x80xi32, #tpu.memory_space<vmem>> -> memref<80xi32, #tpu.memory_space<vmem>>
    %dma_wait3A_193 = tpu.memref_slice %arg4[%add3A_187] : memref<320000xi32, #tpu.memory_space<hbm>> -> memref<80xi32, #tpu.memory_space<hbm>>
    %dma_wait3A_194 = tpu.memref_slice %arg12[%dma_wait3A_189] : memref<5x!tpu.dma_semaphore, #tpu.memory_space<semaphore_mem>> -> memref<1x!tpu.dma_semaphore, #tpu.memory_space<semaphore_mem>>
    %dma_wait3A_195 = tpu.memref_squeeze %dma_wait3A_194 : memref<1x!tpu.dma_semaphore, #tpu.memory_space<semaphore_mem>> -> memref<!tpu.dma_semaphore, #tpu.memory_space<semaphore_mem>>
    %dma_wait3A_196 = arith.constant 0 : i32
    %dma_wait3A_197 = tpu.memref_slice %arg8[%dma_wait3A_188, %dma_wait3A_196] : memref<5x80xi32, #tpu.memory_space<vmem>> -> memref<1x80xi32, #tpu.memory_space<vmem>>
    %dma_wait3A_198 = tpu.memref_squeeze %dma_wait3A_197 : memref<1x80xi32, #tpu.memory_space<vmem>> -> memref<80xi32, #tpu.memory_space<vmem>>
    %dma_wait3A_199 = tpu.memref_slice %arg4[%add3A_187] : memref<320000xi32, #tpu.memory_space<hbm>> -> memref<80xi32, #tpu.memory_space<hbm>>
    tpu.wait_dma2 semaphore(%dma_wait3A_195 : memref<!tpu.dma_semaphore, #tpu.memory_space<semaphore_mem>>) src(%dma_wait3A_199 : memref<80xi32, #tpu.memory_space<hbm>>) dst(%dma_wait3A_198 : memref<80xi32, #tpu.memory_space<vmem>>)
    %dma_wait3A_200 = arith.constant 1 : i32
    %dma_wait3A_201 = arith.constant 1 : i32
    %dma_wait3A_202 = arith.constant 0 : i32
    %dma_wait3A_203 = arith.constant 0 : i32
    %dma_wait3A_204 = tpu.memref_slice %arg9[%dma_wait3A_200, %dma_wait3A_202, %dma_wait3A_203] : memref<5x80x64xf32, #tpu.memory_space<vmem>> -> memref<1x80x64xf32, #tpu.memory_space<vmem>>
    %dma_wait3A_205 = tpu.memref_squeeze %dma_wait3A_204 : memref<1x80x64xf32, #tpu.memory_space<vmem>> -> memref<80x64xf32, #tpu.memory_space<vmem>>
    %dma_wait3A_206 = arith.constant 9680 : i32
    %dma_wait3A_207 = tpu.memref_slice %arg7[%dma_wait3A_206] : memref<10000xi32, #tpu.memory_space<vmem>> -> memref<80xi32, #tpu.memory_space<vmem>>
    %dma_wait3A_208 = arith.constant 0 : i32
    %dma_wait3A_209 = arith.constant 0 : i32
    %dma_wait3A_210 = tpu.memref_slice %arg2[%dma_wait3A_208, %dma_wait3A_209] : memref<10000x64xf32, #tpu.memory_space<hbm>> -> memref<10000x64xf32, #tpu.memory_space<hbm>>
    %dma_wait3A_211 = tpu.memref_slice %arg11[%dma_wait3A_201] : memref<5x!tpu.dma_semaphore, #tpu.memory_space<semaphore_mem>> -> memref<1x!tpu.dma_semaphore, #tpu.memory_space<semaphore_mem>>
    %dma_wait3A_212 = tpu.memref_squeeze %dma_wait3A_211 : memref<1x!tpu.dma_semaphore, #tpu.memory_space<semaphore_mem>> -> memref<!tpu.dma_semaphore, #tpu.memory_space<semaphore_mem>>
    tpu.wait_indirect_dma semaphore(%dma_wait3A_212 : memref<!tpu.dma_semaphore, #tpu.memory_space<semaphore_mem>>) src(%dma_wait3A_210 : memref<10000x64xf32, #tpu.memory_space<hbm>>) dst(%dma_wait3A_205 : memref<80x64xf32, #tpu.memory_space<vmem>>)
    %dma_start3A_213 = arith.constant 1 : i32
    %dma_start3A_214 = arith.constant 1 : i32
    %dma_start3A_215 = arith.constant 1 : i32
    %dma_start3A_216 = arith.constant 0 : i32
    %dma_start3A_217 = arith.constant 0 : i32
    %dma_start3A_218 = tpu.memref_slice %arg9[%dma_start3A_213, %dma_start3A_216, %dma_start3A_217] : memref<5x80x64xf32, #tpu.memory_space<vmem>> -> memref<1x80x64xf32, #tpu.memory_space<vmem>>
    %dma_start3A_219 = tpu.memref_squeeze %dma_start3A_218 : memref<1x80x64xf32, #tpu.memory_space<vmem>> -> memref<80x64xf32, #tpu.memory_space<vmem>>
    %dma_start3A_220 = arith.constant 0 : i32
    %dma_start3A_221 = tpu.memref_slice %arg8[%dma_start3A_214, %dma_start3A_220] : memref<5x80xi32, #tpu.memory_space<vmem>> -> memref<1x80xi32, #tpu.memory_space<vmem>>
    %dma_start3A_222 = tpu.memref_squeeze %dma_start3A_221 : memref<1x80xi32, #tpu.memory_space<vmem>> -> memref<80xi32, #tpu.memory_space<vmem>>
    %dma_start3A_223 = arith.constant 0 : i32
    %dma_start3A_224 = arith.constant 0 : i32
    %dma_start3A_225 = tpu.memref_slice %arg10[%dma_start3A_223, %dma_start3A_224] : memref<10240x64xf32, #tpu.memory_space<vmem_shared>> -> memref<10240x64xf32, #tpu.memory_space<vmem_shared>>
    %dma_start3A_226 = tpu.memref_slice %arg13[%dma_start3A_215] : memref<5x!tpu.dma_semaphore, #tpu.memory_space<semaphore_mem>> -> memref<1x!tpu.dma_semaphore, #tpu.memory_space<semaphore_mem>>
    %dma_start3A_227 = tpu.memref_squeeze %dma_start3A_226 : memref<1x!tpu.dma_semaphore, #tpu.memory_space<semaphore_mem>> -> memref<!tpu.dma_semaphore, #tpu.memory_space<semaphore_mem>>
    tpu.enqueue_indirect_dma source(%dma_start3A_219 : memref<80x64xf32, #tpu.memory_space<vmem>>) target(%dma_start3A_225 : memref<10240x64xf32, #tpu.memory_space<vmem_shared>>) offsets(%dma_start3A_222 : memref<80xi32, #tpu.memory_space<vmem>>) semaphore(%dma_start3A_227 : memref<!tpu.dma_semaphore, #tpu.memory_space<semaphore_mem>>) {add = true}
    %add3A_228 = arith.constant 9760 : i32
    %add3A_229 = arith.addi %mul3A_2, %add3A_228 : i32
    %dma_wait3A_230 = arith.constant 2 : i32
    %dma_wait3A_231 = arith.constant 2 : i32
    %dma_wait3A_232 = arith.constant 0 : i32
    %dma_wait3A_233 = tpu.memref_slice %arg8[%dma_wait3A_230, %dma_wait3A_232] : memref<5x80xi32, #tpu.memory_space<vmem>> -> memref<1x80xi32, #tpu.memory_space<vmem>>
    %dma_wait3A_234 = tpu.memref_squeeze %dma_wait3A_233 : memref<1x80xi32, #tpu.memory_space<vmem>> -> memref<80xi32, #tpu.memory_space<vmem>>
    %dma_wait3A_235 = tpu.memref_slice %arg4[%add3A_229] : memref<320000xi32, #tpu.memory_space<hbm>> -> memref<80xi32, #tpu.memory_space<hbm>>
    %dma_wait3A_236 = tpu.memref_slice %arg12[%dma_wait3A_231] : memref<5x!tpu.dma_semaphore, #tpu.memory_space<semaphore_mem>> -> memref<1x!tpu.dma_semaphore, #tpu.memory_space<semaphore_mem>>
    %dma_wait3A_237 = tpu.memref_squeeze %dma_wait3A_236 : memref<1x!tpu.dma_semaphore, #tpu.memory_space<semaphore_mem>> -> memref<!tpu.dma_semaphore, #tpu.memory_space<semaphore_mem>>
    %dma_wait3A_238 = arith.constant 0 : i32
    %dma_wait3A_239 = tpu.memref_slice %arg8[%dma_wait3A_230, %dma_wait3A_238] : memref<5x80xi32, #tpu.memory_space<vmem>> -> memref<1x80xi32, #tpu.memory_space<vmem>>
    %dma_wait3A_240 = tpu.memref_squeeze %dma_wait3A_239 : memref<1x80xi32, #tpu.memory_space<vmem>> -> memref<80xi32, #tpu.memory_space<vmem>>
    %dma_wait3A_241 = tpu.memref_slice %arg4[%add3A_229] : memref<320000xi32, #tpu.memory_space<hbm>> -> memref<80xi32, #tpu.memory_space<hbm>>
    tpu.wait_dma2 semaphore(%dma_wait3A_237 : memref<!tpu.dma_semaphore, #tpu.memory_space<semaphore_mem>>) src(%dma_wait3A_241 : memref<80xi32, #tpu.memory_space<hbm>>) dst(%dma_wait3A_240 : memref<80xi32, #tpu.memory_space<vmem>>)
    %dma_wait3A_242 = arith.constant 2 : i32
    %dma_wait3A_243 = arith.constant 2 : i32
    %dma_wait3A_244 = arith.constant 0 : i32
    %dma_wait3A_245 = arith.constant 0 : i32
    %dma_wait3A_246 = tpu.memref_slice %arg9[%dma_wait3A_242, %dma_wait3A_244, %dma_wait3A_245] : memref<5x80x64xf32, #tpu.memory_space<vmem>> -> memref<1x80x64xf32, #tpu.memory_space<vmem>>
    %dma_wait3A_247 = tpu.memref_squeeze %dma_wait3A_246 : memref<1x80x64xf32, #tpu.memory_space<vmem>> -> memref<80x64xf32, #tpu.memory_space<vmem>>
    %dma_wait3A_248 = arith.constant 9760 : i32
    %dma_wait3A_249 = tpu.memref_slice %arg7[%dma_wait3A_248] : memref<10000xi32, #tpu.memory_space<vmem>> -> memref<80xi32, #tpu.memory_space<vmem>>
    %dma_wait3A_250 = arith.constant 0 : i32
    %dma_wait3A_251 = arith.constant 0 : i32
    %dma_wait3A_252 = tpu.memref_slice %arg2[%dma_wait3A_250, %dma_wait3A_251] : memref<10000x64xf32, #tpu.memory_space<hbm>> -> memref<10000x64xf32, #tpu.memory_space<hbm>>
    %dma_wait3A_253 = tpu.memref_slice %arg11[%dma_wait3A_243] : memref<5x!tpu.dma_semaphore, #tpu.memory_space<semaphore_mem>> -> memref<1x!tpu.dma_semaphore, #tpu.memory_space<semaphore_mem>>
    %dma_wait3A_254 = tpu.memref_squeeze %dma_wait3A_253 : memref<1x!tpu.dma_semaphore, #tpu.memory_space<semaphore_mem>> -> memref<!tpu.dma_semaphore, #tpu.memory_space<semaphore_mem>>
    tpu.wait_indirect_dma semaphore(%dma_wait3A_254 : memref<!tpu.dma_semaphore, #tpu.memory_space<semaphore_mem>>) src(%dma_wait3A_252 : memref<10000x64xf32, #tpu.memory_space<hbm>>) dst(%dma_wait3A_247 : memref<80x64xf32, #tpu.memory_space<vmem>>)
    %dma_start3A_255 = arith.constant 2 : i32
    %dma_start3A_256 = arith.constant 2 : i32
    %dma_start3A_257 = arith.constant 2 : i32
    %dma_start3A_258 = arith.constant 0 : i32
    %dma_start3A_259 = arith.constant 0 : i32
    %dma_start3A_260 = tpu.memref_slice %arg9[%dma_start3A_255, %dma_start3A_258, %dma_start3A_259] : memref<5x80x64xf32, #tpu.memory_space<vmem>> -> memref<1x80x64xf32, #tpu.memory_space<vmem>>
    %dma_start3A_261 = tpu.memref_squeeze %dma_start3A_260 : memref<1x80x64xf32, #tpu.memory_space<vmem>> -> memref<80x64xf32, #tpu.memory_space<vmem>>
    %dma_start3A_262 = arith.constant 0 : i32
    %dma_start3A_263 = tpu.memref_slice %arg8[%dma_start3A_256, %dma_start3A_262] : memref<5x80xi32, #tpu.memory_space<vmem>> -> memref<1x80xi32, #tpu.memory_space<vmem>>
    %dma_start3A_264 = tpu.memref_squeeze %dma_start3A_263 : memref<1x80xi32, #tpu.memory_space<vmem>> -> memref<80xi32, #tpu.memory_space<vmem>>
    %dma_start3A_265 = arith.constant 0 : i32
    %dma_start3A_266 = arith.constant 0 : i32
    %dma_start3A_267 = tpu.memref_slice %arg10[%dma_start3A_265, %dma_start3A_266] : memref<10240x64xf32, #tpu.memory_space<vmem_shared>> -> memref<10240x64xf32, #tpu.memory_space<vmem_shared>>
    %dma_start3A_268 = tpu.memref_slice %arg13[%dma_start3A_257] : memref<5x!tpu.dma_semaphore, #tpu.memory_space<semaphore_mem>> -> memref<1x!tpu.dma_semaphore, #tpu.memory_space<semaphore_mem>>
    %dma_start3A_269 = tpu.memref_squeeze %dma_start3A_268 : memref<1x!tpu.dma_semaphore, #tpu.memory_space<semaphore_mem>> -> memref<!tpu.dma_semaphore, #tpu.memory_space<semaphore_mem>>
    tpu.enqueue_indirect_dma source(%dma_start3A_261 : memref<80x64xf32, #tpu.memory_space<vmem>>) target(%dma_start3A_267 : memref<10240x64xf32, #tpu.memory_space<vmem_shared>>) offsets(%dma_start3A_264 : memref<80xi32, #tpu.memory_space<vmem>>) semaphore(%dma_start3A_269 : memref<!tpu.dma_semaphore, #tpu.memory_space<semaphore_mem>>) {add = true}
    %add3A_270 = arith.constant 9840 : i32
    %add3A_271 = arith.addi %mul3A_2, %add3A_270 : i32
    %dma_wait3A_272 = arith.constant 3 : i32
    %dma_wait3A_273 = arith.constant 3 : i32
    %dma_wait3A_274 = arith.constant 0 : i32
    %dma_wait3A_275 = tpu.memref_slice %arg8[%dma_wait3A_272, %dma_wait3A_274] : memref<5x80xi32, #tpu.memory_space<vmem>> -> memref<1x80xi32, #tpu.memory_space<vmem>>
    %dma_wait3A_276 = tpu.memref_squeeze %dma_wait3A_275 : memref<1x80xi32, #tpu.memory_space<vmem>> -> memref<80xi32, #tpu.memory_space<vmem>>
    %dma_wait3A_277 = tpu.memref_slice %arg4[%add3A_271] : memref<320000xi32, #tpu.memory_space<hbm>> -> memref<80xi32, #tpu.memory_space<hbm>>
    %dma_wait3A_278 = tpu.memref_slice %arg12[%dma_wait3A_273] : memref<5x!tpu.dma_semaphore, #tpu.memory_space<semaphore_mem>> -> memref<1x!tpu.dma_semaphore, #tpu.memory_space<semaphore_mem>>
    %dma_wait3A_279 = tpu.memref_squeeze %dma_wait3A_278 : memref<1x!tpu.dma_semaphore, #tpu.memory_space<semaphore_mem>> -> memref<!tpu.dma_semaphore, #tpu.memory_space<semaphore_mem>>
    %dma_wait3A_280 = arith.constant 0 : i32
    %dma_wait3A_281 = tpu.memref_slice %arg8[%dma_wait3A_272, %dma_wait3A_280] : memref<5x80xi32, #tpu.memory_space<vmem>> -> memref<1x80xi32, #tpu.memory_space<vmem>>
    %dma_wait3A_282 = tpu.memref_squeeze %dma_wait3A_281 : memref<1x80xi32, #tpu.memory_space<vmem>> -> memref<80xi32, #tpu.memory_space<vmem>>
    %dma_wait3A_283 = tpu.memref_slice %arg4[%add3A_271] : memref<320000xi32, #tpu.memory_space<hbm>> -> memref<80xi32, #tpu.memory_space<hbm>>
    tpu.wait_dma2 semaphore(%dma_wait3A_279 : memref<!tpu.dma_semaphore, #tpu.memory_space<semaphore_mem>>) src(%dma_wait3A_283 : memref<80xi32, #tpu.memory_space<hbm>>) dst(%dma_wait3A_282 : memref<80xi32, #tpu.memory_space<vmem>>)
    %dma_wait3A_284 = arith.constant 3 : i32
    %dma_wait3A_285 = arith.constant 3 : i32
    %dma_wait3A_286 = arith.constant 0 : i32
    %dma_wait3A_287 = arith.constant 0 : i32
    %dma_wait3A_288 = tpu.memref_slice %arg9[%dma_wait3A_284, %dma_wait3A_286, %dma_wait3A_287] : memref<5x80x64xf32, #tpu.memory_space<vmem>> -> memref<1x80x64xf32, #tpu.memory_space<vmem>>
    %dma_wait3A_289 = tpu.memref_squeeze %dma_wait3A_288 : memref<1x80x64xf32, #tpu.memory_space<vmem>> -> memref<80x64xf32, #tpu.memory_space<vmem>>
    %dma_wait3A_290 = arith.constant 9840 : i32
    %dma_wait3A_291 = tpu.memref_slice %arg7[%dma_wait3A_290] : memref<10000xi32, #tpu.memory_space<vmem>> -> memref<80xi32, #tpu.memory_space<vmem>>
    %dma_wait3A_292 = arith.constant 0 : i32
    %dma_wait3A_293 = arith.constant 0 : i32
    %dma_wait3A_294 = tpu.memref_slice %arg2[%dma_wait3A_292, %dma_wait3A_293] : memref<10000x64xf32, #tpu.memory_space<hbm>> -> memref<10000x64xf32, #tpu.memory_space<hbm>>
    %dma_wait3A_295 = tpu.memref_slice %arg11[%dma_wait3A_285] : memref<5x!tpu.dma_semaphore, #tpu.memory_space<semaphore_mem>> -> memref<1x!tpu.dma_semaphore, #tpu.memory_space<semaphore_mem>>
    %dma_wait3A_296 = tpu.memref_squeeze %dma_wait3A_295 : memref<1x!tpu.dma_semaphore, #tpu.memory_space<semaphore_mem>> -> memref<!tpu.dma_semaphore, #tpu.memory_space<semaphore_mem>>
    tpu.wait_indirect_dma semaphore(%dma_wait3A_296 : memref<!tpu.dma_semaphore, #tpu.memory_space<semaphore_mem>>) src(%dma_wait3A_294 : memref<10000x64xf32, #tpu.memory_space<hbm>>) dst(%dma_wait3A_289 : memref<80x64xf32, #tpu.memory_space<vmem>>)
    %dma_start3A_297 = arith.constant 3 : i32
    %dma_start3A_298 = arith.constant 3 : i32
    %dma_start3A_299 = arith.constant 3 : i32
    %dma_start3A_300 = arith.constant 0 : i32
    %dma_start3A_301 = arith.constant 0 : i32
    %dma_start3A_302 = tpu.memref_slice %arg9[%dma_start3A_297, %dma_start3A_300, %dma_start3A_301] : memref<5x80x64xf32, #tpu.memory_space<vmem>> -> memref<1x80x64xf32, #tpu.memory_space<vmem>>
    %dma_start3A_303 = tpu.memref_squeeze %dma_start3A_302 : memref<1x80x64xf32, #tpu.memory_space<vmem>> -> memref<80x64xf32, #tpu.memory_space<vmem>>
    %dma_start3A_304 = arith.constant 0 : i32
    %dma_start3A_305 = tpu.memref_slice %arg8[%dma_start3A_298, %dma_start3A_304] : memref<5x80xi32, #tpu.memory_space<vmem>> -> memref<1x80xi32, #tpu.memory_space<vmem>>
    %dma_start3A_306 = tpu.memref_squeeze %dma_start3A_305 : memref<1x80xi32, #tpu.memory_space<vmem>> -> memref<80xi32, #tpu.memory_space<vmem>>
    %dma_start3A_307 = arith.constant 0 : i32
    %dma_start3A_308 = arith.constant 0 : i32
    %dma_start3A_309 = tpu.memref_slice %arg10[%dma_start3A_307, %dma_start3A_308] : memref<10240x64xf32, #tpu.memory_space<vmem_shared>> -> memref<10240x64xf32, #tpu.memory_space<vmem_shared>>
    %dma_start3A_310 = tpu.memref_slice %arg13[%dma_start3A_299] : memref<5x!tpu.dma_semaphore, #tpu.memory_space<semaphore_mem>> -> memref<1x!tpu.dma_semaphore, #tpu.memory_space<semaphore_mem>>
    %dma_start3A_311 = tpu.memref_squeeze %dma_start3A_310 : memref<1x!tpu.dma_semaphore, #tpu.memory_space<semaphore_mem>> -> memref<!tpu.dma_semaphore, #tpu.memory_space<semaphore_mem>>
    tpu.enqueue_indirect_dma source(%dma_start3A_303 : memref<80x64xf32, #tpu.memory_space<vmem>>) target(%dma_start3A_309 : memref<10240x64xf32, #tpu.memory_space<vmem_shared>>) offsets(%dma_start3A_306 : memref<80xi32, #tpu.memory_space<vmem>>) semaphore(%dma_start3A_311 : memref<!tpu.dma_semaphore, #tpu.memory_space<semaphore_mem>>) {add = true}
    %add3A_312 = arith.constant 9920 : i32
    %add3A_313 = arith.addi %mul3A_2, %add3A_312 : i32
    %dma_wait3A_314 = arith.constant 4 : i32
    %dma_wait3A_315 = arith.constant 4 : i32
    %dma_wait3A_316 = arith.constant 0 : i32
    %dma_wait3A_317 = tpu.memref_slice %arg8[%dma_wait3A_314, %dma_wait3A_316] : memref<5x80xi32, #tpu.memory_space<vmem>> -> memref<1x80xi32, #tpu.memory_space<vmem>>
    %dma_wait3A_318 = tpu.memref_squeeze %dma_wait3A_317 : memref<1x80xi32, #tpu.memory_space<vmem>> -> memref<80xi32, #tpu.memory_space<vmem>>
    %dma_wait3A_319 = tpu.memref_slice %arg4[%add3A_313] : memref<320000xi32, #tpu.memory_space<hbm>> -> memref<80xi32, #tpu.memory_space<hbm>>
    %dma_wait3A_320 = tpu.memref_slice %arg12[%dma_wait3A_315] : memref<5x!tpu.dma_semaphore, #tpu.memory_space<semaphore_mem>> -> memref<1x!tpu.dma_semaphore, #tpu.memory_space<semaphore_mem>>
    %dma_wait3A_321 = tpu.memref_squeeze %dma_wait3A_320 : memref<1x!tpu.dma_semaphore, #tpu.memory_space<semaphore_mem>> -> memref<!tpu.dma_semaphore, #tpu.memory_space<semaphore_mem>>
    %dma_wait3A_322 = arith.constant 0 : i32
    %dma_wait3A_323 = tpu.memref_slice %arg8[%dma_wait3A_314, %dma_wait3A_322] : memref<5x80xi32, #tpu.memory_space<vmem>> -> memref<1x80xi32, #tpu.memory_space<vmem>>
    %dma_wait3A_324 = tpu.memref_squeeze %dma_wait3A_323 : memref<1x80xi32, #tpu.memory_space<vmem>> -> memref<80xi32, #tpu.memory_space<vmem>>
    %dma_wait3A_325 = tpu.memref_slice %arg4[%add3A_313] : memref<320000xi32, #tpu.memory_space<hbm>> -> memref<80xi32, #tpu.memory_space<hbm>>
    tpu.wait_dma2 semaphore(%dma_wait3A_321 : memref<!tpu.dma_semaphore, #tpu.memory_space<semaphore_mem>>) src(%dma_wait3A_325 : memref<80xi32, #tpu.memory_space<hbm>>) dst(%dma_wait3A_324 : memref<80xi32, #tpu.memory_space<vmem>>)
    %dma_wait3A_326 = arith.constant 4 : i32
    %dma_wait3A_327 = arith.constant 4 : i32
    %dma_wait3A_328 = arith.constant 0 : i32
    %dma_wait3A_329 = arith.constant 0 : i32
    %dma_wait3A_330 = tpu.memref_slice %arg9[%dma_wait3A_326, %dma_wait3A_328, %dma_wait3A_329] : memref<5x80x64xf32, #tpu.memory_space<vmem>> -> memref<1x80x64xf32, #tpu.memory_space<vmem>>
    %dma_wait3A_331 = tpu.memref_squeeze %dma_wait3A_330 : memref<1x80x64xf32, #tpu.memory_space<vmem>> -> memref<80x64xf32, #tpu.memory_space<vmem>>
    %dma_wait3A_332 = arith.constant 9920 : i32
    %dma_wait3A_333 = tpu.memref_slice %arg7[%dma_wait3A_332] : memref<10000xi32, #tpu.memory_space<vmem>> -> memref<80xi32, #tpu.memory_space<vmem>>
    %dma_wait3A_334 = arith.constant 0 : i32
    %dma_wait3A_335 = arith.constant 0 : i32
    %dma_wait3A_336 = tpu.memref_slice %arg2[%dma_wait3A_334, %dma_wait3A_335] : memref<10000x64xf32, #tpu.memory_space<hbm>> -> memref<10000x64xf32, #tpu.memory_space<hbm>>
    %dma_wait3A_337 = tpu.memref_slice %arg11[%dma_wait3A_327] : memref<5x!tpu.dma_semaphore, #tpu.memory_space<semaphore_mem>> -> memref<1x!tpu.dma_semaphore, #tpu.memory_space<semaphore_mem>>
    %dma_wait3A_338 = tpu.memref_squeeze %dma_wait3A_337 : memref<1x!tpu.dma_semaphore, #tpu.memory_space<semaphore_mem>> -> memref<!tpu.dma_semaphore, #tpu.memory_space<semaphore_mem>>
    tpu.wait_indirect_dma semaphore(%dma_wait3A_338 : memref<!tpu.dma_semaphore, #tpu.memory_space<semaphore_mem>>) src(%dma_wait3A_336 : memref<10000x64xf32, #tpu.memory_space<hbm>>) dst(%dma_wait3A_331 : memref<80x64xf32, #tpu.memory_space<vmem>>)
    %dma_start3A_339 = arith.constant 4 : i32
    %dma_start3A_340 = arith.constant 4 : i32
    %dma_start3A_341 = arith.constant 4 : i32
    %dma_start3A_342 = arith.constant 0 : i32
    %dma_start3A_343 = arith.constant 0 : i32
    %dma_start3A_344 = tpu.memref_slice %arg9[%dma_start3A_339, %dma_start3A_342, %dma_start3A_343] : memref<5x80x64xf32, #tpu.memory_space<vmem>> -> memref<1x80x64xf32, #tpu.memory_space<vmem>>
    %dma_start3A_345 = tpu.memref_squeeze %dma_start3A_344 : memref<1x80x64xf32, #tpu.memory_space<vmem>> -> memref<80x64xf32, #tpu.memory_space<vmem>>
    %dma_start3A_346 = arith.constant 0 : i32
    %dma_start3A_347 = tpu.memref_slice %arg8[%dma_start3A_340, %dma_start3A_346] : memref<5x80xi32, #tpu.memory_space<vmem>> -> memref<1x80xi32, #tpu.memory_space<vmem>>
    %dma_start3A_348 = tpu.memref_squeeze %dma_start3A_347 : memref<1x80xi32, #tpu.memory_space<vmem>> -> memref<80xi32, #tpu.memory_space<vmem>>
    %dma_start3A_349 = arith.constant 0 : i32
    %dma_start3A_350 = arith.constant 0 : i32
    %dma_start3A_351 = tpu.memref_slice %arg10[%dma_start3A_349, %dma_start3A_350] : memref<10240x64xf32, #tpu.memory_space<vmem_shared>> -> memref<10240x64xf32, #tpu.memory_space<vmem_shared>>
    %dma_start3A_352 = tpu.memref_slice %arg13[%dma_start3A_341] : memref<5x!tpu.dma_semaphore, #tpu.memory_space<semaphore_mem>> -> memref<1x!tpu.dma_semaphore, #tpu.memory_space<semaphore_mem>>
    %dma_start3A_353 = tpu.memref_squeeze %dma_start3A_352 : memref<1x!tpu.dma_semaphore, #tpu.memory_space<semaphore_mem>> -> memref<!tpu.dma_semaphore, #tpu.memory_space<semaphore_mem>>
    tpu.enqueue_indirect_dma source(%dma_start3A_345 : memref<80x64xf32, #tpu.memory_space<vmem>>) target(%dma_start3A_351 : memref<10240x64xf32, #tpu.memory_space<vmem_shared>>) offsets(%dma_start3A_348 : memref<80xi32, #tpu.memory_space<vmem>>) semaphore(%dma_start3A_353 : memref<!tpu.dma_semaphore, #tpu.memory_space<semaphore_mem>>) {add = true}
    %dma_wait3A_354 = arith.constant 0 : i32
    %dma_wait3A_355 = arith.constant 0 : i32
    %dma_wait3A_356 = arith.constant 0 : i32
    %dma_wait3A_357 = arith.constant 0 : i32
    %dma_wait3A_358 = arith.constant 0 : i32
    %dma_wait3A_359 = tpu.memref_slice %arg9[%dma_wait3A_354, %dma_wait3A_357, %dma_wait3A_358] : memref<5x80x64xf32, #tpu.memory_space<vmem>> -> memref<1x80x64xf32, #tpu.memory_space<vmem>>
    %dma_wait3A_360 = tpu.memref_squeeze %dma_wait3A_359 : memref<1x80x64xf32, #tpu.memory_space<vmem>> -> memref<80x64xf32, #tpu.memory_space<vmem>>
    %dma_wait3A_361 = arith.constant 0 : i32
    %dma_wait3A_362 = tpu.memref_slice %arg8[%dma_wait3A_355, %dma_wait3A_361] : memref<5x80xi32, #tpu.memory_space<vmem>> -> memref<1x80xi32, #tpu.memory_space<vmem>>
    %dma_wait3A_363 = tpu.memref_squeeze %dma_wait3A_362 : memref<1x80xi32, #tpu.memory_space<vmem>> -> memref<80xi32, #tpu.memory_space<vmem>>
    %dma_wait3A_364 = arith.constant 0 : i32
    %dma_wait3A_365 = arith.constant 0 : i32
    %dma_wait3A_366 = tpu.memref_slice %arg10[%dma_wait3A_364, %dma_wait3A_365] : memref<10240x64xf32, #tpu.memory_space<vmem_shared>> -> memref<10240x64xf32, #tpu.memory_space<vmem_shared>>
    %dma_wait3A_367 = tpu.memref_slice %arg13[%dma_wait3A_356] : memref<5x!tpu.dma_semaphore, #tpu.memory_space<semaphore_mem>> -> memref<1x!tpu.dma_semaphore, #tpu.memory_space<semaphore_mem>>
    %dma_wait3A_368 = tpu.memref_squeeze %dma_wait3A_367 : memref<1x!tpu.dma_semaphore, #tpu.memory_space<semaphore_mem>> -> memref<!tpu.dma_semaphore, #tpu.memory_space<semaphore_mem>>
    tpu.wait_indirect_dma semaphore(%dma_wait3A_368 : memref<!tpu.dma_semaphore, #tpu.memory_space<semaphore_mem>>) src(%dma_wait3A_360 : memref<80x64xf32, #tpu.memory_space<vmem>>) dst(%dma_wait3A_366 : memref<10240x64xf32, #tpu.memory_space<vmem_shared>>)
    %dma_wait3A_369 = arith.constant 1 : i32
    %dma_wait3A_370 = arith.constant 1 : i32
    %dma_wait3A_371 = arith.constant 1 : i32
    %dma_wait3A_372 = arith.constant 0 : i32
    %dma_wait3A_373 = arith.constant 0 : i32
    %dma_wait3A_374 = tpu.memref_slice %arg9[%dma_wait3A_369, %dma_wait3A_372, %dma_wait3A_373] : memref<5x80x64xf32, #tpu.memory_space<vmem>> -> memref<1x80x64xf32, #tpu.memory_space<vmem>>
    %dma_wait3A_375 = tpu.memref_squeeze %dma_wait3A_374 : memref<1x80x64xf32, #tpu.memory_space<vmem>> -> memref<80x64xf32, #tpu.memory_space<vmem>>
    %dma_wait3A_376 = arith.constant 0 : i32
    %dma_wait3A_377 = tpu.memref_slice %arg8[%dma_wait3A_370, %dma_wait3A_376] : memref<5x80xi32, #tpu.memory_space<vmem>> -> memref<1x80xi32, #tpu.memory_space<vmem>>
    %dma_wait3A_378 = tpu.memref_squeeze %dma_wait3A_377 : memref<1x80xi32, #tpu.memory_space<vmem>> -> memref<80xi32, #tpu.memory_space<vmem>>
    %dma_wait3A_379 = arith.constant 0 : i32
    %dma_wait3A_380 = arith.constant 0 : i32
    %dma_wait3A_381 = tpu.memref_slice %arg10[%dma_wait3A_379, %dma_wait3A_380] : memref<10240x64xf32, #tpu.memory_space<vmem_shared>> -> memref<10240x64xf32, #tpu.memory_space<vmem_shared>>
    %dma_wait3A_382 = tpu.memref_slice %arg13[%dma_wait3A_371] : memref<5x!tpu.dma_semaphore, #tpu.memory_space<semaphore_mem>> -> memref<1x!tpu.dma_semaphore, #tpu.memory_space<semaphore_mem>>
    %dma_wait3A_383 = tpu.memref_squeeze %dma_wait3A_382 : memref<1x!tpu.dma_semaphore, #tpu.memory_space<semaphore_mem>> -> memref<!tpu.dma_semaphore, #tpu.memory_space<semaphore_mem>>
    tpu.wait_indirect_dma semaphore(%dma_wait3A_383 : memref<!tpu.dma_semaphore, #tpu.memory_space<semaphore_mem>>) src(%dma_wait3A_375 : memref<80x64xf32, #tpu.memory_space<vmem>>) dst(%dma_wait3A_381 : memref<10240x64xf32, #tpu.memory_space<vmem_shared>>)
    %dma_wait3A_384 = arith.constant 2 : i32
    %dma_wait3A_385 = arith.constant 2 : i32
    %dma_wait3A_386 = arith.constant 2 : i32
    %dma_wait3A_387 = arith.constant 0 : i32
    %dma_wait3A_388 = arith.constant 0 : i32
    %dma_wait3A_389 = tpu.memref_slice %arg9[%dma_wait3A_384, %dma_wait3A_387, %dma_wait3A_388] : memref<5x80x64xf32, #tpu.memory_space<vmem>> -> memref<1x80x64xf32, #tpu.memory_space<vmem>>
    %dma_wait3A_390 = tpu.memref_squeeze %dma_wait3A_389 : memref<1x80x64xf32, #tpu.memory_space<vmem>> -> memref<80x64xf32, #tpu.memory_space<vmem>>
    %dma_wait3A_391 = arith.constant 0 : i32
    %dma_wait3A_392 = tpu.memref_slice %arg8[%dma_wait3A_385, %dma_wait3A_391] : memref<5x80xi32, #tpu.memory_space<vmem>> -> memref<1x80xi32, #tpu.memory_space<vmem>>
    %dma_wait3A_393 = tpu.memref_squeeze %dma_wait3A_392 : memref<1x80xi32, #tpu.memory_space<vmem>> -> memref<80xi32, #tpu.memory_space<vmem>>
    %dma_wait3A_394 = arith.constant 0 : i32
    %dma_wait3A_395 = arith.constant 0 : i32
    %dma_wait3A_396 = tpu.memref_slice %arg10[%dma_wait3A_394, %dma_wait3A_395] : memref<10240x64xf32, #tpu.memory_space<vmem_shared>> -> memref<10240x64xf32, #tpu.memory_space<vmem_shared>>
    %dma_wait3A_397 = tpu.memref_slice %arg13[%dma_wait3A_386] : memref<5x!tpu.dma_semaphore, #tpu.memory_space<semaphore_mem>> -> memref<1x!tpu.dma_semaphore, #tpu.memory_space<semaphore_mem>>
    %dma_wait3A_398 = tpu.memref_squeeze %dma_wait3A_397 : memref<1x!tpu.dma_semaphore, #tpu.memory_space<semaphore_mem>> -> memref<!tpu.dma_semaphore, #tpu.memory_space<semaphore_mem>>
    tpu.wait_indirect_dma semaphore(%dma_wait3A_398 : memref<!tpu.dma_semaphore, #tpu.memory_space<semaphore_mem>>) src(%dma_wait3A_390 : memref<80x64xf32, #tpu.memory_space<vmem>>) dst(%dma_wait3A_396 : memref<10240x64xf32, #tpu.memory_space<vmem_shared>>)
    %dma_wait3A_399 = arith.constant 3 : i32
    %dma_wait3A_400 = arith.constant 3 : i32
    %dma_wait3A_401 = arith.constant 3 : i32
    %dma_wait3A_402 = arith.constant 0 : i32
    %dma_wait3A_403 = arith.constant 0 : i32
    %dma_wait3A_404 = tpu.memref_slice %arg9[%dma_wait3A_399, %dma_wait3A_402, %dma_wait3A_403] : memref<5x80x64xf32, #tpu.memory_space<vmem>> -> memref<1x80x64xf32, #tpu.memory_space<vmem>>
    %dma_wait3A_405 = tpu.memref_squeeze %dma_wait3A_404 : memref<1x80x64xf32, #tpu.memory_space<vmem>> -> memref<80x64xf32, #tpu.memory_space<vmem>>
    %dma_wait3A_406 = arith.constant 0 : i32
    %dma_wait3A_407 = tpu.memref_slice %arg8[%dma_wait3A_400, %dma_wait3A_406] : memref<5x80xi32, #tpu.memory_space<vmem>> -> memref<1x80xi32, #tpu.memory_space<vmem>>
    %dma_wait3A_408 = tpu.memref_squeeze %dma_wait3A_407 : memref<1x80xi32, #tpu.memory_space<vmem>> -> memref<80xi32, #tpu.memory_space<vmem>>
    %dma_wait3A_409 = arith.constant 0 : i32
    %dma_wait3A_410 = arith.constant 0 : i32
    %dma_wait3A_411 = tpu.memref_slice %arg10[%dma_wait3A_409, %dma_wait3A_410] : memref<10240x64xf32, #tpu.memory_space<vmem_shared>> -> memref<10240x64xf32, #tpu.memory_space<vmem_shared>>
    %dma_wait3A_412 = tpu.memref_slice %arg13[%dma_wait3A_401] : memref<5x!tpu.dma_semaphore, #tpu.memory_space<semaphore_mem>> -> memref<1x!tpu.dma_semaphore, #tpu.memory_space<semaphore_mem>>
    %dma_wait3A_413 = tpu.memref_squeeze %dma_wait3A_412 : memref<1x!tpu.dma_semaphore, #tpu.memory_space<semaphore_mem>> -> memref<!tpu.dma_semaphore, #tpu.memory_space<semaphore_mem>>
    tpu.wait_indirect_dma semaphore(%dma_wait3A_413 : memref<!tpu.dma_semaphore, #tpu.memory_space<semaphore_mem>>) src(%dma_wait3A_405 : memref<80x64xf32, #tpu.memory_space<vmem>>) dst(%dma_wait3A_411 : memref<10240x64xf32, #tpu.memory_space<vmem_shared>>)
    %dma_wait3A_414 = arith.constant 4 : i32
    %dma_wait3A_415 = arith.constant 4 : i32
    %dma_wait3A_416 = arith.constant 4 : i32
    %dma_wait3A_417 = arith.constant 0 : i32
    %dma_wait3A_418 = arith.constant 0 : i32
    %dma_wait3A_419 = tpu.memref_slice %arg9[%dma_wait3A_414, %dma_wait3A_417, %dma_wait3A_418] : memref<5x80x64xf32, #tpu.memory_space<vmem>> -> memref<1x80x64xf32, #tpu.memory_space<vmem>>
    %dma_wait3A_420 = tpu.memref_squeeze %dma_wait3A_419 : memref<1x80x64xf32, #tpu.memory_space<vmem>> -> memref<80x64xf32, #tpu.memory_space<vmem>>
    %dma_wait3A_421 = arith.constant 0 : i32
    %dma_wait3A_422 = tpu.memref_slice %arg8[%dma_wait3A_415, %dma_wait3A_421] : memref<5x80xi32, #tpu.memory_space<vmem>> -> memref<1x80xi32, #tpu.memory_space<vmem>>
    %dma_wait3A_423 = tpu.memref_squeeze %dma_wait3A_422 : memref<1x80xi32, #tpu.memory_space<vmem>> -> memref<80xi32, #tpu.memory_space<vmem>>
    %dma_wait3A_424 = arith.constant 0 : i32
    %dma_wait3A_425 = arith.constant 0 : i32
    %dma_wait3A_426 = tpu.memref_slice %arg10[%dma_wait3A_424, %dma_wait3A_425] : memref<10240x64xf32, #tpu.memory_space<vmem_shared>> -> memref<10240x64xf32, #tpu.memory_space<vmem_shared>>
    %dma_wait3A_427 = tpu.memref_slice %arg13[%dma_wait3A_416] : memref<5x!tpu.dma_semaphore, #tpu.memory_space<semaphore_mem>> -> memref<1x!tpu.dma_semaphore, #tpu.memory_space<semaphore_mem>>
    %dma_wait3A_428 = tpu.memref_squeeze %dma_wait3A_427 : memref<1x!tpu.dma_semaphore, #tpu.memory_space<semaphore_mem>> -> memref<!tpu.dma_semaphore, #tpu.memory_space<semaphore_mem>>
    tpu.wait_indirect_dma semaphore(%dma_wait3A_428 : memref<!tpu.dma_semaphore, #tpu.memory_space<semaphore_mem>>) src(%dma_wait3A_420 : memref<80x64xf32, #tpu.memory_space<vmem>>) dst(%dma_wait3A_426 : memref<10240x64xf32, #tpu.memory_space<vmem_shared>>)
    %barrier3A_429 = arith.constant 0 : index
    tpu.barrier barrier_id(%barrier3A_429)
    %mul3A_430 = arith.constant 640 : i32
    %mul3A_431 = arith.muli %arg1, %mul3A_430 : i32
    %mul3A_432 = arith.constant 10240 : i32
    %mul3A_433 = arith.muli %arg0, %mul3A_432 : i32
    %mul3A_434 = arith.constant 640 : i32
    %mul3A_435 = arith.muli %arg1, %mul3A_434 : i32
    %add3A_436 = arith.addi %mul3A_433, %mul3A_435 : i32
    "tpu.region"() ({
      %run_scoped3A = tpu.sem_alloc : memref<!tpu.dma_semaphore, #tpu.memory_space<semaphore_mem>>
      %dma_start3A_437 = arith.constant 0 : i32
      %dma_start3A_438 = tpu.memref_slice %arg6[%add3A_436, %dma_start3A_437] : memref<20480x64xf32, #tpu.memory_space<hbm>> -> memref<640x64xf32, #tpu.memory_space<hbm>>
      %dma_start3A_439 = arith.constant 0 : i32
      %dma_start3A_440 = tpu.memref_slice %arg10[%mul3A_431, %dma_start3A_439] : memref<10240x64xf32, #tpu.memory_space<vmem_shared>> -> memref<640x64xf32, #tpu.memory_space<vmem_shared>>
      tpu.enqueue_dma source(%dma_start3A_440 : memref<640x64xf32, #tpu.memory_space<vmem_shared>>) target(%dma_start3A_438 : memref<640x64xf32, #tpu.memory_space<hbm>>) target_semaphore(%run_scoped3A : memref<!tpu.dma_semaphore, #tpu.memory_space<semaphore_mem>>)
      %dma_wait3A_441 = arith.constant 0 : i32
      %dma_wait3A_442 = tpu.memref_slice %arg6[%add3A_436, %dma_wait3A_441] : memref<20480x64xf32, #tpu.memory_space<hbm>> -> memref<640x64xf32, #tpu.memory_space<hbm>>
      %dma_wait3A_443 = arith.constant 0 : i32
      %dma_wait3A_444 = tpu.memref_slice %arg10[%mul3A_431, %dma_wait3A_443] : memref<10240x64xf32, #tpu.memory_space<vmem_shared>> -> memref<640x64xf32, #tpu.memory_space<vmem_shared>>
      tpu.wait_dma2 semaphore(%run_scoped3A : memref<!tpu.dma_semaphore, #tpu.memory_space<semaphore_mem>>) src(%dma_wait3A_444 : memref<640x64xf32, #tpu.memory_space<vmem_shared>>) dst(%dma_wait3A_442 : memref<640x64xf32, #tpu.memory_space<hbm>>)
      tpu.yield
    }) : () -> ()
    return
  }
}

#map = affine_map<(d0, d1) -> (0, 0)>
#map1 = affine_map<(d0, d1) -> (0)>
module attributes {stable_mosaic.version = 14 : i64} {
  func.func @_sc_scatter(%arg0: i32, %arg1: i32, %arg2: memref<10000x64xf32, #tpu.memory_space<hbm>>, %arg3: memref<320000xi32, #tpu.memory_space<hbm>>, %arg4: memref<320000xi32, #tpu.memory_space<hbm>>, %arg5: memref<10240x64xf32, #tpu.memory_space<hbm>>, %arg6: memref<20480x64xf32, #tpu.memory_space<hbm>>, %arg7: memref<10000xi32, #tpu.memory_space<vmem>>, %arg8: memref<5x80xi32, #tpu.memory_space<vmem>>, %arg9: memref<5x80x64xf32, #tpu.memory_space<vmem>>, %arg10: memref<10240x64xf32, #tpu.memory_space<vmem_shared>>, %arg11: memref<5x!tpu.dma_semaphore, #tpu.memory_space<semaphore_mem>>, %arg12: memref<5x!tpu.dma_semaphore, #tpu.memory_space<semaphore_mem>>, %arg13: memref<5x!tpu.dma_semaphore, #tpu.memory_space<semaphore_mem>>) attributes {dimension_semantics = [#tpu.dimension_semantics<core_parallel>, #tpu.dimension_semantics<subcore_parallel>], iteration_bounds = array<i64: 2, 16>, scalar_prefetch = 0 : i64, scratch_operands = 7 : i64, tpu.core_type = #tpu.core_type<sc_vector_subcore>, window_params = [{transform_indices = #map}, {transform_indices = #map1}, {transform_indices = #map1}, {transform_indices = #map}, {transform_indices = #map}]} {
    %mul3A = arith.constant 16 : i32
    %mul3A_0 = arith.muli %arg0, %mul3A : i32
    %add3A = arith.addi %mul3A_0, %arg1 : i32
    %mul3A_1 = arith.constant 10000 : i32
    %mul3A_2 = arith.muli %add3A, %mul3A_1 : i32
    "tpu.region"() ({
      %run_scoped3A = tpu.sem_alloc : memref<!tpu.dma_semaphore, #tpu.memory_space<semaphore_mem>>
      %dma_start3A_437 = tpu.memref_slice %arg3[%mul3A_2] : memref<320000xi32, #tpu.memory_space<hbm>> -> memref<10000xi32, #tpu.memory_space<hbm>>
      %dma_start3A_438 = tpu.memref_slice %arg3[%mul3A_2] : memref<320000xi32, #tpu.memory_space<hbm>> -> memref<10000xi32, #tpu.memory_space<hbm>>
      tpu.enqueue_dma source(%dma_start3A_438 : memref<10000xi32, #tpu.memory_space<hbm>>) target(%arg7 : memref<10000xi32, #tpu.memory_space<vmem>>) target_semaphore(%run_scoped3A : memref<!tpu.dma_semaphore, #tpu.memory_space<semaphore_mem>>)
      %dma_wait3A_439 = tpu.memref_slice %arg3[%mul3A_2] : memref<320000xi32, #tpu.memory_space<hbm>> -> memref<10000xi32, #tpu.memory_space<hbm>>
      %dma_wait3A_440 = tpu.memref_slice %arg3[%mul3A_2] : memref<320000xi32, #tpu.memory_space<hbm>> -> memref<10000xi32, #tpu.memory_space<hbm>>
      tpu.wait_dma2 semaphore(%run_scoped3A : memref<!tpu.dma_semaphore, #tpu.memory_space<semaphore_mem>>) src(%dma_wait3A_440 : memref<10000xi32, #tpu.memory_space<hbm>>) dst(%arg7 : memref<10000xi32, #tpu.memory_space<vmem>>)
      tpu.yield
    }) : () -> ()
    %mul3A_3 = arith.constant 640 : i32
    %mul3A_4 = arith.muli %arg1, %mul3A_3 : i32
    %mul3A_5 = arith.constant 640 : i32
    %mul3A_6 = arith.muli %arg1, %mul3A_5 : i32
    "tpu.region"() ({
      %run_scoped3A = tpu.sem_alloc : memref<!tpu.dma_semaphore, #tpu.memory_space<semaphore_mem>>
      %dma_start3A_437 = arith.constant 0 : i32
      %dma_start3A_438 = tpu.memref_slice %arg10[%mul3A_6, %dma_start3A_437] : memref<10240x64xf32, #tpu.memory_space<vmem_shared>> -> memref<640x64xf32, #tpu.memory_space<vmem_shared>>
      %dma_start3A_439 = arith.constant 0 : i32
      %dma_start3A_440 = tpu.memref_slice %arg5[%mul3A_4, %dma_start3A_439] : memref<10240x64xf32, #tpu.memory_space<hbm>> -> memref<640x64xf32, #tpu.memory_space<hbm>>
      tpu.enqueue_dma source(%dma_start3A_440 : memref<640x64xf32, #tpu.memory_space<hbm>>) target(%dma_start3A_438 : memref<640x64xf32, #tpu.memory_space<vmem_shared>>) target_semaphore(%run_scoped3A : memref<!tpu.dma_semaphore, #tpu.memory_space<semaphore_mem>>)
      %dma_wait3A_441 = arith.constant 0 : i32
      %dma_wait3A_442 = tpu.memref_slice %arg10[%mul3A_6, %dma_wait3A_441] : memref<10240x64xf32, #tpu.memory_space<vmem_shared>> -> memref<640x64xf32, #tpu.memory_space<vmem_shared>>
      %dma_wait3A_443 = arith.constant 0 : i32
      %dma_wait3A_444 = tpu.memref_slice %arg5[%mul3A_4, %dma_wait3A_443] : memref<10240x64xf32, #tpu.memory_space<hbm>> -> memref<640x64xf32, #tpu.memory_space<hbm>>
      tpu.wait_dma2 semaphore(%run_scoped3A : memref<!tpu.dma_semaphore, #tpu.memory_space<semaphore_mem>>) src(%dma_wait3A_444 : memref<640x64xf32, #tpu.memory_space<hbm>>) dst(%dma_wait3A_442 : memref<640x64xf32, #tpu.memory_space<vmem_shared>>)
      tpu.yield
    }) : () -> ()
    %barrier3A = arith.constant 0 : index
    tpu.barrier barrier_id(%barrier3A)
    %add3A_7 = arith.constant 0 : i32
    %add3A_8 = arith.addi %mul3A_2, %add3A_7 : i32
    %dma_start3A = arith.constant 0 : i32
    %dma_start3A_9 = arith.constant 0 : i32
    %dma_start3A_10 = arith.constant 0 : i32
    %dma_start3A_11 = tpu.memref_slice %arg8[%dma_start3A, %dma_start3A_10] : memref<5x80xi32, #tpu.memory_space<vmem>> -> memref<1x80xi32, #tpu.memory_space<vmem>>
    %dma_start3A_12 = tpu.memref_squeeze %dma_start3A_11 : memref<1x80xi32, #tpu.memory_space<vmem>> -> memref<80xi32, #tpu.memory_space<vmem>>
    %dma_start3A_13 = tpu.memref_slice %arg4[%add3A_8] : memref<320000xi32, #tpu.memory_space<hbm>> -> memref<80xi32, #tpu.memory_space<hbm>>
    %dma_start3A_14 = tpu.memref_slice %arg12[%dma_start3A_9] : memref<5x!tpu.dma_semaphore, #tpu.memory_space<semaphore_mem>> -> memref<1x!tpu.dma_semaphore, #tpu.memory_space<semaphore_mem>>
    %dma_start3A_15 = tpu.memref_squeeze %dma_start3A_14 : memref<1x!tpu.dma_semaphore, #tpu.memory_space<semaphore_mem>> -> memref<!tpu.dma_semaphore, #tpu.memory_space<semaphore_mem>>
    %dma_start3A_16 = arith.constant 0 : i32
    %dma_start3A_17 = tpu.memref_slice %arg8[%dma_start3A, %dma_start3A_16] : memref<5x80xi32, #tpu.memory_space<vmem>> -> memref<1x80xi32, #tpu.memory_space<vmem>>
    %dma_start3A_18 = tpu.memref_squeeze %dma_start3A_17 : memref<1x80xi32, #tpu.memory_space<vmem>> -> memref<80xi32, #tpu.memory_space<vmem>>
    %dma_start3A_19 = tpu.memref_slice %arg4[%add3A_8] : memref<320000xi32, #tpu.memory_space<hbm>> -> memref<80xi32, #tpu.memory_space<hbm>>
    tpu.enqueue_dma source(%dma_start3A_19 : memref<80xi32, #tpu.memory_space<hbm>>) target(%dma_start3A_18 : memref<80xi32, #tpu.memory_space<vmem>>) target_semaphore(%dma_start3A_15 : memref<!tpu.dma_semaphore, #tpu.memory_space<semaphore_mem>>)
    %dma_start3A_20 = arith.constant 0 : i32
    %dma_start3A_21 = arith.constant 0 : i32
    %dma_start3A_22 = arith.constant 0 : i32
    %dma_start3A_23 = arith.constant 0 : i32
    %dma_start3A_24 = tpu.memref_slice %arg9[%dma_start3A_20, %dma_start3A_22, %dma_start3A_23] : memref<5x80x64xf32, #tpu.memory_space<vmem>> -> memref<1x80x64xf32, #tpu.memory_space<vmem>>
    %dma_start3A_25 = tpu.memref_squeeze %dma_start3A_24 : memref<1x80x64xf32, #tpu.memory_space<vmem>> -> memref<80x64xf32, #tpu.memory_space<vmem>>
    %dma_start3A_26 = arith.constant 0 : i32
    %dma_start3A_27 = tpu.memref_slice %arg7[%dma_start3A_26] : memref<10000xi32, #tpu.memory_space<vmem>> -> memref<80xi32, #tpu.memory_space<vmem>>
    %dma_start3A_28 = arith.constant 0 : i32
    %dma_start3A_29 = arith.constant 0 : i32
    %dma_start3A_30 = tpu.memref_slice %arg2[%dma_start3A_28, %dma_start3A_29] : memref<10000x64xf32, #tpu.memory_space<hbm>> -> memref<10000x64xf32, #tpu.memory_space<hbm>>
    %dma_start3A_31 = tpu.memref_slice %arg11[%dma_start3A_21] : memref<5x!tpu.dma_semaphore, #tpu.memory_space<semaphore_mem>> -> memref<1x!tpu.dma_semaphore, #tpu.memory_space<semaphore_mem>>
    %dma_start3A_32 = tpu.memref_squeeze %dma_start3A_31 : memref<1x!tpu.dma_semaphore, #tpu.memory_space<semaphore_mem>> -> memref<!tpu.dma_semaphore, #tpu.memory_space<semaphore_mem>>
    tpu.enqueue_indirect_dma source(%dma_start3A_30 : memref<10000x64xf32, #tpu.memory_space<hbm>>) target(%dma_start3A_25 : memref<80x64xf32, #tpu.memory_space<vmem>>) offsets(%dma_start3A_27 : memref<80xi32, #tpu.memory_space<vmem>>) semaphore(%dma_start3A_32 : memref<!tpu.dma_semaphore, #tpu.memory_space<semaphore_mem>>)
    %add3A_33 = arith.constant 80 : i32
    %add3A_34 = arith.addi %mul3A_2, %add3A_33 : i32
    %dma_start3A_35 = arith.constant 1 : i32
    %dma_start3A_36 = arith.constant 1 : i32
    %dma_start3A_37 = arith.constant 0 : i32
    %dma_start3A_38 = tpu.memref_slice %arg8[%dma_start3A_35, %dma_start3A_37] : memref<5x80xi32, #tpu.memory_space<vmem>> -> memref<1x80xi32, #tpu.memory_space<vmem>>
    %dma_start3A_39 = tpu.memref_squeeze %dma_start3A_38 : memref<1x80xi32, #tpu.memory_space<vmem>> -> memref<80xi32, #tpu.memory_space<vmem>>
    %dma_start3A_40 = tpu.memref_slice %arg4[%add3A_34] : memref<320000xi32, #tpu.memory_space<hbm>> -> memref<80xi32, #tpu.memory_space<hbm>>
    %dma_start3A_41 = tpu.memref_slice %arg12[%dma_start3A_36] : memref<5x!tpu.dma_semaphore, #tpu.memory_space<semaphore_mem>> -> memref<1x!tpu.dma_semaphore, #tpu.memory_space<semaphore_mem>>
    %dma_start3A_42 = tpu.memref_squeeze %dma_start3A_41 : memref<1x!tpu.dma_semaphore, #tpu.memory_space<semaphore_mem>> -> memref<!tpu.dma_semaphore, #tpu.memory_space<semaphore_mem>>
    %dma_start3A_43 = arith.constant 0 : i32
    %dma_start3A_44 = tpu.memref_slice %arg8[%dma_start3A_35, %dma_start3A_43] : memref<5x80xi32, #tpu.memory_space<vmem>> -> memref<1x80xi32, #tpu.memory_space<vmem>>
    %dma_start3A_45 = tpu.memref_squeeze %dma_start3A_44 : memref<1x80xi32, #tpu.memory_space<vmem>> -> memref<80xi32, #tpu.memory_space<vmem>>
    %dma_start3A_46 = tpu.memref_slice %arg4[%add3A_34] : memref<320000xi32, #tpu.memory_space<hbm>> -> memref<80xi32, #tpu.memory_space<hbm>>
    tpu.enqueue_dma source(%dma_start3A_46 : memref<80xi32, #tpu.memory_space<hbm>>) target(%dma_start3A_45 : memref<80xi32, #tpu.memory_space<vmem>>) target_semaphore(%dma_start3A_42 : memref<!tpu.dma_semaphore, #tpu.memory_space<semaphore_mem>>)
    %dma_start3A_47 = arith.constant 1 : i32
    %dma_start3A_48 = arith.constant 1 : i32
    %dma_start3A_49 = arith.constant 0 : i32
    %dma_start3A_50 = arith.constant 0 : i32
    %dma_start3A_51 = tpu.memref_slice %arg9[%dma_start3A_47, %dma_start3A_49, %dma_start3A_50] : memref<5x80x64xf32, #tpu.memory_space<vmem>> -> memref<1x80x64xf32, #tpu.memory_space<vmem>>
    %dma_start3A_52 = tpu.memref_squeeze %dma_start3A_51 : memref<1x80x64xf32, #tpu.memory_space<vmem>> -> memref<80x64xf32, #tpu.memory_space<vmem>>
    %dma_start3A_53 = arith.constant 80 : i32
    %dma_start3A_54 = tpu.memref_slice %arg7[%dma_start3A_53] : memref<10000xi32, #tpu.memory_space<vmem>> -> memref<80xi32, #tpu.memory_space<vmem>>
    %dma_start3A_55 = arith.constant 0 : i32
    %dma_start3A_56 = arith.constant 0 : i32
    %dma_start3A_57 = tpu.memref_slice %arg2[%dma_start3A_55, %dma_start3A_56] : memref<10000x64xf32, #tpu.memory_space<hbm>> -> memref<10000x64xf32, #tpu.memory_space<hbm>>
    %dma_start3A_58 = tpu.memref_slice %arg11[%dma_start3A_48] : memref<5x!tpu.dma_semaphore, #tpu.memory_space<semaphore_mem>> -> memref<1x!tpu.dma_semaphore, #tpu.memory_space<semaphore_mem>>
    %dma_start3A_59 = tpu.memref_squeeze %dma_start3A_58 : memref<1x!tpu.dma_semaphore, #tpu.memory_space<semaphore_mem>> -> memref<!tpu.dma_semaphore, #tpu.memory_space<semaphore_mem>>
    tpu.enqueue_indirect_dma source(%dma_start3A_57 : memref<10000x64xf32, #tpu.memory_space<hbm>>) target(%dma_start3A_52 : memref<80x64xf32, #tpu.memory_space<vmem>>) offsets(%dma_start3A_54 : memref<80xi32, #tpu.memory_space<vmem>>) semaphore(%dma_start3A_59 : memref<!tpu.dma_semaphore, #tpu.memory_space<semaphore_mem>>)
    %add3A_60 = arith.constant 160 : i32
    %add3A_61 = arith.addi %mul3A_2, %add3A_60 : i32
    %dma_start3A_62 = arith.constant 2 : i32
    %dma_start3A_63 = arith.constant 2 : i32
    %dma_start3A_64 = arith.constant 0 : i32
    %dma_start3A_65 = tpu.memref_slice %arg8[%dma_start3A_62, %dma_start3A_64] : memref<5x80xi32, #tpu.memory_space<vmem>> -> memref<1x80xi32, #tpu.memory_space<vmem>>
    %dma_start3A_66 = tpu.memref_squeeze %dma_start3A_65 : memref<1x80xi32, #tpu.memory_space<vmem>> -> memref<80xi32, #tpu.memory_space<vmem>>
    %dma_start3A_67 = tpu.memref_slice %arg4[%add3A_61] : memref<320000xi32, #tpu.memory_space<hbm>> -> memref<80xi32, #tpu.memory_space<hbm>>
    %dma_start3A_68 = tpu.memref_slice %arg12[%dma_start3A_63] : memref<5x!tpu.dma_semaphore, #tpu.memory_space<semaphore_mem>> -> memref<1x!tpu.dma_semaphore, #tpu.memory_space<semaphore_mem>>
    %dma_start3A_69 = tpu.memref_squeeze %dma_start3A_68 : memref<1x!tpu.dma_semaphore, #tpu.memory_space<semaphore_mem>> -> memref<!tpu.dma_semaphore, #tpu.memory_space<semaphore_mem>>
    %dma_start3A_70 = arith.constant 0 : i32
    %dma_start3A_71 = tpu.memref_slice %arg8[%dma_start3A_62, %dma_start3A_70] : memref<5x80xi32, #tpu.memory_space<vmem>> -> memref<1x80xi32, #tpu.memory_space<vmem>>
    %dma_start3A_72 = tpu.memref_squeeze %dma_start3A_71 : memref<1x80xi32, #tpu.memory_space<vmem>> -> memref<80xi32, #tpu.memory_space<vmem>>
    %dma_start3A_73 = tpu.memref_slice %arg4[%add3A_61] : memref<320000xi32, #tpu.memory_space<hbm>> -> memref<80xi32, #tpu.memory_space<hbm>>
    tpu.enqueue_dma source(%dma_start3A_73 : memref<80xi32, #tpu.memory_space<hbm>>) target(%dma_start3A_72 : memref<80xi32, #tpu.memory_space<vmem>>) target_semaphore(%dma_start3A_69 : memref<!tpu.dma_semaphore, #tpu.memory_space<semaphore_mem>>)
    %dma_start3A_74 = arith.constant 2 : i32
    %dma_start3A_75 = arith.constant 2 : i32
    %dma_start3A_76 = arith.constant 0 : i32
    %dma_start3A_77 = arith.constant 0 : i32
    %dma_start3A_78 = tpu.memref_slice %arg9[%dma_start3A_74, %dma_start3A_76, %dma_start3A_77] : memref<5x80x64xf32, #tpu.memory_space<vmem>> -> memref<1x80x64xf32, #tpu.memory_space<vmem>>
    %dma_start3A_79 = tpu.memref_squeeze %dma_start3A_78 : memref<1x80x64xf32, #tpu.memory_space<vmem>> -> memref<80x64xf32, #tpu.memory_space<vmem>>
    %dma_start3A_80 = arith.constant 160 : i32
    %dma_start3A_81 = tpu.memref_slice %arg7[%dma_start3A_80] : memref<10000xi32, #tpu.memory_space<vmem>> -> memref<80xi32, #tpu.memory_space<vmem>>
    %dma_start3A_82 = arith.constant 0 : i32
    %dma_start3A_83 = arith.constant 0 : i32
    %dma_start3A_84 = tpu.memref_slice %arg2[%dma_start3A_82, %dma_start3A_83] : memref<10000x64xf32, #tpu.memory_space<hbm>> -> memref<10000x64xf32, #tpu.memory_space<hbm>>
    %dma_start3A_85 = tpu.memref_slice %arg11[%dma_start3A_75] : memref<5x!tpu.dma_semaphore, #tpu.memory_space<semaphore_mem>> -> memref<1x!tpu.dma_semaphore, #tpu.memory_space<semaphore_mem>>
    %dma_start3A_86 = tpu.memref_squeeze %dma_start3A_85 : memref<1x!tpu.dma_semaphore, #tpu.memory_space<semaphore_mem>> -> memref<!tpu.dma_semaphore, #tpu.memory_space<semaphore_mem>>
    tpu.enqueue_indirect_dma source(%dma_start3A_84 : memref<10000x64xf32, #tpu.memory_space<hbm>>) target(%dma_start3A_79 : memref<80x64xf32, #tpu.memory_space<vmem>>) offsets(%dma_start3A_81 : memref<80xi32, #tpu.memory_space<vmem>>) semaphore(%dma_start3A_86 : memref<!tpu.dma_semaphore, #tpu.memory_space<semaphore_mem>>)
    %add3A_87 = arith.constant 240 : i32
    %add3A_88 = arith.addi %mul3A_2, %add3A_87 : i32
    %dma_start3A_89 = arith.constant 3 : i32
    %dma_start3A_90 = arith.constant 3 : i32
    %dma_start3A_91 = arith.constant 0 : i32
    %dma_start3A_92 = tpu.memref_slice %arg8[%dma_start3A_89, %dma_start3A_91] : memref<5x80xi32, #tpu.memory_space<vmem>> -> memref<1x80xi32, #tpu.memory_space<vmem>>
    %dma_start3A_93 = tpu.memref_squeeze %dma_start3A_92 : memref<1x80xi32, #tpu.memory_space<vmem>> -> memref<80xi32, #tpu.memory_space<vmem>>
    %dma_start3A_94 = tpu.memref_slice %arg4[%add3A_88] : memref<320000xi32, #tpu.memory_space<hbm>> -> memref<80xi32, #tpu.memory_space<hbm>>
    %dma_start3A_95 = tpu.memref_slice %arg12[%dma_start3A_90] : memref<5x!tpu.dma_semaphore, #tpu.memory_space<semaphore_mem>> -> memref<1x!tpu.dma_semaphore, #tpu.memory_space<semaphore_mem>>
    %dma_start3A_96 = tpu.memref_squeeze %dma_start3A_95 : memref<1x!tpu.dma_semaphore, #tpu.memory_space<semaphore_mem>> -> memref<!tpu.dma_semaphore, #tpu.memory_space<semaphore_mem>>
    %dma_start3A_97 = arith.constant 0 : i32
    %dma_start3A_98 = tpu.memref_slice %arg8[%dma_start3A_89, %dma_start3A_97] : memref<5x80xi32, #tpu.memory_space<vmem>> -> memref<1x80xi32, #tpu.memory_space<vmem>>
    %dma_start3A_99 = tpu.memref_squeeze %dma_start3A_98 : memref<1x80xi32, #tpu.memory_space<vmem>> -> memref<80xi32, #tpu.memory_space<vmem>>
    %dma_start3A_100 = tpu.memref_slice %arg4[%add3A_88] : memref<320000xi32, #tpu.memory_space<hbm>> -> memref<80xi32, #tpu.memory_space<hbm>>
    tpu.enqueue_dma source(%dma_start3A_100 : memref<80xi32, #tpu.memory_space<hbm>>) target(%dma_start3A_99 : memref<80xi32, #tpu.memory_space<vmem>>) target_semaphore(%dma_start3A_96 : memref<!tpu.dma_semaphore, #tpu.memory_space<semaphore_mem>>)
    %dma_start3A_101 = arith.constant 3 : i32
    %dma_start3A_102 = arith.constant 3 : i32
    %dma_start3A_103 = arith.constant 0 : i32
    %dma_start3A_104 = arith.constant 0 : i32
    %dma_start3A_105 = tpu.memref_slice %arg9[%dma_start3A_101, %dma_start3A_103, %dma_start3A_104] : memref<5x80x64xf32, #tpu.memory_space<vmem>> -> memref<1x80x64xf32, #tpu.memory_space<vmem>>
    %dma_start3A_106 = tpu.memref_squeeze %dma_start3A_105 : memref<1x80x64xf32, #tpu.memory_space<vmem>> -> memref<80x64xf32, #tpu.memory_space<vmem>>
    %dma_start3A_107 = arith.constant 240 : i32
    %dma_start3A_108 = tpu.memref_slice %arg7[%dma_start3A_107] : memref<10000xi32, #tpu.memory_space<vmem>> -> memref<80xi32, #tpu.memory_space<vmem>>
    %dma_start3A_109 = arith.constant 0 : i32
    %dma_start3A_110 = arith.constant 0 : i32
    %dma_start3A_111 = tpu.memref_slice %arg2[%dma_start3A_109, %dma_start3A_110] : memref<10000x64xf32, #tpu.memory_space<hbm>> -> memref<10000x64xf32, #tpu.memory_space<hbm>>
    %dma_start3A_112 = tpu.memref_slice %arg11[%dma_start3A_102] : memref<5x!tpu.dma_semaphore, #tpu.memory_space<semaphore_mem>> -> memref<1x!tpu.dma_semaphore, #tpu.memory_space<semaphore_mem>>
    %dma_start3A_113 = tpu.memref_squeeze %dma_start3A_112 : memref<1x!tpu.dma_semaphore, #tpu.memory_space<semaphore_mem>> -> memref<!tpu.dma_semaphore, #tpu.memory_space<semaphore_mem>>
    tpu.enqueue_indirect_dma source(%dma_start3A_111 : memref<10000x64xf32, #tpu.memory_space<hbm>>) target(%dma_start3A_106 : memref<80x64xf32, #tpu.memory_space<vmem>>) offsets(%dma_start3A_108 : memref<80xi32, #tpu.memory_space<vmem>>) semaphore(%dma_start3A_113 : memref<!tpu.dma_semaphore, #tpu.memory_space<semaphore_mem>>)
    %add3A_114 = arith.constant 320 : i32
    %add3A_115 = arith.addi %mul3A_2, %add3A_114 : i32
    %dma_start3A_116 = arith.constant 4 : i32
    %dma_start3A_117 = arith.constant 4 : i32
    %dma_start3A_118 = arith.constant 0 : i32
    %dma_start3A_119 = tpu.memref_slice %arg8[%dma_start3A_116, %dma_start3A_118] : memref<5x80xi32, #tpu.memory_space<vmem>> -> memref<1x80xi32, #tpu.memory_space<vmem>>
    %dma_start3A_120 = tpu.memref_squeeze %dma_start3A_119 : memref<1x80xi32, #tpu.memory_space<vmem>> -> memref<80xi32, #tpu.memory_space<vmem>>
    %dma_start3A_121 = tpu.memref_slice %arg4[%add3A_115] : memref<320000xi32, #tpu.memory_space<hbm>> -> memref<80xi32, #tpu.memory_space<hbm>>
    %dma_start3A_122 = tpu.memref_slice %arg12[%dma_start3A_117] : memref<5x!tpu.dma_semaphore, #tpu.memory_space<semaphore_mem>> -> memref<1x!tpu.dma_semaphore, #tpu.memory_space<semaphore_mem>>
    %dma_start3A_123 = tpu.memref_squeeze %dma_start3A_122 : memref<1x!tpu.dma_semaphore, #tpu.memory_space<semaphore_mem>> -> memref<!tpu.dma_semaphore, #tpu.memory_space<semaphore_mem>>
    %dma_start3A_124 = arith.constant 0 : i32
    %dma_start3A_125 = tpu.memref_slice %arg8[%dma_start3A_116, %dma_start3A_124] : memref<5x80xi32, #tpu.memory_space<vmem>> -> memref<1x80xi32, #tpu.memory_space<vmem>>
    %dma_start3A_126 = tpu.memref_squeeze %dma_start3A_125 : memref<1x80xi32, #tpu.memory_space<vmem>> -> memref<80xi32, #tpu.memory_space<vmem>>
    %dma_start3A_127 = tpu.memref_slice %arg4[%add3A_115] : memref<320000xi32, #tpu.memory_space<hbm>> -> memref<80xi32, #tpu.memory_space<hbm>>
    tpu.enqueue_dma source(%dma_start3A_127 : memref<80xi32, #tpu.memory_space<hbm>>) target(%dma_start3A_126 : memref<80xi32, #tpu.memory_space<vmem>>) target_semaphore(%dma_start3A_123 : memref<!tpu.dma_semaphore, #tpu.memory_space<semaphore_mem>>)
    %dma_start3A_128 = arith.constant 4 : i32
    %dma_start3A_129 = arith.constant 4 : i32
    %dma_start3A_130 = arith.constant 0 : i32
    %dma_start3A_131 = arith.constant 0 : i32
    %dma_start3A_132 = tpu.memref_slice %arg9[%dma_start3A_128, %dma_start3A_130, %dma_start3A_131] : memref<5x80x64xf32, #tpu.memory_space<vmem>> -> memref<1x80x64xf32, #tpu.memory_space<vmem>>
    %dma_start3A_133 = tpu.memref_squeeze %dma_start3A_132 : memref<1x80x64xf32, #tpu.memory_space<vmem>> -> memref<80x64xf32, #tpu.memory_space<vmem>>
    %dma_start3A_134 = arith.constant 320 : i32
    %dma_start3A_135 = tpu.memref_slice %arg7[%dma_start3A_134] : memref<10000xi32, #tpu.memory_space<vmem>> -> memref<80xi32, #tpu.memory_space<vmem>>
    %dma_start3A_136 = arith.constant 0 : i32
    %dma_start3A_137 = arith.constant 0 : i32
    %dma_start3A_138 = tpu.memref_slice %arg2[%dma_start3A_136, %dma_start3A_137] : memref<10000x64xf32, #tpu.memory_space<hbm>> -> memref<10000x64xf32, #tpu.memory_space<hbm>>
    %dma_start3A_139 = tpu.memref_slice %arg11[%dma_start3A_129] : memref<5x!tpu.dma_semaphore, #tpu.memory_space<semaphore_mem>> -> memref<1x!tpu.dma_semaphore, #tpu.memory_space<semaphore_mem>>
    %dma_start3A_140 = tpu.memref_squeeze %dma_start3A_139 : memref<1x!tpu.dma_semaphore, #tpu.memory_space<semaphore_mem>> -> memref<!tpu.dma_semaphore, #tpu.memory_space<semaphore_mem>>
    tpu.enqueue_indirect_dma source(%dma_start3A_138 : memref<10000x64xf32, #tpu.memory_space<hbm>>) target(%dma_start3A_133 : memref<80x64xf32, #tpu.memory_space<vmem>>) offsets(%dma_start3A_135 : memref<80xi32, #tpu.memory_space<vmem>>) semaphore(%dma_start3A_140 : memref<!tpu.dma_semaphore, #tpu.memory_space<semaphore_mem>>)
    %scan3A = arith.constant 0 : i32
    %scan3A_141 = arith.constant 24 : i32
    %scan3A_142 = arith.addi %scan3A, %scan3A_141 : i32
    %scan3A_143 = arith.constant 1 : i32
    scf.for %scan3A_437 = %scan3A to %scan3A_142 step %scan3A_143  : i32 {
      %mul3A_438 = arith.constant 5 : i32
      %mul3A_439 = arith.muli %scan3A_437, %mul3A_438 : i32
      %add3A_440 = arith.constant 0 : i32
      %add3A_441 = arith.addi %add3A_440, %mul3A_439 : i32
      %add3A_442 = arith.constant 0 : i32
      %add3A_443 = arith.addi %add3A_441, %add3A_442 : i32
      %mul3A_444 = arith.constant 80 : i32
      %mul3A_445 = arith.muli %add3A_443, %mul3A_444 : i32
      %add3A_446 = arith.addi %mul3A_2, %mul3A_445 : i32
      %dma_wait3A_447 = arith.constant 0 : i32
      %dma_wait3A_448 = arith.constant 0 : i32
      %dma_wait3A_449 = arith.constant 0 : i32
      %dma_wait3A_450 = tpu.memref_slice %arg8[%dma_wait3A_447, %dma_wait3A_449] : memref<5x80xi32, #tpu.memory_space<vmem>> -> memref<1x80xi32, #tpu.memory_space<vmem>>
      %dma_wait3A_451 = tpu.memref_squeeze %dma_wait3A_450 : memref<1x80xi32, #tpu.memory_space<vmem>> -> memref<80xi32, #tpu.memory_space<vmem>>
      %dma_wait3A_452 = tpu.memref_slice %arg4[%add3A_446] : memref<320000xi32, #tpu.memory_space<hbm>> -> memref<80xi32, #tpu.memory_space<hbm>>
      %dma_wait3A_453 = tpu.memref_slice %arg12[%dma_wait3A_448] : memref<5x!tpu.dma_semaphore, #tpu.memory_space<semaphore_mem>> -> memref<1x!tpu.dma_semaphore, #tpu.memory_space<semaphore_mem>>
      %dma_wait3A_454 = tpu.memref_squeeze %dma_wait3A_453 : memref<1x!tpu.dma_semaphore, #tpu.memory_space<semaphore_mem>> -> memref<!tpu.dma_semaphore, #tpu.memory_space<semaphore_mem>>
      %dma_wait3A_455 = arith.constant 0 : i32
      %dma_wait3A_456 = tpu.memref_slice %arg8[%dma_wait3A_447, %dma_wait3A_455] : memref<5x80xi32, #tpu.memory_space<vmem>> -> memref<1x80xi32, #tpu.memory_space<vmem>>
      %dma_wait3A_457 = tpu.memref_squeeze %dma_wait3A_456 : memref<1x80xi32, #tpu.memory_space<vmem>> -> memref<80xi32, #tpu.memory_space<vmem>>
      %dma_wait3A_458 = tpu.memref_slice %arg4[%add3A_446] : memref<320000xi32, #tpu.memory_space<hbm>> -> memref<80xi32, #tpu.memory_space<hbm>>
      tpu.wait_dma2 semaphore(%dma_wait3A_454 : memref<!tpu.dma_semaphore, #tpu.memory_space<semaphore_mem>>) src(%dma_wait3A_458 : memref<80xi32, #tpu.memory_space<hbm>>) dst(%dma_wait3A_457 : memref<80xi32, #tpu.memory_space<vmem>>)
      %add3A_459 = arith.constant 0 : i32
      %add3A_460 = arith.addi %add3A_441, %add3A_459 : i32
      %mul3A_461 = arith.constant 80 : i32
      %mul3A_462 = arith.muli %add3A_460, %mul3A_461 : i32
      %dma_wait3A_463 = arith.constant 0 : i32
      %dma_wait3A_464 = arith.constant 0 : i32
      %dma_wait3A_465 = arith.constant 0 : i32
      %dma_wait3A_466 = arith.constant 0 : i32
      %dma_wait3A_467 = tpu.memref_slice %arg9[%dma_wait3A_463, %dma_wait3A_465, %dma_wait3A_466] : memref<5x80x64xf32, #tpu.memory_space<vmem>> -> memref<1x80x64xf32, #tpu.memory_space<vmem>>
      %dma_wait3A_468 = tpu.memref_squeeze %dma_wait3A_467 : memref<1x80x64xf32, #tpu.memory_space<vmem>> -> memref<80x64xf32, #tpu.memory_space<vmem>>
      %dma_wait3A_469 = tpu.memref_slice %arg7[%mul3A_462] : memref<10000xi32, #tpu.memory_space<vmem>> -> memref<80xi32, #tpu.memory_space<vmem>>
      %dma_wait3A_470 = arith.constant 0 : i32
      %dma_wait3A_471 = arith.constant 0 : i32
      %dma_wait3A_472 = tpu.memref_slice %arg2[%dma_wait3A_470, %dma_wait3A_471] : memref<10000x64xf32, #tpu.memory_space<hbm>> -> memref<10000x64xf32, #tpu.memory_space<hbm>>
      %dma_wait3A_473 = tpu.memref_slice %arg11[%dma_wait3A_464] : memref<5x!tpu.dma_semaphore, #tpu.memory_space<semaphore_mem>> -> memref<1x!tpu.dma_semaphore, #tpu.memory_space<semaphore_mem>>
      %dma_wait3A_474 = tpu.memref_squeeze %dma_wait3A_473 : memref<1x!tpu.dma_semaphore, #tpu.memory_space<semaphore_mem>> -> memref<!tpu.dma_semaphore, #tpu.memory_space<semaphore_mem>>
      tpu.wait_indirect_dma semaphore(%dma_wait3A_474 : memref<!tpu.dma_semaphore, #tpu.memory_space<semaphore_mem>>) src(%dma_wait3A_472 : memref<10000x64xf32, #tpu.memory_space<hbm>>) dst(%dma_wait3A_468 : memref<80x64xf32, #tpu.memory_space<vmem>>)
      %dma_start3A_475 = arith.constant 0 : i32
      %dma_start3A_476 = arith.constant 0 : i32
      %dma_start3A_477 = arith.constant 0 : i32
      %dma_start3A_478 = arith.constant 0 : i32
      %dma_start3A_479 = arith.constant 0 : i32
      %dma_start3A_480 = tpu.memref_slice %arg9[%dma_start3A_475, %dma_start3A_478, %dma_start3A_479] : memref<5x80x64xf32, #tpu.memory_space<vmem>> -> memref<1x80x64xf32, #tpu.memory_space<vmem>>
      %dma_start3A_481 = tpu.memref_squeeze %dma_start3A_480 : memref<1x80x64xf32, #tpu.memory_space<vmem>> -> memref<80x64xf32, #tpu.memory_space<vmem>>
      %dma_start3A_482 = arith.constant 0 : i32
      %dma_start3A_483 = tpu.memref_slice %arg8[%dma_start3A_476, %dma_start3A_482] : memref<5x80xi32, #tpu.memory_space<vmem>> -> memref<1x80xi32, #tpu.memory_space<vmem>>
      %dma_start3A_484 = tpu.memref_squeeze %dma_start3A_483 : memref<1x80xi32, #tpu.memory_space<vmem>> -> memref<80xi32, #tpu.memory_space<vmem>>
      %dma_start3A_485 = arith.constant 0 : i32
      %dma_start3A_486 = arith.constant 0 : i32
      %dma_start3A_487 = tpu.memref_slice %arg10[%dma_start3A_485, %dma_start3A_486] : memref<10240x64xf32, #tpu.memory_space<vmem_shared>> -> memref<10240x64xf32, #tpu.memory_space<vmem_shared>>
      %dma_start3A_488 = tpu.memref_slice %arg13[%dma_start3A_477] : memref<5x!tpu.dma_semaphore, #tpu.memory_space<semaphore_mem>> -> memref<1x!tpu.dma_semaphore, #tpu.memory_space<semaphore_mem>>
      %dma_start3A_489 = tpu.memref_squeeze %dma_start3A_488 : memref<1x!tpu.dma_semaphore, #tpu.memory_space<semaphore_mem>> -> memref<!tpu.dma_semaphore, #tpu.memory_space<semaphore_mem>>
      tpu.enqueue_indirect_dma source(%dma_start3A_481 : memref<80x64xf32, #tpu.memory_space<vmem>>) target(%dma_start3A_487 : memref<10240x64xf32, #tpu.memory_space<vmem_shared>>) offsets(%dma_start3A_484 : memref<80xi32, #tpu.memory_space<vmem>>) semaphore(%dma_start3A_489 : memref<!tpu.dma_semaphore, #tpu.memory_space<semaphore_mem>>) {add = true}
      %add3A_490 = arith.constant 1 : i32
      %add3A_491 = arith.addi %add3A_441, %add3A_490 : i32
      %mul3A_492 = arith.constant 80 : i32
      %mul3A_493 = arith.muli %add3A_491, %mul3A_492 : i32
      %add3A_494 = arith.addi %mul3A_2, %mul3A_493 : i32
      %dma_wait3A_495 = arith.constant 1 : i32
      %dma_wait3A_496 = arith.constant 1 : i32
      %dma_wait3A_497 = arith.constant 0 : i32
      %dma_wait3A_498 = tpu.memref_slice %arg8[%dma_wait3A_495, %dma_wait3A_497] : memref<5x80xi32, #tpu.memory_space<vmem>> -> memref<1x80xi32, #tpu.memory_space<vmem>>
      %dma_wait3A_499 = tpu.memref_squeeze %dma_wait3A_498 : memref<1x80xi32, #tpu.memory_space<vmem>> -> memref<80xi32, #tpu.memory_space<vmem>>
      %dma_wait3A_500 = tpu.memref_slice %arg4[%add3A_494] : memref<320000xi32, #tpu.memory_space<hbm>> -> memref<80xi32, #tpu.memory_space<hbm>>
      %dma_wait3A_501 = tpu.memref_slice %arg12[%dma_wait3A_496] : memref<5x!tpu.dma_semaphore, #tpu.memory_space<semaphore_mem>> -> memref<1x!tpu.dma_semaphore, #tpu.memory_space<semaphore_mem>>
      %dma_wait3A_502 = tpu.memref_squeeze %dma_wait3A_501 : memref<1x!tpu.dma_semaphore, #tpu.memory_space<semaphore_mem>> -> memref<!tpu.dma_semaphore, #tpu.memory_space<semaphore_mem>>
      %dma_wait3A_503 = arith.constant 0 : i32
      %dma_wait3A_504 = tpu.memref_slice %arg8[%dma_wait3A_495, %dma_wait3A_503] : memref<5x80xi32, #tpu.memory_space<vmem>> -> memref<1x80xi32, #tpu.memory_space<vmem>>
      %dma_wait3A_505 = tpu.memref_squeeze %dma_wait3A_504 : memref<1x80xi32, #tpu.memory_space<vmem>> -> memref<80xi32, #tpu.memory_space<vmem>>
      %dma_wait3A_506 = tpu.memref_slice %arg4[%add3A_494] : memref<320000xi32, #tpu.memory_space<hbm>> -> memref<80xi32, #tpu.memory_space<hbm>>
      tpu.wait_dma2 semaphore(%dma_wait3A_502 : memref<!tpu.dma_semaphore, #tpu.memory_space<semaphore_mem>>) src(%dma_wait3A_506 : memref<80xi32, #tpu.memory_space<hbm>>) dst(%dma_wait3A_505 : memref<80xi32, #tpu.memory_space<vmem>>)
      %add3A_507 = arith.constant 1 : i32
      %add3A_508 = arith.addi %add3A_441, %add3A_507 : i32
      %mul3A_509 = arith.constant 80 : i32
      %mul3A_510 = arith.muli %add3A_508, %mul3A_509 : i32
      %dma_wait3A_511 = arith.constant 1 : i32
      %dma_wait3A_512 = arith.constant 1 : i32
      %dma_wait3A_513 = arith.constant 0 : i32
      %dma_wait3A_514 = arith.constant 0 : i32
      %dma_wait3A_515 = tpu.memref_slice %arg9[%dma_wait3A_511, %dma_wait3A_513, %dma_wait3A_514] : memref<5x80x64xf32, #tpu.memory_space<vmem>> -> memref<1x80x64xf32, #tpu.memory_space<vmem>>
      %dma_wait3A_516 = tpu.memref_squeeze %dma_wait3A_515 : memref<1x80x64xf32, #tpu.memory_space<vmem>> -> memref<80x64xf32, #tpu.memory_space<vmem>>
      %dma_wait3A_517 = tpu.memref_slice %arg7[%mul3A_510] : memref<10000xi32, #tpu.memory_space<vmem>> -> memref<80xi32, #tpu.memory_space<vmem>>
      %dma_wait3A_518 = arith.constant 0 : i32
      %dma_wait3A_519 = arith.constant 0 : i32
      %dma_wait3A_520 = tpu.memref_slice %arg2[%dma_wait3A_518, %dma_wait3A_519] : memref<10000x64xf32, #tpu.memory_space<hbm>> -> memref<10000x64xf32, #tpu.memory_space<hbm>>
      %dma_wait3A_521 = tpu.memref_slice %arg11[%dma_wait3A_512] : memref<5x!tpu.dma_semaphore, #tpu.memory_space<semaphore_mem>> -> memref<1x!tpu.dma_semaphore, #tpu.memory_space<semaphore_mem>>
      %dma_wait3A_522 = tpu.memref_squeeze %dma_wait3A_521 : memref<1x!tpu.dma_semaphore, #tpu.memory_space<semaphore_mem>> -> memref<!tpu.dma_semaphore, #tpu.memory_space<semaphore_mem>>
      tpu.wait_indirect_dma semaphore(%dma_wait3A_522 : memref<!tpu.dma_semaphore, #tpu.memory_space<semaphore_mem>>) src(%dma_wait3A_520 : memref<10000x64xf32, #tpu.memory_space<hbm>>) dst(%dma_wait3A_516 : memref<80x64xf32, #tpu.memory_space<vmem>>)
      %dma_start3A_523 = arith.constant 1 : i32
      %dma_start3A_524 = arith.constant 1 : i32
      %dma_start3A_525 = arith.constant 1 : i32
      %dma_start3A_526 = arith.constant 0 : i32
      %dma_start3A_527 = arith.constant 0 : i32
      %dma_start3A_528 = tpu.memref_slice %arg9[%dma_start3A_523, %dma_start3A_526, %dma_start3A_527] : memref<5x80x64xf32, #tpu.memory_space<vmem>> -> memref<1x80x64xf32, #tpu.memory_space<vmem>>
      %dma_start3A_529 = tpu.memref_squeeze %dma_start3A_528 : memref<1x80x64xf32, #tpu.memory_space<vmem>> -> memref<80x64xf32, #tpu.memory_space<vmem>>
      %dma_start3A_530 = arith.constant 0 : i32
      %dma_start3A_531 = tpu.memref_slice %arg8[%dma_start3A_524, %dma_start3A_530] : memref<5x80xi32, #tpu.memory_space<vmem>> -> memref<1x80xi32, #tpu.memory_space<vmem>>
      %dma_start3A_532 = tpu.memref_squeeze %dma_start3A_531 : memref<1x80xi32, #tpu.memory_space<vmem>> -> memref<80xi32, #tpu.memory_space<vmem>>
      %dma_start3A_533 = arith.constant 0 : i32
      %dma_start3A_534 = arith.constant 0 : i32
      %dma_start3A_535 = tpu.memref_slice %arg10[%dma_start3A_533, %dma_start3A_534] : memref<10240x64xf32, #tpu.memory_space<vmem_shared>> -> memref<10240x64xf32, #tpu.memory_space<vmem_shared>>
      %dma_start3A_536 = tpu.memref_slice %arg13[%dma_start3A_525] : memref<5x!tpu.dma_semaphore, #tpu.memory_space<semaphore_mem>> -> memref<1x!tpu.dma_semaphore, #tpu.memory_space<semaphore_mem>>
      %dma_start3A_537 = tpu.memref_squeeze %dma_start3A_536 : memref<1x!tpu.dma_semaphore, #tpu.memory_space<semaphore_mem>> -> memref<!tpu.dma_semaphore, #tpu.memory_space<semaphore_mem>>
      tpu.enqueue_indirect_dma source(%dma_start3A_529 : memref<80x64xf32, #tpu.memory_space<vmem>>) target(%dma_start3A_535 : memref<10240x64xf32, #tpu.memory_space<vmem_shared>>) offsets(%dma_start3A_532 : memref<80xi32, #tpu.memory_space<vmem>>) semaphore(%dma_start3A_537 : memref<!tpu.dma_semaphore, #tpu.memory_space<semaphore_mem>>) {add = true}
      %add3A_538 = arith.constant 2 : i32
      %add3A_539 = arith.addi %add3A_441, %add3A_538 : i32
      %mul3A_540 = arith.constant 80 : i32
      %mul3A_541 = arith.muli %add3A_539, %mul3A_540 : i32
      %add3A_542 = arith.addi %mul3A_2, %mul3A_541 : i32
      %dma_wait3A_543 = arith.constant 2 : i32
      %dma_wait3A_544 = arith.constant 2 : i32
      %dma_wait3A_545 = arith.constant 0 : i32
      %dma_wait3A_546 = tpu.memref_slice %arg8[%dma_wait3A_543, %dma_wait3A_545] : memref<5x80xi32, #tpu.memory_space<vmem>> -> memref<1x80xi32, #tpu.memory_space<vmem>>
      %dma_wait3A_547 = tpu.memref_squeeze %dma_wait3A_546 : memref<1x80xi32, #tpu.memory_space<vmem>> -> memref<80xi32, #tpu.memory_space<vmem>>
      %dma_wait3A_548 = tpu.memref_slice %arg4[%add3A_542] : memref<320000xi32, #tpu.memory_space<hbm>> -> memref<80xi32, #tpu.memory_space<hbm>>
      %dma_wait3A_549 = tpu.memref_slice %arg12[%dma_wait3A_544] : memref<5x!tpu.dma_semaphore, #tpu.memory_space<semaphore_mem>> -> memref<1x!tpu.dma_semaphore, #tpu.memory_space<semaphore_mem>>
      %dma_wait3A_550 = tpu.memref_squeeze %dma_wait3A_549 : memref<1x!tpu.dma_semaphore, #tpu.memory_space<semaphore_mem>> -> memref<!tpu.dma_semaphore, #tpu.memory_space<semaphore_mem>>
      %dma_wait3A_551 = arith.constant 0 : i32
      %dma_wait3A_552 = tpu.memref_slice %arg8[%dma_wait3A_543, %dma_wait3A_551] : memref<5x80xi32, #tpu.memory_space<vmem>> -> memref<1x80xi32, #tpu.memory_space<vmem>>
      %dma_wait3A_553 = tpu.memref_squeeze %dma_wait3A_552 : memref<1x80xi32, #tpu.memory_space<vmem>> -> memref<80xi32, #tpu.memory_space<vmem>>
      %dma_wait3A_554 = tpu.memref_slice %arg4[%add3A_542] : memref<320000xi32, #tpu.memory_space<hbm>> -> memref<80xi32, #tpu.memory_space<hbm>>
      tpu.wait_dma2 semaphore(%dma_wait3A_550 : memref<!tpu.dma_semaphore, #tpu.memory_space<semaphore_mem>>) src(%dma_wait3A_554 : memref<80xi32, #tpu.memory_space<hbm>>) dst(%dma_wait3A_553 : memref<80xi32, #tpu.memory_space<vmem>>)
      %add3A_555 = arith.constant 2 : i32
      %add3A_556 = arith.addi %add3A_441, %add3A_555 : i32
      %mul3A_557 = arith.constant 80 : i32
      %mul3A_558 = arith.muli %add3A_556, %mul3A_557 : i32
      %dma_wait3A_559 = arith.constant 2 : i32
      %dma_wait3A_560 = arith.constant 2 : i32
      %dma_wait3A_561 = arith.constant 0 : i32
      %dma_wait3A_562 = arith.constant 0 : i32
      %dma_wait3A_563 = tpu.memref_slice %arg9[%dma_wait3A_559, %dma_wait3A_561, %dma_wait3A_562] : memref<5x80x64xf32, #tpu.memory_space<vmem>> -> memref<1x80x64xf32, #tpu.memory_space<vmem>>
      %dma_wait3A_564 = tpu.memref_squeeze %dma_wait3A_563 : memref<1x80x64xf32, #tpu.memory_space<vmem>> -> memref<80x64xf32, #tpu.memory_space<vmem>>
      %dma_wait3A_565 = tpu.memref_slice %arg7[%mul3A_558] : memref<10000xi32, #tpu.memory_space<vmem>> -> memref<80xi32, #tpu.memory_space<vmem>>
      %dma_wait3A_566 = arith.constant 0 : i32
      %dma_wait3A_567 = arith.constant 0 : i32
      %dma_wait3A_568 = tpu.memref_slice %arg2[%dma_wait3A_566, %dma_wait3A_567] : memref<10000x64xf32, #tpu.memory_space<hbm>> -> memref<10000x64xf32, #tpu.memory_space<hbm>>
      %dma_wait3A_569 = tpu.memref_slice %arg11[%dma_wait3A_560] : memref<5x!tpu.dma_semaphore, #tpu.memory_space<semaphore_mem>> -> memref<1x!tpu.dma_semaphore, #tpu.memory_space<semaphore_mem>>
      %dma_wait3A_570 = tpu.memref_squeeze %dma_wait3A_569 : memref<1x!tpu.dma_semaphore, #tpu.memory_space<semaphore_mem>> -> memref<!tpu.dma_semaphore, #tpu.memory_space<semaphore_mem>>
      tpu.wait_indirect_dma semaphore(%dma_wait3A_570 : memref<!tpu.dma_semaphore, #tpu.memory_space<semaphore_mem>>) src(%dma_wait3A_568 : memref<10000x64xf32, #tpu.memory_space<hbm>>) dst(%dma_wait3A_564 : memref<80x64xf32, #tpu.memory_space<vmem>>)
      %dma_start3A_571 = arith.constant 2 : i32
      %dma_start3A_572 = arith.constant 2 : i32
      %dma_start3A_573 = arith.constant 2 : i32
      %dma_start3A_574 = arith.constant 0 : i32
      %dma_start3A_575 = arith.constant 0 : i32
      %dma_start3A_576 = tpu.memref_slice %arg9[%dma_start3A_571, %dma_start3A_574, %dma_start3A_575] : memref<5x80x64xf32, #tpu.memory_space<vmem>> -> memref<1x80x64xf32, #tpu.memory_space<vmem>>
      %dma_start3A_577 = tpu.memref_squeeze %dma_start3A_576 : memref<1x80x64xf32, #tpu.memory_space<vmem>> -> memref<80x64xf32, #tpu.memory_space<vmem>>
      %dma_start3A_578 = arith.constant 0 : i32
      %dma_start3A_579 = tpu.memref_slice %arg8[%dma_start3A_572, %dma_start3A_578] : memref<5x80xi32, #tpu.memory_space<vmem>> -> memref<1x80xi32, #tpu.memory_space<vmem>>
      %dma_start3A_580 = tpu.memref_squeeze %dma_start3A_579 : memref<1x80xi32, #tpu.memory_space<vmem>> -> memref<80xi32, #tpu.memory_space<vmem>>
      %dma_start3A_581 = arith.constant 0 : i32
      %dma_start3A_582 = arith.constant 0 : i32
      %dma_start3A_583 = tpu.memref_slice %arg10[%dma_start3A_581, %dma_start3A_582] : memref<10240x64xf32, #tpu.memory_space<vmem_shared>> -> memref<10240x64xf32, #tpu.memory_space<vmem_shared>>
      %dma_start3A_584 = tpu.memref_slice %arg13[%dma_start3A_573] : memref<5x!tpu.dma_semaphore, #tpu.memory_space<semaphore_mem>> -> memref<1x!tpu.dma_semaphore, #tpu.memory_space<semaphore_mem>>
      %dma_start3A_585 = tpu.memref_squeeze %dma_start3A_584 : memref<1x!tpu.dma_semaphore, #tpu.memory_space<semaphore_mem>> -> memref<!tpu.dma_semaphore, #tpu.memory_space<semaphore_mem>>
      tpu.enqueue_indirect_dma source(%dma_start3A_577 : memref<80x64xf32, #tpu.memory_space<vmem>>) target(%dma_start3A_583 : memref<10240x64xf32, #tpu.memory_space<vmem_shared>>) offsets(%dma_start3A_580 : memref<80xi32, #tpu.memory_space<vmem>>) semaphore(%dma_start3A_585 : memref<!tpu.dma_semaphore, #tpu.memory_space<semaphore_mem>>) {add = true}
      %add3A_586 = arith.constant 3 : i32
      %add3A_587 = arith.addi %add3A_441, %add3A_586 : i32
      %mul3A_588 = arith.constant 80 : i32
      %mul3A_589 = arith.muli %add3A_587, %mul3A_588 : i32
      %add3A_590 = arith.addi %mul3A_2, %mul3A_589 : i32
      %dma_wait3A_591 = arith.constant 3 : i32
      %dma_wait3A_592 = arith.constant 3 : i32
      %dma_wait3A_593 = arith.constant 0 : i32
      %dma_wait3A_594 = tpu.memref_slice %arg8[%dma_wait3A_591, %dma_wait3A_593] : memref<5x80xi32, #tpu.memory_space<vmem>> -> memref<1x80xi32, #tpu.memory_space<vmem>>
      %dma_wait3A_595 = tpu.memref_squeeze %dma_wait3A_594 : memref<1x80xi32, #tpu.memory_space<vmem>> -> memref<80xi32, #tpu.memory_space<vmem>>
      %dma_wait3A_596 = tpu.memref_slice %arg4[%add3A_590] : memref<320000xi32, #tpu.memory_space<hbm>> -> memref<80xi32, #tpu.memory_space<hbm>>
      %dma_wait3A_597 = tpu.memref_slice %arg12[%dma_wait3A_592] : memref<5x!tpu.dma_semaphore, #tpu.memory_space<semaphore_mem>> -> memref<1x!tpu.dma_semaphore, #tpu.memory_space<semaphore_mem>>
      %dma_wait3A_598 = tpu.memref_squeeze %dma_wait3A_597 : memref<1x!tpu.dma_semaphore, #tpu.memory_space<semaphore_mem>> -> memref<!tpu.dma_semaphore, #tpu.memory_space<semaphore_mem>>
      %dma_wait3A_599 = arith.constant 0 : i32
      %dma_wait3A_600 = tpu.memref_slice %arg8[%dma_wait3A_591, %dma_wait3A_599] : memref<5x80xi32, #tpu.memory_space<vmem>> -> memref<1x80xi32, #tpu.memory_space<vmem>>
      %dma_wait3A_601 = tpu.memref_squeeze %dma_wait3A_600 : memref<1x80xi32, #tpu.memory_space<vmem>> -> memref<80xi32, #tpu.memory_space<vmem>>
      %dma_wait3A_602 = tpu.memref_slice %arg4[%add3A_590] : memref<320000xi32, #tpu.memory_space<hbm>> -> memref<80xi32, #tpu.memory_space<hbm>>
      tpu.wait_dma2 semaphore(%dma_wait3A_598 : memref<!tpu.dma_semaphore, #tpu.memory_space<semaphore_mem>>) src(%dma_wait3A_602 : memref<80xi32, #tpu.memory_space<hbm>>) dst(%dma_wait3A_601 : memref<80xi32, #tpu.memory_space<vmem>>)
      %add3A_603 = arith.constant 3 : i32
      %add3A_604 = arith.addi %add3A_441, %add3A_603 : i32
      %mul3A_605 = arith.constant 80 : i32
      %mul3A_606 = arith.muli %add3A_604, %mul3A_605 : i32
      %dma_wait3A_607 = arith.constant 3 : i32
      %dma_wait3A_608 = arith.constant 3 : i32
      %dma_wait3A_609 = arith.constant 0 : i32
      %dma_wait3A_610 = arith.constant 0 : i32
      %dma_wait3A_611 = tpu.memref_slice %arg9[%dma_wait3A_607, %dma_wait3A_609, %dma_wait3A_610] : memref<5x80x64xf32, #tpu.memory_space<vmem>> -> memref<1x80x64xf32, #tpu.memory_space<vmem>>
      %dma_wait3A_612 = tpu.memref_squeeze %dma_wait3A_611 : memref<1x80x64xf32, #tpu.memory_space<vmem>> -> memref<80x64xf32, #tpu.memory_space<vmem>>
      %dma_wait3A_613 = tpu.memref_slice %arg7[%mul3A_606] : memref<10000xi32, #tpu.memory_space<vmem>> -> memref<80xi32, #tpu.memory_space<vmem>>
      %dma_wait3A_614 = arith.constant 0 : i32
      %dma_wait3A_615 = arith.constant 0 : i32
      %dma_wait3A_616 = tpu.memref_slice %arg2[%dma_wait3A_614, %dma_wait3A_615] : memref<10000x64xf32, #tpu.memory_space<hbm>> -> memref<10000x64xf32, #tpu.memory_space<hbm>>
      %dma_wait3A_617 = tpu.memref_slice %arg11[%dma_wait3A_608] : memref<5x!tpu.dma_semaphore, #tpu.memory_space<semaphore_mem>> -> memref<1x!tpu.dma_semaphore, #tpu.memory_space<semaphore_mem>>
      %dma_wait3A_618 = tpu.memref_squeeze %dma_wait3A_617 : memref<1x!tpu.dma_semaphore, #tpu.memory_space<semaphore_mem>> -> memref<!tpu.dma_semaphore, #tpu.memory_space<semaphore_mem>>
      tpu.wait_indirect_dma semaphore(%dma_wait3A_618 : memref<!tpu.dma_semaphore, #tpu.memory_space<semaphore_mem>>) src(%dma_wait3A_616 : memref<10000x64xf32, #tpu.memory_space<hbm>>) dst(%dma_wait3A_612 : memref<80x64xf32, #tpu.memory_space<vmem>>)
      %dma_start3A_619 = arith.constant 3 : i32
      %dma_start3A_620 = arith.constant 3 : i32
      %dma_start3A_621 = arith.constant 3 : i32
      %dma_start3A_622 = arith.constant 0 : i32
      %dma_start3A_623 = arith.constant 0 : i32
      %dma_start3A_624 = tpu.memref_slice %arg9[%dma_start3A_619, %dma_start3A_622, %dma_start3A_623] : memref<5x80x64xf32, #tpu.memory_space<vmem>> -> memref<1x80x64xf32, #tpu.memory_space<vmem>>
      %dma_start3A_625 = tpu.memref_squeeze %dma_start3A_624 : memref<1x80x64xf32, #tpu.memory_space<vmem>> -> memref<80x64xf32, #tpu.memory_space<vmem>>
      %dma_start3A_626 = arith.constant 0 : i32
      %dma_start3A_627 = tpu.memref_slice %arg8[%dma_start3A_620, %dma_start3A_626] : memref<5x80xi32, #tpu.memory_space<vmem>> -> memref<1x80xi32, #tpu.memory_space<vmem>>
      %dma_start3A_628 = tpu.memref_squeeze %dma_start3A_627 : memref<1x80xi32, #tpu.memory_space<vmem>> -> memref<80xi32, #tpu.memory_space<vmem>>
      %dma_start3A_629 = arith.constant 0 : i32
      %dma_start3A_630 = arith.constant 0 : i32
      %dma_start3A_631 = tpu.memref_slice %arg10[%dma_start3A_629, %dma_start3A_630] : memref<10240x64xf32, #tpu.memory_space<vmem_shared>> -> memref<10240x64xf32, #tpu.memory_space<vmem_shared>>
      %dma_start3A_632 = tpu.memref_slice %arg13[%dma_start3A_621] : memref<5x!tpu.dma_semaphore, #tpu.memory_space<semaphore_mem>> -> memref<1x!tpu.dma_semaphore, #tpu.memory_space<semaphore_mem>>
      %dma_start3A_633 = tpu.memref_squeeze %dma_start3A_632 : memref<1x!tpu.dma_semaphore, #tpu.memory_space<semaphore_mem>> -> memref<!tpu.dma_semaphore, #tpu.memory_space<semaphore_mem>>
      tpu.enqueue_indirect_dma source(%dma_start3A_625 : memref<80x64xf32, #tpu.memory_space<vmem>>) target(%dma_start3A_631 : memref<10240x64xf32, #tpu.memory_space<vmem_shared>>) offsets(%dma_start3A_628 : memref<80xi32, #tpu.memory_space<vmem>>) semaphore(%dma_start3A_633 : memref<!tpu.dma_semaphore, #tpu.memory_space<semaphore_mem>>) {add = true}
      %add3A_634 = arith.constant 4 : i32
      %add3A_635 = arith.addi %add3A_441, %add3A_634 : i32
      %mul3A_636 = arith.constant 80 : i32
      %mul3A_637 = arith.muli %add3A_635, %mul3A_636 : i32
      %add3A_638 = arith.addi %mul3A_2, %mul3A_637 : i32
      %dma_wait3A_639 = arith.constant 4 : i32
      %dma_wait3A_640 = arith.constant 4 : i32
      %dma_wait3A_641 = arith.constant 0 : i32
      %dma_wait3A_642 = tpu.memref_slice %arg8[%dma_wait3A_639, %dma_wait3A_641] : memref<5x80xi32, #tpu.memory_space<vmem>> -> memref<1x80xi32, #tpu.memory_space<vmem>>
      %dma_wait3A_643 = tpu.memref_squeeze %dma_wait3A_642 : memref<1x80xi32, #tpu.memory_space<vmem>> -> memref<80xi32, #tpu.memory_space<vmem>>
      %dma_wait3A_644 = tpu.memref_slice %arg4[%add3A_638] : memref<320000xi32, #tpu.memory_space<hbm>> -> memref<80xi32, #tpu.memory_space<hbm>>
      %dma_wait3A_645 = tpu.memref_slice %arg12[%dma_wait3A_640] : memref<5x!tpu.dma_semaphore, #tpu.memory_space<semaphore_mem>> -> memref<1x!tpu.dma_semaphore, #tpu.memory_space<semaphore_mem>>
      %dma_wait3A_646 = tpu.memref_squeeze %dma_wait3A_645 : memref<1x!tpu.dma_semaphore, #tpu.memory_space<semaphore_mem>> -> memref<!tpu.dma_semaphore, #tpu.memory_space<semaphore_mem>>
      %dma_wait3A_647 = arith.constant 0 : i32
      %dma_wait3A_648 = tpu.memref_slice %arg8[%dma_wait3A_639, %dma_wait3A_647] : memref<5x80xi32, #tpu.memory_space<vmem>> -> memref<1x80xi32, #tpu.memory_space<vmem>>
      %dma_wait3A_649 = tpu.memref_squeeze %dma_wait3A_648 : memref<1x80xi32, #tpu.memory_space<vmem>> -> memref<80xi32, #tpu.memory_space<vmem>>
      %dma_wait3A_650 = tpu.memref_slice %arg4[%add3A_638] : memref<320000xi32, #tpu.memory_space<hbm>> -> memref<80xi32, #tpu.memory_space<hbm>>
      tpu.wait_dma2 semaphore(%dma_wait3A_646 : memref<!tpu.dma_semaphore, #tpu.memory_space<semaphore_mem>>) src(%dma_wait3A_650 : memref<80xi32, #tpu.memory_space<hbm>>) dst(%dma_wait3A_649 : memref<80xi32, #tpu.memory_space<vmem>>)
      %add3A_651 = arith.constant 4 : i32
      %add3A_652 = arith.addi %add3A_441, %add3A_651 : i32
      %mul3A_653 = arith.constant 80 : i32
      %mul3A_654 = arith.muli %add3A_652, %mul3A_653 : i32
      %dma_wait3A_655 = arith.constant 4 : i32
      %dma_wait3A_656 = arith.constant 4 : i32
      %dma_wait3A_657 = arith.constant 0 : i32
      %dma_wait3A_658 = arith.constant 0 : i32
      %dma_wait3A_659 = tpu.memref_slice %arg9[%dma_wait3A_655, %dma_wait3A_657, %dma_wait3A_658] : memref<5x80x64xf32, #tpu.memory_space<vmem>> -> memref<1x80x64xf32, #tpu.memory_space<vmem>>
      %dma_wait3A_660 = tpu.memref_squeeze %dma_wait3A_659 : memref<1x80x64xf32, #tpu.memory_space<vmem>> -> memref<80x64xf32, #tpu.memory_space<vmem>>
      %dma_wait3A_661 = tpu.memref_slice %arg7[%mul3A_654] : memref<10000xi32, #tpu.memory_space<vmem>> -> memref<80xi32, #tpu.memory_space<vmem>>
      %dma_wait3A_662 = arith.constant 0 : i32
      %dma_wait3A_663 = arith.constant 0 : i32
      %dma_wait3A_664 = tpu.memref_slice %arg2[%dma_wait3A_662, %dma_wait3A_663] : memref<10000x64xf32, #tpu.memory_space<hbm>> -> memref<10000x64xf32, #tpu.memory_space<hbm>>
      %dma_wait3A_665 = tpu.memref_slice %arg11[%dma_wait3A_656] : memref<5x!tpu.dma_semaphore, #tpu.memory_space<semaphore_mem>> -> memref<1x!tpu.dma_semaphore, #tpu.memory_space<semaphore_mem>>
      %dma_wait3A_666 = tpu.memref_squeeze %dma_wait3A_665 : memref<1x!tpu.dma_semaphore, #tpu.memory_space<semaphore_mem>> -> memref<!tpu.dma_semaphore, #tpu.memory_space<semaphore_mem>>
      tpu.wait_indirect_dma semaphore(%dma_wait3A_666 : memref<!tpu.dma_semaphore, #tpu.memory_space<semaphore_mem>>) src(%dma_wait3A_664 : memref<10000x64xf32, #tpu.memory_space<hbm>>) dst(%dma_wait3A_660 : memref<80x64xf32, #tpu.memory_space<vmem>>)
      %dma_start3A_667 = arith.constant 4 : i32
      %dma_start3A_668 = arith.constant 4 : i32
      %dma_start3A_669 = arith.constant 4 : i32
      %dma_start3A_670 = arith.constant 0 : i32
      %dma_start3A_671 = arith.constant 0 : i32
      %dma_start3A_672 = tpu.memref_slice %arg9[%dma_start3A_667, %dma_start3A_670, %dma_start3A_671] : memref<5x80x64xf32, #tpu.memory_space<vmem>> -> memref<1x80x64xf32, #tpu.memory_space<vmem>>
      %dma_start3A_673 = tpu.memref_squeeze %dma_start3A_672 : memref<1x80x64xf32, #tpu.memory_space<vmem>> -> memref<80x64xf32, #tpu.memory_space<vmem>>
      %dma_start3A_674 = arith.constant 0 : i32
      %dma_start3A_675 = tpu.memref_slice %arg8[%dma_start3A_668, %dma_start3A_674] : memref<5x80xi32, #tpu.memory_space<vmem>> -> memref<1x80xi32, #tpu.memory_space<vmem>>
      %dma_start3A_676 = tpu.memref_squeeze %dma_start3A_675 : memref<1x80xi32, #tpu.memory_space<vmem>> -> memref<80xi32, #tpu.memory_space<vmem>>
      %dma_start3A_677 = arith.constant 0 : i32
      %dma_start3A_678 = arith.constant 0 : i32
      %dma_start3A_679 = tpu.memref_slice %arg10[%dma_start3A_677, %dma_start3A_678] : memref<10240x64xf32, #tpu.memory_space<vmem_shared>> -> memref<10240x64xf32, #tpu.memory_space<vmem_shared>>
      %dma_start3A_680 = tpu.memref_slice %arg13[%dma_start3A_669] : memref<5x!tpu.dma_semaphore, #tpu.memory_space<semaphore_mem>> -> memref<1x!tpu.dma_semaphore, #tpu.memory_space<semaphore_mem>>
      %dma_start3A_681 = tpu.memref_squeeze %dma_start3A_680 : memref<1x!tpu.dma_semaphore, #tpu.memory_space<semaphore_mem>> -> memref<!tpu.dma_semaphore, #tpu.memory_space<semaphore_mem>>
      tpu.enqueue_indirect_dma source(%dma_start3A_673 : memref<80x64xf32, #tpu.memory_space<vmem>>) target(%dma_start3A_679 : memref<10240x64xf32, #tpu.memory_space<vmem_shared>>) offsets(%dma_start3A_676 : memref<80xi32, #tpu.memory_space<vmem>>) semaphore(%dma_start3A_681 : memref<!tpu.dma_semaphore, #tpu.memory_space<semaphore_mem>>) {add = true}
      %dma_wait3A_682 = arith.constant 0 : i32
      %dma_wait3A_683 = arith.constant 0 : i32
      %dma_wait3A_684 = arith.constant 0 : i32
      %dma_wait3A_685 = arith.constant 0 : i32
      %dma_wait3A_686 = arith.constant 0 : i32
      %dma_wait3A_687 = tpu.memref_slice %arg9[%dma_wait3A_682, %dma_wait3A_685, %dma_wait3A_686] : memref<5x80x64xf32, #tpu.memory_space<vmem>> -> memref<1x80x64xf32, #tpu.memory_space<vmem>>
      %dma_wait3A_688 = tpu.memref_squeeze %dma_wait3A_687 : memref<1x80x64xf32, #tpu.memory_space<vmem>> -> memref<80x64xf32, #tpu.memory_space<vmem>>
      %dma_wait3A_689 = arith.constant 0 : i32
      %dma_wait3A_690 = tpu.memref_slice %arg8[%dma_wait3A_683, %dma_wait3A_689] : memref<5x80xi32, #tpu.memory_space<vmem>> -> memref<1x80xi32, #tpu.memory_space<vmem>>
      %dma_wait3A_691 = tpu.memref_squeeze %dma_wait3A_690 : memref<1x80xi32, #tpu.memory_space<vmem>> -> memref<80xi32, #tpu.memory_space<vmem>>
      %dma_wait3A_692 = arith.constant 0 : i32
      %dma_wait3A_693 = arith.constant 0 : i32
      %dma_wait3A_694 = tpu.memref_slice %arg10[%dma_wait3A_692, %dma_wait3A_693] : memref<10240x64xf32, #tpu.memory_space<vmem_shared>> -> memref<10240x64xf32, #tpu.memory_space<vmem_shared>>
      %dma_wait3A_695 = tpu.memref_slice %arg13[%dma_wait3A_684] : memref<5x!tpu.dma_semaphore, #tpu.memory_space<semaphore_mem>> -> memref<1x!tpu.dma_semaphore, #tpu.memory_space<semaphore_mem>>
      %dma_wait3A_696 = tpu.memref_squeeze %dma_wait3A_695 : memref<1x!tpu.dma_semaphore, #tpu.memory_space<semaphore_mem>> -> memref<!tpu.dma_semaphore, #tpu.memory_space<semaphore_mem>>
      tpu.wait_indirect_dma semaphore(%dma_wait3A_696 : memref<!tpu.dma_semaphore, #tpu.memory_space<semaphore_mem>>) src(%dma_wait3A_688 : memref<80x64xf32, #tpu.memory_space<vmem>>) dst(%dma_wait3A_694 : memref<10240x64xf32, #tpu.memory_space<vmem_shared>>)
      %add3A_697 = arith.constant 5 : i32
      %add3A_698 = arith.addi %add3A_441, %add3A_697 : i32
      %add3A_699 = arith.constant 0 : i32
      %add3A_700 = arith.addi %add3A_698, %add3A_699 : i32
      %mul3A_701 = arith.constant 80 : i32
      %mul3A_702 = arith.muli %add3A_700, %mul3A_701 : i32
      %add3A_703 = arith.addi %mul3A_2, %mul3A_702 : i32
      %dma_start3A_704 = arith.constant 0 : i32
      %dma_start3A_705 = arith.constant 0 : i32
      %dma_start3A_706 = arith.constant 0 : i32
      %dma_start3A_707 = tpu.memref_slice %arg8[%dma_start3A_704, %dma_start3A_706] : memref<5x80xi32, #tpu.memory_space<vmem>> -> memref<1x80xi32, #tpu.memory_space<vmem>>
      %dma_start3A_708 = tpu.memref_squeeze %dma_start3A_707 : memref<1x80xi32, #tpu.memory_space<vmem>> -> memref<80xi32, #tpu.memory_space<vmem>>
      %dma_start3A_709 = tpu.memref_slice %arg4[%add3A_703] : memref<320000xi32, #tpu.memory_space<hbm>> -> memref<80xi32, #tpu.memory_space<hbm>>
      %dma_start3A_710 = tpu.memref_slice %arg12[%dma_start3A_705] : memref<5x!tpu.dma_semaphore, #tpu.memory_space<semaphore_mem>> -> memref<1x!tpu.dma_semaphore, #tpu.memory_space<semaphore_mem>>
      %dma_start3A_711 = tpu.memref_squeeze %dma_start3A_710 : memref<1x!tpu.dma_semaphore, #tpu.memory_space<semaphore_mem>> -> memref<!tpu.dma_semaphore, #tpu.memory_space<semaphore_mem>>
      %dma_start3A_712 = arith.constant 0 : i32
      %dma_start3A_713 = tpu.memref_slice %arg8[%dma_start3A_704, %dma_start3A_712] : memref<5x80xi32, #tpu.memory_space<vmem>> -> memref<1x80xi32, #tpu.memory_space<vmem>>
      %dma_start3A_714 = tpu.memref_squeeze %dma_start3A_713 : memref<1x80xi32, #tpu.memory_space<vmem>> -> memref<80xi32, #tpu.memory_space<vmem>>
      %dma_start3A_715 = tpu.memref_slice %arg4[%add3A_703] : memref<320000xi32, #tpu.memory_space<hbm>> -> memref<80xi32, #tpu.memory_space<hbm>>
      tpu.enqueue_dma source(%dma_start3A_715 : memref<80xi32, #tpu.memory_space<hbm>>) target(%dma_start3A_714 : memref<80xi32, #tpu.memory_space<vmem>>) target_semaphore(%dma_start3A_711 : memref<!tpu.dma_semaphore, #tpu.memory_space<semaphore_mem>>)
      %add3A_716 = arith.constant 5 : i32
      %add3A_717 = arith.addi %add3A_441, %add3A_716 : i32
      %add3A_718 = arith.constant 0 : i32
      %add3A_719 = arith.addi %add3A_717, %add3A_718 : i32
      %mul3A_720 = arith.constant 80 : i32
      %mul3A_721 = arith.muli %add3A_719, %mul3A_720 : i32
      %dma_start3A_722 = arith.constant 0 : i32
      %dma_start3A_723 = arith.constant 0 : i32
      %dma_start3A_724 = arith.constant 0 : i32
      %dma_start3A_725 = arith.constant 0 : i32
      %dma_start3A_726 = tpu.memref_slice %arg9[%dma_start3A_722, %dma_start3A_724, %dma_start3A_725] : memref<5x80x64xf32, #tpu.memory_space<vmem>> -> memref<1x80x64xf32, #tpu.memory_space<vmem>>
      %dma_start3A_727 = tpu.memref_squeeze %dma_start3A_726 : memref<1x80x64xf32, #tpu.memory_space<vmem>> -> memref<80x64xf32, #tpu.memory_space<vmem>>
      %dma_start3A_728 = tpu.memref_slice %arg7[%mul3A_721] : memref<10000xi32, #tpu.memory_space<vmem>> -> memref<80xi32, #tpu.memory_space<vmem>>
      %dma_start3A_729 = arith.constant 0 : i32
      %dma_start3A_730 = arith.constant 0 : i32
      %dma_start3A_731 = tpu.memref_slice %arg2[%dma_start3A_729, %dma_start3A_730] : memref<10000x64xf32, #tpu.memory_space<hbm>> -> memref<10000x64xf32, #tpu.memory_space<hbm>>
      %dma_start3A_732 = tpu.memref_slice %arg11[%dma_start3A_723] : memref<5x!tpu.dma_semaphore, #tpu.memory_space<semaphore_mem>> -> memref<1x!tpu.dma_semaphore, #tpu.memory_space<semaphore_mem>>
      %dma_start3A_733 = tpu.memref_squeeze %dma_start3A_732 : memref<1x!tpu.dma_semaphore, #tpu.memory_space<semaphore_mem>> -> memref<!tpu.dma_semaphore, #tpu.memory_space<semaphore_mem>>
      tpu.enqueue_indirect_dma source(%dma_start3A_731 : memref<10000x64xf32, #tpu.memory_space<hbm>>) target(%dma_start3A_727 : memref<80x64xf32, #tpu.memory_space<vmem>>) offsets(%dma_start3A_728 : memref<80xi32, #tpu.memory_space<vmem>>) semaphore(%dma_start3A_733 : memref<!tpu.dma_semaphore, #tpu.memory_space<semaphore_mem>>)
      %dma_wait3A_734 = arith.constant 1 : i32
      %dma_wait3A_735 = arith.constant 1 : i32
      %dma_wait3A_736 = arith.constant 1 : i32
      %dma_wait3A_737 = arith.constant 0 : i32
      %dma_wait3A_738 = arith.constant 0 : i32
      %dma_wait3A_739 = tpu.memref_slice %arg9[%dma_wait3A_734, %dma_wait3A_737, %dma_wait3A_738] : memref<5x80x64xf32, #tpu.memory_space<vmem>> -> memref<1x80x64xf32, #tpu.memory_space<vmem>>
      %dma_wait3A_740 = tpu.memref_squeeze %dma_wait3A_739 : memref<1x80x64xf32, #tpu.memory_space<vmem>> -> memref<80x64xf32, #tpu.memory_space<vmem>>
      %dma_wait3A_741 = arith.constant 0 : i32
      %dma_wait3A_742 = tpu.memref_slice %arg8[%dma_wait3A_735, %dma_wait3A_741] : memref<5x80xi32, #tpu.memory_space<vmem>> -> memref<1x80xi32, #tpu.memory_space<vmem>>
      %dma_wait3A_743 = tpu.memref_squeeze %dma_wait3A_742 : memref<1x80xi32, #tpu.memory_space<vmem>> -> memref<80xi32, #tpu.memory_space<vmem>>
      %dma_wait3A_744 = arith.constant 0 : i32
      %dma_wait3A_745 = arith.constant 0 : i32
      %dma_wait3A_746 = tpu.memref_slice %arg10[%dma_wait3A_744, %dma_wait3A_745] : memref<10240x64xf32, #tpu.memory_space<vmem_shared>> -> memref<10240x64xf32, #tpu.memory_space<vmem_shared>>
      %dma_wait3A_747 = tpu.memref_slice %arg13[%dma_wait3A_736] : memref<5x!tpu.dma_semaphore, #tpu.memory_space<semaphore_mem>> -> memref<1x!tpu.dma_semaphore, #tpu.memory_space<semaphore_mem>>
      %dma_wait3A_748 = tpu.memref_squeeze %dma_wait3A_747 : memref<1x!tpu.dma_semaphore, #tpu.memory_space<semaphore_mem>> -> memref<!tpu.dma_semaphore, #tpu.memory_space<semaphore_mem>>
      tpu.wait_indirect_dma semaphore(%dma_wait3A_748 : memref<!tpu.dma_semaphore, #tpu.memory_space<semaphore_mem>>) src(%dma_wait3A_740 : memref<80x64xf32, #tpu.memory_space<vmem>>) dst(%dma_wait3A_746 : memref<10240x64xf32, #tpu.memory_space<vmem_shared>>)
      %add3A_749 = arith.constant 5 : i32
      %add3A_750 = arith.addi %add3A_441, %add3A_749 : i32
      %add3A_751 = arith.constant 1 : i32
      %add3A_752 = arith.addi %add3A_750, %add3A_751 : i32
      %mul3A_753 = arith.constant 80 : i32
      %mul3A_754 = arith.muli %add3A_752, %mul3A_753 : i32
      %add3A_755 = arith.addi %mul3A_2, %mul3A_754 : i32
      %dma_start3A_756 = arith.constant 1 : i32
      %dma_start3A_757 = arith.constant 1 : i32
      %dma_start3A_758 = arith.constant 0 : i32
      %dma_start3A_759 = tpu.memref_slice %arg8[%dma_start3A_756, %dma_start3A_758] : memref<5x80xi32, #tpu.memory_space<vmem>> -> memref<1x80xi32, #tpu.memory_space<vmem>>
      %dma_start3A_760 = tpu.memref_squeeze %dma_start3A_759 : memref<1x80xi32, #tpu.memory_space<vmem>> -> memref<80xi32, #tpu.memory_space<vmem>>
      %dma_start3A_761 = tpu.memref_slice %arg4[%add3A_755] : memref<320000xi32, #tpu.memory_space<hbm>> -> memref<80xi32, #tpu.memory_space<hbm>>
      %dma_start3A_762 = tpu.memref_slice %arg12[%dma_start3A_757] : memref<5x!tpu.dma_semaphore, #tpu.memory_space<semaphore_mem>> -> memref<1x!tpu.dma_semaphore, #tpu.memory_space<semaphore_mem>>
      %dma_start3A_763 = tpu.memref_squeeze %dma_start3A_762 : memref<1x!tpu.dma_semaphore, #tpu.memory_space<semaphore_mem>> -> memref<!tpu.dma_semaphore, #tpu.memory_space<semaphore_mem>>
      %dma_start3A_764 = arith.constant 0 : i32
      %dma_start3A_765 = tpu.memref_slice %arg8[%dma_start3A_756, %dma_start3A_764] : memref<5x80xi32, #tpu.memory_space<vmem>> -> memref<1x80xi32, #tpu.memory_space<vmem>>
      %dma_start3A_766 = tpu.memref_squeeze %dma_start3A_765 : memref<1x80xi32, #tpu.memory_space<vmem>> -> memref<80xi32, #tpu.memory_space<vmem>>
      %dma_start3A_767 = tpu.memref_slice %arg4[%add3A_755] : memref<320000xi32, #tpu.memory_space<hbm>> -> memref<80xi32, #tpu.memory_space<hbm>>
      tpu.enqueue_dma source(%dma_start3A_767 : memref<80xi32, #tpu.memory_space<hbm>>) target(%dma_start3A_766 : memref<80xi32, #tpu.memory_space<vmem>>) target_semaphore(%dma_start3A_763 : memref<!tpu.dma_semaphore, #tpu.memory_space<semaphore_mem>>)
      %add3A_768 = arith.constant 5 : i32
      %add3A_769 = arith.addi %add3A_441, %add3A_768 : i32
      %add3A_770 = arith.constant 1 : i32
      %add3A_771 = arith.addi %add3A_769, %add3A_770 : i32
      %mul3A_772 = arith.constant 80 : i32
      %mul3A_773 = arith.muli %add3A_771, %mul3A_772 : i32
      %dma_start3A_774 = arith.constant 1 : i32
      %dma_start3A_775 = arith.constant 1 : i32
      %dma_start3A_776 = arith.constant 0 : i32
      %dma_start3A_777 = arith.constant 0 : i32
      %dma_start3A_778 = tpu.memref_slice %arg9[%dma_start3A_774, %dma_start3A_776, %dma_start3A_777] : memref<5x80x64xf32, #tpu.memory_space<vmem>> -> memref<1x80x64xf32, #tpu.memory_space<vmem>>
      %dma_start3A_779 = tpu.memref_squeeze %dma_start3A_778 : memref<1x80x64xf32, #tpu.memory_space<vmem>> -> memref<80x64xf32, #tpu.memory_space<vmem>>
      %dma_start3A_780 = tpu.memref_slice %arg7[%mul3A_773] : memref<10000xi32, #tpu.memory_space<vmem>> -> memref<80xi32, #tpu.memory_space<vmem>>
      %dma_start3A_781 = arith.constant 0 : i32
      %dma_start3A_782 = arith.constant 0 : i32
      %dma_start3A_783 = tpu.memref_slice %arg2[%dma_start3A_781, %dma_start3A_782] : memref<10000x64xf32, #tpu.memory_space<hbm>> -> memref<10000x64xf32, #tpu.memory_space<hbm>>
      %dma_start3A_784 = tpu.memref_slice %arg11[%dma_start3A_775] : memref<5x!tpu.dma_semaphore, #tpu.memory_space<semaphore_mem>> -> memref<1x!tpu.dma_semaphore, #tpu.memory_space<semaphore_mem>>
      %dma_start3A_785 = tpu.memref_squeeze %dma_start3A_784 : memref<1x!tpu.dma_semaphore, #tpu.memory_space<semaphore_mem>> -> memref<!tpu.dma_semaphore, #tpu.memory_space<semaphore_mem>>
      tpu.enqueue_indirect_dma source(%dma_start3A_783 : memref<10000x64xf32, #tpu.memory_space<hbm>>) target(%dma_start3A_779 : memref<80x64xf32, #tpu.memory_space<vmem>>) offsets(%dma_start3A_780 : memref<80xi32, #tpu.memory_space<vmem>>) semaphore(%dma_start3A_785 : memref<!tpu.dma_semaphore, #tpu.memory_space<semaphore_mem>>)
      %dma_wait3A_786 = arith.constant 2 : i32
      %dma_wait3A_787 = arith.constant 2 : i32
      %dma_wait3A_788 = arith.constant 2 : i32
      %dma_wait3A_789 = arith.constant 0 : i32
      %dma_wait3A_790 = arith.constant 0 : i32
      %dma_wait3A_791 = tpu.memref_slice %arg9[%dma_wait3A_786, %dma_wait3A_789, %dma_wait3A_790] : memref<5x80x64xf32, #tpu.memory_space<vmem>> -> memref<1x80x64xf32, #tpu.memory_space<vmem>>
      %dma_wait3A_792 = tpu.memref_squeeze %dma_wait3A_791 : memref<1x80x64xf32, #tpu.memory_space<vmem>> -> memref<80x64xf32, #tpu.memory_space<vmem>>
      %dma_wait3A_793 = arith.constant 0 : i32
      %dma_wait3A_794 = tpu.memref_slice %arg8[%dma_wait3A_787, %dma_wait3A_793] : memref<5x80xi32, #tpu.memory_space<vmem>> -> memref<1x80xi32, #tpu.memory_space<vmem>>
      %dma_wait3A_795 = tpu.memref_squeeze %dma_wait3A_794 : memref<1x80xi32, #tpu.memory_space<vmem>> -> memref<80xi32, #tpu.memory_space<vmem>>
      %dma_wait3A_796 = arith.constant 0 : i32
      %dma_wait3A_797 = arith.constant 0 : i32
      %dma_wait3A_798 = tpu.memref_slice %arg10[%dma_wait3A_796, %dma_wait3A_797] : memref<10240x64xf32, #tpu.memory_space<vmem_shared>> -> memref<10240x64xf32, #tpu.memory_space<vmem_shared>>
      %dma_wait3A_799 = tpu.memref_slice %arg13[%dma_wait3A_788] : memref<5x!tpu.dma_semaphore, #tpu.memory_space<semaphore_mem>> -> memref<1x!tpu.dma_semaphore, #tpu.memory_space<semaphore_mem>>
      %dma_wait3A_800 = tpu.memref_squeeze %dma_wait3A_799 : memref<1x!tpu.dma_semaphore, #tpu.memory_space<semaphore_mem>> -> memref<!tpu.dma_semaphore, #tpu.memory_space<semaphore_mem>>
      tpu.wait_indirect_dma semaphore(%dma_wait3A_800 : memref<!tpu.dma_semaphore, #tpu.memory_space<semaphore_mem>>) src(%dma_wait3A_792 : memref<80x64xf32, #tpu.memory_space<vmem>>) dst(%dma_wait3A_798 : memref<10240x64xf32, #tpu.memory_space<vmem_shared>>)
      %add3A_801 = arith.constant 5 : i32
      %add3A_802 = arith.addi %add3A_441, %add3A_801 : i32
      %add3A_803 = arith.constant 2 : i32
      %add3A_804 = arith.addi %add3A_802, %add3A_803 : i32
      %mul3A_805 = arith.constant 80 : i32
      %mul3A_806 = arith.muli %add3A_804, %mul3A_805 : i32
      %add3A_807 = arith.addi %mul3A_2, %mul3A_806 : i32
      %dma_start3A_808 = arith.constant 2 : i32
      %dma_start3A_809 = arith.constant 2 : i32
      %dma_start3A_810 = arith.constant 0 : i32
      %dma_start3A_811 = tpu.memref_slice %arg8[%dma_start3A_808, %dma_start3A_810] : memref<5x80xi32, #tpu.memory_space<vmem>> -> memref<1x80xi32, #tpu.memory_space<vmem>>
      %dma_start3A_812 = tpu.memref_squeeze %dma_start3A_811 : memref<1x80xi32, #tpu.memory_space<vmem>> -> memref<80xi32, #tpu.memory_space<vmem>>
      %dma_start3A_813 = tpu.memref_slice %arg4[%add3A_807] : memref<320000xi32, #tpu.memory_space<hbm>> -> memref<80xi32, #tpu.memory_space<hbm>>
      %dma_start3A_814 = tpu.memref_slice %arg12[%dma_start3A_809] : memref<5x!tpu.dma_semaphore, #tpu.memory_space<semaphore_mem>> -> memref<1x!tpu.dma_semaphore, #tpu.memory_space<semaphore_mem>>
      %dma_start3A_815 = tpu.memref_squeeze %dma_start3A_814 : memref<1x!tpu.dma_semaphore, #tpu.memory_space<semaphore_mem>> -> memref<!tpu.dma_semaphore, #tpu.memory_space<semaphore_mem>>
      %dma_start3A_816 = arith.constant 0 : i32
      %dma_start3A_817 = tpu.memref_slice %arg8[%dma_start3A_808, %dma_start3A_816] : memref<5x80xi32, #tpu.memory_space<vmem>> -> memref<1x80xi32, #tpu.memory_space<vmem>>
      %dma_start3A_818 = tpu.memref_squeeze %dma_start3A_817 : memref<1x80xi32, #tpu.memory_space<vmem>> -> memref<80xi32, #tpu.memory_space<vmem>>
      %dma_start3A_819 = tpu.memref_slice %arg4[%add3A_807] : memref<320000xi32, #tpu.memory_space<hbm>> -> memref<80xi32, #tpu.memory_space<hbm>>
      tpu.enqueue_dma source(%dma_start3A_819 : memref<80xi32, #tpu.memory_space<hbm>>) target(%dma_start3A_818 : memref<80xi32, #tpu.memory_space<vmem>>) target_semaphore(%dma_start3A_815 : memref<!tpu.dma_semaphore, #tpu.memory_space<semaphore_mem>>)
      %add3A_820 = arith.constant 5 : i32
      %add3A_821 = arith.addi %add3A_441, %add3A_820 : i32
      %add3A_822 = arith.constant 2 : i32
      %add3A_823 = arith.addi %add3A_821, %add3A_822 : i32
      %mul3A_824 = arith.constant 80 : i32
      %mul3A_825 = arith.muli %add3A_823, %mul3A_824 : i32
      %dma_start3A_826 = arith.constant 2 : i32
      %dma_start3A_827 = arith.constant 2 : i32
      %dma_start3A_828 = arith.constant 0 : i32
      %dma_start3A_829 = arith.constant 0 : i32
      %dma_start3A_830 = tpu.memref_slice %arg9[%dma_start3A_826, %dma_start3A_828, %dma_start3A_829] : memref<5x80x64xf32, #tpu.memory_space<vmem>> -> memref<1x80x64xf32, #tpu.memory_space<vmem>>
      %dma_start3A_831 = tpu.memref_squeeze %dma_start3A_830 : memref<1x80x64xf32, #tpu.memory_space<vmem>> -> memref<80x64xf32, #tpu.memory_space<vmem>>
      %dma_start3A_832 = tpu.memref_slice %arg7[%mul3A_825] : memref<10000xi32, #tpu.memory_space<vmem>> -> memref<80xi32, #tpu.memory_space<vmem>>
      %dma_start3A_833 = arith.constant 0 : i32
      %dma_start3A_834 = arith.constant 0 : i32
      %dma_start3A_835 = tpu.memref_slice %arg2[%dma_start3A_833, %dma_start3A_834] : memref<10000x64xf32, #tpu.memory_space<hbm>> -> memref<10000x64xf32, #tpu.memory_space<hbm>>
      %dma_start3A_836 = tpu.memref_slice %arg11[%dma_start3A_827] : memref<5x!tpu.dma_semaphore, #tpu.memory_space<semaphore_mem>> -> memref<1x!tpu.dma_semaphore, #tpu.memory_space<semaphore_mem>>
      %dma_start3A_837 = tpu.memref_squeeze %dma_start3A_836 : memref<1x!tpu.dma_semaphore, #tpu.memory_space<semaphore_mem>> -> memref<!tpu.dma_semaphore, #tpu.memory_space<semaphore_mem>>
      tpu.enqueue_indirect_dma source(%dma_start3A_835 : memref<10000x64xf32, #tpu.memory_space<hbm>>) target(%dma_start3A_831 : memref<80x64xf32, #tpu.memory_space<vmem>>) offsets(%dma_start3A_832 : memref<80xi32, #tpu.memory_space<vmem>>) semaphore(%dma_start3A_837 : memref<!tpu.dma_semaphore, #tpu.memory_space<semaphore_mem>>)
      %dma_wait3A_838 = arith.constant 3 : i32
      %dma_wait3A_839 = arith.constant 3 : i32
      %dma_wait3A_840 = arith.constant 3 : i32
      %dma_wait3A_841 = arith.constant 0 : i32
      %dma_wait3A_842 = arith.constant 0 : i32
      %dma_wait3A_843 = tpu.memref_slice %arg9[%dma_wait3A_838, %dma_wait3A_841, %dma_wait3A_842] : memref<5x80x64xf32, #tpu.memory_space<vmem>> -> memref<1x80x64xf32, #tpu.memory_space<vmem>>
      %dma_wait3A_844 = tpu.memref_squeeze %dma_wait3A_843 : memref<1x80x64xf32, #tpu.memory_space<vmem>> -> memref<80x64xf32, #tpu.memory_space<vmem>>
      %dma_wait3A_845 = arith.constant 0 : i32
      %dma_wait3A_846 = tpu.memref_slice %arg8[%dma_wait3A_839, %dma_wait3A_845] : memref<5x80xi32, #tpu.memory_space<vmem>> -> memref<1x80xi32, #tpu.memory_space<vmem>>
      %dma_wait3A_847 = tpu.memref_squeeze %dma_wait3A_846 : memref<1x80xi32, #tpu.memory_space<vmem>> -> memref<80xi32, #tpu.memory_space<vmem>>
      %dma_wait3A_848 = arith.constant 0 : i32
      %dma_wait3A_849 = arith.constant 0 : i32
      %dma_wait3A_850 = tpu.memref_slice %arg10[%dma_wait3A_848, %dma_wait3A_849] : memref<10240x64xf32, #tpu.memory_space<vmem_shared>> -> memref<10240x64xf32, #tpu.memory_space<vmem_shared>>
      %dma_wait3A_851 = tpu.memref_slice %arg13[%dma_wait3A_840] : memref<5x!tpu.dma_semaphore, #tpu.memory_space<semaphore_mem>> -> memref<1x!tpu.dma_semaphore, #tpu.memory_space<semaphore_mem>>
      %dma_wait3A_852 = tpu.memref_squeeze %dma_wait3A_851 : memref<1x!tpu.dma_semaphore, #tpu.memory_space<semaphore_mem>> -> memref<!tpu.dma_semaphore, #tpu.memory_space<semaphore_mem>>
      tpu.wait_indirect_dma semaphore(%dma_wait3A_852 : memref<!tpu.dma_semaphore, #tpu.memory_space<semaphore_mem>>) src(%dma_wait3A_844 : memref<80x64xf32, #tpu.memory_space<vmem>>) dst(%dma_wait3A_850 : memref<10240x64xf32, #tpu.memory_space<vmem_shared>>)
      %add3A_853 = arith.constant 5 : i32
      %add3A_854 = arith.addi %add3A_441, %add3A_853 : i32
      %add3A_855 = arith.constant 3 : i32
      %add3A_856 = arith.addi %add3A_854, %add3A_855 : i32
      %mul3A_857 = arith.constant 80 : i32
      %mul3A_858 = arith.muli %add3A_856, %mul3A_857 : i32
      %add3A_859 = arith.addi %mul3A_2, %mul3A_858 : i32
      %dma_start3A_860 = arith.constant 3 : i32
      %dma_start3A_861 = arith.constant 3 : i32
      %dma_start3A_862 = arith.constant 0 : i32
      %dma_start3A_863 = tpu.memref_slice %arg8[%dma_start3A_860, %dma_start3A_862] : memref<5x80xi32, #tpu.memory_space<vmem>> -> memref<1x80xi32, #tpu.memory_space<vmem>>
      %dma_start3A_864 = tpu.memref_squeeze %dma_start3A_863 : memref<1x80xi32, #tpu.memory_space<vmem>> -> memref<80xi32, #tpu.memory_space<vmem>>
      %dma_start3A_865 = tpu.memref_slice %arg4[%add3A_859] : memref<320000xi32, #tpu.memory_space<hbm>> -> memref<80xi32, #tpu.memory_space<hbm>>
      %dma_start3A_866 = tpu.memref_slice %arg12[%dma_start3A_861] : memref<5x!tpu.dma_semaphore, #tpu.memory_space<semaphore_mem>> -> memref<1x!tpu.dma_semaphore, #tpu.memory_space<semaphore_mem>>
      %dma_start3A_867 = tpu.memref_squeeze %dma_start3A_866 : memref<1x!tpu.dma_semaphore, #tpu.memory_space<semaphore_mem>> -> memref<!tpu.dma_semaphore, #tpu.memory_space<semaphore_mem>>
      %dma_start3A_868 = arith.constant 0 : i32
      %dma_start3A_869 = tpu.memref_slice %arg8[%dma_start3A_860, %dma_start3A_868] : memref<5x80xi32, #tpu.memory_space<vmem>> -> memref<1x80xi32, #tpu.memory_space<vmem>>
      %dma_start3A_870 = tpu.memref_squeeze %dma_start3A_869 : memref<1x80xi32, #tpu.memory_space<vmem>> -> memref<80xi32, #tpu.memory_space<vmem>>
      %dma_start3A_871 = tpu.memref_slice %arg4[%add3A_859] : memref<320000xi32, #tpu.memory_space<hbm>> -> memref<80xi32, #tpu.memory_space<hbm>>
      tpu.enqueue_dma source(%dma_start3A_871 : memref<80xi32, #tpu.memory_space<hbm>>) target(%dma_start3A_870 : memref<80xi32, #tpu.memory_space<vmem>>) target_semaphore(%dma_start3A_867 : memref<!tpu.dma_semaphore, #tpu.memory_space<semaphore_mem>>)
      %add3A_872 = arith.constant 5 : i32
      %add3A_873 = arith.addi %add3A_441, %add3A_872 : i32
      %add3A_874 = arith.constant 3 : i32
      %add3A_875 = arith.addi %add3A_873, %add3A_874 : i32
      %mul3A_876 = arith.constant 80 : i32
      %mul3A_877 = arith.muli %add3A_875, %mul3A_876 : i32
      %dma_start3A_878 = arith.constant 3 : i32
      %dma_start3A_879 = arith.constant 3 : i32
      %dma_start3A_880 = arith.constant 0 : i32
      %dma_start3A_881 = arith.constant 0 : i32
      %dma_start3A_882 = tpu.memref_slice %arg9[%dma_start3A_878, %dma_start3A_880, %dma_start3A_881] : memref<5x80x64xf32, #tpu.memory_space<vmem>> -> memref<1x80x64xf32, #tpu.memory_space<vmem>>
      %dma_start3A_883 = tpu.memref_squeeze %dma_start3A_882 : memref<1x80x64xf32, #tpu.memory_space<vmem>> -> memref<80x64xf32, #tpu.memory_space<vmem>>
      %dma_start3A_884 = tpu.memref_slice %arg7[%mul3A_877] : memref<10000xi32, #tpu.memory_space<vmem>> -> memref<80xi32, #tpu.memory_space<vmem>>
      %dma_start3A_885 = arith.constant 0 : i32
      %dma_start3A_886 = arith.constant 0 : i32
      %dma_start3A_887 = tpu.memref_slice %arg2[%dma_start3A_885, %dma_start3A_886] : memref<10000x64xf32, #tpu.memory_space<hbm>> -> memref<10000x64xf32, #tpu.memory_space<hbm>>
      %dma_start3A_888 = tpu.memref_slice %arg11[%dma_start3A_879] : memref<5x!tpu.dma_semaphore, #tpu.memory_space<semaphore_mem>> -> memref<1x!tpu.dma_semaphore, #tpu.memory_space<semaphore_mem>>
      %dma_start3A_889 = tpu.memref_squeeze %dma_start3A_888 : memref<1x!tpu.dma_semaphore, #tpu.memory_space<semaphore_mem>> -> memref<!tpu.dma_semaphore, #tpu.memory_space<semaphore_mem>>
      tpu.enqueue_indirect_dma source(%dma_start3A_887 : memref<10000x64xf32, #tpu.memory_space<hbm>>) target(%dma_start3A_883 : memref<80x64xf32, #tpu.memory_space<vmem>>) offsets(%dma_start3A_884 : memref<80xi32, #tpu.memory_space<vmem>>) semaphore(%dma_start3A_889 : memref<!tpu.dma_semaphore, #tpu.memory_space<semaphore_mem>>)
      %dma_wait3A_890 = arith.constant 4 : i32
      %dma_wait3A_891 = arith.constant 4 : i32
      %dma_wait3A_892 = arith.constant 4 : i32
      %dma_wait3A_893 = arith.constant 0 : i32
      %dma_wait3A_894 = arith.constant 0 : i32
      %dma_wait3A_895 = tpu.memref_slice %arg9[%dma_wait3A_890, %dma_wait3A_893, %dma_wait3A_894] : memref<5x80x64xf32, #tpu.memory_space<vmem>> -> memref<1x80x64xf32, #tpu.memory_space<vmem>>
      %dma_wait3A_896 = tpu.memref_squeeze %dma_wait3A_895 : memref<1x80x64xf32, #tpu.memory_space<vmem>> -> memref<80x64xf32, #tpu.memory_space<vmem>>
      %dma_wait3A_897 = arith.constant 0 : i32
      %dma_wait3A_898 = tpu.memref_slice %arg8[%dma_wait3A_891, %dma_wait3A_897] : memref<5x80xi32, #tpu.memory_space<vmem>> -> memref<1x80xi32, #tpu.memory_space<vmem>>
      %dma_wait3A_899 = tpu.memref_squeeze %dma_wait3A_898 : memref<1x80xi32, #tpu.memory_space<vmem>> -> memref<80xi32, #tpu.memory_space<vmem>>
      %dma_wait3A_900 = arith.constant 0 : i32
      %dma_wait3A_901 = arith.constant 0 : i32
      %dma_wait3A_902 = tpu.memref_slice %arg10[%dma_wait3A_900, %dma_wait3A_901] : memref<10240x64xf32, #tpu.memory_space<vmem_shared>> -> memref<10240x64xf32, #tpu.memory_space<vmem_shared>>
      %dma_wait3A_903 = tpu.memref_slice %arg13[%dma_wait3A_892] : memref<5x!tpu.dma_semaphore, #tpu.memory_space<semaphore_mem>> -> memref<1x!tpu.dma_semaphore, #tpu.memory_space<semaphore_mem>>
      %dma_wait3A_904 = tpu.memref_squeeze %dma_wait3A_903 : memref<1x!tpu.dma_semaphore, #tpu.memory_space<semaphore_mem>> -> memref<!tpu.dma_semaphore, #tpu.memory_space<semaphore_mem>>
      tpu.wait_indirect_dma semaphore(%dma_wait3A_904 : memref<!tpu.dma_semaphore, #tpu.memory_space<semaphore_mem>>) src(%dma_wait3A_896 : memref<80x64xf32, #tpu.memory_space<vmem>>) dst(%dma_wait3A_902 : memref<10240x64xf32, #tpu.memory_space<vmem_shared>>)
      %add3A_905 = arith.constant 5 : i32
      %add3A_906 = arith.addi %add3A_441, %add3A_905 : i32
      %add3A_907 = arith.constant 4 : i32
      %add3A_908 = arith.addi %add3A_906, %add3A_907 : i32
      %mul3A_909 = arith.constant 80 : i32
      %mul3A_910 = arith.muli %add3A_908, %mul3A_909 : i32
      %add3A_911 = arith.addi %mul3A_2, %mul3A_910 : i32
      %dma_start3A_912 = arith.constant 4 : i32
      %dma_start3A_913 = arith.constant 4 : i32
      %dma_start3A_914 = arith.constant 0 : i32
      %dma_start3A_915 = tpu.memref_slice %arg8[%dma_start3A_912, %dma_start3A_914] : memref<5x80xi32, #tpu.memory_space<vmem>> -> memref<1x80xi32, #tpu.memory_space<vmem>>
      %dma_start3A_916 = tpu.memref_squeeze %dma_start3A_915 : memref<1x80xi32, #tpu.memory_space<vmem>> -> memref<80xi32, #tpu.memory_space<vmem>>
      %dma_start3A_917 = tpu.memref_slice %arg4[%add3A_911] : memref<320000xi32, #tpu.memory_space<hbm>> -> memref<80xi32, #tpu.memory_space<hbm>>
      %dma_start3A_918 = tpu.memref_slice %arg12[%dma_start3A_913] : memref<5x!tpu.dma_semaphore, #tpu.memory_space<semaphore_mem>> -> memref<1x!tpu.dma_semaphore, #tpu.memory_space<semaphore_mem>>
      %dma_start3A_919 = tpu.memref_squeeze %dma_start3A_918 : memref<1x!tpu.dma_semaphore, #tpu.memory_space<semaphore_mem>> -> memref<!tpu.dma_semaphore, #tpu.memory_space<semaphore_mem>>
      %dma_start3A_920 = arith.constant 0 : i32
      %dma_start3A_921 = tpu.memref_slice %arg8[%dma_start3A_912, %dma_start3A_920] : memref<5x80xi32, #tpu.memory_space<vmem>> -> memref<1x80xi32, #tpu.memory_space<vmem>>
      %dma_start3A_922 = tpu.memref_squeeze %dma_start3A_921 : memref<1x80xi32, #tpu.memory_space<vmem>> -> memref<80xi32, #tpu.memory_space<vmem>>
      %dma_start3A_923 = tpu.memref_slice %arg4[%add3A_911] : memref<320000xi32, #tpu.memory_space<hbm>> -> memref<80xi32, #tpu.memory_space<hbm>>
      tpu.enqueue_dma source(%dma_start3A_923 : memref<80xi32, #tpu.memory_space<hbm>>) target(%dma_start3A_922 : memref<80xi32, #tpu.memory_space<vmem>>) target_semaphore(%dma_start3A_919 : memref<!tpu.dma_semaphore, #tpu.memory_space<semaphore_mem>>)
      %add3A_924 = arith.constant 5 : i32
      %add3A_925 = arith.addi %add3A_441, %add3A_924 : i32
      %add3A_926 = arith.constant 4 : i32
      %add3A_927 = arith.addi %add3A_925, %add3A_926 : i32
      %mul3A_928 = arith.constant 80 : i32
      %mul3A_929 = arith.muli %add3A_927, %mul3A_928 : i32
      %dma_start3A_930 = arith.constant 4 : i32
      %dma_start3A_931 = arith.constant 4 : i32
      %dma_start3A_932 = arith.constant 0 : i32
      %dma_start3A_933 = arith.constant 0 : i32
      %dma_start3A_934 = tpu.memref_slice %arg9[%dma_start3A_930, %dma_start3A_932, %dma_start3A_933] : memref<5x80x64xf32, #tpu.memory_space<vmem>> -> memref<1x80x64xf32, #tpu.memory_space<vmem>>
      %dma_start3A_935 = tpu.memref_squeeze %dma_start3A_934 : memref<1x80x64xf32, #tpu.memory_space<vmem>> -> memref<80x64xf32, #tpu.memory_space<vmem>>
      %dma_start3A_936 = tpu.memref_slice %arg7[%mul3A_929] : memref<10000xi32, #tpu.memory_space<vmem>> -> memref<80xi32, #tpu.memory_space<vmem>>
      %dma_start3A_937 = arith.constant 0 : i32
      %dma_start3A_938 = arith.constant 0 : i32
      %dma_start3A_939 = tpu.memref_slice %arg2[%dma_start3A_937, %dma_start3A_938] : memref<10000x64xf32, #tpu.memory_space<hbm>> -> memref<10000x64xf32, #tpu.memory_space<hbm>>
      %dma_start3A_940 = tpu.memref_slice %arg11[%dma_start3A_931] : memref<5x!tpu.dma_semaphore, #tpu.memory_space<semaphore_mem>> -> memref<1x!tpu.dma_semaphore, #tpu.memory_space<semaphore_mem>>
      %dma_start3A_941 = tpu.memref_squeeze %dma_start3A_940 : memref<1x!tpu.dma_semaphore, #tpu.memory_space<semaphore_mem>> -> memref<!tpu.dma_semaphore, #tpu.memory_space<semaphore_mem>>
      tpu.enqueue_indirect_dma source(%dma_start3A_939 : memref<10000x64xf32, #tpu.memory_space<hbm>>) target(%dma_start3A_935 : memref<80x64xf32, #tpu.memory_space<vmem>>) offsets(%dma_start3A_936 : memref<80xi32, #tpu.memory_space<vmem>>) semaphore(%dma_start3A_941 : memref<!tpu.dma_semaphore, #tpu.memory_space<semaphore_mem>>)
    }
    %scan3A_144 = arith.constant 24 : i32
    %add3A_145 = arith.constant 9600 : i32
    %add3A_146 = arith.addi %mul3A_2, %add3A_145 : i32
    %dma_wait3A = arith.constant 0 : i32
    %dma_wait3A_147 = arith.constant 0 : i32
    %dma_wait3A_148 = arith.constant 0 : i32
    %dma_wait3A_149 = tpu.memref_slice %arg8[%dma_wait3A, %dma_wait3A_148] : memref<5x80xi32, #tpu.memory_space<vmem>> -> memref<1x80xi32, #tpu.memory_space<vmem>>
    %dma_wait3A_150 = tpu.memref_squeeze %dma_wait3A_149 : memref<1x80xi32, #tpu.memory_space<vmem>> -> memref<80xi32, #tpu.memory_space<vmem>>
    %dma_wait3A_151 = tpu.memref_slice %arg4[%add3A_146] : memref<320000xi32, #tpu.memory_space<hbm>> -> memref<80xi32, #tpu.memory_space<hbm>>
    %dma_wait3A_152 = tpu.memref_slice %arg12[%dma_wait3A_147] : memref<5x!tpu.dma_semaphore, #tpu.memory_space<semaphore_mem>> -> memref<1x!tpu.dma_semaphore, #tpu.memory_space<semaphore_mem>>
    %dma_wait3A_153 = tpu.memref_squeeze %dma_wait3A_152 : memref<1x!tpu.dma_semaphore, #tpu.memory_space<semaphore_mem>> -> memref<!tpu.dma_semaphore, #tpu.memory_space<semaphore_mem>>
    %dma_wait3A_154 = arith.constant 0 : i32
    %dma_wait3A_155 = tpu.memref_slice %arg8[%dma_wait3A, %dma_wait3A_154] : memref<5x80xi32, #tpu.memory_space<vmem>> -> memref<1x80xi32, #tpu.memory_space<vmem>>
    %dma_wait3A_156 = tpu.memref_squeeze %dma_wait3A_155 : memref<1x80xi32, #tpu.memory_space<vmem>> -> memref<80xi32, #tpu.memory_space<vmem>>
    %dma_wait3A_157 = tpu.memref_slice %arg4[%add3A_146] : memref<320000xi32, #tpu.memory_space<hbm>> -> memref<80xi32, #tpu.memory_space<hbm>>
    tpu.wait_dma2 semaphore(%dma_wait3A_153 : memref<!tpu.dma_semaphore, #tpu.memory_space<semaphore_mem>>) src(%dma_wait3A_157 : memref<80xi32, #tpu.memory_space<hbm>>) dst(%dma_wait3A_156 : memref<80xi32, #tpu.memory_space<vmem>>)
    %dma_wait3A_158 = arith.constant 0 : i32
    %dma_wait3A_159 = arith.constant 0 : i32
    %dma_wait3A_160 = arith.constant 0 : i32
    %dma_wait3A_161 = arith.constant 0 : i32
    %dma_wait3A_162 = tpu.memref_slice %arg9[%dma_wait3A_158, %dma_wait3A_160, %dma_wait3A_161] : memref<5x80x64xf32, #tpu.memory_space<vmem>> -> memref<1x80x64xf32, #tpu.memory_space<vmem>>
    %dma_wait3A_163 = tpu.memref_squeeze %dma_wait3A_162 : memref<1x80x64xf32, #tpu.memory_space<vmem>> -> memref<80x64xf32, #tpu.memory_space<vmem>>
    %dma_wait3A_164 = arith.constant 9600 : i32
    %dma_wait3A_165 = tpu.memref_slice %arg7[%dma_wait3A_164] : memref<10000xi32, #tpu.memory_space<vmem>> -> memref<80xi32, #tpu.memory_space<vmem>>
    %dma_wait3A_166 = arith.constant 0 : i32
    %dma_wait3A_167 = arith.constant 0 : i32
    %dma_wait3A_168 = tpu.memref_slice %arg2[%dma_wait3A_166, %dma_wait3A_167] : memref<10000x64xf32, #tpu.memory_space<hbm>> -> memref<10000x64xf32, #tpu.memory_space<hbm>>
    %dma_wait3A_169 = tpu.memref_slice %arg11[%dma_wait3A_159] : memref<5x!tpu.dma_semaphore, #tpu.memory_space<semaphore_mem>> -> memref<1x!tpu.dma_semaphore, #tpu.memory_space<semaphore_mem>>
    %dma_wait3A_170 = tpu.memref_squeeze %dma_wait3A_169 : memref<1x!tpu.dma_semaphore, #tpu.memory_space<semaphore_mem>> -> memref<!tpu.dma_semaphore, #tpu.memory_space<semaphore_mem>>
    tpu.wait_indirect_dma semaphore(%dma_wait3A_170 : memref<!tpu.dma_semaphore, #tpu.memory_space<semaphore_mem>>) src(%dma_wait3A_168 : memref<10000x64xf32, #tpu.memory_space<hbm>>) dst(%dma_wait3A_163 : memref<80x64xf32, #tpu.memory_space<vmem>>)
    %dma_start3A_171 = arith.constant 0 : i32
    %dma_start3A_172 = arith.constant 0 : i32
    %dma_start3A_173 = arith.constant 0 : i32
    %dma_start3A_174 = arith.constant 0 : i32
    %dma_start3A_175 = arith.constant 0 : i32
    %dma_start3A_176 = tpu.memref_slice %arg9[%dma_start3A_171, %dma_start3A_174, %dma_start3A_175] : memref<5x80x64xf32, #tpu.memory_space<vmem>> -> memref<1x80x64xf32, #tpu.memory_space<vmem>>
    %dma_start3A_177 = tpu.memref_squeeze %dma_start3A_176 : memref<1x80x64xf32, #tpu.memory_space<vmem>> -> memref<80x64xf32, #tpu.memory_space<vmem>>
    %dma_start3A_178 = arith.constant 0 : i32
    %dma_start3A_179 = tpu.memref_slice %arg8[%dma_start3A_172, %dma_start3A_178] : memref<5x80xi32, #tpu.memory_space<vmem>> -> memref<1x80xi32, #tpu.memory_space<vmem>>
    %dma_start3A_180 = tpu.memref_squeeze %dma_start3A_179 : memref<1x80xi32, #tpu.memory_space<vmem>> -> memref<80xi32, #tpu.memory_space<vmem>>
    %dma_start3A_181 = arith.constant 0 : i32
    %dma_start3A_182 = arith.constant 0 : i32
    %dma_start3A_183 = tpu.memref_slice %arg10[%dma_start3A_181, %dma_start3A_182] : memref<10240x64xf32, #tpu.memory_space<vmem_shared>> -> memref<10240x64xf32, #tpu.memory_space<vmem_shared>>
    %dma_start3A_184 = tpu.memref_slice %arg13[%dma_start3A_173] : memref<5x!tpu.dma_semaphore, #tpu.memory_space<semaphore_mem>> -> memref<1x!tpu.dma_semaphore, #tpu.memory_space<semaphore_mem>>
    %dma_start3A_185 = tpu.memref_squeeze %dma_start3A_184 : memref<1x!tpu.dma_semaphore, #tpu.memory_space<semaphore_mem>> -> memref<!tpu.dma_semaphore, #tpu.memory_space<semaphore_mem>>
    tpu.enqueue_indirect_dma source(%dma_start3A_177 : memref<80x64xf32, #tpu.memory_space<vmem>>) target(%dma_start3A_183 : memref<10240x64xf32, #tpu.memory_space<vmem_shared>>) offsets(%dma_start3A_180 : memref<80xi32, #tpu.memory_space<vmem>>) semaphore(%dma_start3A_185 : memref<!tpu.dma_semaphore, #tpu.memory_space<semaphore_mem>>) {add = true}
    %add3A_186 = arith.constant 9680 : i32
    %add3A_187 = arith.addi %mul3A_2, %add3A_186 : i32
    %dma_wait3A_188 = arith.constant 1 : i32
    %dma_wait3A_189 = arith.constant 1 : i32
    %dma_wait3A_190 = arith.constant 0 : i32
    %dma_wait3A_191 = tpu.memref_slice %arg8[%dma_wait3A_188, %dma_wait3A_190] : memref<5x80xi32, #tpu.memory_space<vmem>> -> memref<1x80xi32, #tpu.memory_space<vmem>>
    %dma_wait3A_192 = tpu.memref_squeeze %dma_wait3A_191 : memref<1x80xi32, #tpu.memory_space<vmem>> -> memref<80xi32, #tpu.memory_space<vmem>>
    %dma_wait3A_193 = tpu.memref_slice %arg4[%add3A_187] : memref<320000xi32, #tpu.memory_space<hbm>> -> memref<80xi32, #tpu.memory_space<hbm>>
    %dma_wait3A_194 = tpu.memref_slice %arg12[%dma_wait3A_189] : memref<5x!tpu.dma_semaphore, #tpu.memory_space<semaphore_mem>> -> memref<1x!tpu.dma_semaphore, #tpu.memory_space<semaphore_mem>>
    %dma_wait3A_195 = tpu.memref_squeeze %dma_wait3A_194 : memref<1x!tpu.dma_semaphore, #tpu.memory_space<semaphore_mem>> -> memref<!tpu.dma_semaphore, #tpu.memory_space<semaphore_mem>>
    %dma_wait3A_196 = arith.constant 0 : i32
    %dma_wait3A_197 = tpu.memref_slice %arg8[%dma_wait3A_188, %dma_wait3A_196] : memref<5x80xi32, #tpu.memory_space<vmem>> -> memref<1x80xi32, #tpu.memory_space<vmem>>
    %dma_wait3A_198 = tpu.memref_squeeze %dma_wait3A_197 : memref<1x80xi32, #tpu.memory_space<vmem>> -> memref<80xi32, #tpu.memory_space<vmem>>
    %dma_wait3A_199 = tpu.memref_slice %arg4[%add3A_187] : memref<320000xi32, #tpu.memory_space<hbm>> -> memref<80xi32, #tpu.memory_space<hbm>>
    tpu.wait_dma2 semaphore(%dma_wait3A_195 : memref<!tpu.dma_semaphore, #tpu.memory_space<semaphore_mem>>) src(%dma_wait3A_199 : memref<80xi32, #tpu.memory_space<hbm>>) dst(%dma_wait3A_198 : memref<80xi32, #tpu.memory_space<vmem>>)
    %dma_wait3A_200 = arith.constant 1 : i32
    %dma_wait3A_201 = arith.constant 1 : i32
    %dma_wait3A_202 = arith.constant 0 : i32
    %dma_wait3A_203 = arith.constant 0 : i32
    %dma_wait3A_204 = tpu.memref_slice %arg9[%dma_wait3A_200, %dma_wait3A_202, %dma_wait3A_203] : memref<5x80x64xf32, #tpu.memory_space<vmem>> -> memref<1x80x64xf32, #tpu.memory_space<vmem>>
    %dma_wait3A_205 = tpu.memref_squeeze %dma_wait3A_204 : memref<1x80x64xf32, #tpu.memory_space<vmem>> -> memref<80x64xf32, #tpu.memory_space<vmem>>
    %dma_wait3A_206 = arith.constant 9680 : i32
    %dma_wait3A_207 = tpu.memref_slice %arg7[%dma_wait3A_206] : memref<10000xi32, #tpu.memory_space<vmem>> -> memref<80xi32, #tpu.memory_space<vmem>>
    %dma_wait3A_208 = arith.constant 0 : i32
    %dma_wait3A_209 = arith.constant 0 : i32
    %dma_wait3A_210 = tpu.memref_slice %arg2[%dma_wait3A_208, %dma_wait3A_209] : memref<10000x64xf32, #tpu.memory_space<hbm>> -> memref<10000x64xf32, #tpu.memory_space<hbm>>
    %dma_wait3A_211 = tpu.memref_slice %arg11[%dma_wait3A_201] : memref<5x!tpu.dma_semaphore, #tpu.memory_space<semaphore_mem>> -> memref<1x!tpu.dma_semaphore, #tpu.memory_space<semaphore_mem>>
    %dma_wait3A_212 = tpu.memref_squeeze %dma_wait3A_211 : memref<1x!tpu.dma_semaphore, #tpu.memory_space<semaphore_mem>> -> memref<!tpu.dma_semaphore, #tpu.memory_space<semaphore_mem>>
    tpu.wait_indirect_dma semaphore(%dma_wait3A_212 : memref<!tpu.dma_semaphore, #tpu.memory_space<semaphore_mem>>) src(%dma_wait3A_210 : memref<10000x64xf32, #tpu.memory_space<hbm>>) dst(%dma_wait3A_205 : memref<80x64xf32, #tpu.memory_space<vmem>>)
    %dma_start3A_213 = arith.constant 1 : i32
    %dma_start3A_214 = arith.constant 1 : i32
    %dma_start3A_215 = arith.constant 1 : i32
    %dma_start3A_216 = arith.constant 0 : i32
    %dma_start3A_217 = arith.constant 0 : i32
    %dma_start3A_218 = tpu.memref_slice %arg9[%dma_start3A_213, %dma_start3A_216, %dma_start3A_217] : memref<5x80x64xf32, #tpu.memory_space<vmem>> -> memref<1x80x64xf32, #tpu.memory_space<vmem>>
    %dma_start3A_219 = tpu.memref_squeeze %dma_start3A_218 : memref<1x80x64xf32, #tpu.memory_space<vmem>> -> memref<80x64xf32, #tpu.memory_space<vmem>>
    %dma_start3A_220 = arith.constant 0 : i32
    %dma_start3A_221 = tpu.memref_slice %arg8[%dma_start3A_214, %dma_start3A_220] : memref<5x80xi32, #tpu.memory_space<vmem>> -> memref<1x80xi32, #tpu.memory_space<vmem>>
    %dma_start3A_222 = tpu.memref_squeeze %dma_start3A_221 : memref<1x80xi32, #tpu.memory_space<vmem>> -> memref<80xi32, #tpu.memory_space<vmem>>
    %dma_start3A_223 = arith.constant 0 : i32
    %dma_start3A_224 = arith.constant 0 : i32
    %dma_start3A_225 = tpu.memref_slice %arg10[%dma_start3A_223, %dma_start3A_224] : memref<10240x64xf32, #tpu.memory_space<vmem_shared>> -> memref<10240x64xf32, #tpu.memory_space<vmem_shared>>
    %dma_start3A_226 = tpu.memref_slice %arg13[%dma_start3A_215] : memref<5x!tpu.dma_semaphore, #tpu.memory_space<semaphore_mem>> -> memref<1x!tpu.dma_semaphore, #tpu.memory_space<semaphore_mem>>
    %dma_start3A_227 = tpu.memref_squeeze %dma_start3A_226 : memref<1x!tpu.dma_semaphore, #tpu.memory_space<semaphore_mem>> -> memref<!tpu.dma_semaphore, #tpu.memory_space<semaphore_mem>>
    tpu.enqueue_indirect_dma source(%dma_start3A_219 : memref<80x64xf32, #tpu.memory_space<vmem>>) target(%dma_start3A_225 : memref<10240x64xf32, #tpu.memory_space<vmem_shared>>) offsets(%dma_start3A_222 : memref<80xi32, #tpu.memory_space<vmem>>) semaphore(%dma_start3A_227 : memref<!tpu.dma_semaphore, #tpu.memory_space<semaphore_mem>>) {add = true}
    %add3A_228 = arith.constant 9760 : i32
    %add3A_229 = arith.addi %mul3A_2, %add3A_228 : i32
    %dma_wait3A_230 = arith.constant 2 : i32
    %dma_wait3A_231 = arith.constant 2 : i32
    %dma_wait3A_232 = arith.constant 0 : i32
    %dma_wait3A_233 = tpu.memref_slice %arg8[%dma_wait3A_230, %dma_wait3A_232] : memref<5x80xi32, #tpu.memory_space<vmem>> -> memref<1x80xi32, #tpu.memory_space<vmem>>
    %dma_wait3A_234 = tpu.memref_squeeze %dma_wait3A_233 : memref<1x80xi32, #tpu.memory_space<vmem>> -> memref<80xi32, #tpu.memory_space<vmem>>
    %dma_wait3A_235 = tpu.memref_slice %arg4[%add3A_229] : memref<320000xi32, #tpu.memory_space<hbm>> -> memref<80xi32, #tpu.memory_space<hbm>>
    %dma_wait3A_236 = tpu.memref_slice %arg12[%dma_wait3A_231] : memref<5x!tpu.dma_semaphore, #tpu.memory_space<semaphore_mem>> -> memref<1x!tpu.dma_semaphore, #tpu.memory_space<semaphore_mem>>
    %dma_wait3A_237 = tpu.memref_squeeze %dma_wait3A_236 : memref<1x!tpu.dma_semaphore, #tpu.memory_space<semaphore_mem>> -> memref<!tpu.dma_semaphore, #tpu.memory_space<semaphore_mem>>
    %dma_wait3A_238 = arith.constant 0 : i32
    %dma_wait3A_239 = tpu.memref_slice %arg8[%dma_wait3A_230, %dma_wait3A_238] : memref<5x80xi32, #tpu.memory_space<vmem>> -> memref<1x80xi32, #tpu.memory_space<vmem>>
    %dma_wait3A_240 = tpu.memref_squeeze %dma_wait3A_239 : memref<1x80xi32, #tpu.memory_space<vmem>> -> memref<80xi32, #tpu.memory_space<vmem>>
    %dma_wait3A_241 = tpu.memref_slice %arg4[%add3A_229] : memref<320000xi32, #tpu.memory_space<hbm>> -> memref<80xi32, #tpu.memory_space<hbm>>
    tpu.wait_dma2 semaphore(%dma_wait3A_237 : memref<!tpu.dma_semaphore, #tpu.memory_space<semaphore_mem>>) src(%dma_wait3A_241 : memref<80xi32, #tpu.memory_space<hbm>>) dst(%dma_wait3A_240 : memref<80xi32, #tpu.memory_space<vmem>>)
    %dma_wait3A_242 = arith.constant 2 : i32
    %dma_wait3A_243 = arith.constant 2 : i32
    %dma_wait3A_244 = arith.constant 0 : i32
    %dma_wait3A_245 = arith.constant 0 : i32
    %dma_wait3A_246 = tpu.memref_slice %arg9[%dma_wait3A_242, %dma_wait3A_244, %dma_wait3A_245] : memref<5x80x64xf32, #tpu.memory_space<vmem>> -> memref<1x80x64xf32, #tpu.memory_space<vmem>>
    %dma_wait3A_247 = tpu.memref_squeeze %dma_wait3A_246 : memref<1x80x64xf32, #tpu.memory_space<vmem>> -> memref<80x64xf32, #tpu.memory_space<vmem>>
    %dma_wait3A_248 = arith.constant 9760 : i32
    %dma_wait3A_249 = tpu.memref_slice %arg7[%dma_wait3A_248] : memref<10000xi32, #tpu.memory_space<vmem>> -> memref<80xi32, #tpu.memory_space<vmem>>
    %dma_wait3A_250 = arith.constant 0 : i32
    %dma_wait3A_251 = arith.constant 0 : i32
    %dma_wait3A_252 = tpu.memref_slice %arg2[%dma_wait3A_250, %dma_wait3A_251] : memref<10000x64xf32, #tpu.memory_space<hbm>> -> memref<10000x64xf32, #tpu.memory_space<hbm>>
    %dma_wait3A_253 = tpu.memref_slice %arg11[%dma_wait3A_243] : memref<5x!tpu.dma_semaphore, #tpu.memory_space<semaphore_mem>> -> memref<1x!tpu.dma_semaphore, #tpu.memory_space<semaphore_mem>>
    %dma_wait3A_254 = tpu.memref_squeeze %dma_wait3A_253 : memref<1x!tpu.dma_semaphore, #tpu.memory_space<semaphore_mem>> -> memref<!tpu.dma_semaphore, #tpu.memory_space<semaphore_mem>>
    tpu.wait_indirect_dma semaphore(%dma_wait3A_254 : memref<!tpu.dma_semaphore, #tpu.memory_space<semaphore_mem>>) src(%dma_wait3A_252 : memref<10000x64xf32, #tpu.memory_space<hbm>>) dst(%dma_wait3A_247 : memref<80x64xf32, #tpu.memory_space<vmem>>)
    %dma_start3A_255 = arith.constant 2 : i32
    %dma_start3A_256 = arith.constant 2 : i32
    %dma_start3A_257 = arith.constant 2 : i32
    %dma_start3A_258 = arith.constant 0 : i32
    %dma_start3A_259 = arith.constant 0 : i32
    %dma_start3A_260 = tpu.memref_slice %arg9[%dma_start3A_255, %dma_start3A_258, %dma_start3A_259] : memref<5x80x64xf32, #tpu.memory_space<vmem>> -> memref<1x80x64xf32, #tpu.memory_space<vmem>>
    %dma_start3A_261 = tpu.memref_squeeze %dma_start3A_260 : memref<1x80x64xf32, #tpu.memory_space<vmem>> -> memref<80x64xf32, #tpu.memory_space<vmem>>
    %dma_start3A_262 = arith.constant 0 : i32
    %dma_start3A_263 = tpu.memref_slice %arg8[%dma_start3A_256, %dma_start3A_262] : memref<5x80xi32, #tpu.memory_space<vmem>> -> memref<1x80xi32, #tpu.memory_space<vmem>>
    %dma_start3A_264 = tpu.memref_squeeze %dma_start3A_263 : memref<1x80xi32, #tpu.memory_space<vmem>> -> memref<80xi32, #tpu.memory_space<vmem>>
    %dma_start3A_265 = arith.constant 0 : i32
    %dma_start3A_266 = arith.constant 0 : i32
    %dma_start3A_267 = tpu.memref_slice %arg10[%dma_start3A_265, %dma_start3A_266] : memref<10240x64xf32, #tpu.memory_space<vmem_shared>> -> memref<10240x64xf32, #tpu.memory_space<vmem_shared>>
    %dma_start3A_268 = tpu.memref_slice %arg13[%dma_start3A_257] : memref<5x!tpu.dma_semaphore, #tpu.memory_space<semaphore_mem>> -> memref<1x!tpu.dma_semaphore, #tpu.memory_space<semaphore_mem>>
    %dma_start3A_269 = tpu.memref_squeeze %dma_start3A_268 : memref<1x!tpu.dma_semaphore, #tpu.memory_space<semaphore_mem>> -> memref<!tpu.dma_semaphore, #tpu.memory_space<semaphore_mem>>
    tpu.enqueue_indirect_dma source(%dma_start3A_261 : memref<80x64xf32, #tpu.memory_space<vmem>>) target(%dma_start3A_267 : memref<10240x64xf32, #tpu.memory_space<vmem_shared>>) offsets(%dma_start3A_264 : memref<80xi32, #tpu.memory_space<vmem>>) semaphore(%dma_start3A_269 : memref<!tpu.dma_semaphore, #tpu.memory_space<semaphore_mem>>) {add = true}
    %add3A_270 = arith.constant 9840 : i32
    %add3A_271 = arith.addi %mul3A_2, %add3A_270 : i32
    %dma_wait3A_272 = arith.constant 3 : i32
    %dma_wait3A_273 = arith.constant 3 : i32
    %dma_wait3A_274 = arith.constant 0 : i32
    %dma_wait3A_275 = tpu.memref_slice %arg8[%dma_wait3A_272, %dma_wait3A_274] : memref<5x80xi32, #tpu.memory_space<vmem>> -> memref<1x80xi32, #tpu.memory_space<vmem>>
    %dma_wait3A_276 = tpu.memref_squeeze %dma_wait3A_275 : memref<1x80xi32, #tpu.memory_space<vmem>> -> memref<80xi32, #tpu.memory_space<vmem>>
    %dma_wait3A_277 = tpu.memref_slice %arg4[%add3A_271] : memref<320000xi32, #tpu.memory_space<hbm>> -> memref<80xi32, #tpu.memory_space<hbm>>
    %dma_wait3A_278 = tpu.memref_slice %arg12[%dma_wait3A_273] : memref<5x!tpu.dma_semaphore, #tpu.memory_space<semaphore_mem>> -> memref<1x!tpu.dma_semaphore, #tpu.memory_space<semaphore_mem>>
    %dma_wait3A_279 = tpu.memref_squeeze %dma_wait3A_278 : memref<1x!tpu.dma_semaphore, #tpu.memory_space<semaphore_mem>> -> memref<!tpu.dma_semaphore, #tpu.memory_space<semaphore_mem>>
    %dma_wait3A_280 = arith.constant 0 : i32
    %dma_wait3A_281 = tpu.memref_slice %arg8[%dma_wait3A_272, %dma_wait3A_280] : memref<5x80xi32, #tpu.memory_space<vmem>> -> memref<1x80xi32, #tpu.memory_space<vmem>>
    %dma_wait3A_282 = tpu.memref_squeeze %dma_wait3A_281 : memref<1x80xi32, #tpu.memory_space<vmem>> -> memref<80xi32, #tpu.memory_space<vmem>>
    %dma_wait3A_283 = tpu.memref_slice %arg4[%add3A_271] : memref<320000xi32, #tpu.memory_space<hbm>> -> memref<80xi32, #tpu.memory_space<hbm>>
    tpu.wait_dma2 semaphore(%dma_wait3A_279 : memref<!tpu.dma_semaphore, #tpu.memory_space<semaphore_mem>>) src(%dma_wait3A_283 : memref<80xi32, #tpu.memory_space<hbm>>) dst(%dma_wait3A_282 : memref<80xi32, #tpu.memory_space<vmem>>)
    %dma_wait3A_284 = arith.constant 3 : i32
    %dma_wait3A_285 = arith.constant 3 : i32
    %dma_wait3A_286 = arith.constant 0 : i32
    %dma_wait3A_287 = arith.constant 0 : i32
    %dma_wait3A_288 = tpu.memref_slice %arg9[%dma_wait3A_284, %dma_wait3A_286, %dma_wait3A_287] : memref<5x80x64xf32, #tpu.memory_space<vmem>> -> memref<1x80x64xf32, #tpu.memory_space<vmem>>
    %dma_wait3A_289 = tpu.memref_squeeze %dma_wait3A_288 : memref<1x80x64xf32, #tpu.memory_space<vmem>> -> memref<80x64xf32, #tpu.memory_space<vmem>>
    %dma_wait3A_290 = arith.constant 9840 : i32
    %dma_wait3A_291 = tpu.memref_slice %arg7[%dma_wait3A_290] : memref<10000xi32, #tpu.memory_space<vmem>> -> memref<80xi32, #tpu.memory_space<vmem>>
    %dma_wait3A_292 = arith.constant 0 : i32
    %dma_wait3A_293 = arith.constant 0 : i32
    %dma_wait3A_294 = tpu.memref_slice %arg2[%dma_wait3A_292, %dma_wait3A_293] : memref<10000x64xf32, #tpu.memory_space<hbm>> -> memref<10000x64xf32, #tpu.memory_space<hbm>>
    %dma_wait3A_295 = tpu.memref_slice %arg11[%dma_wait3A_285] : memref<5x!tpu.dma_semaphore, #tpu.memory_space<semaphore_mem>> -> memref<1x!tpu.dma_semaphore, #tpu.memory_space<semaphore_mem>>
    %dma_wait3A_296 = tpu.memref_squeeze %dma_wait3A_295 : memref<1x!tpu.dma_semaphore, #tpu.memory_space<semaphore_mem>> -> memref<!tpu.dma_semaphore, #tpu.memory_space<semaphore_mem>>
    tpu.wait_indirect_dma semaphore(%dma_wait3A_296 : memref<!tpu.dma_semaphore, #tpu.memory_space<semaphore_mem>>) src(%dma_wait3A_294 : memref<10000x64xf32, #tpu.memory_space<hbm>>) dst(%dma_wait3A_289 : memref<80x64xf32, #tpu.memory_space<vmem>>)
    %dma_start3A_297 = arith.constant 3 : i32
    %dma_start3A_298 = arith.constant 3 : i32
    %dma_start3A_299 = arith.constant 3 : i32
    %dma_start3A_300 = arith.constant 0 : i32
    %dma_start3A_301 = arith.constant 0 : i32
    %dma_start3A_302 = tpu.memref_slice %arg9[%dma_start3A_297, %dma_start3A_300, %dma_start3A_301] : memref<5x80x64xf32, #tpu.memory_space<vmem>> -> memref<1x80x64xf32, #tpu.memory_space<vmem>>
    %dma_start3A_303 = tpu.memref_squeeze %dma_start3A_302 : memref<1x80x64xf32, #tpu.memory_space<vmem>> -> memref<80x64xf32, #tpu.memory_space<vmem>>
    %dma_start3A_304 = arith.constant 0 : i32
    %dma_start3A_305 = tpu.memref_slice %arg8[%dma_start3A_298, %dma_start3A_304] : memref<5x80xi32, #tpu.memory_space<vmem>> -> memref<1x80xi32, #tpu.memory_space<vmem>>
    %dma_start3A_306 = tpu.memref_squeeze %dma_start3A_305 : memref<1x80xi32, #tpu.memory_space<vmem>> -> memref<80xi32, #tpu.memory_space<vmem>>
    %dma_start3A_307 = arith.constant 0 : i32
    %dma_start3A_308 = arith.constant 0 : i32
    %dma_start3A_309 = tpu.memref_slice %arg10[%dma_start3A_307, %dma_start3A_308] : memref<10240x64xf32, #tpu.memory_space<vmem_shared>> -> memref<10240x64xf32, #tpu.memory_space<vmem_shared>>
    %dma_start3A_310 = tpu.memref_slice %arg13[%dma_start3A_299] : memref<5x!tpu.dma_semaphore, #tpu.memory_space<semaphore_mem>> -> memref<1x!tpu.dma_semaphore, #tpu.memory_space<semaphore_mem>>
    %dma_start3A_311 = tpu.memref_squeeze %dma_start3A_310 : memref<1x!tpu.dma_semaphore, #tpu.memory_space<semaphore_mem>> -> memref<!tpu.dma_semaphore, #tpu.memory_space<semaphore_mem>>
    tpu.enqueue_indirect_dma source(%dma_start3A_303 : memref<80x64xf32, #tpu.memory_space<vmem>>) target(%dma_start3A_309 : memref<10240x64xf32, #tpu.memory_space<vmem_shared>>) offsets(%dma_start3A_306 : memref<80xi32, #tpu.memory_space<vmem>>) semaphore(%dma_start3A_311 : memref<!tpu.dma_semaphore, #tpu.memory_space<semaphore_mem>>) {add = true}
    %add3A_312 = arith.constant 9920 : i32
    %add3A_313 = arith.addi %mul3A_2, %add3A_312 : i32
    %dma_wait3A_314 = arith.constant 4 : i32
    %dma_wait3A_315 = arith.constant 4 : i32
    %dma_wait3A_316 = arith.constant 0 : i32
    %dma_wait3A_317 = tpu.memref_slice %arg8[%dma_wait3A_314, %dma_wait3A_316] : memref<5x80xi32, #tpu.memory_space<vmem>> -> memref<1x80xi32, #tpu.memory_space<vmem>>
    %dma_wait3A_318 = tpu.memref_squeeze %dma_wait3A_317 : memref<1x80xi32, #tpu.memory_space<vmem>> -> memref<80xi32, #tpu.memory_space<vmem>>
    %dma_wait3A_319 = tpu.memref_slice %arg4[%add3A_313] : memref<320000xi32, #tpu.memory_space<hbm>> -> memref<80xi32, #tpu.memory_space<hbm>>
    %dma_wait3A_320 = tpu.memref_slice %arg12[%dma_wait3A_315] : memref<5x!tpu.dma_semaphore, #tpu.memory_space<semaphore_mem>> -> memref<1x!tpu.dma_semaphore, #tpu.memory_space<semaphore_mem>>
    %dma_wait3A_321 = tpu.memref_squeeze %dma_wait3A_320 : memref<1x!tpu.dma_semaphore, #tpu.memory_space<semaphore_mem>> -> memref<!tpu.dma_semaphore, #tpu.memory_space<semaphore_mem>>
    %dma_wait3A_322 = arith.constant 0 : i32
    %dma_wait3A_323 = tpu.memref_slice %arg8[%dma_wait3A_314, %dma_wait3A_322] : memref<5x80xi32, #tpu.memory_space<vmem>> -> memref<1x80xi32, #tpu.memory_space<vmem>>
    %dma_wait3A_324 = tpu.memref_squeeze %dma_wait3A_323 : memref<1x80xi32, #tpu.memory_space<vmem>> -> memref<80xi32, #tpu.memory_space<vmem>>
    %dma_wait3A_325 = tpu.memref_slice %arg4[%add3A_313] : memref<320000xi32, #tpu.memory_space<hbm>> -> memref<80xi32, #tpu.memory_space<hbm>>
    tpu.wait_dma2 semaphore(%dma_wait3A_321 : memref<!tpu.dma_semaphore, #tpu.memory_space<semaphore_mem>>) src(%dma_wait3A_325 : memref<80xi32, #tpu.memory_space<hbm>>) dst(%dma_wait3A_324 : memref<80xi32, #tpu.memory_space<vmem>>)
    %dma_wait3A_326 = arith.constant 4 : i32
    %dma_wait3A_327 = arith.constant 4 : i32
    %dma_wait3A_328 = arith.constant 0 : i32
    %dma_wait3A_329 = arith.constant 0 : i32
    %dma_wait3A_330 = tpu.memref_slice %arg9[%dma_wait3A_326, %dma_wait3A_328, %dma_wait3A_329] : memref<5x80x64xf32, #tpu.memory_space<vmem>> -> memref<1x80x64xf32, #tpu.memory_space<vmem>>
    %dma_wait3A_331 = tpu.memref_squeeze %dma_wait3A_330 : memref<1x80x64xf32, #tpu.memory_space<vmem>> -> memref<80x64xf32, #tpu.memory_space<vmem>>
    %dma_wait3A_332 = arith.constant 9920 : i32
    %dma_wait3A_333 = tpu.memref_slice %arg7[%dma_wait3A_332] : memref<10000xi32, #tpu.memory_space<vmem>> -> memref<80xi32, #tpu.memory_space<vmem>>
    %dma_wait3A_334 = arith.constant 0 : i32
    %dma_wait3A_335 = arith.constant 0 : i32
    %dma_wait3A_336 = tpu.memref_slice %arg2[%dma_wait3A_334, %dma_wait3A_335] : memref<10000x64xf32, #tpu.memory_space<hbm>> -> memref<10000x64xf32, #tpu.memory_space<hbm>>
    %dma_wait3A_337 = tpu.memref_slice %arg11[%dma_wait3A_327] : memref<5x!tpu.dma_semaphore, #tpu.memory_space<semaphore_mem>> -> memref<1x!tpu.dma_semaphore, #tpu.memory_space<semaphore_mem>>
    %dma_wait3A_338 = tpu.memref_squeeze %dma_wait3A_337 : memref<1x!tpu.dma_semaphore, #tpu.memory_space<semaphore_mem>> -> memref<!tpu.dma_semaphore, #tpu.memory_space<semaphore_mem>>
    tpu.wait_indirect_dma semaphore(%dma_wait3A_338 : memref<!tpu.dma_semaphore, #tpu.memory_space<semaphore_mem>>) src(%dma_wait3A_336 : memref<10000x64xf32, #tpu.memory_space<hbm>>) dst(%dma_wait3A_331 : memref<80x64xf32, #tpu.memory_space<vmem>>)
    %dma_start3A_339 = arith.constant 4 : i32
    %dma_start3A_340 = arith.constant 4 : i32
    %dma_start3A_341 = arith.constant 4 : i32
    %dma_start3A_342 = arith.constant 0 : i32
    %dma_start3A_343 = arith.constant 0 : i32
    %dma_start3A_344 = tpu.memref_slice %arg9[%dma_start3A_339, %dma_start3A_342, %dma_start3A_343] : memref<5x80x64xf32, #tpu.memory_space<vmem>> -> memref<1x80x64xf32, #tpu.memory_space<vmem>>
    %dma_start3A_345 = tpu.memref_squeeze %dma_start3A_344 : memref<1x80x64xf32, #tpu.memory_space<vmem>> -> memref<80x64xf32, #tpu.memory_space<vmem>>
    %dma_start3A_346 = arith.constant 0 : i32
    %dma_start3A_347 = tpu.memref_slice %arg8[%dma_start3A_340, %dma_start3A_346] : memref<5x80xi32, #tpu.memory_space<vmem>> -> memref<1x80xi32, #tpu.memory_space<vmem>>
    %dma_start3A_348 = tpu.memref_squeeze %dma_start3A_347 : memref<1x80xi32, #tpu.memory_space<vmem>> -> memref<80xi32, #tpu.memory_space<vmem>>
    %dma_start3A_349 = arith.constant 0 : i32
    %dma_start3A_350 = arith.constant 0 : i32
    %dma_start3A_351 = tpu.memref_slice %arg10[%dma_start3A_349, %dma_start3A_350] : memref<10240x64xf32, #tpu.memory_space<vmem_shared>> -> memref<10240x64xf32, #tpu.memory_space<vmem_shared>>
    %dma_start3A_352 = tpu.memref_slice %arg13[%dma_start3A_341] : memref<5x!tpu.dma_semaphore, #tpu.memory_space<semaphore_mem>> -> memref<1x!tpu.dma_semaphore, #tpu.memory_space<semaphore_mem>>
    %dma_start3A_353 = tpu.memref_squeeze %dma_start3A_352 : memref<1x!tpu.dma_semaphore, #tpu.memory_space<semaphore_mem>> -> memref<!tpu.dma_semaphore, #tpu.memory_space<semaphore_mem>>
    tpu.enqueue_indirect_dma source(%dma_start3A_345 : memref<80x64xf32, #tpu.memory_space<vmem>>) target(%dma_start3A_351 : memref<10240x64xf32, #tpu.memory_space<vmem_shared>>) offsets(%dma_start3A_348 : memref<80xi32, #tpu.memory_space<vmem>>) semaphore(%dma_start3A_353 : memref<!tpu.dma_semaphore, #tpu.memory_space<semaphore_mem>>) {add = true}
    %dma_wait3A_354 = arith.constant 0 : i32
    %dma_wait3A_355 = arith.constant 0 : i32
    %dma_wait3A_356 = arith.constant 0 : i32
    %dma_wait3A_357 = arith.constant 0 : i32
    %dma_wait3A_358 = arith.constant 0 : i32
    %dma_wait3A_359 = tpu.memref_slice %arg9[%dma_wait3A_354, %dma_wait3A_357, %dma_wait3A_358] : memref<5x80x64xf32, #tpu.memory_space<vmem>> -> memref<1x80x64xf32, #tpu.memory_space<vmem>>
    %dma_wait3A_360 = tpu.memref_squeeze %dma_wait3A_359 : memref<1x80x64xf32, #tpu.memory_space<vmem>> -> memref<80x64xf32, #tpu.memory_space<vmem>>
    %dma_wait3A_361 = arith.constant 0 : i32
    %dma_wait3A_362 = tpu.memref_slice %arg8[%dma_wait3A_355, %dma_wait3A_361] : memref<5x80xi32, #tpu.memory_space<vmem>> -> memref<1x80xi32, #tpu.memory_space<vmem>>
    %dma_wait3A_363 = tpu.memref_squeeze %dma_wait3A_362 : memref<1x80xi32, #tpu.memory_space<vmem>> -> memref<80xi32, #tpu.memory_space<vmem>>
    %dma_wait3A_364 = arith.constant 0 : i32
    %dma_wait3A_365 = arith.constant 0 : i32
    %dma_wait3A_366 = tpu.memref_slice %arg10[%dma_wait3A_364, %dma_wait3A_365] : memref<10240x64xf32, #tpu.memory_space<vmem_shared>> -> memref<10240x64xf32, #tpu.memory_space<vmem_shared>>
    %dma_wait3A_367 = tpu.memref_slice %arg13[%dma_wait3A_356] : memref<5x!tpu.dma_semaphore, #tpu.memory_space<semaphore_mem>> -> memref<1x!tpu.dma_semaphore, #tpu.memory_space<semaphore_mem>>
    %dma_wait3A_368 = tpu.memref_squeeze %dma_wait3A_367 : memref<1x!tpu.dma_semaphore, #tpu.memory_space<semaphore_mem>> -> memref<!tpu.dma_semaphore, #tpu.memory_space<semaphore_mem>>
    tpu.wait_indirect_dma semaphore(%dma_wait3A_368 : memref<!tpu.dma_semaphore, #tpu.memory_space<semaphore_mem>>) src(%dma_wait3A_360 : memref<80x64xf32, #tpu.memory_space<vmem>>) dst(%dma_wait3A_366 : memref<10240x64xf32, #tpu.memory_space<vmem_shared>>)
    %dma_wait3A_369 = arith.constant 1 : i32
    %dma_wait3A_370 = arith.constant 1 : i32
    %dma_wait3A_371 = arith.constant 1 : i32
    %dma_wait3A_372 = arith.constant 0 : i32
    %dma_wait3A_373 = arith.constant 0 : i32
    %dma_wait3A_374 = tpu.memref_slice %arg9[%dma_wait3A_369, %dma_wait3A_372, %dma_wait3A_373] : memref<5x80x64xf32, #tpu.memory_space<vmem>> -> memref<1x80x64xf32, #tpu.memory_space<vmem>>
    %dma_wait3A_375 = tpu.memref_squeeze %dma_wait3A_374 : memref<1x80x64xf32, #tpu.memory_space<vmem>> -> memref<80x64xf32, #tpu.memory_space<vmem>>
    %dma_wait3A_376 = arith.constant 0 : i32
    %dma_wait3A_377 = tpu.memref_slice %arg8[%dma_wait3A_370, %dma_wait3A_376] : memref<5x80xi32, #tpu.memory_space<vmem>> -> memref<1x80xi32, #tpu.memory_space<vmem>>
    %dma_wait3A_378 = tpu.memref_squeeze %dma_wait3A_377 : memref<1x80xi32, #tpu.memory_space<vmem>> -> memref<80xi32, #tpu.memory_space<vmem>>
    %dma_wait3A_379 = arith.constant 0 : i32
    %dma_wait3A_380 = arith.constant 0 : i32
    %dma_wait3A_381 = tpu.memref_slice %arg10[%dma_wait3A_379, %dma_wait3A_380] : memref<10240x64xf32, #tpu.memory_space<vmem_shared>> -> memref<10240x64xf32, #tpu.memory_space<vmem_shared>>
    %dma_wait3A_382 = tpu.memref_slice %arg13[%dma_wait3A_371] : memref<5x!tpu.dma_semaphore, #tpu.memory_space<semaphore_mem>> -> memref<1x!tpu.dma_semaphore, #tpu.memory_space<semaphore_mem>>
    %dma_wait3A_383 = tpu.memref_squeeze %dma_wait3A_382 : memref<1x!tpu.dma_semaphore, #tpu.memory_space<semaphore_mem>> -> memref<!tpu.dma_semaphore, #tpu.memory_space<semaphore_mem>>
    tpu.wait_indirect_dma semaphore(%dma_wait3A_383 : memref<!tpu.dma_semaphore, #tpu.memory_space<semaphore_mem>>) src(%dma_wait3A_375 : memref<80x64xf32, #tpu.memory_space<vmem>>) dst(%dma_wait3A_381 : memref<10240x64xf32, #tpu.memory_space<vmem_shared>>)
    %dma_wait3A_384 = arith.constant 2 : i32
    %dma_wait3A_385 = arith.constant 2 : i32
    %dma_wait3A_386 = arith.constant 2 : i32
    %dma_wait3A_387 = arith.constant 0 : i32
    %dma_wait3A_388 = arith.constant 0 : i32
    %dma_wait3A_389 = tpu.memref_slice %arg9[%dma_wait3A_384, %dma_wait3A_387, %dma_wait3A_388] : memref<5x80x64xf32, #tpu.memory_space<vmem>> -> memref<1x80x64xf32, #tpu.memory_space<vmem>>
    %dma_wait3A_390 = tpu.memref_squeeze %dma_wait3A_389 : memref<1x80x64xf32, #tpu.memory_space<vmem>> -> memref<80x64xf32, #tpu.memory_space<vmem>>
    %dma_wait3A_391 = arith.constant 0 : i32
    %dma_wait3A_392 = tpu.memref_slice %arg8[%dma_wait3A_385, %dma_wait3A_391] : memref<5x80xi32, #tpu.memory_space<vmem>> -> memref<1x80xi32, #tpu.memory_space<vmem>>
    %dma_wait3A_393 = tpu.memref_squeeze %dma_wait3A_392 : memref<1x80xi32, #tpu.memory_space<vmem>> -> memref<80xi32, #tpu.memory_space<vmem>>
    %dma_wait3A_394 = arith.constant 0 : i32
    %dma_wait3A_395 = arith.constant 0 : i32
    %dma_wait3A_396 = tpu.memref_slice %arg10[%dma_wait3A_394, %dma_wait3A_395] : memref<10240x64xf32, #tpu.memory_space<vmem_shared>> -> memref<10240x64xf32, #tpu.memory_space<vmem_shared>>
    %dma_wait3A_397 = tpu.memref_slice %arg13[%dma_wait3A_386] : memref<5x!tpu.dma_semaphore, #tpu.memory_space<semaphore_mem>> -> memref<1x!tpu.dma_semaphore, #tpu.memory_space<semaphore_mem>>
    %dma_wait3A_398 = tpu.memref_squeeze %dma_wait3A_397 : memref<1x!tpu.dma_semaphore, #tpu.memory_space<semaphore_mem>> -> memref<!tpu.dma_semaphore, #tpu.memory_space<semaphore_mem>>
    tpu.wait_indirect_dma semaphore(%dma_wait3A_398 : memref<!tpu.dma_semaphore, #tpu.memory_space<semaphore_mem>>) src(%dma_wait3A_390 : memref<80x64xf32, #tpu.memory_space<vmem>>) dst(%dma_wait3A_396 : memref<10240x64xf32, #tpu.memory_space<vmem_shared>>)
    %dma_wait3A_399 = arith.constant 3 : i32
    %dma_wait3A_400 = arith.constant 3 : i32
    %dma_wait3A_401 = arith.constant 3 : i32
    %dma_wait3A_402 = arith.constant 0 : i32
    %dma_wait3A_403 = arith.constant 0 : i32
    %dma_wait3A_404 = tpu.memref_slice %arg9[%dma_wait3A_399, %dma_wait3A_402, %dma_wait3A_403] : memref<5x80x64xf32, #tpu.memory_space<vmem>> -> memref<1x80x64xf32, #tpu.memory_space<vmem>>
    %dma_wait3A_405 = tpu.memref_squeeze %dma_wait3A_404 : memref<1x80x64xf32, #tpu.memory_space<vmem>> -> memref<80x64xf32, #tpu.memory_space<vmem>>
    %dma_wait3A_406 = arith.constant 0 : i32
    %dma_wait3A_407 = tpu.memref_slice %arg8[%dma_wait3A_400, %dma_wait3A_406] : memref<5x80xi32, #tpu.memory_space<vmem>> -> memref<1x80xi32, #tpu.memory_space<vmem>>
    %dma_wait3A_408 = tpu.memref_squeeze %dma_wait3A_407 : memref<1x80xi32, #tpu.memory_space<vmem>> -> memref<80xi32, #tpu.memory_space<vmem>>
    %dma_wait3A_409 = arith.constant 0 : i32
    %dma_wait3A_410 = arith.constant 0 : i32
    %dma_wait3A_411 = tpu.memref_slice %arg10[%dma_wait3A_409, %dma_wait3A_410] : memref<10240x64xf32, #tpu.memory_space<vmem_shared>> -> memref<10240x64xf32, #tpu.memory_space<vmem_shared>>
    %dma_wait3A_412 = tpu.memref_slice %arg13[%dma_wait3A_401] : memref<5x!tpu.dma_semaphore, #tpu.memory_space<semaphore_mem>> -> memref<1x!tpu.dma_semaphore, #tpu.memory_space<semaphore_mem>>
    %dma_wait3A_413 = tpu.memref_squeeze %dma_wait3A_412 : memref<1x!tpu.dma_semaphore, #tpu.memory_space<semaphore_mem>> -> memref<!tpu.dma_semaphore, #tpu.memory_space<semaphore_mem>>
    tpu.wait_indirect_dma semaphore(%dma_wait3A_413 : memref<!tpu.dma_semaphore, #tpu.memory_space<semaphore_mem>>) src(%dma_wait3A_405 : memref<80x64xf32, #tpu.memory_space<vmem>>) dst(%dma_wait3A_411 : memref<10240x64xf32, #tpu.memory_space<vmem_shared>>)
    %dma_wait3A_414 = arith.constant 4 : i32
    %dma_wait3A_415 = arith.constant 4 : i32
    %dma_wait3A_416 = arith.constant 4 : i32
    %dma_wait3A_417 = arith.constant 0 : i32
    %dma_wait3A_418 = arith.constant 0 : i32
    %dma_wait3A_419 = tpu.memref_slice %arg9[%dma_wait3A_414, %dma_wait3A_417, %dma_wait3A_418] : memref<5x80x64xf32, #tpu.memory_space<vmem>> -> memref<1x80x64xf32, #tpu.memory_space<vmem>>
    %dma_wait3A_420 = tpu.memref_squeeze %dma_wait3A_419 : memref<1x80x64xf32, #tpu.memory_space<vmem>> -> memref<80x64xf32, #tpu.memory_space<vmem>>
    %dma_wait3A_421 = arith.constant 0 : i32
    %dma_wait3A_422 = tpu.memref_slice %arg8[%dma_wait3A_415, %dma_wait3A_421] : memref<5x80xi32, #tpu.memory_space<vmem>> -> memref<1x80xi32, #tpu.memory_space<vmem>>
    %dma_wait3A_423 = tpu.memref_squeeze %dma_wait3A_422 : memref<1x80xi32, #tpu.memory_space<vmem>> -> memref<80xi32, #tpu.memory_space<vmem>>
    %dma_wait3A_424 = arith.constant 0 : i32
    %dma_wait3A_425 = arith.constant 0 : i32
    %dma_wait3A_426 = tpu.memref_slice %arg10[%dma_wait3A_424, %dma_wait3A_425] : memref<10240x64xf32, #tpu.memory_space<vmem_shared>> -> memref<10240x64xf32, #tpu.memory_space<vmem_shared>>
    %dma_wait3A_427 = tpu.memref_slice %arg13[%dma_wait3A_416] : memref<5x!tpu.dma_semaphore, #tpu.memory_space<semaphore_mem>> -> memref<1x!tpu.dma_semaphore, #tpu.memory_space<semaphore_mem>>
    %dma_wait3A_428 = tpu.memref_squeeze %dma_wait3A_427 : memref<1x!tpu.dma_semaphore, #tpu.memory_space<semaphore_mem>> -> memref<!tpu.dma_semaphore, #tpu.memory_space<semaphore_mem>>
    tpu.wait_indirect_dma semaphore(%dma_wait3A_428 : memref<!tpu.dma_semaphore, #tpu.memory_space<semaphore_mem>>) src(%dma_wait3A_420 : memref<80x64xf32, #tpu.memory_space<vmem>>) dst(%dma_wait3A_426 : memref<10240x64xf32, #tpu.memory_space<vmem_shared>>)
    %barrier3A_429 = arith.constant 0 : index
    tpu.barrier barrier_id(%barrier3A_429)
    %mul3A_430 = arith.constant 640 : i32
    %mul3A_431 = arith.muli %arg1, %mul3A_430 : i32
    %mul3A_432 = arith.constant 10240 : i32
    %mul3A_433 = arith.muli %arg0, %mul3A_432 : i32
    %mul3A_434 = arith.constant 640 : i32
    %mul3A_435 = arith.muli %arg1, %mul3A_434 : i32
    %add3A_436 = arith.addi %mul3A_433, %mul3A_435 : i32
    "tpu.region"() ({
      %run_scoped3A = tpu.sem_alloc : memref<!tpu.dma_semaphore, #tpu.memory_space<semaphore_mem>>
      %dma_start3A_437 = arith.constant 0 : i32
      %dma_start3A_438 = tpu.memref_slice %arg6[%add3A_436, %dma_start3A_437] : memref<20480x64xf32, #tpu.memory_space<hbm>> -> memref<640x64xf32, #tpu.memory_space<hbm>>
      %dma_start3A_439 = arith.constant 0 : i32
      %dma_start3A_440 = tpu.memref_slice %arg10[%mul3A_431, %dma_start3A_439] : memref<10240x64xf32, #tpu.memory_space<vmem_shared>> -> memref<640x64xf32, #tpu.memory_space<vmem_shared>>
      tpu.enqueue_dma source(%dma_start3A_440 : memref<640x64xf32, #tpu.memory_space<vmem_shared>>) target(%dma_start3A_438 : memref<640x64xf32, #tpu.memory_space<hbm>>) target_semaphore(%run_scoped3A : memref<!tpu.dma_semaphore, #tpu.memory_space<semaphore_mem>>)
      %dma_wait3A_441 = arith.constant 0 : i32
      %dma_wait3A_442 = tpu.memref_slice %arg6[%add3A_436, %dma_wait3A_441] : memref<20480x64xf32, #tpu.memory_space<hbm>> -> memref<640x64xf32, #tpu.memory_space<hbm>>
      %dma_wait3A_443 = arith.constant 0 : i32
      %dma_wait3A_444 = tpu.memref_slice %arg10[%mul3A_431, %dma_wait3A_443] : memref<10240x64xf32, #tpu.memory_space<vmem_shared>> -> memref<640x64xf32, #tpu.memory_space<vmem_shared>>
      tpu.wait_dma2 semaphore(%run_scoped3A : memref<!tpu.dma_semaphore, #tpu.memory_space<semaphore_mem>>) src(%dma_wait3A_444 : memref<640x64xf32, #tpu.memory_space<vmem_shared>>) dst(%dma_wait3A_442 : memref<640x64xf32, #tpu.memory_space<hbm>>)
      tpu.yield
    }) : () -> ()
    return
  }
}

module attributes {stable_mosaic.version = 14 : i64} {
  func.func @_mm_body(%arg0: memref<5000x256xf32, #tpu.memory_space<vmem>>, %arg1: memref<256x128xf32, #tpu.memory_space<vmem>>, %arg2: memref<5000x128xf32, #tpu.memory_space<vmem>>) attributes {dimension_semantics = [], scalar_prefetch = 0 : i64, scratch_operands = 0 : i64, tpu.core_type = #tpu.core_type<tc>} {
    %get3A = arith.constant 0 : index
    %get3A_0 = arith.constant 0 : index
    %get3A_1 = vector.load %arg0[%get3A, %get3A_0] : memref<5000x256xf32, #tpu.memory_space<vmem>>, vector<5000x256xf32>
    %get3A_2 = arith.constant 0 : index
    %get3A_3 = arith.constant 0 : index
    %get3A_4 = vector.load %arg1[%get3A_2, %get3A_3] : memref<256x128xf32, #tpu.memory_space<vmem>>, vector<256x128xf32>
    %dot_general3A = arith.constant dense<0.000000e+00> : vector<5000x128xf32>
    %dot_general3A_5 = tpu.matmul %get3A_1, %get3A_4, %dot_general3A {dimension_numbers = #tpu.dot_dimension_numbers<[1], [0], [0], [1], [0, 0, 1, 1], [], []>, transpose_lhs_hint = false} : vector<5000x256xf32>, vector<256x128xf32>, vector<5000x128xf32> -> vector<5000x128xf32>
    %swap3A = arith.constant 0 : index
    %swap3A_6 = arith.constant 0 : index
    %swap3A_7 = vector.load %arg2[%swap3A, %swap3A_6] : memref<5000x128xf32, #tpu.memory_space<vmem>>, vector<5000x128xf32>
    tpu.vector_store %arg2[%swap3A, %swap3A_6], %dot_general3A_5 {strides = array<i32>} : memref<5000x128xf32, #tpu.memory_space<vmem>>, vector<5000x128xf32>,
    return
  }
}

module attributes {stable_mosaic.version = 14 : i64} {
  func.func @_scale_body(%arg0: memref<5000x128xf32, #tpu.memory_space<vmem>>, %arg1: memref<5000x2xf32, #tpu.memory_space<vmem>>, %arg2: memref<5000x128xf32, #tpu.memory_space<vmem>>) attributes {dimension_semantics = [], scalar_prefetch = 0 : i64, scratch_operands = 0 : i64, tpu.core_type = #tpu.core_type<tc>} {
    %get3A = arith.constant 0 : index
    %get3A_0 = arith.constant 0 : index
    %get3A_1 = vector.load %arg1[%get3A, %get3A_0] : memref<5000x2xf32, #tpu.memory_space<vmem>>, vector<5000x1xf32>
    %broadcast_in_dim3A = vector.shape_cast %get3A_1 : vector<5000x1xf32> to vector<5000x1xf32>
    %broadcast_in_dim3A_2 = vector.broadcast %broadcast_in_dim3A : vector<5000x1xf32> to vector<5000x64xf32>
    %get3A_3 = arith.constant 0 : index
    %get3A_4 = arith.constant 1 : index
    %get3A_5 = vector.load %arg1[%get3A_3, %get3A_4] : memref<5000x2xf32, #tpu.memory_space<vmem>>, vector<5000x1xf32>
    %broadcast_in_dim3A_6 = vector.shape_cast %get3A_5 : vector<5000x1xf32> to vector<5000x1xf32>
    %broadcast_in_dim3A_7 = vector.broadcast %broadcast_in_dim3A_6 : vector<5000x1xf32> to vector<5000x64xf32>
    %concatenate3A = tpu.concatenate %broadcast_in_dim3A_2, %broadcast_in_dim3A_7 in 1 : vector<5000x64xf32>, vector<5000x64xf32> -> vector<5000x128xf32>
    %get3A_8 = arith.constant 0 : index
    %get3A_9 = arith.constant 0 : index
    %get3A_10 = vector.load %arg0[%get3A_8, %get3A_9] : memref<5000x128xf32, #tpu.memory_space<vmem>>, vector<5000x128xf32>
    %mul3A = arith.mulf %concatenate3A, %get3A_10 : vector<5000x128xf32>
    %swap3A = arith.constant 0 : index
    %swap3A_11 = arith.constant 0 : index
    %swap3A_12 = vector.load %arg2[%swap3A, %swap3A_11] : memref<5000x128xf32, #tpu.memory_space<vmem>>, vector<5000x128xf32>
    tpu.vector_store %arg2[%swap3A, %swap3A_11], %mul3A {strides = array<i32>} : memref<5000x128xf32, #tpu.memory_space<vmem>>, vector<5000x128xf32>,
    return
  }
}

module attributes {stable_mosaic.version = 14 : i64} {
  func.func @_mid_body(%arg0: memref<10240x128xf32, #tpu.memory_space<vmem>>, %arg1: memref<5000x128xf32, #tpu.memory_space<vmem>>, %arg2: memref<5000x2xf32, #tpu.memory_space<vmem>>, %arg3: memref<128x128xf32, #tpu.memory_space<vmem>>, %arg4: memref<1x128xf32, #tpu.memory_space<vmem>>, %arg5: memref<5000x128xf32, #tpu.memory_space<vmem>>) attributes {dimension_semantics = [], scalar_prefetch = 0 : i64, scratch_operands = 0 : i64, tpu.core_type = #tpu.core_type<tc>} {
    %get3A = arith.constant 0 : index
    %get3A_0 = arith.constant 0 : index
    %get3A_1 = vector.load %arg2[%get3A, %get3A_0] : memref<5000x2xf32, #tpu.memory_space<vmem>>, vector<5000x1xf32>
    %broadcast_in_dim3A = vector.shape_cast %get3A_1 : vector<5000x1xf32> to vector<5000x1xf32>
    %broadcast_in_dim3A_2 = vector.broadcast %broadcast_in_dim3A : vector<5000x1xf32> to vector<5000x64xf32>
    %get3A_3 = arith.constant 0 : index
    %get3A_4 = arith.constant 1 : index
    %get3A_5 = vector.load %arg2[%get3A_3, %get3A_4] : memref<5000x2xf32, #tpu.memory_space<vmem>>, vector<5000x1xf32>
    %broadcast_in_dim3A_6 = vector.shape_cast %get3A_5 : vector<5000x1xf32> to vector<5000x1xf32>
    %broadcast_in_dim3A_7 = vector.broadcast %broadcast_in_dim3A_6 : vector<5000x1xf32> to vector<5000x64xf32>
    %concatenate3A = tpu.concatenate %broadcast_in_dim3A_2, %broadcast_in_dim3A_7 in 1 : vector<5000x64xf32>, vector<5000x64xf32> -> vector<5000x128xf32>
    %get3A_8 = arith.constant 0 : index
    %get3A_9 = arith.constant 0 : index
    %get3A_10 = vector.load %arg0[%get3A_8, %get3A_9] : memref<10240x128xf32, #tpu.memory_space<vmem>>, vector<5000x128xf32>
    %get3A_11 = arith.constant 5120 : index
    %get3A_12 = arith.constant 0 : index
    %get3A_13 = vector.load %arg0[%get3A_11, %get3A_12] : memref<10240x128xf32, #tpu.memory_space<vmem>>, vector<5000x128xf32>
    %add3A = arith.addf %get3A_10, %get3A_13 : vector<5000x128xf32>
    %get3A_14 = arith.constant 0 : index
    %get3A_15 = arith.constant 0 : index
    %get3A_16 = vector.load %arg1[%get3A_14, %get3A_15] : memref<5000x128xf32, #tpu.memory_space<vmem>>, vector<5000x128xf32>
    %add3A_17 = arith.addf %add3A, %get3A_16 : vector<5000x128xf32>
    %mul3A = arith.mulf %concatenate3A, %add3A_17 : vector<5000x128xf32>
    %get3A_18 = arith.constant 0 : index
    %get3A_19 = arith.constant 0 : index
    %get3A_20 = vector.load %arg4[%get3A_18, %get3A_19] : memref<1x128xf32, #tpu.memory_space<vmem>>, vector<1x128xf32>
    %add3A_21 = vector.broadcast %get3A_20 : vector<1x128xf32> to vector<5000x128xf32>
    %add3A_22 = arith.addf %mul3A, %add3A_21 : vector<5000x128xf32>
    %max3A = arith.constant 0.000000e+00 : f32
    %max3A_23 = vector.broadcast %max3A : f32 to vector<5000x128xf32>
    %max3A_24 = arith.maximumf %add3A_22, %max3A_23 : vector<5000x128xf32>
    %get3A_25 = arith.constant 0 : index
    %get3A_26 = arith.constant 0 : index
    %get3A_27 = vector.load %arg3[%get3A_25, %get3A_26] : memref<128x128xf32, #tpu.memory_space<vmem>>, vector<128x128xf32>
    %dot_general3A = arith.constant dense<0.000000e+00> : vector<5000x128xf32>
    %dot_general3A_28 = tpu.matmul %max3A_24, %get3A_27, %dot_general3A {dimension_numbers = #tpu.dot_dimension_numbers<[1], [0], [0], [1], [0, 0, 1, 1], [], []>, transpose_lhs_hint = false} : vector<5000x128xf32>, vector<128x128xf32>, vector<5000x128xf32> -> vector<5000x128xf32>
    %mul3A_29 = arith.mulf %concatenate3A, %dot_general3A_28 : vector<5000x128xf32>
    %swap3A = arith.constant 0 : index
    %swap3A_30 = arith.constant 0 : index
    %swap3A_31 = vector.load %arg5[%swap3A, %swap3A_30] : memref<5000x128xf32, #tpu.memory_space<vmem>>, vector<5000x128xf32>
    tpu.vector_store %arg5[%swap3A, %swap3A_30], %mul3A_29 {strides = array<i32>} : memref<5000x128xf32, #tpu.memory_space<vmem>>, vector<5000x128xf32>,
    return
  }
}

module attributes {stable_mosaic.version = 14 : i64} {
  func.func @_final_body(%arg0: memref<10240x128xf32, #tpu.memory_space<vmem>>, %arg1: memref<5000x128xf32, #tpu.memory_space<vmem>>, %arg2: memref<5000x2xf32, #tpu.memory_space<vmem>>, %arg3: memref<1x128xf32, #tpu.memory_space<vmem>>, %arg4: memref<5000x2xi32, #tpu.memory_space<vmem>>, %arg5: memref<64x10xf32, #tpu.memory_space<vmem>>, %arg6: memref<1x10xf32, #tpu.memory_space<vmem>>, %arg7: memref<64x10xf32, #tpu.memory_space<vmem>>) attributes {dimension_semantics = [], scalar_prefetch = 0 : i64, scratch_operands = 0 : i64, tpu.core_type = #tpu.core_type<tc>} {
    %get3A = arith.constant 0 : index
    %get3A_0 = arith.constant 0 : index
    %get3A_1 = vector.load %arg2[%get3A, %get3A_0] : memref<5000x2xf32, #tpu.memory_space<vmem>>, vector<5000x1xf32>
    %broadcast_in_dim3A = vector.shape_cast %get3A_1 : vector<5000x1xf32> to vector<5000x1xf32>
    %broadcast_in_dim3A_2 = vector.broadcast %broadcast_in_dim3A : vector<5000x1xf32> to vector<5000x64xf32>
    %get3A_3 = arith.constant 0 : index
    %get3A_4 = arith.constant 1 : index
    %get3A_5 = vector.load %arg2[%get3A_3, %get3A_4] : memref<5000x2xf32, #tpu.memory_space<vmem>>, vector<5000x1xf32>
    %broadcast_in_dim3A_6 = vector.shape_cast %get3A_5 : vector<5000x1xf32> to vector<5000x1xf32>
    %broadcast_in_dim3A_7 = vector.broadcast %broadcast_in_dim3A_6 : vector<5000x1xf32> to vector<5000x64xf32>
    %concatenate3A = tpu.concatenate %broadcast_in_dim3A_2, %broadcast_in_dim3A_7 in 1 : vector<5000x64xf32>, vector<5000x64xf32> -> vector<5000x128xf32>
    %get3A_8 = arith.constant 0 : index
    %get3A_9 = arith.constant 0 : index
    %get3A_10 = vector.load %arg0[%get3A_8, %get3A_9] : memref<10240x128xf32, #tpu.memory_space<vmem>>, vector<5000x128xf32>
    %get3A_11 = arith.constant 5120 : index
    %get3A_12 = arith.constant 0 : index
    %get3A_13 = vector.load %arg0[%get3A_11, %get3A_12] : memref<10240x128xf32, #tpu.memory_space<vmem>>, vector<5000x128xf32>
    %add3A = arith.addf %get3A_10, %get3A_13 : vector<5000x128xf32>
    %get3A_14 = arith.constant 0 : index
    %get3A_15 = arith.constant 0 : index
    %get3A_16 = vector.load %arg1[%get3A_14, %get3A_15] : memref<5000x128xf32, #tpu.memory_space<vmem>>, vector<5000x128xf32>
    %add3A_17 = arith.addf %add3A, %get3A_16 : vector<5000x128xf32>
    %mul3A = arith.mulf %concatenate3A, %add3A_17 : vector<5000x128xf32>
    %get3A_18 = arith.constant 0 : index
    %get3A_19 = arith.constant 0 : index
    %get3A_20 = vector.load %arg3[%get3A_18, %get3A_19] : memref<1x128xf32, #tpu.memory_space<vmem>>, vector<1x128xf32>
    %add3A_21 = vector.broadcast %get3A_20 : vector<1x128xf32> to vector<5000x128xf32>
    %add3A_22 = arith.addf %mul3A, %add3A_21 : vector<5000x128xf32>
    %max3A = arith.constant 0.000000e+00 : f32
    %max3A_23 = vector.broadcast %max3A : f32 to vector<5000x128xf32>
    %max3A_24 = arith.maximumf %add3A_22, %max3A_23 : vector<5000x128xf32>
    %iota3A = tpu.iota {dimensions = array<i32: 1>} : vector<1x64xi32>
    %get3A_25 = arith.constant 0 : index
    %get3A_26 = arith.constant 0 : index
    %get3A_27 = vector.load %arg4[%get3A_25, %get3A_26] : memref<5000x2xi32, #tpu.memory_space<vmem>>, vector<5000x1xi32>
    %eq3A = vector.broadcast %get3A_27 : vector<5000x1xi32> to vector<5000x64xi32>
    %eq3A_28 = vector.broadcast %iota3A : vector<1x64xi32> to vector<5000x64xi32>
    %eq3A_29 = arith.cmpi eq, %eq3A, %eq3A_28 : vector<5000x64xi32>
    %convert_element_type3A = arith.extui %eq3A_29 : vector<5000x64xi1> to vector<5000x64xi32>
    %convert_element_type3A_30 = arith.sitofp %convert_element_type3A : vector<5000x64xi32> to vector<5000x64xf32>
    %get3A_31 = arith.constant 0 : index
    %get3A_32 = arith.constant 1 : index
    %get3A_33 = vector.load %arg4[%get3A_31, %get3A_32] : memref<5000x2xi32, #tpu.memory_space<vmem>>, vector<5000x1xi32>
    %eq3A_34 = vector.broadcast %get3A_33 : vector<5000x1xi32> to vector<5000x64xi32>
    %eq3A_35 = vector.broadcast %iota3A : vector<1x64xi32> to vector<5000x64xi32>
    %eq3A_36 = arith.cmpi eq, %eq3A_34, %eq3A_35 : vector<5000x64xi32>
    %convert_element_type3A_37 = arith.extui %eq3A_36 : vector<5000x64xi1> to vector<5000x64xi32>
    %convert_element_type3A_38 = arith.sitofp %convert_element_type3A_37 : vector<5000x64xi32> to vector<5000x64xf32>
    %broadcast_in_dim3A_39 = arith.constant 1.000000e+00 : f32
    %broadcast_in_dim3A_40 = vector.broadcast %broadcast_in_dim3A_39 : f32 to vector<5000x1xf32>
    %slice3A = vector.extract_strided_slice %max3A_24 {offsets = [0, 0], sizes = [5000, 64], strides = [1, 1]} : vector<5000x128xf32> to vector<5000x64xf32>
    %concatenate3A_41 = tpu.concatenate %slice3A, %broadcast_in_dim3A_40 in 1 : vector<5000x64xf32>, vector<5000x1xf32> -> vector<5000x65xf32>
    %slice3A_42 = vector.extract_strided_slice %max3A_24 {offsets = [0, 64], sizes = [5000, 64], strides = [1, 1]} : vector<5000x128xf32> to vector<5000x64xf32>
    %concatenate3A_43 = tpu.concatenate %slice3A_42, %broadcast_in_dim3A_40 in 1 : vector<5000x64xf32>, vector<5000x1xf32> -> vector<5000x65xf32>
    %dot_general3A = arith.constant dense<0.000000e+00> : vector<64x65xf32>
    %dot_general3A_44 = tpu.matmul %convert_element_type3A_30, %concatenate3A_41, %dot_general3A {dimension_numbers = #tpu.dot_dimension_numbers<[0], [0], [1], [1], [0, 1, 1, 1], [], []>, transpose_lhs_hint = false} : vector<5000x64xf32>, vector<5000x65xf32>, vector<64x65xf32> -> vector<64x65xf32>
    %dot_general3A_45 = arith.constant dense<0.000000e+00> : vector<64x65xf32>
    %dot_general3A_46 = tpu.matmul %convert_element_type3A_38, %concatenate3A_43, %dot_general3A_45 {dimension_numbers = #tpu.dot_dimension_numbers<[0], [0], [1], [1], [0, 1, 1, 1], [], []>, transpose_lhs_hint = false} : vector<5000x64xf32>, vector<5000x65xf32>, vector<64x65xf32> -> vector<64x65xf32>
    %add3A_47 = arith.addf %dot_general3A_44, %dot_general3A_46 : vector<64x65xf32>
    %slice3A_48 = vector.extract_strided_slice %add3A_47 {offsets = [0, 0], sizes = [64, 64], strides = [1, 1]} : vector<64x65xf32> to vector<64x64xf32>
    %slice3A_49 = vector.extract_strided_slice %add3A_47 {offsets = [0, 64], sizes = [64, 1], strides = [1, 1]} : vector<64x65xf32> to vector<64x1xf32>
    %max3A_50 = arith.constant 1.000000e+00 : f32
    %max3A_51 = vector.broadcast %max3A_50 : f32 to vector<64x1xf32>
    %max3A_52 = arith.maximumf %slice3A_49, %max3A_51 : vector<64x1xf32>
    %div3A = vector.broadcast %max3A_52 : vector<64x1xf32> to vector<64x64xf32>
    %div3A_53 = arith.divf %slice3A_48, %div3A : vector<64x64xf32>
    %get3A_54 = arith.constant 0 : index
    %get3A_55 = arith.constant 0 : index
    %get3A_56 = vector.load %arg5[%get3A_54, %get3A_55] : memref<64x10xf32, #tpu.memory_space<vmem>>, vector<64x10xf32>
    %dot_general3A_57 = arith.constant dense<0.000000e+00> : vector<64x10xf32>
    %dot_general3A_58 = tpu.matmul %div3A_53, %get3A_56, %dot_general3A_57 {dimension_numbers = #tpu.dot_dimension_numbers<[1], [0], [0], [1], [0, 0, 1, 1], [], []>, transpose_lhs_hint = false} : vector<64x64xf32>, vector<64x10xf32>, vector<64x10xf32> -> vector<64x10xf32>
    %get3A_59 = arith.constant 0 : index
    %get3A_60 = arith.constant 0 : index
    %get3A_61 = vector.load %arg6[%get3A_59, %get3A_60] : memref<1x10xf32, #tpu.memory_space<vmem>>, vector<1x10xf32>
    %add3A_62 = vector.broadcast %get3A_61 : vector<1x10xf32> to vector<64x10xf32>
    %add3A_63 = arith.addf %dot_general3A_58, %add3A_62 : vector<64x10xf32>
    %reduce_max3A = arith.constant dense<0xFF800000> : vector<64xf32>
    %reduce_max3A_64 = vector.multi_reduction <maximumf>, %add3A_63, %reduce_max3A [1] : vector<64x10xf32> to vector<64xf32>
    %broadcast_in_dim3A_65 = vector.shape_cast %reduce_max3A_64 : vector<64xf32> to vector<64x1xf32>
    %sub3A = vector.broadcast %broadcast_in_dim3A_65 : vector<64x1xf32> to vector<64x10xf32>
    %sub3A_66 = arith.subf %add3A_63, %sub3A : vector<64x10xf32>
    %exp3A = math.exp %sub3A_66 : vector<64x10xf32>
    %reduce_sum3A = arith.constant dense<0.000000e+00> : vector<64xf32>
    %reduce_sum3A_67 = vector.multi_reduction <add>, %exp3A, %reduce_sum3A [1] : vector<64x10xf32> to vector<64xf32>
    %broadcast_in_dim3A_68 = vector.shape_cast %reduce_sum3A_67 : vector<64xf32> to vector<64x1xf32>
    %log3A = math.log %broadcast_in_dim3A_68 : vector<64x1xf32>
    %add3A_69 = arith.addf %log3A, %broadcast_in_dim3A_65 : vector<64x1xf32>
    %sub3A_70 = vector.broadcast %add3A_69 : vector<64x1xf32> to vector<64x10xf32>
    %sub3A_71 = arith.subf %add3A_63, %sub3A_70 : vector<64x10xf32>
    %swap3A = arith.constant 0 : index
    %swap3A_72 = arith.constant 0 : index
    %swap3A_73 = vector.load %arg7[%swap3A, %swap3A_72] : memref<64x10xf32, #tpu.memory_space<vmem>>, vector<64x10xf32>
    tpu.vector_store %arg7[%swap3A, %swap3A_72], %sub3A_71 {strides = array<i32>} : memref<64x10xf32, #tpu.memory_space<vmem>>, vector<64x10xf32>,
    return
  }
}

</mosaic_0001>

<sc_bundles>
// kernel: kernel.12.cloned.1.call-start
scs
__scs_entry_jumppad:
0x0: {  	(pc) =	sbr.rel $0x88, $3  }
0x1: {  	(tag) =	ssettag $0x0;
	lr =	simm.s32 $0x1  }
0x2: {  	[smem:$0x3F98] =	sst lr;
	_ =	strace $0xD0000000  }
0x3: {  	_ = 	snop  }
0x4: {  	_ = 	snop  }
0x5: {  	_ = 	snop  }
0x6: {  	_ = 	snop  }
0x7: {  	_ = 	snop  }
__scs_overlays_trampoline_lowered:
0x8: {  	[smem:$0x3FA7] =	sst s0  }
0x9: {  	[smem:$0x3FA8] =	sst s1  }
0xa: {  	[smem:$0x3FA9] =	sst s2  }
0xb: {  	[smem:$0x3FAA] =	sst s3  }
0xc: {  	[smem:$0x3FAB] =	sst s4  }
0xd: {  	[smem:$0x3FAC] =	sst s5  }
0xe: {  	[smem:$0x3FAD] =	sst s6  }
0xf: {  	[smem:$0x3FAE] =	sst s7  }
0x10: {  	[smem:$0x3FAF] =	sst s8  }
0x11: {  	[smem:$0x3FB0] =	sst s9;
	s0 =	simm.s32 @!p0 $0x0  }
0x12: {  	s1 =	sld [smem:$0x3F96];
	s0 =	simm.s32 @p0 $0x1  }
0x13: {  	[smem:$0x3FB1] =	sst s0;
	s0 =	simm.s32 @!p1 $0x0  }
0x14: {  	s2 =	sld [smem:$0x3F95];
	s0 =	simm.s32 @p1 $0x1  }
0x15: {  	[smem:$0x3FB2] =	sst s0;
	s0 =	simm.s32 @!p2 $0x0  }
0x16: {  	s3 =	sld [smem:$0x3FDB];
	s0 =	simm.s32 @p2 $0x1  }
0x17: {  	s4 =	simm.s32 $0x1BF5;
	[smem:$0x3FB4] =	sst s0  }
0x18: {  	s0 =	sld [smem:$0x3F97];
	_ =	swait.ge [sflag:s4], $0x0  }
0x19: {  	s7 =	sld [smem:$0x3F98]  }
0x1a: {  	s8 =	sadd.s32 $0xFFFFE003, lr  }
0x1b: {  	s9 =	sadd.s32 $0xFFFFFEF7, lr;
	s5 =	simm.s32 $0xFFFFFFFF;
	p2 =	slt.u32 s8, $0xFFFFF086  }
0x1c: {  	p1 =	slt.u32 s9, $0xF7A;
	s5 =	simm.s32 @!p2 $0x0  }
0x1d: {  	s5 =	simm.s32 @p1 $0x1;
	p0 =	seq.s32 s7, s2  }
0x1e: {  	s7 =	smul.u32 @!p0 $0xF7A, s2;
	p2 =	seq.s32 @!p0 s5, $0x0  }
0x1f: {  	s9 =	smul.u32 $0xF7A, s1;
	s8 =	simm.s32 @!p0 $0x1BF5;
	p2 =	por !p2, p0  }
0x20: {  	[sflag:s8] =	ssyncset.s32 @!p0 $0xFFFFF086;
	s6 =	sadd.s32 @!p0 s3, s7;
	s7 =	simm.s32 @!p0 $0x108  }
0x21: {  	s3 =	sadd.s32 s3, s9;
	s6 =	sadd.s32 @!p0 $0x88, s6;
	s7 =	simm.s32 @p2 $0x1082  }
0x22: {  	[simem:s7], [sflag:s8] =	dma.local @!p0 [hbm:s6], $0xF7A  }
0x23: {  	s9 =	sor.u32 $0xD0000000, s2;
	s6 =	simm.s32 $0x108;
	_ =	swait.ge @!p0 [sflag:s8], $0x0  }
0x24: {  	s3 =	sadd.s32 $0x88, s3;
	s6 =	simm.s32 @!p1 $0x1082;
	[sflag:s4] =	ssyncset.s32 $0xFFFFF086  }
0x25: {  	[simem:s6], [sflag:s4] =	dma.local [hbm:s3], $0xF7A  }
0x26: {  	[smem:$0x3F98] =	sst s1;
	(tag) =	ssettag s2;
	_ =	strace s9  }
0x27: {  	s1 =	sld [smem:$0x3FA8]  }
0x28: {  	s2 =	sld [smem:$0x3FA9]  }
0x29: {  	s4 =	sld [smem:$0x3FAB]  }
0x2a: {  	p0 =	seq.s32 s5, $0x0;
	s5 =	sld [smem:$0x3FAC]  }
0x2b: {  	s6 =	sld [smem:$0x3FAD]  }
0x2c: {  	s7 =	sld [smem:$0x3FAE]  }
0x2d: {  	s3 =	simm.s32 $0x108;
	s8 =	sld [smem:$0x3FAF]  }
0x2e: {  	s3 =	simm.s32 @!p0 $0x1082;
	s9 =	sld [smem:$0x3FB0]  }
0x2f: {  	lr =	sadd.s32 s0, s3;
	s0 =	sld [smem:$0x3FA7]  }
0x30: {  	s3 =	sld [smem:$0x3FAA]  }
0x31: {  	[smem:$0x3FB3] =	sst s10  }
0x32: {  	s10 =	sld [smem:$0x3FB1];
	_ =	sdelay $0x3  }
0x33: {  	p0 =	seq.s32 s10, $0x1;
	s10 =	sld [smem:$0x3FB3];
	_ =	sdelay $0x3  }
0x34: {  	[smem:$0x3FB3] =	sst s10  }
0x35: {  	s10 =	sld [smem:$0x3FB2];
	_ =	sdelay $0x3  }
0x36: {  	p1 =	seq.s32 s10, $0x1;
	s10 =	sld [smem:$0x3FB3];
	_ =	sdelay $0x3  }
0x37: {  	[smem:$0x3FB3] =	sst s10  }
0x38: {  	s10 =	sld [smem:$0x3FB4]  }
0x39: {  	_ = 	snop;
	(pc) =	sbr.ind lr, $3  }
0x3a: {  	_ = 	snop  }
0x3b: {  	_ = 	snop  }
0x3c: {  	p2 =	seq.s32 s10, $0x1;
	s10 =	sld [smem:$0x3FB3]  }
0x3d: {  	_ =	shalt  }
0x3e: {  	_ =	shalt  }
0x3f: {  	_ =	shalt  }
0x40: {  	_ =	shalt  }
0x41: {  	_ =	shalt  }
0x42: {  	_ =	shalt  }
0x43: {  	_ =	shalt  }
0x44: {  	_ =	shalt  }
0x45: {  	_ =	shalt  }
0x46: {  	_ =	shalt  }
0x47: {  	_ =	shalt  }
0x48: {  	_ =	shalt  }
0x49: {  	_ =	shalt  }
0x4a: {  	_ =	shalt  }
0x4b: {  	_ =	shalt  }
0x4c: {  	_ =	shalt  }
0x4d: {  	_ =	shalt  }
0x4e: {  	_ =	shalt  }
0x4f: {  	_ =	shalt  }
0x50: {  	_ =	shalt  }
0x51: {  	_ =	shalt  }
0x52: {  	_ =	shalt  }
0x53: {  	_ =	shalt  }
0x54: {  	_ =	shalt  }
0x55: {  	_ =	shalt  }
0x56: {  	_ =	shalt  }
0x57: {  	_ =	shalt  }
0x58: {  	_ =	shalt  }
0x59: {  	_ =	shalt  }
0x5a: {  	_ =	shalt  }
0x5b: {  	_ =	shalt  }
0x5c: {  	_ =	shalt  }
0x5d: {  	_ =	shalt  }
0x5e: {  	_ =	shalt  }
0x5f: {  	_ =	shalt  }
0x60: {  	_ =	shalt  }
0x61: {  	_ =	shalt  }
0x62: {  	_ =	shalt  }
0x63: {  	_ =	shalt  }
0x64: {  	_ =	shalt  }
0x65: {  	_ =	shalt  }
0x66: {  	_ =	shalt  }
0x67: {  	_ =	shalt  }
0x68: {  	_ =	shalt  }
0x69: {  	_ =	shalt  }
0x6a: {  	_ =	shalt  }
0x6b: {  	_ =	shalt  }
0x6c: {  	_ =	shalt  }
0x6d: {  	_ =	shalt  }
0x6e: {  	_ =	shalt  }
0x6f: {  	_ =	shalt  }
0x70: {  	_ =	shalt  }
0x71: {  	_ =	shalt  }
0x72: {  	_ =	shalt  }
0x73: {  	_ =	shalt  }
0x74: {  	_ =	shalt  }
0x75: {  	_ =	shalt  }
0x76: {  	_ =	shalt  }
0x77: {  	_ =	shalt  }
0x78: {  	_ =	shalt  }
0x79: {  	_ =	shalt  }
0x7a: {  	_ =	shalt  }
0x7b: {  	_ =	shalt  }
0x7c: {  	_ =	shalt  }
0x7d: {  	_ =	shalt  }
0x7e: {  	_ =	shalt  }
0x7f: {  	_ =	shalt  }
0x80: {  	_ =	shalt  }
0x81: {  	_ =	shalt  }
0x82: {  	_ =	shalt  }
0x83: {  	_ =	shalt  }
0x84: {  	_ =	shalt  }
0x85: {  	_ =	shalt  }
0x86: {  	_ =	shalt  }
0x87: {  	_ =	shalt  }
.Lfunc_end0:
.L_simem_size_0:
called_computation.1_lowered:
.L_overlay_start_0:
0x88: {  	s2 =	sld [smem:$0x3FD9]  }
0x89: {  	s3 =	sld [smem:$0x3FFE];
	_ =	sdelay $0x1  }
0x8a: {  	s1 =	srdreg.scid  }
0x8b: {  	s0 =	sand.u32 $0x1, s1  }
0x8c: {  	s16 =	sshll.u32 s0, $0xA;
	s2 =	sadd.s32 s3, s2  }
0x8d: {  	s2 =	sadd.s32 s2, s16  }
0x8e: {  	[smem:$0x3FBF] =	sst s2  }
0x8f: {  	_ = 	snop  }
0x90: {  	(tm) =	ssettm $0x1  }
0x91: {  	s17 =	sld [smem:$0x3FFB];
	_ =	sdelay $0x3  }
0x92: {  	_ =	strace s17  }
0x93: {  	s2 =	sld [smem:$0x3FFC];
	_ =	sdelay $0x3  }
0x94: {  	_ =	strace s2  }
0x95: {  	s2 =	sld [smem:$0x3FFD];
	_ =	sdelay $0x3  }
0x96: {  	_ =	strace s2  }
0x97: {  	_ =	strace $0x8FFFFFFF  }
0x98: {  	s18 =	sld [smem:$0x3FDB];
	_ =	sdelay $0x1  }
0x99: {  	s19 =	simm.s32 $_scs_section_size  }
0x9a: {  	s4 =	simm.s32 $_size__tile_overlayer_lowered;
	s5 =	simm.s32 $_tile_overlayer_lowered  }
0x9b: {  	s22 =	simm.s32 $0x1BFF;
	s21 =	sshll.u32 s5, $0x1;
	s2 =	sadd.s32 s19, s18  }
0x9c: {  	s6 =	simm.s32 $0x0;
	s20 =	sshll.u32 s4, $0x1;
	s4 =	sadd.s32 s21, s2  }
0x9d: {  	[timem:s6], [sflag:s22] =	dma.local [hbm:s4], s20  }
0x9e: {  	_ =	swait.ge [sflag:s22], s20  }
0x9f: {  	s3 =	ssub.s32 $0x0, s20;
	[sflag:s22] =	ssyncset.done $0x0  }
0xa0: {  	[sflag:s22] =	ssyncadd.s32 s3;
	_ =	sdelay $0x1  }
0xa1: {  	s23 =	simm.s32 $0x1B8B  }
0xa2: {  	_ =	swait.ge [sflag:s23], $0x1  }
0xa3: {  	[sflag:s23] =	ssyncset.done $0x0  }
0xa4: {  	s25 =	simm.s32 $0x1B8E;
	s24 =	sld [smem:$0x3FFE];
	[sflag:s23] =	ssyncadd.s32 $0xFFFFFFFF  }
0xa5: {  	s26 =	simm.s32 $execute0_lowered;
	[smem:$0x3FD2] =	sst s25  }
0xa6: {  	s4 =	sshll.u32 s26, $0x1;
	_ =	strace $0x80000049;
	[dreg:$0x1] =	wrdreg $0xFFFFFFFF  }
0xa7: {  	s28 =	simm.s32 $_size_execute0_lowered;
	s2 =	sadd.s32 s2, s4;
	[dreg:$0x0] =	wrdreg $0x0  }
0xa8: {  	s4 =	sshll.u32 s28, $0x1;
	[dreg:$0x2] =	wrdreg s2  }
0xa9: {  	[dreg:$0x3] =	wrdreg s4  }
0xaa: {  	[dreg:$0x4] =	wrdreg $0xC0  }
0xab: {  	_ =	task [dreg:s6], $0x5FFFF  }
0xac: {  	[dreg:$0x1] =	wrdreg $0xFFFFFFFF  }
0xad: {  	[dreg:$0x0] =	wrdreg $0x60  }
0xae: {  	[dreg:$0x2] =	wrdreg s24  }
0xaf: {  	[dreg:$0x3] =	wrdreg $0x8CA00  }
0xb0: {  	[dreg:$0x4] =	wrdreg $0x9  }
0xb1: {  	_ =	task.clear_ibuf [dreg:s6], $0x5FFFF;
	_ =	strace $0x90000049  }
0xb2: {  	s29 =	simm.s32 $0x9;
	_ =	strace $0x8000004B  }
0xb3: {  	_ =	swait.ge [sflag:s29], $0x1  }
0xb4: {  	[sflag:s29] =	ssyncadd.s32 $0xFFFFFFFF  }
0xb5: {  	_ =	strace $0x9000004B  }
0xb6: {  	_ =	sfence  }
0xb7: {  	s30 =	sld [smem:$0x0];
	_ =	sdelay $0x2  }
0xb8: {  	s31 =	sshll.u32 s1, $0xD;
	s1 =	sshrl.u32 s1, $0x2  }
0xb9: {  	s3 =	sand.u32 $0x4000, s31;
	s1 =	sadd.s32 s1, s30  }
0xba: {  	s0 =	sor.u32 s3, s0;
	s1 =	sshll.u32 s1, $0x11  }
0xbb: {  	s0 =	sor.u32 s1, s0  }
0xbc: {  	s0 =	sadd.s32 $0x8F2B, s0  }
0xbd: {  	[sflag:s0] =	ssyncadd.remote.s32 $0x1  }
0xbe: {  	_ =	sfence.sel $0xFFFF  }
0xbf: {  	[dreg:$0x0] =	wrdreg $0xFFFFFFFF;
	(pc) =	sbr.abs _section_cstart, $3  }
0xc0: {  	[dreg:$0x1] =	wrdreg $0xFFFFFFFF  }
0xc1: {  	_ =	task.clear_ibuf [dreg:s6], $0x2FFFF;
	_ =	strace $0x9FFFFFFF  }
0xc2: {  	(tm) =	ssettm $0x7FFFFFFF  }
0xc3: {  	_ =	shalt  }
tec
execute0_lowered:
.L_overlay_start_1:
0x0: {  	(tag) =	ssettag $0x1  }
0x1: {  	s11 =	stileid.u32  }
0x2: {  	s0 =	srdreg.scid;
	s6 =	smul.u32 $0xA000, s11  }
0x3: {  	s1 =	rddreg [dreg:$0x0];
	s7 =	smul.u32 $0x1400, s11  }
0x4: {  	s2 =	rddreg [dreg:$0x1];
	s0 =	sand.u32 $0x1, s0;
	s17 =	smul.u32 $0x2710, s11  }
0x5: {  	s13 =	sadd.s32 $0xC400, s1;
	s31 =	sshll.u32 s11, $0x6;
	s8 =	smul.u32 $0x14000, s0  }
0x6: {  	s3 =	sshll.u32 s0, $0x4;
	s14 =	ssub.s32 $0x2, s0;
	s0 =	smul.u32 $0x27100, s0  }
0x7: {  	s4 =	sor.u32 s11, s3;
	s3 =	simm.s32 $0x0;
	s10 =	sshrl.u32 s6, $0x3  }
0x8: {  	s15 =	sshrl.u32 s14, $0x1;
	s6 =	sadd.s32 s6, s2;
	s5 =	smul.u32 $0x2710, s4  }
0x9: {  	[smem:$0x7FF] =	sst s3;
	s4 =	sadd.s32 $0x16200, s1;
	s10 =	sadd.s32 s10, s1  }
0xa: {  	s7 =	sadd.s32 s7, s8;
	s0 =	sadd.s32 s17, s0;
	s8 =	simm.s32 $0x4  }
0xb: {  	s17 =	simm.s32 $0xB;
	_ =	strace $0x8000004A;
	s18 =	sadd.s32 $0x29C00, s10  }
0xc: {  	s22 =	sadd.s32 $0x2D0, s0;
	s25 =	sadd.s32 $0x280, s0;
	s26 =	sadd.s32 $0x230, s0  }
0xd: {  	s28 =	sadd.s32 $0x1E0, s0;
	s0 =	sadd.s32 $0x190, s0;
	[dreg:$0x3] =	wrdreg s13  }
0xe: {  	s5 =	sshrl.u32 s5, $0x3;
	[dreg:$0x5] =	wrdreg s18;
	s24 =	sshrl.u32 s22, $0x3  }
0xf: {  	[dreg:$0x11] =	wrdreg s0;
	s9 =	sadd.s32 s5, s1;
	s5 =	sadd.s32 s13, s5  }
0x10: {  	s30 =	sshrl.u32 s28, $0x3;
	s16 =	sadd.s32 $0x2600, s9;
	[dreg:$0x6] =	wrdreg s5  }
0x11: {  	s18 =	simm.s32 $0xC;
	s19 =	sadd.s32 $0xA, s5;
	[dreg:$0x4] =	wrdreg s16  }
0x12: {  	s22 =	simm.s32 $0xF;
	s20 =	sadd.s32 $0x14, s5;
	[dreg:$0x7] =	wrdreg s19  }
0x13: {  	s0 =	simm.s32 $0x0;
	s21 =	sadd.s32 $0x1E, s5;
	[dreg:$0x8] =	wrdreg s20  }
0x14: {  	s1 =	sadd.s32 s7, s1;
	s5 =	sadd.s32 $0x28, s5;
	[dreg:$0x9] =	wrdreg s21  }
0x15: {  	s7 =	ssub.s32 s14, s15;
	s1 =	sadd.s32 $0x3DC00, s1;
	[dreg:$0xa] =	wrdreg s5  }
0x16: {  	s14 =	simm.s32 $0x9;
	s23 =	smax.u32 s7, $0x1;
	[dreg:$0xb] =	wrdreg s1  }
0x17: {  	s15 =	simm.s32 $0xA;
	[dreg:$0xc] =	wrdreg s23;
	s1 =	sadd.s32 s24, s13  }
0x18: {  	s5 =	sshrl.u32 s26, $0x3;
	s26 =	sshrl.u32 s6, $0x3;
	[dreg:$0xd] =	wrdreg s1  }
0x19: {  	s23 =	simm.s32 $0x10;
	s29 =	sadd.s32 s5, s13;
	[dreg:$0x13] =	wrdreg s26  }
0x1a: {  	s1 =	sshrl.u32 s25, $0x3;
	s25 =	sor.u32 $0x1C10, s31;
	[dreg:$0xf] =	wrdreg s29  }
0x1b: {  	s24 =	simm.s32 $0x50;
	s1 =	sadd.s32 s1, s13;
	[dreg:$0x12] =	wrdreg s25  }
0x1c: {  	s16 =	simm.s32 $0x5;
	[dreg:$0xe] =	wrdreg s1;
	s1 =	sadd.s32 s30, s13  }
0x1d: {  	s19 =	simm.s32 $0xD;
	s21 =	simm.s32 $0xE;
	[dreg:$0x10] =	wrdreg s1  }
.LBB2_1:
0x1e: {  	[dreg:$0x14] =	wrdreg s0  }
0x1f: {  	s1 =	rddreg [dreg:$0x4]  }
0x20: {  	[tilespmem:s3], [sflag:$0x10] =	stream.linear.gather [hbm4b:s1+s3], $0x2710, $0x38;
	[tilespmem:$0x12CA0] =	vst v63  }
0x21: {  	_ =	swait.ge [sflag:s23], $0x2710  }
0x22: {  	[sflag:s23] =	ssyncset.done $0x0  }
0x23: {  	s11 =	rddreg [dreg:$0x5];
	[sflag:s23] =	ssyncadd.s32 $0xFFFFD8F0  }
0x24: {  	[spmem:s26], [sflag:s25] =	dma.local [hbm:s11], $0x1400  }
0x25: {  	_ =	swait.ge [sflag:s23], $0x1400  }
0x26: {  	[sflag:s23] =	ssyncset.done $0x0  }
0x27: {  	[sflag:s23] =	ssyncadd.s32 $0xFFFFEC00  }
0x28: {  	[bflag:$0x0] =	sbarrier.arrive $0xFFFF  }
0x29: {  	s0 =	simm.s32 $0x2710;
	s12 =	rddreg [dreg:$0x6]  }
0x2a: {  	[tilespmem:s0], [sflag:$0x6] =	stream.linear.gather [hbm4b:s12+s3], $0x50, $0x38;
	[tilespmem:$0x12CA0] =	vst v63  }
0x2b: {  	s6 =	simm.s32 $0x28A0  }
0x2c: {  	[tilespmem:s6], [sflag:$0x1] =	stream.indirect.gather [hbm4b:s4+s24], $0x40, s3, s24, $0xb8;
	[tilespmem:$0x12CA0] =	vst v63  }
0x2d: {  	s23 =	simm.s32 $0x2760;
	s20 =	rddreg [dreg:$0x7]  }
0x2e: {  	[tilespmem:s23], [sflag:$0x7] =	stream.linear.gather [hbm4b:s20+s3], $0x50, $0x38;
	[tilespmem:$0x12CA0] =	vst v63  }
0x2f: {  	s7 =	simm.s32 $0x3CA0  }
0x30: {  	[tilespmem:s7], [sflag:$0x2] =	stream.indirect.gather [hbm4b:s4+s24], $0x40, s24, s24, $0xb8;
	[tilespmem:$0x12CA0] =	vst v63  }
0x31: {  	s9 =	simm.s32 $0x27B0;
	s25 =	rddreg [dreg:$0x8]  }
0x32: {  	[tilespmem:s9], [sflag:$0x8] =	stream.linear.gather [hbm4b:s25+s3], $0x50, $0x38;
	[tilespmem:$0x12CA0] =	vst v63  }
0x33: {  	s10 =	simm.s32 $0x50A0;
	s26 =	simm.s32 $0xA0  }
0x34: {  	[tilespmem:s10], [sflag:$0x3] =	stream.indirect.gather [hbm4b:s4+s24], $0x40, s26, s24, $0xb8;
	[tilespmem:$0x12CA0] =	vst v63  }
0x35: {  	s30 =	rddreg [dreg:$0x9];
	s26 =	simm.s32 $0x2800  }
0x36: {  	[tilespmem:s26], [sflag:$0x9] =	stream.linear.gather [hbm4b:s30+s3], $0x50, $0x38;
	[tilespmem:$0x12CA0] =	vst v63  }
0x37: {  	s31 =	simm.s32 $0xF0;
	s11 =	simm.s32 $0x64A0  }
0x38: {  	[tilespmem:s11], [sflag:$0x4] =	stream.indirect.gather [hbm4b:s4+s24], $0x40, s31, s24, $0xb8;
	[tilespmem:$0x12CA0] =	vst v63  }
0x39: {  	s5 =	rddreg [dreg:$0xa];
	s12 =	simm.s32 $0x2850  }
0x3a: {  	[tilespmem:s12], [sflag:$0xA] =	stream.linear.gather [hbm4b:s5+s3], $0x50, $0x38;
	[tilespmem:$0x12CA0] =	vst v63  }
0x3b: {  	s20 =	simm.s32 $0x140;
	s25 =	simm.s32 $0x6;
	s5 =	simm.s32 $0x78A0  }
0x3c: {  	[tilespmem:s5], [sflag:$0x5] =	stream.indirect.gather [hbm4b:s4+s24], $0x40, s20, s24, $0xb8;
	[tilespmem:$0x12CA0] =	vst v63  }
0x3d: {  	_ =	swait.ge [sflag:s25], $0x50  }
0x3e: {  	[sflag:s25] =	ssyncset.done $0x0  }
0x3f: {  	s30 =	simm.s32 $0x1;
	[sflag:s25] =	ssyncadd.s32 $0xFFFFFFB0  }
0x40: {  	_ =	swait.ge [sflag:s30], $0x1400  }
0x41: {  	[sflag:s30] =	ssyncset.done $0x0  }
0x42: {  	s31 =	simm.s32 $0x7;
	[sflag:s30] =	ssyncadd.s32 $0xFFFFEC00  }
0x43: {  	[spmem:s2] =	stream.indirect.scatter.add.f32 [tilespmem:s6], [sflag:$0xB], $0x40, s0, s24, $0xb8;
	[tilespmem:$0x12CA0] =	vst v63  }
0x44: {  	_ =	swait.ge [sflag:s31], $0x50  }
0x45: {  	[sflag:s31] =	ssyncset.done $0x0  }
0x46: {  	s20 =	simm.s32 $0x2;
	[sflag:s31] =	ssyncadd.s32 $0xFFFFFFB0  }
0x47: {  	_ =	swait.ge [sflag:s20], $0x1400  }
0x48: {  	[sflag:s20] =	ssyncset.done $0x0  }
0x49: {  	s25 =	simm.s32 $0x8;
	[sflag:s20] =	ssyncadd.s32 $0xFFFFEC00  }
0x4a: {  	[spmem:s2] =	stream.indirect.scatter.add.f32 [tilespmem:s7], [sflag:$0xC], $0x40, s23, s24, $0xb8;
	[tilespmem:$0x12CA0] =	vst v63  }
0x4b: {  	_ =	swait.ge [sflag:s25], $0x50  }
0x4c: {  	[sflag:s25] =	ssyncset.done $0x0  }
0x4d: {  	s30 =	simm.s32 $0x3;
	[sflag:s25] =	ssyncadd.s32 $0xFFFFFFB0  }
0x4e: {  	_ =	swait.ge [sflag:s30], $0x1400  }
0x4f: {  	[sflag:s30] =	ssyncset.done $0x0  }
0x50: {  	[sflag:s30] =	ssyncadd.s32 $0xFFFFEC00  }
0x51: {  	[spmem:s2] =	stream.indirect.scatter.add.f32 [tilespmem:s10], [sflag:$0xD], $0x40, s9, s24, $0xb8;
	[tilespmem:$0x12CA0] =	vst v63  }
0x52: {  	_ =	swait.ge [sflag:s14], $0x50  }
0x53: {  	[sflag:s14] =	ssyncset.done $0x0  }
0x54: {  	[sflag:s14] =	ssyncadd.s32 $0xFFFFFFB0  }
0x55: {  	_ =	swait.ge [sflag:s8], $0x1400  }
0x56: {  	[sflag:s8] =	ssyncset.done $0x0  }
0x57: {  	[sflag:s8] =	ssyncadd.s32 $0xFFFFEC00  }
0x58: {  	[spmem:s2] =	stream.indirect.scatter.add.f32 [tilespmem:s11], [sflag:$0xE], $0x40, s26, s24, $0xb8;
	[tilespmem:$0x12CA0] =	vst v63  }
0x59: {  	_ =	swait.ge [sflag:s15], $0x50  }
0x5a: {  	[sflag:s15] =	ssyncset.done $0x0  }
0x5b: {  	[sflag:s15] =	ssyncadd.s32 $0xFFFFFFB0  }
0x5c: {  	_ =	swait.ge [sflag:s16], $0x1400  }
0x5d: {  	[sflag:s16] =	ssyncset.done $0x0  }
0x5e: {  	[sflag:s16] =	ssyncadd.s32 $0xFFFFEC00  }
0x5f: {  	[spmem:s2] =	stream.indirect.scatter.add.f32 [tilespmem:s5], [sflag:$0xF], $0x40, s12, s24, $0xb8;
	[tilespmem:$0x12CA0] =	vst v63  }
0x60: {  	_ =	swait.ge [sflag:s17], $0x1400  }
0x61: {  	s29 =	rddreg [dreg:$0x11]  }
0x62: {  	[sflag:s17] =	ssyncset.done $0x0;
	s31 =	sshrl.u32 s29, $0x3  }
0x63: {  	[sflag:s17] =	ssyncadd.s32 $0xFFFFEC00;
	s5 =	sadd.s32 s13, s31  }
0x64: {  	[tilespmem:s0], [sflag:$0x6] =	stream.linear.gather [hbm4b:s5+s3], $0x50, $0x38;
	[tilespmem:$0x12CA0] =	vst v63  }
0x65: {  	s0 =	simm.s32 $0x190  }
0x66: {  	[tilespmem:s6], [sflag:$0x1] =	stream.indirect.gather [hbm4b:s4+s24], $0x40, s0, s24, $0xb8;
	[tilespmem:$0x12CA0] =	vst v63  }
0x67: {  	_ =	swait.ge [sflag:s18], $0x1400  }
0x68: {  	[sflag:s18] =	ssyncset.done $0x0  }
0x69: {  	s1 =	rddreg [dreg:$0x10];
	[sflag:s18] =	ssyncadd.s32 $0xFFFFEC00  }
0x6a: {  	[tilespmem:s23], [sflag:$0x7] =	stream.linear.gather [hbm4b:s1+s3], $0x50, $0x38;
	[tilespmem:$0x12CA0] =	vst v63  }
0x6b: {  	s6 =	simm.s32 $0x1E0  }
0x6c: {  	[tilespmem:s7], [sflag:$0x2] =	stream.indirect.gather [hbm4b:s4+s24], $0x40, s6, s24, $0xb8;
	[tilespmem:$0x12CA0] =	vst v63  }
0x6d: {  	_ =	swait.ge [sflag:s19], $0x1400  }
0x6e: {  	[sflag:s19] =	ssyncset.done $0x0  }
0x6f: {  	s13 =	rddreg [dreg:$0xf];
	[sflag:s19] =	ssyncadd.s32 $0xFFFFEC00  }
0x70: {  	[tilespmem:s9], [sflag:$0x8] =	stream.linear.gather [hbm4b:s13+s3], $0x50, $0x38;
	[tilespmem:$0x12CA0] =	vst v63  }
0x71: {  	s20 =	simm.s32 $0x230  }
0x72: {  	[tilespmem:s10], [sflag:$0x3] =	stream.indirect.gather [hbm4b:s4+s24], $0x40, s20, s24, $0xb8;
	[tilespmem:$0x12CA0] =	vst v63  }
0x73: {  	_ =	swait.ge [sflag:s21], $0x1400  }
0x74: {  	[sflag:s21] =	ssyncset.done $0x0  }
0x75: {  	s28 =	rddreg [dreg:$0xe];
	[sflag:s21] =	ssyncadd.s32 $0xFFFFEC00  }
0x76: {  	[tilespmem:s26], [sflag:$0x9] =	stream.linear.gather [hbm4b:s28+s3], $0x50, $0x38;
	[tilespmem:$0x12CA0] =	vst v63  }
0x77: {  	s30 =	simm.s32 $0x280;
	s5 =	sadd.s32 $0x190, s29;
	s29 =	simm.s32 $0x2D0  }
0x78: {  	[tilespmem:s11], [sflag:$0x4] =	stream.indirect.gather [hbm4b:s4+s24], $0x40, s30, s24, $0xb8;
	[tilespmem:$0x12CA0] =	vst v63  }
0x79: {  	s25 =	sadd.s32 $0x32, s1;
	s23 =	sadd.s32 $0x32, s13;
	_ =	swait.ge [sflag:s22], $0x1400  }
0x7a: {  	s20 =	simm.s32 $0x640;
	[sflag:s22] =	ssyncset.done $0x0;
	s31 =	rddreg [dreg:$0xd]  }
0x7b: {  	s28 =	sadd.s32 $0x32, s28;
	[sflag:s22] =	ssyncadd.s32 $0xFFFFEC00;
	s26 =	sadd.s32 $0x32, s31  }
0x7c: {  	[tilespmem:s12], [sflag:$0xA] =	stream.linear.gather [hbm4b:s31+s3], $0x50, $0x38;
	[tilespmem:$0x12CA0] =	vst v63  }
.LBB2_2:
0x7d: {  	s0 =	simm.s32 $0x78A0;
	s1 =	simm.s32 $0x6  }
0x7e: {  	[tilespmem:s0], [sflag:$0x5] =	stream.indirect.gather [hbm4b:s4+s24], $0x40, s29, s24, $0xb8;
	[tilespmem:$0x12CA0] =	vst v63  }
0x7f: {  	_ =	swait.ge [sflag:s1], $0x50  }
0x80: {  	[sflag:s1] =	ssyncset.done $0x0  }
0x81: {  	s11 =	simm.s32 $0x1;
	[sflag:s1] =	ssyncadd.s32 $0xFFFFFFB0  }
0x82: {  	_ =	swait.ge [sflag:s11], $0x1400  }
0x83: {  	s30 =	simm.s32 $0x2710;
	[sflag:s11] =	ssyncset.done $0x0  }
0x84: {  	s6 =	simm.s32 $0x28A0;
	s12 =	simm.s32 $0x7;
	[sflag:s11] =	ssyncadd.s32 $0xFFFFEC00  }
0x85: {  	[spmem:s2] =	stream.indirect.scatter.add.f32 [tilespmem:s6], [sflag:$0xB], $0x40, s30, s24, $0xb8;
	[tilespmem:$0x12CA0] =	vst v63  }
0x86: {  	_ =	swait.ge [sflag:s12], $0x50  }
0x87: {  	[sflag:s12] =	ssyncset.done $0x0  }
0x88: {  	s13 =	simm.s32 $0x2;
	[sflag:s12] =	ssyncadd.s32 $0xFFFFFFB0  }
0x89: {  	_ =	swait.ge [sflag:s13], $0x1400  }
0x8a: {  	s7 =	simm.s32 $0x3CA0;
	[sflag:s13] =	ssyncset.done $0x0  }
0x8b: {  	s9 =	simm.s32 $0x8;
	s1 =	simm.s32 $0x2760;
	[sflag:s13] =	ssyncadd.s32 $0xFFFFEC00  }
0x8c: {  	[spmem:s2] =	stream.indirect.scatter.add.f32 [tilespmem:s7], [sflag:$0xC], $0x40, s1, s24, $0xb8;
	[tilespmem:$0x12CA0] =	vst v63  }
0x8d: {  	_ =	swait.ge [sflag:s9], $0x50  }
0x8e: {  	[sflag:s9] =	ssyncset.done $0x0  }
0x8f: {  	s31 =	simm.s32 $0x3;
	[sflag:s9] =	ssyncadd.s32 $0xFFFFFFB0  }
0x90: {  	_ =	swait.ge [sflag:s31], $0x1400  }
0x91: {  	[sflag:s31] =	ssyncset.done $0x0  }
0x92: {  	s10 =	simm.s32 $0x50A0;
	s9 =	simm.s32 $0x27B0;
	[sflag:s31] =	ssyncadd.s32 $0xFFFFEC00  }
0x93: {  	[spmem:s2] =	stream.indirect.scatter.add.f32 [tilespmem:s10], [sflag:$0xD], $0x40, s9, s24, $0xb8;
	[tilespmem:$0x12CA0] =	vst v63  }
0x94: {  	_ =	swait.ge [sflag:s14], $0x50  }
0x95: {  	[sflag:s14] =	ssyncset.done $0x0  }
0x96: {  	[sflag:s14] =	ssyncadd.s32 $0xFFFFFFB0  }
0x97: {  	_ =	swait.ge [sflag:s8], $0x1400  }
0x98: {  	[sflag:s8] =	ssyncset.done $0x0  }
0x99: {  	s11 =	simm.s32 $0x2800;
	s12 =	simm.s32 $0x64A0;
	[sflag:s8] =	ssyncadd.s32 $0xFFFFEC00  }
0x9a: {  	[spmem:s2] =	stream.indirect.scatter.add.f32 [tilespmem:s12], [sflag:$0xE], $0x40, s11, s24, $0xb8;
	[tilespmem:$0x12CA0] =	vst v63  }
0x9b: {  	_ =	swait.ge [sflag:s15], $0x50  }
0x9c: {  	[sflag:s15] =	ssyncset.done $0x0  }
0x9d: {  	[sflag:s15] =	ssyncadd.s32 $0xFFFFFFB0  }
0x9e: {  	_ =	swait.ge [sflag:s16], $0x1400  }
0x9f: {  	[sflag:s16] =	ssyncset.done $0x0  }
0xa0: {  	s13 =	simm.s32 $0x2850;
	[sflag:s16] =	ssyncadd.s32 $0xFFFFEC00  }
0xa1: {  	[spmem:s2] =	stream.indirect.scatter.add.f32 [tilespmem:s0], [sflag:$0xF], $0x40, s13, s24, $0xb8;
	[tilespmem:$0x12CA0] =	vst v63  }
0xa2: {  	s29 =	smov.u32 s20;
	_ =	swait.ge [sflag:s17], $0x1400  }
0xa3: {  	s31 =	sshrl.u32 s5, $0x3;
	[sflag:s17] =	ssyncset.done $0x0;
	s0 =	rddreg [dreg:$0x3]  }
0xa4: {  	s29 =	sshra.s32 s29, $0x2;
	[sflag:s17] =	ssyncadd.s32 $0xFFFFEC00;
	s31 =	sadd.s32 s0, s31  }
0xa5: {  	[tilespmem:s30], [sflag:$0x6] =	stream.linear.gather [hbm4b:s31+s3], $0x50, $0x38;
	[tilespmem:$0x12CA0] =	vst v63  }
0xa6: {  	s31 =	sadd.s32 $0x190, s29  }
0xa7: {  	[tilespmem:s6], [sflag:$0x1] =	stream.indirect.gather [hbm4b:s4+s24], $0x40, s31, s24, $0xb8;
	[tilespmem:$0x12CA0] =	vst v63  }
0xa8: {  	_ =	swait.ge [sflag:s18], $0x1400  }
0xa9: {  	[sflag:s18] =	ssyncset.done $0x0  }
0xaa: {  	[sflag:s18] =	ssyncadd.s32 $0xFFFFEC00  }
0xab: {  	[tilespmem:s1], [sflag:$0x7] =	stream.linear.gather [hbm4b:s25+s3], $0x50, $0x38;
	[tilespmem:$0x12CA0] =	vst v63  }
0xac: {  	s31 =	sadd.s32 $0x1E0, s29  }
0xad: {  	[tilespmem:s7], [sflag:$0x2] =	stream.indirect.gather [hbm4b:s4+s24], $0x40, s31, s24, $0xb8;
	[tilespmem:$0x12CA0] =	vst v63  }
0xae: {  	_ =	swait.ge [sflag:s19], $0x1400  }
0xaf: {  	[sflag:s19] =	ssyncset.done $0x0  }
0xb0: {  	[sflag:s19] =	ssyncadd.s32 $0xFFFFEC00  }
0xb1: {  	[tilespmem:s9], [sflag:$0x8] =	stream.linear.gather [hbm4b:s23+s3], $0x50, $0x38;
	[tilespmem:$0x12CA0] =	vst v63  }
0xb2: {  	p0 =	sne.s32 s20, $0x8FC0;
	s31 =	sadd.s32 $0x230, s29  }
0xb3: {  	[tilespmem:s10], [sflag:$0x3] =	stream.indirect.gather [hbm4b:s4+s24], $0x40, s31, s24, $0xb8;
	[tilespmem:$0x12CA0] =	vst v63  }
0xb4: {  	s20 =	sadd.s32 $0x640, s20;
	s5 =	sadd.s32 $0x190, s5;
	_ =	swait.ge [sflag:s21], $0x1400  }
0xb5: {  	s0 =	simm.s32 $0x2710;
	s30 =	simm.s32 $0x28A0;
	[sflag:s21] =	ssyncset.done $0x0  }
0xb6: {  	s6 =	simm.s32 $0x2760;
	s1 =	simm.s32 $0x3CA0;
	[sflag:s21] =	ssyncadd.s32 $0xFFFFEC00  }
0xb7: {  	[tilespmem:s11], [sflag:$0x9] =	stream.linear.gather [hbm4b:s28+s3], $0x50, $0x38;
	[tilespmem:$0x12CA0] =	vst v63  }
0xb8: {  	s25 =	sadd.s32 $0x32, s25;
	s7 =	simm.s32 $0x27B0;
	s31 =	sadd.s32 $0x280, s29  }
0xb9: {  	[tilespmem:s12], [sflag:$0x4] =	stream.indirect.gather [hbm4b:s4+s24], $0x40, s31, s24, $0xb8;
	[tilespmem:$0x12CA0] =	vst v63  }
.Ltmp0:
0xba: {  	s9 =	simm.s32 $0x50A0;
	_ =	swait.ge [sflag:s22], $0x1400;
	(pc) =	sbr.rel @p0 .LBB2_2-.Ltmp0, $4  }
0xbb: {  	s23 =	sadd.s32 $0x32, s23;
	s10 =	simm.s32 $0x2800;
	[sflag:s22] =	ssyncset.done $0x0  }
0xbc: {  	s29 =	sadd.s32 $0x2D0, s29;
	s11 =	simm.s32 $0x64A0;
	[sflag:s22] =	ssyncadd.s32 $0xFFFFEC00  }
0xbd: {  	[tilespmem:s13], [sflag:$0xA] =	stream.linear.gather [hbm4b:s26+s3], $0x50, $0x38;
	[tilespmem:$0x12CA0] =	vst v63  }
0xbe: {  	s28 =	sadd.s32 $0x32, s28;
	s12 =	simm.s32 $0x2850;
	s26 =	sadd.s32 $0x32, s26  }
0xbf: {  	s5 =	simm.s32 $0x78A0;
	s13 =	simm.s32 $0x6  }
0xc0: {  	[tilespmem:s5], [sflag:$0x5] =	stream.indirect.gather [hbm4b:s4+s24], $0x40, s29, s24, $0xb8;
	[tilespmem:$0x12CA0] =	vst v63  }
0xc1: {  	_ =	swait.ge [sflag:s13], $0x50  }
0xc2: {  	[sflag:s13] =	ssyncset.done $0x0  }
0xc3: {  	s20 =	simm.s32 $0x1;
	[sflag:s13] =	ssyncadd.s32 $0xFFFFFFB0  }
0xc4: {  	_ =	swait.ge [sflag:s20], $0x1400  }
0xc5: {  	[sflag:s20] =	ssyncset.done $0x0  }
0xc6: {  	s23 =	simm.s32 $0x7;
	[sflag:s20] =	ssyncadd.s32 $0xFFFFEC00  }
0xc7: {  	[spmem:s2] =	stream.indirect.scatter.add.f32 [tilespmem:s30], [sflag:$0xB], $0x40, s0, s24, $0xb8;
	[tilespmem:$0x12CA0] =	vst v63  }
0xc8: {  	_ =	swait.ge [sflag:s23], $0x50  }
0xc9: {  	[sflag:s23] =	ssyncset.done $0x0  }
0xca: {  	s25 =	simm.s32 $0x2;
	[sflag:s23] =	ssyncadd.s32 $0xFFFFFFB0  }
0xcb: {  	_ =	swait.ge [sflag:s25], $0x1400  }
0xcc: {  	[sflag:s25] =	ssyncset.done $0x0  }
0xcd: {  	s26 =	simm.s32 $0x8;
	[sflag:s25] =	ssyncadd.s32 $0xFFFFEC00  }
0xce: {  	[spmem:s2] =	stream.indirect.scatter.add.f32 [tilespmem:s1], [sflag:$0xC], $0x40, s6, s24, $0xb8;
	[tilespmem:$0x12CA0] =	vst v63  }
0xcf: {  	_ =	swait.ge [sflag:s26], $0x50  }
0xd0: {  	[sflag:s26] =	ssyncset.done $0x0  }
0xd1: {  	s28 =	simm.s32 $0x3;
	[sflag:s26] =	ssyncadd.s32 $0xFFFFFFB0  }
0xd2: {  	_ =	swait.ge [sflag:s28], $0x1400  }
0xd3: {  	[sflag:s28] =	ssyncset.done $0x0  }
0xd4: {  	[sflag:s28] =	ssyncadd.s32 $0xFFFFEC00  }
0xd5: {  	[spmem:s2] =	stream.indirect.scatter.add.f32 [tilespmem:s9], [sflag:$0xD], $0x40, s7, s24, $0xb8;
	[tilespmem:$0x12CA0] =	vst v63  }
0xd6: {  	_ =	swait.ge [sflag:s14], $0x50  }
0xd7: {  	[sflag:s14] =	ssyncset.done $0x0  }
0xd8: {  	[sflag:s14] =	ssyncadd.s32 $0xFFFFFFB0  }
0xd9: {  	_ =	swait.ge [sflag:s8], $0x1400  }
0xda: {  	[sflag:s8] =	ssyncset.done $0x0  }
0xdb: {  	[sflag:s8] =	ssyncadd.s32 $0xFFFFEC00  }
0xdc: {  	[spmem:s2] =	stream.indirect.scatter.add.f32 [tilespmem:s11], [sflag:$0xE], $0x40, s10, s24, $0xb8;
	[tilespmem:$0x12CA0] =	vst v63  }
0xdd: {  	_ =	swait.ge [sflag:s15], $0x50  }
0xde: {  	[sflag:s15] =	ssyncset.done $0x0  }
0xdf: {  	[sflag:s15] =	ssyncadd.s32 $0xFFFFFFB0  }
0xe0: {  	_ =	swait.ge [sflag:s16], $0x1400  }
0xe1: {  	[sflag:s16] =	ssyncset.done $0x0  }
0xe2: {  	[sflag:s16] =	ssyncadd.s32 $0xFFFFEC00  }
0xe3: {  	[spmem:s2] =	stream.indirect.scatter.add.f32 [tilespmem:s5], [sflag:$0xF], $0x40, s12, s24, $0xb8;
	[tilespmem:$0x12CA0] =	vst v63  }
0xe4: {  	_ =	swait.ge [sflag:s17], $0x1400  }
0xe5: {  	[sflag:s17] =	ssyncset.done $0x0  }
0xe6: {  	[sflag:s17] =	ssyncadd.s32 $0xFFFFEC00  }
0xe7: {  	_ =	swait.ge [sflag:s18], $0x1400  }
0xe8: {  	[sflag:s18] =	ssyncset.done $0x0  }
0xe9: {  	[sflag:s18] =	ssyncadd.s32 $0xFFFFEC00  }
0xea: {  	_ =	swait.ge [sflag:s19], $0x1400  }
0xeb: {  	[sflag:s19] =	ssyncset.done $0x0  }
0xec: {  	[sflag:s19] =	ssyncadd.s32 $0xFFFFEC00  }
0xed: {  	_ =	swait.ge [sflag:s21], $0x1400  }
0xee: {  	[sflag:s21] =	ssyncset.done $0x0  }
0xef: {  	[sflag:s21] =	ssyncadd.s32 $0xFFFFEC00  }
0xf0: {  	_ =	swait.ge [sflag:s22], $0x1400  }
0xf1: {  	[sflag:s22] =	ssyncset.done $0x0  }
0xf2: {  	[sflag:s22] =	ssyncadd.s32 $0xFFFFEC00  }
0xf3: {  	[bflag:$0x0] =	sbarrier.arrive $0xFFFF  }
0xf4: {  	s29 =	rddreg [dreg:$0xb]  }
0xf5: {  	s25 =	rddreg [dreg:$0x12]  }
0xf6: {  	s23 =	simm.s32 $0x10;
	s26 =	rddreg [dreg:$0x13]  }
0xf7: {  	[hbm:s29], [sflag:s25] =	dma.local [spmem:s26], $0x1400  }
0xf8: {  	_ =	swait.ge [sflag:s23], $0x1400  }
0xf9: {  	s30 =	rddreg [dreg:$0x14]  }
0xfa: {  	s31 =	rddreg [dreg:$0xc];
	s0 =	sadd.s32 $0x1, s30  }
0xfb: {  	p0 =	sne.s32 s0, s31  }
.Ltmp1:
0xfc: {  	_ = 	snop;
	(pc) =	sbr.rel @p0 .LBB2_1-.Ltmp1, $3  }
0xfd: {  	_ =	sdelay $0x1  }
0xfe: {  	[sflag:s23] =	ssyncset.done $0x0  }
0xff: {  	s13 =	rddreg [dreg:$0x3];
	[sflag:s23] =	ssyncadd.s32 $0xFFFFEC00  }
0x100: {  	_ =	sfence.sel $0x180000  }
0x101: {  	[bflag:$0x0] =	sbarrier.arrive $0xFFFF  }
0x102: {  	_ =	strace $0x9000004A  }
0x103: {  	s0 =	stileid.u32;
	[bflag:$0x2] =	sbarrier.arrive $0xFFFF  }
0x104: {  	p0 =	sne.s32 s0, $0x0;
	s0 =	rddreg [dreg:$0x2]  }
0x105: {  	s0 =	sadd.s32 @!p0 $0x100000, s0  }
0x106: {  	[sflag:s0] =	ssyncadd.tile.s32 @!p0 $0x1;
	_ =	shalt  }
.Lfunc_end2:
_tile_overlayer_lowered:
.L_overlay_start_2:
0x107: {  	(tag) =	ssettag $0x2  }
0x108: {  	s0 =	rddreg [dreg:$0x0];
	s2 =	stileid.u32  }
0x109: {  	s1 =	rddreg [dreg:$0x1];
	p0 =	sne.s32 s2, $0x0  }
0x10a: {  	s3 =	rddreg [dreg:$0x2];
	[bflag:$0x3] =	sbarrier.arrive $0xFFFF;
	s2 =	simm.s32 @!p0 $0x1C10  }
0x10b: {  	[timem:s3], [sflag:s2] =	dma.local @!p0 [hbm:s0], s1  }
0x10c: {  	s0 =	simm.s32 @!p0 $0x10  }
0x10d: {  	_ =	swait.ge @!p0 [sflag:s0], s1  }
0x10e: {  	s1 =	ssub.s32 @!p0 $0x0, s1;
	[sflag:s0] =	ssyncset.done @!p0 $0x0  }
0x10f: {  	[sflag:s0] =	ssyncadd.s32 @!p0 s1  }
0x110: {  	[bflag:$0x3] =	sbarrier.arrive $0xFFFF  }
0x111: {  	_ =	shalt  }

// kernel: kernel.15.cloned.1.call-start
scs
__scs_entry_jumppad:
0x0: {  	(pc) =	sbr.rel $0x88, $3  }
0x1: {  	(tag) =	ssettag $0x0;
	lr =	simm.s32 $0x1  }
0x2: {  	[smem:$0x3F98] =	sst lr;
	_ =	strace $0xD0000000  }
0x3: {  	_ = 	snop  }
0x4: {  	_ = 	snop  }
0x5: {  	_ = 	snop  }
0x6: {  	_ = 	snop  }
0x7: {  	_ = 	snop  }
__scs_overlays_trampoline_lowered:
0x8: {  	[smem:$0x3FA7] =	sst s0  }
0x9: {  	[smem:$0x3FA8] =	sst s1  }
0xa: {  	[smem:$0x3FA9] =	sst s2  }
0xb: {  	[smem:$0x3FAA] =	sst s3  }
0xc: {  	[smem:$0x3FAB] =	sst s4  }
0xd: {  	[smem:$0x3FAC] =	sst s5  }
0xe: {  	[smem:$0x3FAD] =	sst s6  }
0xf: {  	[smem:$0x3FAE] =	sst s7  }
0x10: {  	[smem:$0x3FAF] =	sst s8  }
0x11: {  	[smem:$0x3FB0] =	sst s9;
	s0 =	simm.s32 @!p0 $0x0  }
0x12: {  	s1 =	sld [smem:$0x3F96];
	s0 =	simm.s32 @p0 $0x1  }
0x13: {  	[smem:$0x3FB1] =	sst s0;
	s0 =	simm.s32 @!p1 $0x0  }
0x14: {  	s2 =	sld [smem:$0x3F95];
	s0 =	simm.s32 @p1 $0x1  }
0x15: {  	[smem:$0x3FB2] =	sst s0;
	s0 =	simm.s32 @!p2 $0x0  }
0x16: {  	s3 =	sld [smem:$0x3FDB];
	s0 =	simm.s32 @p2 $0x1  }
0x17: {  	s4 =	simm.s32 $0x1BF5;
	[smem:$0x3FB4] =	sst s0  }
0x18: {  	s0 =	sld [smem:$0x3F97];
	_ =	swait.ge [sflag:s4], $0x0  }
0x19: {  	s7 =	sld [smem:$0x3F98]  }
0x1a: {  	s8 =	sadd.s32 $0xFFFFE003, lr  }
0x1b: {  	s9 =	sadd.s32 $0xFFFFFEF7, lr;
	s5 =	simm.s32 $0xFFFFFFFF;
	p2 =	slt.u32 s8, $0xFFFFF086  }
0x1c: {  	p1 =	slt.u32 s9, $0xF7A;
	s5 =	simm.s32 @!p2 $0x0  }
0x1d: {  	s5 =	simm.s32 @p1 $0x1;
	p0 =	seq.s32 s7, s2  }
0x1e: {  	s7 =	smul.u32 @!p0 $0xF7A, s2;
	p2 =	seq.s32 @!p0 s5, $0x0  }
0x1f: {  	s9 =	smul.u32 $0xF7A, s1;
	s8 =	simm.s32 @!p0 $0x1BF5;
	p2 =	por !p2, p0  }
0x20: {  	[sflag:s8] =	ssyncset.s32 @!p0 $0xFFFFF086;
	s6 =	sadd.s32 @!p0 s3, s7;
	s7 =	simm.s32 @!p0 $0x108  }
0x21: {  	s3 =	sadd.s32 s3, s9;
	s6 =	sadd.s32 @!p0 $0x88, s6;
	s7 =	simm.s32 @p2 $0x1082  }
0x22: {  	[simem:s7], [sflag:s8] =	dma.local @!p0 [hbm:s6], $0xF7A  }
0x23: {  	s9 =	sor.u32 $0xD0000000, s2;
	s6 =	simm.s32 $0x108;
	_ =	swait.ge @!p0 [sflag:s8], $0x0  }
0x24: {  	s3 =	sadd.s32 $0x88, s3;
	s6 =	simm.s32 @!p1 $0x1082;
	[sflag:s4] =	ssyncset.s32 $0xFFFFF086  }
0x25: {  	[simem:s6], [sflag:s4] =	dma.local [hbm:s3], $0xF7A  }
0x26: {  	[smem:$0x3F98] =	sst s1;
	(tag) =	ssettag s2;
	_ =	strace s9  }
0x27: {  	s1 =	sld [smem:$0x3FA8]  }
0x28: {  	s2 =	sld [smem:$0x3FA9]  }
0x29: {  	s4 =	sld [smem:$0x3FAB]  }
0x2a: {  	p0 =	seq.s32 s5, $0x0;
	s5 =	sld [smem:$0x3FAC]  }
0x2b: {  	s6 =	sld [smem:$0x3FAD]  }
0x2c: {  	s7 =	sld [smem:$0x3FAE]  }
0x2d: {  	s3 =	simm.s32 $0x108;
	s8 =	sld [smem:$0x3FAF]  }
0x2e: {  	s3 =	simm.s32 @!p0 $0x1082;
	s9 =	sld [smem:$0x3FB0]  }
0x2f: {  	lr =	sadd.s32 s0, s3;
	s0 =	sld [smem:$0x3FA7]  }
0x30: {  	s3 =	sld [smem:$0x3FAA]  }
0x31: {  	[smem:$0x3FB3] =	sst s10  }
0x32: {  	s10 =	sld [smem:$0x3FB1];
	_ =	sdelay $0x3  }
0x33: {  	p0 =	seq.s32 s10, $0x1;
	s10 =	sld [smem:$0x3FB3];
	_ =	sdelay $0x3  }
0x34: {  	[smem:$0x3FB3] =	sst s10  }
0x35: {  	s10 =	sld [smem:$0x3FB2];
	_ =	sdelay $0x3  }
0x36: {  	p1 =	seq.s32 s10, $0x1;
	s10 =	sld [smem:$0x3FB3];
	_ =	sdelay $0x3  }
0x37: {  	[smem:$0x3FB3] =	sst s10  }
0x38: {  	s10 =	sld [smem:$0x3FB4]  }
0x39: {  	_ = 	snop;
	(pc) =	sbr.ind lr, $3  }
0x3a: {  	_ = 	snop  }
0x3b: {  	_ = 	snop  }
0x3c: {  	p2 =	seq.s32 s10, $0x1;
	s10 =	sld [smem:$0x3FB3]  }
0x3d: {  	_ =	shalt  }
0x3e: {  	_ =	shalt  }
0x3f: {  	_ =	shalt  }
0x40: {  	_ =	shalt  }
0x41: {  	_ =	shalt  }
0x42: {  	_ =	shalt  }
0x43: {  	_ =	shalt  }
0x44: {  	_ =	shalt  }
0x45: {  	_ =	shalt  }
0x46: {  	_ =	shalt  }
0x47: {  	_ =	shalt  }
0x48: {  	_ =	shalt  }
0x49: {  	_ =	shalt  }
0x4a: {  	_ =	shalt  }
0x4b: {  	_ =	shalt  }
0x4c: {  	_ =	shalt  }
0x4d: {  	_ =	shalt  }
0x4e: {  	_ =	shalt  }
0x4f: {  	_ =	shalt  }
0x50: {  	_ =	shalt  }
0x51: {  	_ =	shalt  }
0x52: {  	_ =	shalt  }
0x53: {  	_ =	shalt  }
0x54: {  	_ =	shalt  }
0x55: {  	_ =	shalt  }
0x56: {  	_ =	shalt  }
0x57: {  	_ =	shalt  }
0x58: {  	_ =	shalt  }
0x59: {  	_ =	shalt  }
0x5a: {  	_ =	shalt  }
0x5b: {  	_ =	shalt  }
0x5c: {  	_ =	shalt  }
0x5d: {  	_ =	shalt  }
0x5e: {  	_ =	shalt  }
0x5f: {  	_ =	shalt  }
0x60: {  	_ =	shalt  }
0x61: {  	_ =	shalt  }
0x62: {  	_ =	shalt  }
0x63: {  	_ =	shalt  }
0x64: {  	_ =	shalt  }
0x65: {  	_ =	shalt  }
0x66: {  	_ =	shalt  }
0x67: {  	_ =	shalt  }
0x68: {  	_ =	shalt  }
0x69: {  	_ =	shalt  }
0x6a: {  	_ =	shalt  }
0x6b: {  	_ =	shalt  }
0x6c: {  	_ =	shalt  }
0x6d: {  	_ =	shalt  }
0x6e: {  	_ =	shalt  }
0x6f: {  	_ =	shalt  }
0x70: {  	_ =	shalt  }
0x71: {  	_ =	shalt  }
0x72: {  	_ =	shalt  }
0x73: {  	_ =	shalt  }
0x74: {  	_ =	shalt  }
0x75: {  	_ =	shalt  }
0x76: {  	_ =	shalt  }
0x77: {  	_ =	shalt  }
0x78: {  	_ =	shalt  }
0x79: {  	_ =	shalt  }
0x7a: {  	_ =	shalt  }
0x7b: {  	_ =	shalt  }
0x7c: {  	_ =	shalt  }
0x7d: {  	_ =	shalt  }
0x7e: {  	_ =	shalt  }
0x7f: {  	_ =	shalt  }
0x80: {  	_ =	shalt  }
0x81: {  	_ =	shalt  }
0x82: {  	_ =	shalt  }
0x83: {  	_ =	shalt  }
0x84: {  	_ =	shalt  }
0x85: {  	_ =	shalt  }
0x86: {  	_ =	shalt  }
0x87: {  	_ =	shalt  }
.Lfunc_end0:
.L_simem_size_0:
called_computation.2_lowered:
.L_overlay_start_0:
0x88: {  	s2 =	sld [smem:$0x3FD9]  }
0x89: {  	s3 =	sld [smem:$0x3FFE];
	_ =	sdelay $0x1  }
0x8a: {  	s1 =	srdreg.scid  }
0x8b: {  	s0 =	sand.u32 $0x1, s1  }
0x8c: {  	s16 =	sshll.u32 s0, $0xA;
	s2 =	sadd.s32 s3, s2  }
0x8d: {  	s2 =	sadd.s32 s2, s16  }
0x8e: {  	[smem:$0x3FBF] =	sst s2  }
0x8f: {  	_ = 	snop  }
0x90: {  	(tm) =	ssettm $0x1  }
0x91: {  	s17 =	sld [smem:$0x3FFB];
	_ =	sdelay $0x3  }
0x92: {  	_ =	strace s17  }
0x93: {  	s2 =	sld [smem:$0x3FFC];
	_ =	sdelay $0x3  }
0x94: {  	_ =	strace s2  }
0x95: {  	s2 =	sld [smem:$0x3FFD];
	_ =	sdelay $0x3  }
0x96: {  	_ =	strace s2  }
0x97: {  	_ =	strace $0x8FFFFFFF  }
0x98: {  	s18 =	sld [smem:$0x3FDB];
	_ =	sdelay $0x1  }
0x99: {  	s19 =	simm.s32 $_scs_section_size  }
0x9a: {  	s4 =	simm.s32 $_size__tile_overlayer_lowered;
	s5 =	simm.s32 $_tile_overlayer_lowered  }
0x9b: {  	s22 =	simm.s32 $0x1BFF;
	s21 =	sshll.u32 s5, $0x1;
	s2 =	sadd.s32 s19, s18  }
0x9c: {  	s6 =	simm.s32 $0x0;
	s20 =	sshll.u32 s4, $0x1;
	s4 =	sadd.s32 s21, s2  }
0x9d: {  	[timem:s6], [sflag:s22] =	dma.local [hbm:s4], s20  }
0x9e: {  	_ =	swait.ge [sflag:s22], s20  }
0x9f: {  	s3 =	ssub.s32 $0x0, s20;
	[sflag:s22] =	ssyncset.done $0x0  }
0xa0: {  	[sflag:s22] =	ssyncadd.s32 s3;
	_ =	sdelay $0x1  }
0xa1: {  	s23 =	simm.s32 $0x1B8B  }
0xa2: {  	_ =	swait.ge [sflag:s23], $0x1  }
0xa3: {  	[sflag:s23] =	ssyncset.done $0x0  }
0xa4: {  	s25 =	simm.s32 $0x1B8E;
	s24 =	sld [smem:$0x3FFE];
	[sflag:s23] =	ssyncadd.s32 $0xFFFFFFFF  }
0xa5: {  	s26 =	simm.s32 $execute0_lowered;
	[smem:$0x3FD2] =	sst s25  }
0xa6: {  	s4 =	sshll.u32 s26, $0x1;
	_ =	strace $0x8000004C;
	[dreg:$0x1] =	wrdreg $0xFFFFFFFF  }
0xa7: {  	s28 =	simm.s32 $_size_execute0_lowered;
	s2 =	sadd.s32 s2, s4;
	[dreg:$0x0] =	wrdreg $0x0  }
0xa8: {  	s4 =	sshll.u32 s28, $0x1;
	[dreg:$0x2] =	wrdreg s2  }
0xa9: {  	[dreg:$0x3] =	wrdreg s4  }
0xaa: {  	[dreg:$0x4] =	wrdreg $0xC0  }
0xab: {  	_ =	task [dreg:s6], $0x5FFFF  }
0xac: {  	[dreg:$0x1] =	wrdreg $0xFFFFFFFF  }
0xad: {  	[dreg:$0x0] =	wrdreg $0x60  }
0xae: {  	[dreg:$0x2] =	wrdreg s24  }
0xaf: {  	[dreg:$0x3] =	wrdreg $0x8CA00  }
0xb0: {  	[dreg:$0x4] =	wrdreg $0x9  }
0xb1: {  	_ =	task.clear_ibuf [dreg:s6], $0x5FFFF;
	_ =	strace $0x9000004C  }
0xb2: {  	s29 =	simm.s32 $0x9;
	_ =	strace $0x8000004E  }
0xb3: {  	_ =	swait.ge [sflag:s29], $0x1  }
0xb4: {  	[sflag:s29] =	ssyncadd.s32 $0xFFFFFFFF  }
0xb5: {  	_ =	strace $0x9000004E  }
0xb6: {  	_ =	sfence  }
0xb7: {  	s30 =	sld [smem:$0x0];
	_ =	sdelay $0x2  }
0xb8: {  	s31 =	sshll.u32 s1, $0xD;
	s1 =	sshrl.u32 s1, $0x2  }
0xb9: {  	s3 =	sand.u32 $0x4000, s31;
	s1 =	sadd.s32 s1, s30  }
0xba: {  	s0 =	sor.u32 s3, s0;
	s1 =	sshll.u32 s1, $0x11  }
0xbb: {  	s0 =	sor.u32 s1, s0  }
0xbc: {  	s0 =	sadd.s32 $0x8F2B, s0  }
0xbd: {  	[sflag:s0] =	ssyncadd.remote.s32 $0x1  }
0xbe: {  	_ =	sfence.sel $0xFFFF  }
0xbf: {  	[dreg:$0x0] =	wrdreg $0xFFFFFFFF;
	(pc) =	sbr.abs _section_cstart, $3  }
0xc0: {  	[dreg:$0x1] =	wrdreg $0xFFFFFFFF  }
0xc1: {  	_ =	task.clear_ibuf [dreg:s6], $0x2FFFF;
	_ =	strace $0x9FFFFFFF  }
0xc2: {  	(tm) =	ssettm $0x7FFFFFFF  }
0xc3: {  	_ =	shalt  }
tec
execute0_lowered:
.L_overlay_start_1:
0x0: {  	(tag) =	ssettag $0x1  }
0x1: {  	s11 =	stileid.u32  }
0x2: {  	s0 =	srdreg.scid;
	s6 =	smul.u32 $0xA000, s11  }
0x3: {  	s1 =	rddreg [dreg:$0x0];
	s7 =	smul.u32 $0x1400, s11  }
0x4: {  	s2 =	rddreg [dreg:$0x1];
	s0 =	sand.u32 $0x1, s0;
	s17 =	smul.u32 $0x2710, s11  }
0x5: {  	s13 =	sadd.s32 $0xC400, s1;
	s31 =	sshll.u32 s11, $0x6;
	s8 =	smul.u32 $0x14000, s0  }
0x6: {  	s3 =	sshll.u32 s0, $0x4;
	s14 =	ssub.s32 $0x2, s0;
	s0 =	smul.u32 $0x27100, s0  }
0x7: {  	s4 =	sor.u32 s11, s3;
	s3 =	simm.s32 $0x0;
	s10 =	sshrl.u32 s6, $0x3  }
0x8: {  	s15 =	sshrl.u32 s14, $0x1;
	s6 =	sadd.s32 s6, s2;
	s5 =	smul.u32 $0x2710, s4  }
0x9: {  	[smem:$0x7FF] =	sst s3;
	s4 =	sadd.s32 $0x16200, s1;
	s10 =	sadd.s32 s10, s1  }
0xa: {  	s7 =	sadd.s32 s7, s8;
	s0 =	sadd.s32 s17, s0;
	s8 =	simm.s32 $0x4  }
0xb: {  	s17 =	simm.s32 $0xB;
	_ =	strace $0x8000004D;
	s18 =	sadd.s32 $0x29C00, s10  }
0xc: {  	s22 =	sadd.s32 $0x2D0, s0;
	s25 =	sadd.s32 $0x280, s0;
	s26 =	sadd.s32 $0x230, s0  }
0xd: {  	s28 =	sadd.s32 $0x1E0, s0;
	s0 =	sadd.s32 $0x190, s0;
	[dreg:$0x3] =	wrdreg s13  }
0xe: {  	s5 =	sshrl.u32 s5, $0x3;
	[dreg:$0x5] =	wrdreg s18;
	s24 =	sshrl.u32 s22, $0x3  }
0xf: {  	[dreg:$0x11] =	wrdreg s0;
	s9 =	sadd.s32 s5, s1;
	s5 =	sadd.s32 s13, s5  }
0x10: {  	s30 =	sshrl.u32 s28, $0x3;
	s16 =	sadd.s32 $0x2600, s9;
	[dreg:$0x6] =	wrdreg s5  }
0x11: {  	s18 =	simm.s32 $0xC;
	s19 =	sadd.s32 $0xA, s5;
	[dreg:$0x4] =	wrdreg s16  }
0x12: {  	s22 =	simm.s32 $0xF;
	s20 =	sadd.s32 $0x14, s5;
	[dreg:$0x7] =	wrdreg s19  }
0x13: {  	s0 =	simm.s32 $0x0;
	s21 =	sadd.s32 $0x1E, s5;
	[dreg:$0x8] =	wrdreg s20  }
0x14: {  	s1 =	sadd.s32 s7, s1;
	s5 =	sadd.s32 $0x28, s5;
	[dreg:$0x9] =	wrdreg s21  }
0x15: {  	s7 =	ssub.s32 s14, s15;
	s1 =	sadd.s32 $0x3DC00, s1;
	[dreg:$0xa] =	wrdreg s5  }
0x16: {  	s14 =	simm.s32 $0x9;
	s23 =	smax.u32 s7, $0x1;
	[dreg:$0xb] =	wrdreg s1  }
0x17: {  	s15 =	simm.s32 $0xA;
	[dreg:$0xc] =	wrdreg s23;
	s1 =	sadd.s32 s24, s13  }
0x18: {  	s5 =	sshrl.u32 s26, $0x3;
	s26 =	sshrl.u32 s6, $0x3;
	[dreg:$0xd] =	wrdreg s1  }
0x19: {  	s23 =	simm.s32 $0x10;
	s29 =	sadd.s32 s5, s13;
	[dreg:$0x13] =	wrdreg s26  }
0x1a: {  	s1 =	sshrl.u32 s25, $0x3;
	s25 =	sor.u32 $0x1C10, s31;
	[dreg:$0xf] =	wrdreg s29  }
0x1b: {  	s24 =	simm.s32 $0x50;
	s1 =	sadd.s32 s1, s13;
	[dreg:$0x12] =	wrdreg s25  }
0x1c: {  	s16 =	simm.s32 $0x5;
	[dreg:$0xe] =	wrdreg s1;
	s1 =	sadd.s32 s30, s13  }
0x1d: {  	s19 =	simm.s32 $0xD;
	s21 =	simm.s32 $0xE;
	[dreg:$0x10] =	wrdreg s1  }
.LBB2_1:
0x1e: {  	[dreg:$0x14] =	wrdreg s0  }
0x1f: {  	s1 =	rddreg [dreg:$0x4]  }
0x20: {  	[tilespmem:s3], [sflag:$0x10] =	stream.linear.gather [hbm4b:s1+s3], $0x2710, $0x38;
	[tilespmem:$0x12CA0] =	vst v63  }
0x21: {  	_ =	swait.ge [sflag:s23], $0x2710  }
0x22: {  	[sflag:s23] =	ssyncset.done $0x0  }
0x23: {  	s11 =	rddreg [dreg:$0x5];
	[sflag:s23] =	ssyncadd.s32 $0xFFFFD8F0  }
0x24: {  	[spmem:s26], [sflag:s25] =	dma.local [hbm:s11], $0x1400  }
0x25: {  	_ =	swait.ge [sflag:s23], $0x1400  }
0x26: {  	[sflag:s23] =	ssyncset.done $0x0  }
0x27: {  	[sflag:s23] =	ssyncadd.s32 $0xFFFFEC00  }
0x28: {  	[bflag:$0x0] =	sbarrier.arrive $0xFFFF  }
0x29: {  	s0 =	simm.s32 $0x2710;
	s12 =	rddreg [dreg:$0x6]  }
0x2a: {  	[tilespmem:s0], [sflag:$0x6] =	stream.linear.gather [hbm4b:s12+s3], $0x50, $0x38;
	[tilespmem:$0x12CA0] =	vst v63  }
0x2b: {  	s6 =	simm.s32 $0x28A0  }
0x2c: {  	[tilespmem:s6], [sflag:$0x1] =	stream.indirect.gather [hbm4b:s4+s24], $0x40, s3, s24, $0xb8;
	[tilespmem:$0x12CA0] =	vst v63  }
0x2d: {  	s23 =	simm.s32 $0x2760;
	s20 =	rddreg [dreg:$0x7]  }
0x2e: {  	[tilespmem:s23], [sflag:$0x7] =	stream.linear.gather [hbm4b:s20+s3], $0x50, $0x38;
	[tilespmem:$0x12CA0] =	vst v63  }
0x2f: {  	s7 =	simm.s32 $0x3CA0  }
0x30: {  	[tilespmem:s7], [sflag:$0x2] =	stream.indirect.gather [hbm4b:s4+s24], $0x40, s24, s24, $0xb8;
	[tilespmem:$0x12CA0] =	vst v63  }
0x31: {  	s9 =	simm.s32 $0x27B0;
	s25 =	rddreg [dreg:$0x8]  }
0x32: {  	[tilespmem:s9], [sflag:$0x8] =	stream.linear.gather [hbm4b:s25+s3], $0x50, $0x38;
	[tilespmem:$0x12CA0] =	vst v63  }
0x33: {  	s10 =	simm.s32 $0x50A0;
	s26 =	simm.s32 $0xA0  }
0x34: {  	[tilespmem:s10], [sflag:$0x3] =	stream.indirect.gather [hbm4b:s4+s24], $0x40, s26, s24, $0xb8;
	[tilespmem:$0x12CA0] =	vst v63  }
0x35: {  	s30 =	rddreg [dreg:$0x9];
	s26 =	simm.s32 $0x2800  }
0x36: {  	[tilespmem:s26], [sflag:$0x9] =	stream.linear.gather [hbm4b:s30+s3], $0x50, $0x38;
	[tilespmem:$0x12CA0] =	vst v63  }
0x37: {  	s31 =	simm.s32 $0xF0;
	s11 =	simm.s32 $0x64A0  }
0x38: {  	[tilespmem:s11], [sflag:$0x4] =	stream.indirect.gather [hbm4b:s4+s24], $0x40, s31, s24, $0xb8;
	[tilespmem:$0x12CA0] =	vst v63  }
0x39: {  	s5 =	rddreg [dreg:$0xa];
	s12 =	simm.s32 $0x2850  }
0x3a: {  	[tilespmem:s12], [sflag:$0xA] =	stream.linear.gather [hbm4b:s5+s3], $0x50, $0x38;
	[tilespmem:$0x12CA0] =	vst v63  }
0x3b: {  	s20 =	simm.s32 $0x140;
	s25 =	simm.s32 $0x6;
	s5 =	simm.s32 $0x78A0  }
0x3c: {  	[tilespmem:s5], [sflag:$0x5] =	stream.indirect.gather [hbm4b:s4+s24], $0x40, s20, s24, $0xb8;
	[tilespmem:$0x12CA0] =	vst v63  }
0x3d: {  	_ =	swait.ge [sflag:s25], $0x50  }
0x3e: {  	[sflag:s25] =	ssyncset.done $0x0  }
0x3f: {  	s30 =	simm.s32 $0x1;
	[sflag:s25] =	ssyncadd.s32 $0xFFFFFFB0  }
0x40: {  	_ =	swait.ge [sflag:s30], $0x1400  }
0x41: {  	[sflag:s30] =	ssyncset.done $0x0  }
0x42: {  	s31 =	simm.s32 $0x7;
	[sflag:s30] =	ssyncadd.s32 $0xFFFFEC00  }
0x43: {  	[spmem:s2] =	stream.indirect.scatter.add.f32 [tilespmem:s6], [sflag:$0xB], $0x40, s0, s24, $0xb8;
	[tilespmem:$0x12CA0] =	vst v63  }
0x44: {  	_ =	swait.ge [sflag:s31], $0x50  }
0x45: {  	[sflag:s31] =	ssyncset.done $0x0  }
0x46: {  	s20 =	simm.s32 $0x2;
	[sflag:s31] =	ssyncadd.s32 $0xFFFFFFB0  }
0x47: {  	_ =	swait.ge [sflag:s20], $0x1400  }
0x48: {  	[sflag:s20] =	ssyncset.done $0x0  }
0x49: {  	s25 =	simm.s32 $0x8;
	[sflag:s20] =	ssyncadd.s32 $0xFFFFEC00  }
0x4a: {  	[spmem:s2] =	stream.indirect.scatter.add.f32 [tilespmem:s7], [sflag:$0xC], $0x40, s23, s24, $0xb8;
	[tilespmem:$0x12CA0] =	vst v63  }
0x4b: {  	_ =	swait.ge [sflag:s25], $0x50  }
0x4c: {  	[sflag:s25] =	ssyncset.done $0x0  }
0x4d: {  	s30 =	simm.s32 $0x3;
	[sflag:s25] =	ssyncadd.s32 $0xFFFFFFB0  }
0x4e: {  	_ =	swait.ge [sflag:s30], $0x1400  }
0x4f: {  	[sflag:s30] =	ssyncset.done $0x0  }
0x50: {  	[sflag:s30] =	ssyncadd.s32 $0xFFFFEC00  }
0x51: {  	[spmem:s2] =	stream.indirect.scatter.add.f32 [tilespmem:s10], [sflag:$0xD], $0x40, s9, s24, $0xb8;
	[tilespmem:$0x12CA0] =	vst v63  }
0x52: {  	_ =	swait.ge [sflag:s14], $0x50  }
0x53: {  	[sflag:s14] =	ssyncset.done $0x0  }
0x54: {  	[sflag:s14] =	ssyncadd.s32 $0xFFFFFFB0  }
0x55: {  	_ =	swait.ge [sflag:s8], $0x1400  }
0x56: {  	[sflag:s8] =	ssyncset.done $0x0  }
0x57: {  	[sflag:s8] =	ssyncadd.s32 $0xFFFFEC00  }
0x58: {  	[spmem:s2] =	stream.indirect.scatter.add.f32 [tilespmem:s11], [sflag:$0xE], $0x40, s26, s24, $0xb8;
	[tilespmem:$0x12CA0] =	vst v63  }
0x59: {  	_ =	swait.ge [sflag:s15], $0x50  }
0x5a: {  	[sflag:s15] =	ssyncset.done $0x0  }
0x5b: {  	[sflag:s15] =	ssyncadd.s32 $0xFFFFFFB0  }
0x5c: {  	_ =	swait.ge [sflag:s16], $0x1400  }
0x5d: {  	[sflag:s16] =	ssyncset.done $0x0  }
0x5e: {  	[sflag:s16] =	ssyncadd.s32 $0xFFFFEC00  }
0x5f: {  	[spmem:s2] =	stream.indirect.scatter.add.f32 [tilespmem:s5], [sflag:$0xF], $0x40, s12, s24, $0xb8;
	[tilespmem:$0x12CA0] =	vst v63  }
0x60: {  	_ =	swait.ge [sflag:s17], $0x1400  }
0x61: {  	s29 =	rddreg [dreg:$0x11]  }
0x62: {  	[sflag:s17] =	ssyncset.done $0x0;
	s31 =	sshrl.u32 s29, $0x3  }
0x63: {  	[sflag:s17] =	ssyncadd.s32 $0xFFFFEC00;
	s5 =	sadd.s32 s13, s31  }
0x64: {  	[tilespmem:s0], [sflag:$0x6] =	stream.linear.gather [hbm4b:s5+s3], $0x50, $0x38;
	[tilespmem:$0x12CA0] =	vst v63  }
0x65: {  	s0 =	simm.s32 $0x190  }
0x66: {  	[tilespmem:s6], [sflag:$0x1] =	stream.indirect.gather [hbm4b:s4+s24], $0x40, s0, s24, $0xb8;
	[tilespmem:$0x12CA0] =	vst v63  }
0x67: {  	_ =	swait.ge [sflag:s18], $0x1400  }
0x68: {  	[sflag:s18] =	ssyncset.done $0x0  }
0x69: {  	s1 =	rddreg [dreg:$0x10];
	[sflag:s18] =	ssyncadd.s32 $0xFFFFEC00  }
0x6a: {  	[tilespmem:s23], [sflag:$0x7] =	stream.linear.gather [hbm4b:s1+s3], $0x50, $0x38;
	[tilespmem:$0x12CA0] =	vst v63  }
0x6b: {  	s6 =	simm.s32 $0x1E0  }
0x6c: {  	[tilespmem:s7], [sflag:$0x2] =	stream.indirect.gather [hbm4b:s4+s24], $0x40, s6, s24, $0xb8;
	[tilespmem:$0x12CA0] =	vst v63  }
0x6d: {  	_ =	swait.ge [sflag:s19], $0x1400  }
0x6e: {  	[sflag:s19] =	ssyncset.done $0x0  }
0x6f: {  	s13 =	rddreg [dreg:$0xf];
	[sflag:s19] =	ssyncadd.s32 $0xFFFFEC00  }
0x70: {  	[tilespmem:s9], [sflag:$0x8] =	stream.linear.gather [hbm4b:s13+s3], $0x50, $0x38;
	[tilespmem:$0x12CA0] =	vst v63  }
0x71: {  	s20 =	simm.s32 $0x230  }
0x72: {  	[tilespmem:s10], [sflag:$0x3] =	stream.indirect.gather [hbm4b:s4+s24], $0x40, s20, s24, $0xb8;
	[tilespmem:$0x12CA0] =	vst v63  }
0x73: {  	_ =	swait.ge [sflag:s21], $0x1400  }
0x74: {  	[sflag:s21] =	ssyncset.done $0x0  }
0x75: {  	s28 =	rddreg [dreg:$0xe];
	[sflag:s21] =	ssyncadd.s32 $0xFFFFEC00  }
0x76: {  	[tilespmem:s26], [sflag:$0x9] =	stream.linear.gather [hbm4b:s28+s3], $0x50, $0x38;
	[tilespmem:$0x12CA0] =	vst v63  }
0x77: {  	s30 =	simm.s32 $0x280;
	s5 =	sadd.s32 $0x190, s29;
	s29 =	simm.s32 $0x2D0  }
0x78: {  	[tilespmem:s11], [sflag:$0x4] =	stream.indirect.gather [hbm4b:s4+s24], $0x40, s30, s24, $0xb8;
	[tilespmem:$0x12CA0] =	vst v63  }
0x79: {  	s25 =	sadd.s32 $0x32, s1;
	s23 =	sadd.s32 $0x32, s13;
	_ =	swait.ge [sflag:s22], $0x1400  }
0x7a: {  	s20 =	simm.s32 $0x640;
	[sflag:s22] =	ssyncset.done $0x0;
	s31 =	rddreg [dreg:$0xd]  }
0x7b: {  	s28 =	sadd.s32 $0x32, s28;
	[sflag:s22] =	ssyncadd.s32 $0xFFFFEC00;
	s26 =	sadd.s32 $0x32, s31  }
0x7c: {  	[tilespmem:s12], [sflag:$0xA] =	stream.linear.gather [hbm4b:s31+s3], $0x50, $0x38;
	[tilespmem:$0x12CA0] =	vst v63  }
.LBB2_2:
0x7d: {  	s0 =	simm.s32 $0x78A0;
	s1 =	simm.s32 $0x6  }
0x7e: {  	[tilespmem:s0], [sflag:$0x5] =	stream.indirect.gather [hbm4b:s4+s24], $0x40, s29, s24, $0xb8;
	[tilespmem:$0x12CA0] =	vst v63  }
0x7f: {  	_ =	swait.ge [sflag:s1], $0x50  }
0x80: {  	[sflag:s1] =	ssyncset.done $0x0  }
0x81: {  	s11 =	simm.s32 $0x1;
	[sflag:s1] =	ssyncadd.s32 $0xFFFFFFB0  }
0x82: {  	_ =	swait.ge [sflag:s11], $0x1400  }
0x83: {  	s30 =	simm.s32 $0x2710;
	[sflag:s11] =	ssyncset.done $0x0  }
0x84: {  	s6 =	simm.s32 $0x28A0;
	s12 =	simm.s32 $0x7;
	[sflag:s11] =	ssyncadd.s32 $0xFFFFEC00  }
0x85: {  	[spmem:s2] =	stream.indirect.scatter.add.f32 [tilespmem:s6], [sflag:$0xB], $0x40, s30, s24, $0xb8;
	[tilespmem:$0x12CA0] =	vst v63  }
0x86: {  	_ =	swait.ge [sflag:s12], $0x50  }
0x87: {  	[sflag:s12] =	ssyncset.done $0x0  }
0x88: {  	s13 =	simm.s32 $0x2;
	[sflag:s12] =	ssyncadd.s32 $0xFFFFFFB0  }
0x89: {  	_ =	swait.ge [sflag:s13], $0x1400  }
0x8a: {  	s7 =	simm.s32 $0x3CA0;
	[sflag:s13] =	ssyncset.done $0x0  }
0x8b: {  	s9 =	simm.s32 $0x8;
	s1 =	simm.s32 $0x2760;
	[sflag:s13] =	ssyncadd.s32 $0xFFFFEC00  }
0x8c: {  	[spmem:s2] =	stream.indirect.scatter.add.f32 [tilespmem:s7], [sflag:$0xC], $0x40, s1, s24, $0xb8;
	[tilespmem:$0x12CA0] =	vst v63  }
0x8d: {  	_ =	swait.ge [sflag:s9], $0x50  }
0x8e: {  	[sflag:s9] =	ssyncset.done $0x0  }
0x8f: {  	s31 =	simm.s32 $0x3;
	[sflag:s9] =	ssyncadd.s32 $0xFFFFFFB0  }
0x90: {  	_ =	swait.ge [sflag:s31], $0x1400  }
0x91: {  	[sflag:s31] =	ssyncset.done $0x0  }
0x92: {  	s10 =	simm.s32 $0x50A0;
	s9 =	simm.s32 $0x27B0;
	[sflag:s31] =	ssyncadd.s32 $0xFFFFEC00  }
0x93: {  	[spmem:s2] =	stream.indirect.scatter.add.f32 [tilespmem:s10], [sflag:$0xD], $0x40, s9, s24, $0xb8;
	[tilespmem:$0x12CA0] =	vst v63  }
0x94: {  	_ =	swait.ge [sflag:s14], $0x50  }
0x95: {  	[sflag:s14] =	ssyncset.done $0x0  }
0x96: {  	[sflag:s14] =	ssyncadd.s32 $0xFFFFFFB0  }
0x97: {  	_ =	swait.ge [sflag:s8], $0x1400  }
0x98: {  	[sflag:s8] =	ssyncset.done $0x0  }
0x99: {  	s11 =	simm.s32 $0x2800;
	s12 =	simm.s32 $0x64A0;
	[sflag:s8] =	ssyncadd.s32 $0xFFFFEC00  }
0x9a: {  	[spmem:s2] =	stream.indirect.scatter.add.f32 [tilespmem:s12], [sflag:$0xE], $0x40, s11, s24, $0xb8;
	[tilespmem:$0x12CA0] =	vst v63  }
0x9b: {  	_ =	swait.ge [sflag:s15], $0x50  }
0x9c: {  	[sflag:s15] =	ssyncset.done $0x0  }
0x9d: {  	[sflag:s15] =	ssyncadd.s32 $0xFFFFFFB0  }
0x9e: {  	_ =	swait.ge [sflag:s16], $0x1400  }
0x9f: {  	[sflag:s16] =	ssyncset.done $0x0  }
0xa0: {  	s13 =	simm.s32 $0x2850;
	[sflag:s16] =	ssyncadd.s32 $0xFFFFEC00  }
0xa1: {  	[spmem:s2] =	stream.indirect.scatter.add.f32 [tilespmem:s0], [sflag:$0xF], $0x40, s13, s24, $0xb8;
	[tilespmem:$0x12CA0] =	vst v63  }
0xa2: {  	s29 =	smov.u32 s20;
	_ =	swait.ge [sflag:s17], $0x1400  }
0xa3: {  	s31 =	sshrl.u32 s5, $0x3;
	[sflag:s17] =	ssyncset.done $0x0;
	s0 =	rddreg [dreg:$0x3]  }
0xa4: {  	s29 =	sshra.s32 s29, $0x2;
	[sflag:s17] =	ssyncadd.s32 $0xFFFFEC00;
	s31 =	sadd.s32 s0, s31  }
0xa5: {  	[tilespmem:s30], [sflag:$0x6] =	stream.linear.gather [hbm4b:s31+s3], $0x50, $0x38;
	[tilespmem:$0x12CA0] =	vst v63  }
0xa6: {  	s31 =	sadd.s32 $0x190, s29  }
0xa7: {  	[tilespmem:s6], [sflag:$0x1] =	stream.indirect.gather [hbm4b:s4+s24], $0x40, s31, s24, $0xb8;
	[tilespmem:$0x12CA0] =	vst v63  }
0xa8: {  	_ =	swait.ge [sflag:s18], $0x1400  }
0xa9: {  	[sflag:s18] =	ssyncset.done $0x0  }
0xaa: {  	[sflag:s18] =	ssyncadd.s32 $0xFFFFEC00  }
0xab: {  	[tilespmem:s1], [sflag:$0x7] =	stream.linear.gather [hbm4b:s25+s3], $0x50, $0x38;
	[tilespmem:$0x12CA0] =	vst v63  }
0xac: {  	s31 =	sadd.s32 $0x1E0, s29  }
0xad: {  	[tilespmem:s7], [sflag:$0x2] =	stream.indirect.gather [hbm4b:s4+s24], $0x40, s31, s24, $0xb8;
	[tilespmem:$0x12CA0] =	vst v63  }
0xae: {  	_ =	swait.ge [sflag:s19], $0x1400  }
0xaf: {  	[sflag:s19] =	ssyncset.done $0x0  }
0xb0: {  	[sflag:s19] =	ssyncadd.s32 $0xFFFFEC00  }
0xb1: {  	[tilespmem:s9], [sflag:$0x8] =	stream.linear.gather [hbm4b:s23+s3], $0x50, $0x38;
	[tilespmem:$0x12CA0] =	vst v63  }
0xb2: {  	p0 =	sne.s32 s20, $0x8FC0;
	s31 =	sadd.s32 $0x230, s29  }
0xb3: {  	[tilespmem:s10], [sflag:$0x3] =	stream.indirect.gather [hbm4b:s4+s24], $0x40, s31, s24, $0xb8;
	[tilespmem:$0x12CA0] =	vst v63  }
0xb4: {  	s20 =	sadd.s32 $0x640, s20;
	s5 =	sadd.s32 $0x190, s5;
	_ =	swait.ge [sflag:s21], $0x1400  }
0xb5: {  	s0 =	simm.s32 $0x2710;
	s30 =	simm.s32 $0x28A0;
	[sflag:s21] =	ssyncset.done $0x0  }
0xb6: {  	s6 =	simm.s32 $0x2760;
	s1 =	simm.s32 $0x3CA0;
	[sflag:s21] =	ssyncadd.s32 $0xFFFFEC00  }
0xb7: {  	[tilespmem:s11], [sflag:$0x9] =	stream.linear.gather [hbm4b:s28+s3], $0x50, $0x38;
	[tilespmem:$0x12CA0] =	vst v63  }
0xb8: {  	s25 =	sadd.s32 $0x32, s25;
	s7 =	simm.s32 $0x27B0;
	s31 =	sadd.s32 $0x280, s29  }
0xb9: {  	[tilespmem:s12], [sflag:$0x4] =	stream.indirect.gather [hbm4b:s4+s24], $0x40, s31, s24, $0xb8;
	[tilespmem:$0x12CA0] =	vst v63  }
.Ltmp0:
0xba: {  	s9 =	simm.s32 $0x50A0;
	_ =	swait.ge [sflag:s22], $0x1400;
	(pc) =	sbr.rel @p0 .LBB2_2-.Ltmp0, $4  }
0xbb: {  	s23 =	sadd.s32 $0x32, s23;
	s10 =	simm.s32 $0x2800;
	[sflag:s22] =	ssyncset.done $0x0  }
0xbc: {  	s29 =	sadd.s32 $0x2D0, s29;
	s11 =	simm.s32 $0x64A0;
	[sflag:s22] =	ssyncadd.s32 $0xFFFFEC00  }
0xbd: {  	[tilespmem:s13], [sflag:$0xA] =	stream.linear.gather [hbm4b:s26+s3], $0x50, $0x38;
	[tilespmem:$0x12CA0] =	vst v63  }
0xbe: {  	s28 =	sadd.s32 $0x32, s28;
	s12 =	simm.s32 $0x2850;
	s26 =	sadd.s32 $0x32, s26  }
0xbf: {  	s5 =	simm.s32 $0x78A0;
	s13 =	simm.s32 $0x6  }
0xc0: {  	[tilespmem:s5], [sflag:$0x5] =	stream.indirect.gather [hbm4b:s4+s24], $0x40, s29, s24, $0xb8;
	[tilespmem:$0x12CA0] =	vst v63  }
0xc1: {  	_ =	swait.ge [sflag:s13], $0x50  }
0xc2: {  	[sflag:s13] =	ssyncset.done $0x0  }
0xc3: {  	s20 =	simm.s32 $0x1;
	[sflag:s13] =	ssyncadd.s32 $0xFFFFFFB0  }
0xc4: {  	_ =	swait.ge [sflag:s20], $0x1400  }
0xc5: {  	[sflag:s20] =	ssyncset.done $0x0  }
0xc6: {  	s23 =	simm.s32 $0x7;
	[sflag:s20] =	ssyncadd.s32 $0xFFFFEC00  }
0xc7: {  	[spmem:s2] =	stream.indirect.scatter.add.f32 [tilespmem:s30], [sflag:$0xB], $0x40, s0, s24, $0xb8;
	[tilespmem:$0x12CA0] =	vst v63  }
0xc8: {  	_ =	swait.ge [sflag:s23], $0x50  }
0xc9: {  	[sflag:s23] =	ssyncset.done $0x0  }
0xca: {  	s25 =	simm.s32 $0x2;
	[sflag:s23] =	ssyncadd.s32 $0xFFFFFFB0  }
0xcb: {  	_ =	swait.ge [sflag:s25], $0x1400  }
0xcc: {  	[sflag:s25] =	ssyncset.done $0x0  }
0xcd: {  	s26 =	simm.s32 $0x8;
	[sflag:s25] =	ssyncadd.s32 $0xFFFFEC00  }
0xce: {  	[spmem:s2] =	stream.indirect.scatter.add.f32 [tilespmem:s1], [sflag:$0xC], $0x40, s6, s24, $0xb8;
	[tilespmem:$0x12CA0] =	vst v63  }
0xcf: {  	_ =	swait.ge [sflag:s26], $0x50  }
0xd0: {  	[sflag:s26] =	ssyncset.done $0x0  }
0xd1: {  	s28 =	simm.s32 $0x3;
	[sflag:s26] =	ssyncadd.s32 $0xFFFFFFB0  }
0xd2: {  	_ =	swait.ge [sflag:s28], $0x1400  }
0xd3: {  	[sflag:s28] =	ssyncset.done $0x0  }
0xd4: {  	[sflag:s28] =	ssyncadd.s32 $0xFFFFEC00  }
0xd5: {  	[spmem:s2] =	stream.indirect.scatter.add.f32 [tilespmem:s9], [sflag:$0xD], $0x40, s7, s24, $0xb8;
	[tilespmem:$0x12CA0] =	vst v63  }
0xd6: {  	_ =	swait.ge [sflag:s14], $0x50  }
0xd7: {  	[sflag:s14] =	ssyncset.done $0x0  }
0xd8: {  	[sflag:s14] =	ssyncadd.s32 $0xFFFFFFB0  }
0xd9: {  	_ =	swait.ge [sflag:s8], $0x1400  }
0xda: {  	[sflag:s8] =	ssyncset.done $0x0  }
0xdb: {  	[sflag:s8] =	ssyncadd.s32 $0xFFFFEC00  }
0xdc: {  	[spmem:s2] =	stream.indirect.scatter.add.f32 [tilespmem:s11], [sflag:$0xE], $0x40, s10, s24, $0xb8;
	[tilespmem:$0x12CA0] =	vst v63  }
0xdd: {  	_ =	swait.ge [sflag:s15], $0x50  }
0xde: {  	[sflag:s15] =	ssyncset.done $0x0  }
0xdf: {  	[sflag:s15] =	ssyncadd.s32 $0xFFFFFFB0  }
0xe0: {  	_ =	swait.ge [sflag:s16], $0x1400  }
0xe1: {  	[sflag:s16] =	ssyncset.done $0x0  }
0xe2: {  	[sflag:s16] =	ssyncadd.s32 $0xFFFFEC00  }
0xe3: {  	[spmem:s2] =	stream.indirect.scatter.add.f32 [tilespmem:s5], [sflag:$0xF], $0x40, s12, s24, $0xb8;
	[tilespmem:$0x12CA0] =	vst v63  }
0xe4: {  	_ =	swait.ge [sflag:s17], $0x1400  }
0xe5: {  	[sflag:s17] =	ssyncset.done $0x0  }
0xe6: {  	[sflag:s17] =	ssyncadd.s32 $0xFFFFEC00  }
0xe7: {  	_ =	swait.ge [sflag:s18], $0x1400  }
0xe8: {  	[sflag:s18] =	ssyncset.done $0x0  }
0xe9: {  	[sflag:s18] =	ssyncadd.s32 $0xFFFFEC00  }
0xea: {  	_ =	swait.ge [sflag:s19], $0x1400  }
0xeb: {  	[sflag:s19] =	ssyncset.done $0x0  }
0xec: {  	[sflag:s19] =	ssyncadd.s32 $0xFFFFEC00  }
0xed: {  	_ =	swait.ge [sflag:s21], $0x1400  }
0xee: {  	[sflag:s21] =	ssyncset.done $0x0  }
0xef: {  	[sflag:s21] =	ssyncadd.s32 $0xFFFFEC00  }
0xf0: {  	_ =	swait.ge [sflag:s22], $0x1400  }
0xf1: {  	[sflag:s22] =	ssyncset.done $0x0  }
0xf2: {  	[sflag:s22] =	ssyncadd.s32 $0xFFFFEC00  }
0xf3: {  	[bflag:$0x0] =	sbarrier.arrive $0xFFFF  }
0xf4: {  	s29 =	rddreg [dreg:$0xb]  }
0xf5: {  	s25 =	rddreg [dreg:$0x12]  }
0xf6: {  	s23 =	simm.s32 $0x10;
	s26 =	rddreg [dreg:$0x13]  }
0xf7: {  	[hbm:s29], [sflag:s25] =	dma.local [spmem:s26], $0x1400  }
0xf8: {  	_ =	swait.ge [sflag:s23], $0x1400  }
0xf9: {  	s30 =	rddreg [dreg:$0x14]  }
0xfa: {  	s31 =	rddreg [dreg:$0xc];
	s0 =	sadd.s32 $0x1, s30  }
0xfb: {  	p0 =	sne.s32 s0, s31  }
.Ltmp1:
0xfc: {  	_ = 	snop;
	(pc) =	sbr.rel @p0 .LBB2_1-.Ltmp1, $3  }
0xfd: {  	_ =	sdelay $0x1  }
0xfe: {  	[sflag:s23] =	ssyncset.done $0x0  }
0xff: {  	s13 =	rddreg [dreg:$0x3];
	[sflag:s23] =	ssyncadd.s32 $0xFFFFEC00  }
0x100: {  	_ =	sfence.sel $0x180000  }
0x101: {  	[bflag:$0x0] =	sbarrier.arrive $0xFFFF  }
0x102: {  	_ =	strace $0x9000004D  }
0x103: {  	s0 =	stileid.u32;
	[bflag:$0x2] =	sbarrier.arrive $0xFFFF  }
0x104: {  	p0 =	sne.s32 s0, $0x0;
	s0 =	rddreg [dreg:$0x2]  }
0x105: {  	s0 =	sadd.s32 @!p0 $0x100000, s0  }
0x106: {  	[sflag:s0] =	ssyncadd.tile.s32 @!p0 $0x1;
	_ =	shalt  }
.Lfunc_end2:
_tile_overlayer_lowered:
.L_overlay_start_2:
0x107: {  	(tag) =	ssettag $0x2  }
0x108: {  	s0 =	rddreg [dreg:$0x0];
	s2 =	stileid.u32  }
0x109: {  	s1 =	rddreg [dreg:$0x1];
	p0 =	sne.s32 s2, $0x0  }
0x10a: {  	s3 =	rddreg [dreg:$0x2];
	[bflag:$0x3] =	sbarrier.arrive $0xFFFF;
	s2 =	simm.s32 @!p0 $0x1C10  }
0x10b: {  	[timem:s3], [sflag:s2] =	dma.local @!p0 [hbm:s0], s1  }
0x10c: {  	s0 =	simm.s32 @!p0 $0x10  }
0x10d: {  	_ =	swait.ge @!p0 [sflag:s0], s1  }
0x10e: {  	s1 =	ssub.s32 @!p0 $0x0, s1;
	[sflag:s0] =	ssyncset.done @!p0 $0x0  }
0x10f: {  	[sflag:s0] =	ssyncadd.s32 @!p0 s1  }
0x110: {  	[bflag:$0x3] =	sbarrier.arrive $0xFFFF  }
0x111: {  	_ =	shalt  }

// kernel: kernel.9.cloned.1.call-start
scs
__scs_entry_jumppad:
0x0: {  	(pc) =	sbr.rel $0x88, $3  }
0x1: {  	(tag) =	ssettag $0x0;
	lr =	simm.s32 $0x1  }
0x2: {  	[smem:$0x3F98] =	sst lr;
	_ =	strace $0xD0000000  }
0x3: {  	_ = 	snop  }
0x4: {  	_ = 	snop  }
0x5: {  	_ = 	snop  }
0x6: {  	_ = 	snop  }
0x7: {  	_ = 	snop  }
__scs_overlays_trampoline_lowered:
0x8: {  	[smem:$0x3FA7] =	sst s0  }
0x9: {  	[smem:$0x3FA8] =	sst s1  }
0xa: {  	[smem:$0x3FA9] =	sst s2  }
0xb: {  	[smem:$0x3FAA] =	sst s3  }
0xc: {  	[smem:$0x3FAB] =	sst s4  }
0xd: {  	[smem:$0x3FAC] =	sst s5  }
0xe: {  	[smem:$0x3FAD] =	sst s6  }
0xf: {  	[smem:$0x3FAE] =	sst s7  }
0x10: {  	[smem:$0x3FAF] =	sst s8  }
0x11: {  	[smem:$0x3FB0] =	sst s9;
	s0 =	simm.s32 @!p0 $0x0  }
0x12: {  	s1 =	sld [smem:$0x3F96];
	s0 =	simm.s32 @p0 $0x1  }
0x13: {  	[smem:$0x3FB1] =	sst s0;
	s0 =	simm.s32 @!p1 $0x0  }
0x14: {  	s2 =	sld [smem:$0x3F95];
	s0 =	simm.s32 @p1 $0x1  }
0x15: {  	[smem:$0x3FB2] =	sst s0;
	s0 =	simm.s32 @!p2 $0x0  }
0x16: {  	s3 =	sld [smem:$0x3FDB];
	s0 =	simm.s32 @p2 $0x1  }
0x17: {  	s4 =	simm.s32 $0x1BF5;
	[smem:$0x3FB4] =	sst s0  }
0x18: {  	s0 =	sld [smem:$0x3F97];
	_ =	swait.ge [sflag:s4], $0x0  }
0x19: {  	s7 =	sld [smem:$0x3F98]  }
0x1a: {  	s8 =	sadd.s32 $0xFFFFE003, lr  }
0x1b: {  	s9 =	sadd.s32 $0xFFFFFEF7, lr;
	s5 =	simm.s32 $0xFFFFFFFF;
	p2 =	slt.u32 s8, $0xFFFFF086  }
0x1c: {  	p1 =	slt.u32 s9, $0xF7A;
	s5 =	simm.s32 @!p2 $0x0  }
0x1d: {  	s5 =	simm.s32 @p1 $0x1;
	p0 =	seq.s32 s7, s2  }
0x1e: {  	s7 =	smul.u32 @!p0 $0xF7A, s2;
	p2 =	seq.s32 @!p0 s5, $0x0  }
0x1f: {  	s9 =	smul.u32 $0xF7A, s1;
	s8 =	simm.s32 @!p0 $0x1BF5;
	p2 =	por !p2, p0  }
0x20: {  	[sflag:s8] =	ssyncset.s32 @!p0 $0xFFFFF086;
	s6 =	sadd.s32 @!p0 s3, s7;
	s7 =	simm.s32 @!p0 $0x108  }
0x21: {  	s3 =	sadd.s32 s3, s9;
	s6 =	sadd.s32 @!p0 $0x88, s6;
	s7 =	simm.s32 @p2 $0x1082  }
0x22: {  	[simem:s7], [sflag:s8] =	dma.local @!p0 [hbm:s6], $0xF7A  }
0x23: {  	s9 =	sor.u32 $0xD0000000, s2;
	s6 =	simm.s32 $0x108;
	_ =	swait.ge @!p0 [sflag:s8], $0x0  }
0x24: {  	s3 =	sadd.s32 $0x88, s3;
	s6 =	simm.s32 @!p1 $0x1082;
	[sflag:s4] =	ssyncset.s32 $0xFFFFF086  }
0x25: {  	[simem:s6], [sflag:s4] =	dma.local [hbm:s3], $0xF7A  }
0x26: {  	[smem:$0x3F98] =	sst s1;
	(tag) =	ssettag s2;
	_ =	strace s9  }
0x27: {  	s1 =	sld [smem:$0x3FA8]  }
0x28: {  	s2 =	sld [smem:$0x3FA9]  }
0x29: {  	s4 =	sld [smem:$0x3FAB]  }
0x2a: {  	p0 =	seq.s32 s5, $0x0;
	s5 =	sld [smem:$0x3FAC]  }
0x2b: {  	s6 =	sld [smem:$0x3FAD]  }
0x2c: {  	s7 =	sld [smem:$0x3FAE]  }
0x2d: {  	s3 =	simm.s32 $0x108;
	s8 =	sld [smem:$0x3FAF]  }
0x2e: {  	s3 =	simm.s32 @!p0 $0x1082;
	s9 =	sld [smem:$0x3FB0]  }
0x2f: {  	lr =	sadd.s32 s0, s3;
	s0 =	sld [smem:$0x3FA7]  }
0x30: {  	s3 =	sld [smem:$0x3FAA]  }
0x31: {  	[smem:$0x3FB3] =	sst s10  }
0x32: {  	s10 =	sld [smem:$0x3FB1];
	_ =	sdelay $0x3  }
0x33: {  	p0 =	seq.s32 s10, $0x1;
	s10 =	sld [smem:$0x3FB3];
	_ =	sdelay $0x3  }
0x34: {  	[smem:$0x3FB3] =	sst s10  }
0x35: {  	s10 =	sld [smem:$0x3FB2];
	_ =	sdelay $0x3  }
0x36: {  	p1 =	seq.s32 s10, $0x1;
	s10 =	sld [smem:$0x3FB3];
	_ =	sdelay $0x3  }
0x37: {  	[smem:$0x3FB3] =	sst s10  }
0x38: {  	s10 =	sld [smem:$0x3FB4]  }
0x39: {  	_ = 	snop;
	(pc) =	sbr.ind lr, $3  }
0x3a: {  	_ = 	snop  }
0x3b: {  	_ = 	snop  }
0x3c: {  	p2 =	seq.s32 s10, $0x1;
	s10 =	sld [smem:$0x3FB3]  }
0x3d: {  	_ =	shalt  }
0x3e: {  	_ =	shalt  }
0x3f: {  	_ =	shalt  }
0x40: {  	_ =	shalt  }
0x41: {  	_ =	shalt  }
0x42: {  	_ =	shalt  }
0x43: {  	_ =	shalt  }
0x44: {  	_ =	shalt  }
0x45: {  	_ =	shalt  }
0x46: {  	_ =	shalt  }
0x47: {  	_ =	shalt  }
0x48: {  	_ =	shalt  }
0x49: {  	_ =	shalt  }
0x4a: {  	_ =	shalt  }
0x4b: {  	_ =	shalt  }
0x4c: {  	_ =	shalt  }
0x4d: {  	_ =	shalt  }
0x4e: {  	_ =	shalt  }
0x4f: {  	_ =	shalt  }
0x50: {  	_ =	shalt  }
0x51: {  	_ =	shalt  }
0x52: {  	_ =	shalt  }
0x53: {  	_ =	shalt  }
0x54: {  	_ =	shalt  }
0x55: {  	_ =	shalt  }
0x56: {  	_ =	shalt  }
0x57: {  	_ =	shalt  }
0x58: {  	_ =	shalt  }
0x59: {  	_ =	shalt  }
0x5a: {  	_ =	shalt  }
0x5b: {  	_ =	shalt  }
0x5c: {  	_ =	shalt  }
0x5d: {  	_ =	shalt  }
0x5e: {  	_ =	shalt  }
0x5f: {  	_ =	shalt  }
0x60: {  	_ =	shalt  }
0x61: {  	_ =	shalt  }
0x62: {  	_ =	shalt  }
0x63: {  	_ =	shalt  }
0x64: {  	_ =	shalt  }
0x65: {  	_ =	shalt  }
0x66: {  	_ =	shalt  }
0x67: {  	_ =	shalt  }
0x68: {  	_ =	shalt  }
0x69: {  	_ =	shalt  }
0x6a: {  	_ =	shalt  }
0x6b: {  	_ =	shalt  }
0x6c: {  	_ =	shalt  }
0x6d: {  	_ =	shalt  }
0x6e: {  	_ =	shalt  }
0x6f: {  	_ =	shalt  }
0x70: {  	_ =	shalt  }
0x71: {  	_ =	shalt  }
0x72: {  	_ =	shalt  }
0x73: {  	_ =	shalt  }
0x74: {  	_ =	shalt  }
0x75: {  	_ =	shalt  }
0x76: {  	_ =	shalt  }
0x77: {  	_ =	shalt  }
0x78: {  	_ =	shalt  }
0x79: {  	_ =	shalt  }
0x7a: {  	_ =	shalt  }
0x7b: {  	_ =	shalt  }
0x7c: {  	_ =	shalt  }
0x7d: {  	_ =	shalt  }
0x7e: {  	_ =	shalt  }
0x7f: {  	_ =	shalt  }
0x80: {  	_ =	shalt  }
0x81: {  	_ =	shalt  }
0x82: {  	_ =	shalt  }
0x83: {  	_ =	shalt  }
0x84: {  	_ =	shalt  }
0x85: {  	_ =	shalt  }
0x86: {  	_ =	shalt  }
0x87: {  	_ =	shalt  }
.Lfunc_end0:
.L_simem_size_0:
called_computation_lowered:
.L_overlay_start_0:
0x88: {  	s2 =	sld [smem:$0x3FD9]  }
0x89: {  	s3 =	sld [smem:$0x3FFE];
	_ =	sdelay $0x1  }
0x8a: {  	s1 =	srdreg.scid  }
0x8b: {  	s0 =	sand.u32 $0x1, s1  }
0x8c: {  	s16 =	sshll.u32 s0, $0xA;
	s2 =	sadd.s32 s3, s2  }
0x8d: {  	s2 =	sadd.s32 s2, s16  }
0x8e: {  	[smem:$0x3FBF] =	sst s2  }
0x8f: {  	_ = 	snop  }
0x90: {  	(tm) =	ssettm $0x1  }
0x91: {  	s17 =	sld [smem:$0x3FFB];
	_ =	sdelay $0x3  }
0x92: {  	_ =	strace s17  }
0x93: {  	s2 =	sld [smem:$0x3FFC];
	_ =	sdelay $0x3  }
0x94: {  	_ =	strace s2  }
0x95: {  	s2 =	sld [smem:$0x3FFD];
	_ =	sdelay $0x3  }
0x96: {  	_ =	strace s2  }
0x97: {  	_ =	strace $0x8FFFFFFF  }
0x98: {  	s18 =	sld [smem:$0x3FDB];
	_ =	sdelay $0x1  }
0x99: {  	s19 =	simm.s32 $_scs_section_size  }
0x9a: {  	s4 =	simm.s32 $_size__tile_overlayer_lowered;
	s5 =	simm.s32 $_tile_overlayer_lowered  }
0x9b: {  	s22 =	simm.s32 $0x1BFF;
	s21 =	sshll.u32 s5, $0x1;
	s2 =	sadd.s32 s19, s18  }
0x9c: {  	s6 =	simm.s32 $0x0;
	s20 =	sshll.u32 s4, $0x1;
	s4 =	sadd.s32 s21, s2  }
0x9d: {  	[timem:s6], [sflag:s22] =	dma.local [hbm:s4], s20  }
0x9e: {  	_ =	swait.ge [sflag:s22], s20  }
0x9f: {  	s3 =	ssub.s32 $0x0, s20;
	[sflag:s22] =	ssyncset.done $0x0  }
0xa0: {  	[sflag:s22] =	ssyncadd.s32 s3;
	_ =	sdelay $0x1  }
0xa1: {  	s23 =	simm.s32 $0x1B8B  }
0xa2: {  	_ =	swait.ge [sflag:s23], $0x1  }
0xa3: {  	[sflag:s23] =	ssyncset.done $0x0  }
0xa4: {  	s25 =	simm.s32 $0x1B8E;
	s24 =	sld [smem:$0x3FFE];
	[sflag:s23] =	ssyncadd.s32 $0xFFFFFFFF  }
0xa5: {  	s26 =	simm.s32 $execute0_lowered;
	[smem:$0x3FD2] =	sst s25  }
0xa6: {  	s4 =	sshll.u32 s26, $0x1;
	_ =	strace $0x80000046;
	[dreg:$0x1] =	wrdreg $0xFFFFFFFF  }
0xa7: {  	s28 =	simm.s32 $_size_execute0_lowered;
	s2 =	sadd.s32 s2, s4;
	[dreg:$0x0] =	wrdreg $0x0  }
0xa8: {  	s4 =	sshll.u32 s28, $0x1;
	[dreg:$0x2] =	wrdreg s2  }
0xa9: {  	[dreg:$0x3] =	wrdreg s4  }
0xaa: {  	[dreg:$0x4] =	wrdreg $0xC0  }
0xab: {  	_ =	task [dreg:s6], $0x5FFFF  }
0xac: {  	[dreg:$0x1] =	wrdreg $0xFFFFFFFF  }
0xad: {  	[dreg:$0x0] =	wrdreg $0x60  }
0xae: {  	[dreg:$0x2] =	wrdreg s24  }
0xaf: {  	[dreg:$0x3] =	wrdreg $0x1E00  }
0xb0: {  	[dreg:$0x4] =	wrdreg $0x9  }
0xb1: {  	_ =	task.clear_ibuf [dreg:s6], $0x5FFFF;
	_ =	strace $0x90000046  }
0xb2: {  	s29 =	simm.s32 $0x9;
	_ =	strace $0x80000048  }
0xb3: {  	_ =	swait.ge [sflag:s29], $0x1  }
0xb4: {  	[sflag:s29] =	ssyncadd.s32 $0xFFFFFFFF  }
0xb5: {  	_ =	strace $0x90000048  }
0xb6: {  	_ =	sfence  }
0xb7: {  	s30 =	sld [smem:$0x0];
	_ =	sdelay $0x2  }
0xb8: {  	s31 =	sshll.u32 s1, $0xD;
	s1 =	sshrl.u32 s1, $0x2  }
0xb9: {  	s3 =	sand.u32 $0x4000, s31;
	s1 =	sadd.s32 s1, s30  }
0xba: {  	s0 =	sor.u32 s3, s0;
	s1 =	sshll.u32 s1, $0x11  }
0xbb: {  	s0 =	sor.u32 s1, s0  }
0xbc: {  	s0 =	sadd.s32 $0x8F2B, s0  }
0xbd: {  	[sflag:s0] =	ssyncadd.remote.s32 $0x1  }
0xbe: {  	_ =	sfence.sel $0xFFFF  }
0xbf: {  	[dreg:$0x0] =	wrdreg $0xFFFFFFFF;
	(pc) =	sbr.abs _section_cstart, $3  }
0xc0: {  	[dreg:$0x1] =	wrdreg $0xFFFFFFFF  }
0xc1: {  	_ =	task.clear_ibuf [dreg:s6], $0x2FFFF;
	_ =	strace $0x9FFFFFFF  }
0xc2: {  	(tm) =	ssettm $0x7FFFFFFF  }
0xc3: {  	_ =	shalt  }
tec
execute0_lowered:
.L_overlay_start_1:
0x0: {  	(tag) =	ssettag $0x1  }
0x1: {  	s0 =	rddreg [dreg:$0x0]  }
0x2: {  	s2 =	rddreg [dreg:$0x1];
	s3 =	simm.s32 $0x0;
	s11 =	stileid.u32  }
0x3: {  	s4 =	srdreg.scid;
	s28 =	simm.s32 $0x3;
	s29 =	simm.s32 $0x4  }
0x4: {  	s30 =	simm.s32 $0x5;
	s31 =	simm.s32 $0x6;
	[smem:$0x7FF] =	sst s3  }
0x5: {  	s1 =	smul.u32 $0x280, s11;
	s5 =	sand.u32 $0x1, s4;
	s4 =	sadd.s32 $0xC400, s0  }
0x6: {  	s12 =	smul.u32 $0x2710, s11;
	s14 =	sshll.u32 s11, $0x6;
	_ =	strace $0x80000047  }
0x7: {  	s7 =	smul.u32 $0x2800, s5;
	s8 =	sshll.u32 s5, $0x4;
	s9 =	ssub.s32 $0x2, s5  }
0x8: {  	s5 =	smul.u32 $0x27100, s5;
	s6 =	sshrl.u32 s1, $0x3;
	s8 =	sor.u32 s11, s8  }
0x9: {  	s10 =	sshrl.u32 s9, $0x1;
	s6 =	sadd.s32 s6, s0;
	s7 =	sadd.s32 s1, s7  }
0xa: {  	s8 =	smul.u32 $0x2710, s8;
	s9 =	ssub.s32 s9, s10;
	s1 =	sadd.s32 s1, s2  }
0xb: {  	s5 =	sadd.s32 s12, s5;
	s7 =	sshrl.u32 s7, $0x3;
	s6 =	sadd.s32 $0x16200, s6  }
0xc: {  	s16 =	sadd.s32 $0x2D0, s5;
	s21 =	smax.u32 s9, $0x1;
	s22 =	sadd.s32 $0x280, s5  }
0xd: {  	s23 =	sadd.s32 $0x230, s5;
	s24 =	sadd.s32 $0x1E0, s5;
	s9 =	simm.s32 $0x0  }
0xe: {  	s0 =	sadd.s32 s7, s0;
	[dreg:$0x4] =	wrdreg s6;
	s13 =	sshrl.u32 s8, $0x3  }
0xf: {  	s7 =	sor.u32 $0x1C0B, s14;
	s8 =	sshrl.u32 s16, $0x3;
	[dreg:$0xa] =	wrdreg s21  }
0x10: {  	s25 =	sshrl.u32 s23, $0x3;
	s26 =	sshrl.u32 s24, $0x3;
	s21 =	simm.s32 $0xA0  }
0x11: {  	s23 =	simm.s32 $0x140;
	s24 =	simm.s32 $0x1;
	s0 =	sadd.s32 $0x16800, s0  }
0x12: {  	s6 =	sadd.s32 s4, s13;
	s20 =	sadd.s32 s8, s4;
	[dreg:$0x9] =	wrdreg s0  }
0x13: {  	s16 =	sadd.s32 s26, s4;
	s15 =	sadd.s32 $0xA, s6;
	[dreg:$0x3] =	wrdreg s20  }
0x14: {  	s26 =	simm.s32 $0x2;
	s17 =	sadd.s32 $0x14, s6;
	[dreg:$0x5] =	wrdreg s15  }
0x15: {  	s8 =	simm.s32 $0xA;
	s18 =	sadd.s32 $0x1E, s6;
	[dreg:$0x6] =	wrdreg s17  }
0x16: {  	s19 =	sadd.s32 $0x28, s6;
	s0 =	sshrl.u32 s22, $0x3;
	[dreg:$0x7] =	wrdreg s18  }
0x17: {  	s20 =	simm.s32 $0x50;
	s22 =	simm.s32 $0xF0;
	[dreg:$0x8] =	wrdreg s19  }
0x18: {  	s14 =	sadd.s32 s0, s4;
	s15 =	sadd.s32 s25, s4;
	s17 =	sadd.s32 $0x190, s5  }
0x19: {  	s18 =	sshrl.u32 s1, $0x3;
	s19 =	simm.s32 $0xB;
	s25 =	simm.s32 $0x190  }
0x1a: {  	v0 =	vimm.f32 $1.000000000e+00;
	s0 =	simm.s32 $0x7;
	s1 =	simm.s32 $0x8;
	s5 =	simm.s32 $0x9  }
.LBB2_1:
0x1b: {  	[tilespmem:$0x190] =	vst v0  }
0x1c: {  	[tilespmem:$0x1A0] =	vst v0  }
0x1d: {  	[tilespmem:$0x1B0] =	vst v0  }
0x1e: {  	[tilespmem:$0x1C0] =	vst v0  }
0x1f: {  	[tilespmem:$0x1D0] =	vst v0;
	s10 =	rddreg [dreg:$0x4]  }
0x20: {  	[spmem:s18], [sflag:s7] =	dma.local [hbm:s10], $0x50  }
0x21: {  	_ =	swait.ge [sflag:s19], $0x50  }
0x22: {  	[sflag:s19] =	ssyncset.done $0x0  }
0x23: {  	[sflag:s19] =	ssyncadd.s32 $0xFFFFFFB0  }
0x24: {  	[bflag:$0x0] =	sbarrier.arrive $0xFFFF  }
0x25: {  	[tilespmem:s3], [sflag:$0x1] =	stream.linear.gather [hbm4b:s6+s3], $0x50, $0x38;
	[tilespmem:$0x460] =	vst v63  }
0x26: {  	s12 =	rddreg [dreg:$0x5]  }
0x27: {  	[tilespmem:s20], [sflag:$0x2] =	stream.linear.gather [hbm4b:s12+s3], $0x50, $0x38;
	[tilespmem:$0x460] =	vst v63  }
0x28: {  	s13 =	rddreg [dreg:$0x6]  }
0x29: {  	[tilespmem:s21], [sflag:$0x3] =	stream.linear.gather [hbm4b:s13+s3], $0x50, $0x38;
	[tilespmem:$0x460] =	vst v63  }
0x2a: {  	s11 =	rddreg [dreg:$0x7]  }
0x2b: {  	[tilespmem:s22], [sflag:$0x4] =	stream.linear.gather [hbm4b:s11+s3], $0x50, $0x38;
	[tilespmem:$0x460] =	vst v63  }
0x2c: {  	s12 =	rddreg [dreg:$0x8]  }
0x2d: {  	[tilespmem:s23], [sflag:$0x5] =	stream.linear.gather [hbm4b:s12+s3], $0x50, $0x38;
	[tilespmem:$0x460] =	vst v63  }
0x2e: {  	_ =	swait.ge [sflag:s24], $0x50  }
0x2f: {  	[sflag:s24] =	ssyncset.done $0x0  }
0x30: {  	[sflag:s24] =	ssyncadd.s32 $0xFFFFFFB0  }
0x31: {  	[spmem:s2] =	stream.indirect.scatter.add.f32 [tilespmem:s25], [sflag:$0x6], $0x1, s3, s20, $0xb8;
	[tilespmem:$0x460] =	vst v63  }
0x32: {  	_ =	swait.ge [sflag:s26], $0x50  }
0x33: {  	[sflag:s26] =	ssyncset.done $0x0  }
0x34: {  	[sflag:s26] =	ssyncadd.s32 $0xFFFFFFB0  }
0x35: {  	[spmem:s2] =	stream.indirect.scatter.add.f32 [tilespmem:s25], [sflag:$0x7], $0x1, s20, s20, $0xb8;
	[tilespmem:$0x460] =	vst v63  }
0x36: {  	_ =	swait.ge [sflag:s28], $0x50  }
0x37: {  	[sflag:s28] =	ssyncset.done $0x0  }
0x38: {  	[sflag:s28] =	ssyncadd.s32 $0xFFFFFFB0  }
0x39: {  	[spmem:s2] =	stream.indirect.scatter.add.f32 [tilespmem:s25], [sflag:$0x8], $0x1, s21, s20, $0xb8;
	[tilespmem:$0x460] =	vst v63  }
0x3a: {  	_ =	swait.ge [sflag:s29], $0x50  }
0x3b: {  	[sflag:s29] =	ssyncset.done $0x0  }
0x3c: {  	[sflag:s29] =	ssyncadd.s32 $0xFFFFFFB0  }
0x3d: {  	[spmem:s2] =	stream.indirect.scatter.add.f32 [tilespmem:s25], [sflag:$0x9], $0x1, s22, s20, $0xb8;
	[tilespmem:$0x460] =	vst v63  }
0x3e: {  	_ =	swait.ge [sflag:s30], $0x50  }
0x3f: {  	[sflag:s30] =	ssyncset.done $0x0  }
0x40: {  	[sflag:s30] =	ssyncadd.s32 $0xFFFFFFB0  }
0x41: {  	[spmem:s2] =	stream.indirect.scatter.add.f32 [tilespmem:s25], [sflag:$0xA], $0x1, s23, s20, $0xb8;
	[tilespmem:$0x460] =	vst v63  }
0x42: {  	_ =	swait.ge [sflag:s31], $0x50  }
0x43: {  	s13 =	sshrl.u32 s17, $0x3;
	[sflag:s31] =	ssyncset.done $0x0  }
0x44: {  	s10 =	sadd.s32 s4, s13;
	[sflag:s31] =	ssyncadd.s32 $0xFFFFFFB0  }
0x45: {  	[tilespmem:s3], [sflag:$0x1] =	stream.linear.gather [hbm4b:s10+s3], $0x50, $0x38;
	[tilespmem:$0x460] =	vst v63  }
0x46: {  	_ =	swait.ge [sflag:s0], $0x50  }
0x47: {  	[sflag:s0] =	ssyncset.done $0x0  }
0x48: {  	s11 =	sadd.s32 $0x0, s16;
	[sflag:s0] =	ssyncadd.s32 $0xFFFFFFB0  }
0x49: {  	[tilespmem:s20], [sflag:$0x2] =	stream.linear.gather [hbm4b:s11+s3], $0x50, $0x38;
	[tilespmem:$0x460] =	vst v63  }
0x4a: {  	_ =	swait.ge [sflag:s1], $0x50  }
0x4b: {  	[sflag:s1] =	ssyncset.done $0x0  }
0x4c: {  	s12 =	sadd.s32 $0x0, s15;
	[sflag:s1] =	ssyncadd.s32 $0xFFFFFFB0  }
0x4d: {  	[tilespmem:s21], [sflag:$0x3] =	stream.linear.gather [hbm4b:s12+s3], $0x50, $0x38;
	[tilespmem:$0x460] =	vst v63  }
0x4e: {  	_ =	swait.ge [sflag:s5], $0x50  }
0x4f: {  	[sflag:s5] =	ssyncset.done $0x0  }
0x50: {  	s13 =	sadd.s32 $0x0, s14;
	[sflag:s5] =	ssyncadd.s32 $0xFFFFFFB0  }
0x51: {  	[tilespmem:s22], [sflag:$0x4] =	stream.linear.gather [hbm4b:s13+s3], $0x50, $0x38;
	[tilespmem:$0x460] =	vst v63  }
0x52: {  	_ =	swait.ge [sflag:s8], $0x50  }
0x53: {  	s10 =	simm.s32 $0x32;
	s11 =	rddreg [dreg:$0x3];
	[sflag:s8] =	ssyncset.done $0x0  }
0x54: {  	[sflag:s8] =	ssyncadd.s32 $0xFFFFFFB0;
	s12 =	sadd.s32 $0x0, s11;
	s11 =	sadd.s32 $0x190, s17  }
.LBB2_2:
0x55: {  	[tilespmem:s23], [sflag:$0x5] =	stream.linear.gather [hbm4b:s12+s3], $0x50, $0x38;
	[tilespmem:$0x460] =	vst v63  }
0x56: {  	_ =	swait.ge [sflag:s24], $0x50  }
0x57: {  	[sflag:s24] =	ssyncset.done $0x0  }
0x58: {  	[sflag:s24] =	ssyncadd.s32 $0xFFFFFFB0  }
0x59: {  	[spmem:s2] =	stream.indirect.scatter.add.f32 [tilespmem:s25], [sflag:$0x6], $0x1, s3, s20, $0xb8;
	[tilespmem:$0x460] =	vst v63  }
0x5a: {  	_ =	swait.ge [sflag:s26], $0x50  }
0x5b: {  	[sflag:s26] =	ssyncset.done $0x0  }
0x5c: {  	[sflag:s26] =	ssyncadd.s32 $0xFFFFFFB0  }
0x5d: {  	[spmem:s2] =	stream.indirect.scatter.add.f32 [tilespmem:s25], [sflag:$0x7], $0x1, s20, s20, $0xb8;
	[tilespmem:$0x460] =	vst v63  }
0x5e: {  	_ =	swait.ge [sflag:s28], $0x50  }
0x5f: {  	[sflag:s28] =	ssyncset.done $0x0  }
0x60: {  	[sflag:s28] =	ssyncadd.s32 $0xFFFFFFB0  }
0x61: {  	[spmem:s2] =	stream.indirect.scatter.add.f32 [tilespmem:s25], [sflag:$0x8], $0x1, s21, s20, $0xb8;
	[tilespmem:$0x460] =	vst v63  }
0x62: {  	_ =	swait.ge [sflag:s29], $0x50  }
0x63: {  	[sflag:s29] =	ssyncset.done $0x0  }
0x64: {  	[sflag:s29] =	ssyncadd.s32 $0xFFFFFFB0  }
0x65: {  	[spmem:s2] =	stream.indirect.scatter.add.f32 [tilespmem:s25], [sflag:$0x9], $0x1, s22, s20, $0xb8;
	[tilespmem:$0x460] =	vst v63  }
0x66: {  	_ =	swait.ge [sflag:s30], $0x50  }
0x67: {  	[sflag:s30] =	ssyncset.done $0x0  }
0x68: {  	[sflag:s30] =	ssyncadd.s32 $0xFFFFFFB0  }
0x69: {  	[spmem:s2] =	stream.indirect.scatter.add.f32 [tilespmem:s25], [sflag:$0xA], $0x1, s23, s20, $0xb8;
	[tilespmem:$0x460] =	vst v63  }
0x6a: {  	_ =	swait.ge [sflag:s31], $0x50  }
0x6b: {  	s13 =	sshrl.u32 s11, $0x3;
	[sflag:s31] =	ssyncset.done $0x0  }
0x6c: {  	s13 =	sadd.s32 s4, s13;
	[sflag:s31] =	ssyncadd.s32 $0xFFFFFFB0  }
0x6d: {  	[tilespmem:s3], [sflag:$0x1] =	stream.linear.gather [hbm4b:s13+s3], $0x50, $0x38;
	[tilespmem:$0x460] =	vst v63  }
0x6e: {  	_ =	swait.ge [sflag:s0], $0x50  }
0x6f: {  	s12 =	smov.u32 s10;
	[sflag:s0] =	ssyncset.done $0x0  }
0x70: {  	s13 =	sadd.s32 s12, s16;
	[sflag:s0] =	ssyncadd.s32 $0xFFFFFFB0  }
0x71: {  	[tilespmem:s20], [sflag:$0x2] =	stream.linear.gather [hbm4b:s13+s3], $0x50, $0x38;
	[tilespmem:$0x460] =	vst v63  }
0x72: {  	_ =	swait.ge [sflag:s1], $0x50  }
0x73: {  	[sflag:s1] =	ssyncset.done $0x0  }
0x74: {  	s13 =	sadd.s32 s12, s15;
	[sflag:s1] =	ssyncadd.s32 $0xFFFFFFB0  }
0x75: {  	[tilespmem:s21], [sflag:$0x3] =	stream.linear.gather [hbm4b:s13+s3], $0x50, $0x38;
	[tilespmem:$0x460] =	vst v63  }
0x76: {  	_ =	swait.ge [sflag:s5], $0x50  }
0x77: {  	p0 =	sne.s32 s10, $0x47E;
	[sflag:s5] =	ssyncset.done $0x0  }
.Ltmp0:
0x78: {  	s13 =	sadd.s32 s12, s14;
	[sflag:s5] =	ssyncadd.s32 $0xFFFFFFB0;
	(pc) =	sbr.rel @p0 .LBB2_2-.Ltmp0, $4  }
0x79: {  	[tilespmem:s22], [sflag:$0x4] =	stream.linear.gather [hbm4b:s13+s3], $0x50, $0x38;
	[tilespmem:$0x460] =	vst v63  }
0x7a: {  	_ =	swait.ge [sflag:s8], $0x50  }
0x7b: {  	s10 =	sadd.s32 $0x32, s10;
	[sflag:s8] =	ssyncset.done $0x0;
	s13 =	rddreg [dreg:$0x3]  }
0x7c: {  	s11 =	sadd.s32 $0x190, s11;
	[sflag:s8] =	ssyncadd.s32 $0xFFFFFFB0;
	s12 =	sadd.s32 s12, s13  }
0x7d: {  	[tilespmem:s23], [sflag:$0x5] =	stream.linear.gather [hbm4b:s12+s3], $0x50, $0x38;
	[tilespmem:$0x460] =	vst v63  }
0x7e: {  	_ =	swait.ge [sflag:s24], $0x50  }
0x7f: {  	[sflag:s24] =	ssyncset.done $0x0  }
0x80: {  	[sflag:s24] =	ssyncadd.s32 $0xFFFFFFB0  }
0x81: {  	[spmem:s2] =	stream.indirect.scatter.add.f32 [tilespmem:s25], [sflag:$0x6], $0x1, s3, s20, $0xb8;
	[tilespmem:$0x460] =	vst v63  }
0x82: {  	_ =	swait.ge [sflag:s26], $0x50  }
0x83: {  	[sflag:s26] =	ssyncset.done $0x0  }
0x84: {  	[sflag:s26] =	ssyncadd.s32 $0xFFFFFFB0  }
0x85: {  	[spmem:s2] =	stream.indirect.scatter.add.f32 [tilespmem:s25], [sflag:$0x7], $0x1, s20, s20, $0xb8;
	[tilespmem:$0x460] =	vst v63  }
0x86: {  	_ =	swait.ge [sflag:s28], $0x50  }
0x87: {  	[sflag:s28] =	ssyncset.done $0x0  }
0x88: {  	[sflag:s28] =	ssyncadd.s32 $0xFFFFFFB0  }
0x89: {  	[spmem:s2] =	stream.indirect.scatter.add.f32 [tilespmem:s25], [sflag:$0x8], $0x1, s21, s20, $0xb8;
	[tilespmem:$0x460] =	vst v63  }
0x8a: {  	_ =	swait.ge [sflag:s29], $0x50  }
0x8b: {  	[sflag:s29] =	ssyncset.done $0x0  }
0x8c: {  	[sflag:s29] =	ssyncadd.s32 $0xFFFFFFB0  }
0x8d: {  	[spmem:s2] =	stream.indirect.scatter.add.f32 [tilespmem:s25], [sflag:$0x9], $0x1, s22, s20, $0xb8;
	[tilespmem:$0x460] =	vst v63  }
0x8e: {  	_ =	swait.ge [sflag:s30], $0x50  }
0x8f: {  	[sflag:s30] =	ssyncset.done $0x0  }
0x90: {  	[sflag:s30] =	ssyncadd.s32 $0xFFFFFFB0  }
0x91: {  	[spmem:s2] =	stream.indirect.scatter.add.f32 [tilespmem:s25], [sflag:$0xA], $0x1, s23, s20, $0xb8;
	[tilespmem:$0x460] =	vst v63  }
0x92: {  	_ =	swait.ge [sflag:s31], $0x50  }
0x93: {  	[sflag:s31] =	ssyncset.done $0x0  }
0x94: {  	[sflag:s31] =	ssyncadd.s32 $0xFFFFFFB0  }
0x95: {  	_ =	swait.ge [sflag:s0], $0x50  }
0x96: {  	[sflag:s0] =	ssyncset.done $0x0  }
0x97: {  	[sflag:s0] =	ssyncadd.s32 $0xFFFFFFB0  }
0x98: {  	_ =	swait.ge [sflag:s1], $0x50  }
0x99: {  	[sflag:s1] =	ssyncset.done $0x0  }
0x9a: {  	[sflag:s1] =	ssyncadd.s32 $0xFFFFFFB0  }
0x9b: {  	_ =	swait.ge [sflag:s5], $0x50  }
0x9c: {  	[sflag:s5] =	ssyncset.done $0x0  }
0x9d: {  	[sflag:s5] =	ssyncadd.s32 $0xFFFFFFB0  }
0x9e: {  	_ =	swait.ge [sflag:s8], $0x50  }
0x9f: {  	[sflag:s8] =	ssyncset.done $0x0  }
0xa0: {  	[sflag:s8] =	ssyncadd.s32 $0xFFFFFFB0  }
0xa1: {  	[bflag:$0x0] =	sbarrier.arrive $0xFFFF  }
0xa2: {  	s10 =	rddreg [dreg:$0x9]  }
0xa3: {  	[hbm:s10], [sflag:s7] =	dma.local [spmem:s18], $0x50  }
0xa4: {  	_ =	swait.ge [sflag:s19], $0x50  }
0xa5: {  	s9 =	sadd.s32 $0x1, s9;
	s13 =	rddreg [dreg:$0xa]  }
0xa6: {  	p0 =	sne.s32 s9, s13  }
.Ltmp1:
0xa7: {  	_ = 	snop;
	(pc) =	sbr.rel @p0 .LBB2_1-.Ltmp1, $3  }
0xa8: {  	_ =	sdelay $0x1  }
0xa9: {  	[sflag:s19] =	ssyncset.done $0x0  }
0xaa: {  	[sflag:s19] =	ssyncadd.s32 $0xFFFFFFB0  }
0xab: {  	_ =	sfence.sel $0x180000  }
0xac: {  	[bflag:$0x0] =	sbarrier.arrive $0xFFFF  }
0xad: {  	_ =	strace $0x90000047  }
0xae: {  	s0 =	stileid.u32;
	[bflag:$0x2] =	sbarrier.arrive $0xFFFF  }
0xaf: {  	p0 =	sne.s32 s0, $0x0;
	s0 =	rddreg [dreg:$0x2]  }
0xb0: {  	s0 =	sadd.s32 @!p0 $0x100000, s0  }
0xb1: {  	[sflag:s0] =	ssyncadd.tile.s32 @!p0 $0x1;
	_ =	shalt  }
.Lfunc_end2:
_tile_overlayer_lowered:
.L_overlay_start_2:
0xb2: {  	(tag) =	ssettag $0x2  }
0xb3: {  	s0 =	rddreg [dreg:$0x0];
	s2 =	stileid.u32  }
0xb4: {  	s1 =	rddreg [dreg:$0x1];
	p0 =	sne.s32 s2, $0x0  }
0xb5: {  	s3 =	rddreg [dreg:$0x2];
	[bflag:$0x3] =	sbarrier.arrive $0xFFFF;
	s2 =	simm.s32 @!p0 $0x1C0B  }
0xb6: {  	[timem:s3], [sflag:s2] =	dma.local @!p0 [hbm:s0], s1  }
0xb7: {  	s0 =	simm.s32 @!p0 $0xB  }
0xb8: {  	_ =	swait.ge @!p0 [sflag:s0], s1  }
0xb9: {  	s1 =	ssub.s32 @!p0 $0x0, s1;
	[sflag:s0] =	ssyncset.done @!p0 $0x0  }
0xba: {  	[sflag:s0] =	ssyncadd.s32 @!p0 s1  }
0xbb: {  	[bflag:$0x3] =	sbarrier.arrive $0xFFFF  }
0xbc: {  	_ =	shalt  }

</sc_bundles>
